<compile_context>
chip_gen: v7x
topology: tpu7x:2x2x1
jax: 0.10.2.dev20260603
libtpu: 0.0.44.dev20260713+nightly
codegen_flags: <defaults>
</compile_context>

<pallas_src>
import functools

import jax
import jax.numpy as jnp
from jax import lax
from jax.experimental import pallas as pl
from jax.experimental.pallas import tpu as pltpu
from jax.experimental.pallas import tpu_sc as plsc

N = 50000
E = 800000
D = 8
NP = 51200
NC = 2
NS = 16

_U = 5
_F32 = jnp.float32
_I32 = jnp.int32


def _dyn_gather(v, idx):
  dnums = lax.GatherDimensionNumbers(
      offset_dims=(), collapsed_slice_dims=(0,), start_index_map=(0,))
  return lax.gather(v, idx[:, None], dnums, (1,),
                    mode=lax.GatherScatterMode.PROMISE_IN_BOUNDS)


def _combine(is_min_vec, a, b):
  return jnp.where(is_min_vec, jnp.minimum(a, b), jnp.maximum(a, b))


def _slow_sort_vec(src_buf, dst_buf, src_arr, acc, j, is_min_vec, iota,
                   shift_idx, next_idx, last_mask):
  s = src_buf[pl.ds(j * 16, 16)]
  d = dst_buf[pl.ds(j * 16, 16)]
  v = plsc.load_gather(src_arr, [s])
  res = plsc.sort_key_val(d, v)
  d_s, v_s = res[0], res[1]
  for t, pidx in enumerate(shift_idx):
    pk = _dyn_gather(d_s, pidx)
    pv = _dyn_gather(v_s, pidx)
    ok = (pk == d_s) & (iota >= (1 << t))
    v_s = jnp.where(ok, _combine(is_min_vec, v_s, pv), v_s)
  nk = _dyn_gather(d_s, next_idx)
  is_end = (d_s != nk) | last_mask
  cur = plsc.load_gather(acc, [d_s])
  plsc.store_scatter(acc, [d_s], _combine(is_min_vec, cur, v_s), mask=is_end)


def _edge_scatter_body(src_vals_h, src_h, dst_h, out_h, val_v, acc,
                       sb0, db0, sb1, db1, sem0, sem1,
                       *, n_streams, e_slice, ch, row_of, vrow_of):
  wid = lax.axis_index("s") * NC + lax.axis_index("c")
  kind = (wid // n_streams) % 2
  is_min_vec = (jnp.zeros((16,), _I32) + kind) == 0
  iota = lax.iota(_I32, 16)
  shift_idx = tuple(jnp.maximum(iota - (1 << t), 0) for t in range(4))
  next_idx = jnp.minimum(iota + 1, 15)
  last_mask = iota == 15
  nv = ch // 16

  voff = pl.multiple_of(vrow_of(wid) * N, 8)
  pltpu.sync_copy(src_vals_h.at[pl.ds(voff, N)], val_v)
  pltpu.sync_copy(src_vals_h.at[pl.ds(voff, N)], acc)

  slice_id = wid // (2 * n_streams)
  base = slice_id * e_slice
  nch = e_slice // ch
  pairs = nch // 2

  def start(cidx, sbuf, dbuf, sem):
    off = pl.multiple_of(base + cidx * ch, 8)
    pltpu.async_copy(src_h.at[pl.ds(off, ch)], sbuf, sem)
    pltpu.async_copy(dst_h.at[pl.ds(off, ch)], dbuf, sem)

  def wait(sbuf, dbuf, sem):
    pltpu.make_async_copy(src_h.at[pl.ds(0, ch)], sbuf, sem).wait()
    pltpu.make_async_copy(dst_h.at[pl.ds(0, ch)], dbuf, sem).wait()

  def process(sbuf, dbuf):
    def vec_body(g, bad):
      j0 = g * _U
      ds_ = [dbuf[pl.ds((j0 + u) * 16, 16)] for u in range(_U)]
      ss_ = [sbuf[pl.ds((j0 + u) * 16, 16)] for u in range(_U)]
      vs_ = [plsc.load_gather(val_v, [t]) for t in ss_]
      curs = [plsc.load_gather(acc, [d]) for d in ds_]
      for d, cur, v in zip(ds_, curs, vs_):
        plsc.store_scatter(acc, [d], _combine(is_min_vec, cur, v))
      backs = [plsc.load_gather(acc, [d]) for d in ds_]
      needs = [jnp.where(is_min_vec, bk > v, bk < v)
               for bk, v in zip(backs, vs_)]
      for d, v, need in zip(ds_, vs_, needs):
        plsc.store_scatter(acc, [d], v, mask=need)
      back2s = [plsc.load_gather(acc, [d]) for d in ds_]
      for b2, v in zip(back2s, vs_):
        bad = bad | jnp.where(is_min_vec, b2 > v, b2 < v)
      return bad

    bad = lax.fori_loop(0, nv // _U, vec_body, jnp.zeros((16,), jnp.bool_))

    def cleanup():
      def cb(j, c):
        _slow_sort_vec(sbuf, dbuf, val_v, acc, j, is_min_vec, iota,
                       shift_idx, next_idx, last_mask)
        return c

      lax.fori_loop(0, nv, cb, 0)

    lax.cond(jnp.any(bad), cleanup, lambda: None)

  start(0, sb0, db0, sem0)

  def pair_body(k, c):
    start(2 * k + 1, sb1, db1, sem1)
    wait(sb0, db0, sem0)
    process(sb0, db0)
    start(jnp.minimum(2 * k + 2, nch - 1), sb0, db0, sem0)
    wait(sb1, db1, sem1)
    process(sb1, db1)
    return c

  lax.fori_loop(0, pairs, pair_body, 0)
  wait(sb0, db0, sem0)
  if nch % 2 == 1:
    process(sb0, db0)
  ooff = pl.multiple_of(row_of(wid) * NP, 8)
  pltpu.sync_copy(acc, out_h.at[pl.ds(ooff, N)])


def _edge_scatter8(xt, src, dst):
  ch = 4000
  mesh = plsc.VectorSubcoreMesh(core_axis_name="c", subcore_axis_name="s")
  body = functools.partial(
      _edge_scatter_body,
      n_streams=8, e_slice=E // 2, ch=ch,
      row_of=lambda wid: (wid % 8) * 4 + ((wid // 8) % 2) * 2 + wid // 16,
      vrow_of=lambda wid: wid % 8)

  @functools.partial(
      pl.kernel, mesh=mesh,
      compiler_params=pltpu.CompilerParams(needs_layout_passes=False),
      out_type=jax.ShapeDtypeStruct((32 * NP,), _F32),
      scratch_types=[
          pltpu.VMEM((N,), _F32), pltpu.VMEM((N,), _F32),
          pltpu.VMEM((ch,), _I32), pltpu.VMEM((ch,), _I32),
          pltpu.VMEM((ch,), _I32), pltpu.VMEM((ch,), _I32),
          pltpu.SemaphoreType.DMA, pltpu.SemaphoreType.DMA,
      ])
  def run(xt_h, src_h, dst_h, out_h, val_v, acc, sb0, db0, sb1, db1,
          sem0, sem1):
    body(xt_h, src_h, dst_h, out_h, val_v, acc, sb0, db0, sb1, db1,
         sem0, sem1)

  return run(xt.reshape(-1), src, dst)


def _edge_scatter1(vals, src, dst):
  ch = 2000
  mesh = plsc.VectorSubcoreMesh(core_axis_name="c", subcore_axis_name="s")
  body = functools.partial(
      _edge_scatter_body,
      n_streams=1, e_slice=E // 16, ch=ch,
      row_of=lambda wid: (wid % 2) * 16 + wid // 2,
      vrow_of=lambda wid: 0)

  @functools.partial(
      pl.kernel, mesh=mesh,
      compiler_params=pltpu.CompilerParams(needs_layout_passes=False),
      out_type=jax.ShapeDtypeStruct((32 * NP,), _F32),
      scratch_types=[
          pltpu.VMEM((N,), _F32), pltpu.VMEM((N,), _F32),
          pltpu.VMEM((ch,), _I32), pltpu.VMEM((ch,), _I32),
          pltpu.VMEM((ch,), _I32), pltpu.VMEM((ch,), _I32),
          pltpu.SemaphoreType.DMA, pltpu.SemaphoreType.DMA,
      ])
  def run(vals_h, src_h, dst_h, out_h, val_v, acc, sb0, db0, sb1, db1,
          sem0, sem1):
    body(vals_h, src_h, dst_h, out_h, val_v, acc, sb0, db0, sb1, db1,
         sem0, sem1)

  return run(vals, src, dst)


_B1 = 2048


def _t1_body(p_ref, x_ref, w_ref, b_ref, o_ref):
  acc = jnp.zeros((_B1,), _F32)
  for c in range(D):
    mn = jnp.minimum(p_ref[4 * c + 0], p_ref[4 * c + 1])
    mx = jnp.maximum(p_ref[4 * c + 2], p_ref[4 * c + 3])
    xc = x_ref[c]
    m = jnp.maximum(xc - mn, mx - xc)
    acc = acc + m * w_ref[c, 0]
  o_ref[...] = jnp.maximum(acc + b_ref[0], 0.0)


def _t1(p1, xt_p, W1, b1):
  return pl.pallas_call(
      _t1_body,
      grid=(NP // _B1,),
      in_specs=[
          pl.BlockSpec((32, _B1), lambda i: (0, i)),
          pl.BlockSpec((D, _B1), lambda i: (0, i)),
          pl.BlockSpec(memory_space=pltpu.SMEM),
          pl.BlockSpec(memory_space=pltpu.SMEM),
      ],
      out_specs=pl.BlockSpec((_B1,), lambda i: (i,)),
      out_shape=jax.ShapeDtypeStruct((NP,), _F32),
  )(p1, xt_p, W1, b1)


def _t2_body(p_ref, a_ref, o_ref):
  mn = jnp.min(p_ref[0:16], axis=0)
  mx = jnp.max(p_ref[16:32], axis=0)
  a = a_ref[...]
  o_ref[...] = jnp.maximum(a - mn, mx - a)


def _t2(p2, a):
  return pl.pallas_call(
      _t2_body,
      grid=(NP // _B1,),
      in_specs=[
          pl.BlockSpec((32, _B1), lambda i: (0, i)),
          pl.BlockSpec((_B1,), lambda i: (i,)),
      ],
      out_specs=pl.BlockSpec((_B1,), lambda i: (i,)),
      out_shape=jax.ShapeDtypeStruct((NP,), _F32),
  )(p2, a)


_B3 = 1024


def _t3_body(p_ref, t_ref, w2_ref, b2_ref, w3_ref, b3_ref, o_ref):
  tn = jnp.min(p_ref[0:16], axis=0)
  tx = jnp.max(p_ref[16:32], axis=0)
  t = t_ref[...]
  w2 = w2_ref[0]
  b2 = b2_ref[0]
  w3 = w3_ref[0]

  def g(u):
    return jnp.maximum(u[:, None] * w2[None, :] + b2[None, :], 0.0)

  ht = g(t)
  m3 = jnp.maximum(jnp.abs(ht - g(tn)), jnp.abs(ht - g(tx)))
  z = jnp.sum(m3 * w3[None, :], axis=1) + b3_ref[0]
  o_ref[...] = jax.nn.sigmoid(z)


def _t3z_body(p_ref, t_ref, w2_ref, w3_ref, b3_ref, o_ref):
  tn = jnp.min(p_ref[0:16], axis=0)
  tx = jnp.max(p_ref[16:32], axis=0)
  t = t_ref[...]
  w2 = w2_ref[0]
  w3 = w3_ref[0]
  p_pos = jnp.sum(jnp.where(w2 > 0.0, w2 * w3, 0.0))
  p_neg = jnp.sum(jnp.where(w2 < 0.0, -w2 * w3, 0.0))
  tp = jnp.maximum(t, 0.0)
  a_pos = jnp.maximum(tp - jnp.maximum(tn, 0.0), jnp.maximum(tx, 0.0) - tp)
  tr = jnp.maximum(-t, 0.0)
  a_neg = jnp.maximum(jnp.maximum(-tn, 0.0) - tr, tr - jnp.maximum(-tx, 0.0))
  o_ref[...] = jax.nn.sigmoid(a_pos * p_pos + a_neg * p_neg + b3_ref[0])


def _t3z(p3, m2, W2, W3, b3):
  return pl.pallas_call(
      _t3z_body,
      grid=((N + _B3 - 1) // _B3,),
      in_specs=[
          pl.BlockSpec((32, _B3), lambda i: (0, i)),
          pl.BlockSpec((_B3,), lambda i: (i,)),
          pl.BlockSpec((1, 64), lambda i: (0, 0)),
          pl.BlockSpec((1, 64), lambda i: (0, 0)),
          pl.BlockSpec(memory_space=pltpu.SMEM),
      ],
      out_specs=pl.BlockSpec((_B3,), lambda i: (i,)),
      out_shape=jax.ShapeDtypeStruct((N,), _F32),
  )(p3, m2, W2, W3.reshape(1, 64), b3)


def _t3(p3, m2, W2, b2, W3, b3):
  return pl.pallas_call(
      _t3_body,
      grid=((N + _B3 - 1) // _B3,),
      in_specs=[
          pl.BlockSpec((32, _B3), lambda i: (0, i)),
          pl.BlockSpec((_B3,), lambda i: (i,)),
          pl.BlockSpec((1, 64), lambda i: (0, 0)),
          pl.BlockSpec((1, 64), lambda i: (0, 0)),
          pl.BlockSpec((1, 64), lambda i: (0, 0)),
          pl.BlockSpec(memory_space=pltpu.SMEM),
      ],
      out_specs=pl.BlockSpec((_B3,), lambda i: (i,)),
      out_shape=jax.ShapeDtypeStruct((N,), _F32),
  )(p3, m2, W2, b2.reshape(1, 64), W3.reshape(1, 64), b3)


def kernel(x, edge_index, W1, b1, W2, b2, W3, b3):
  xt = x.T
  xt_p = jnp.pad(xt, ((0, 0), (0, NP - N)))
  src = edge_index[0]
  dst = edge_index[1]

  p1 = _edge_scatter8(xt, src, dst).reshape(32, NP)
  a = _t1(p1, xt_p, W1, b1)
  p2 = _edge_scatter1(a, src, dst).reshape(32, NP)
  m2 = _t2(p2, a)
  p3 = _edge_scatter1(m2, src, dst).reshape(32, NP)
  out = lax.cond(jnp.all(b2 == 0.0),
                 lambda: _t3z(p3, m2, W2, W3, b3),
                 lambda: _t3(p3, m2, W2, b2, W3, b3))
  return out.reshape(N, 1)

# --- scband reference (transcript-rebuilt; emitter-appended) ---
"""Pipeline reference for scband-gnn-model-18872086298696 (READ-ONLY COPY).

The authoritative reference and input builder live on the scoring server;
editing this copy changes nothing except your own understanding.
"""

import jax, jax.numpy as jnp
import numpy as np

N = 50000
E = 800000
D_IN = 8


def setup_inputs(seed: int = 0) -> dict:
    key = jax.random.key(seed)
    ks = jax.random.split(key, 8)
    x = jax.random.normal(ks[0], (N, D_IN), dtype=jnp.float32)
    edge_index = jax.random.randint(ks[1], (2, E), 0, N, dtype=jnp.int32)
    # DevConv layer weights: in 8 -> 1 -> 64 -> 1
    W1 = jax.random.normal(ks[2], (D_IN, 1), dtype=jnp.float32) * 0.1
    b1 = jnp.zeros((1,), dtype=jnp.float32)
    W2 = jax.random.normal(ks[3], (1, 64), dtype=jnp.float32) * 0.1
    b2 = jnp.zeros((64,), dtype=jnp.float32)
    W3 = jax.random.normal(ks[4], (64, 1), dtype=jnp.float32) * 0.1
    b3 = jnp.zeros((1,), dtype=jnp.float32)
    return {"x": x, "edge_index": edge_index, "W1": W1, "b1": b1, "W2": W2, "b2": b2, "W3": W3, "b3": b3}


def _devconv(h, src, dst, W, b):
    # DevConv (CongestionNet): y_i = W @ max_{j in N(i)} |h_i - h_j| + b
    diff = jnp.abs(h[src] - h[dst])              # gather over edges (memory-bound)
    m = jax.ops.segment_max(diff, dst, num_segments=N)  # scatter-max reduce to dst nodes
    return m @ W + b


def reference(x, edge_index, W1, b1, W2, b2, W3, b3):
    # add self-loops so every node has at least one neighbor (max well-defined)
    loops = jnp.arange(N, dtype=edge_index.dtype)
    ei = jnp.concatenate([edge_index, jnp.stack([loops, loops], axis=0)], axis=1)
    src, dst = ei[0], ei[1]
    h = _devconv(x, src, dst, W1, b1)
    h = jax.nn.relu(h)
    h = _devconv(h, src, dst, W2, b2)
    h = jax.nn.relu(h)
    h = _devconv(h, src, dst, W3, b3)
    return jax.nn.sigmoid(h)

if __name__ == "__main__":
    import jax
    _d = setup_inputs()
    print(jax.jit(kernel)(*tuple(_d.values())))

</pallas_src>

<mosaic_0001>
#map = affine_map<(d0, d1) -> (0)>
module attributes {stable_mosaic.version = 14 : i64} {
  func.func @run(%arg0: i32, %arg1: i32, %arg2: memref<51200xf32, #tpu.memory_space<hbm>>, %arg3: memref<800000xi32, #tpu.memory_space<hbm>>, %arg4: memref<800000xi32, #tpu.memory_space<hbm>>, %arg5: memref<1638400xf32, #tpu.memory_space<hbm>>, %arg6: memref<50000xf32, #tpu.memory_space<vmem>>, %arg7: memref<50000xf32, #tpu.memory_space<vmem>>, %arg8: memref<2000xi32, #tpu.memory_space<vmem>>, %arg9: memref<2000xi32, #tpu.memory_space<vmem>>, %arg10: memref<2000xi32, #tpu.memory_space<vmem>>, %arg11: memref<2000xi32, #tpu.memory_space<vmem>>, %arg12: memref<!tpu.dma_semaphore, #tpu.memory_space<semaphore_mem>>, %arg13: memref<!tpu.dma_semaphore, #tpu.memory_space<semaphore_mem>>) attributes {dimension_semantics = [#tpu.dimension_semantics<core_parallel>, #tpu.dimension_semantics<subcore_parallel>], iteration_bounds = array<i64: 2, 16>, scalar_prefetch = 0 : i64, scratch_operands = 8 : i64, tpu.core_type = #tpu.core_type<sc_vector_subcore>, window_params = [{transform_indices = #map}, {transform_indices = #map}, {transform_indices = #map}, {transform_indices = #map}]} {
    %mul3A = arith.constant 2 : i32
    %mul3A_0 = arith.muli %arg1, %mul3A : i32
    %add3A = arith.addi %mul3A_0, %arg0 : i32
    %jit3A = arith.constant 1 : i32
    %div3A = arith.divsi %add3A, %jit3A : i32
    %sign3A = arith.constant 0 : i32
    %sign3A_1 = arith.cmpi sgt, %add3A, %sign3A : i32
    %sign3A_2 = arith.extui %sign3A_1 : i1 to i32
    %sign3A_3 = arith.constant 0 : i32
    %sign3A_4 = arith.cmpi slt, %add3A, %sign3A_3 : i32
    %sign3A_5 = arith.extui %sign3A_4 : i1 to i32
    %sign3A_6 = arith.subi %sign3A_2, %sign3A_5 : i32
    %sign3A_7 = arith.constant 0 : i32
    %sign3A_8 = arith.cmpi sgt, %jit3A, %sign3A_7 : i32
    %sign3A_9 = arith.extui %sign3A_8 : i1 to i32
    %sign3A_10 = arith.constant 0 : i32
    %sign3A_11 = arith.cmpi slt, %jit3A, %sign3A_10 : i32
    %sign3A_12 = arith.extui %sign3A_11 : i1 to i32
    %sign3A_13 = arith.subi %sign3A_9, %sign3A_12 : i32
    %ne3A = arith.cmpi ne, %sign3A_6, %sign3A_13 : i32
    %rem3A = arith.remsi %add3A, %jit3A : i32
    %ne3A_14 = arith.constant 0 : i32
    %ne3A_15 = arith.cmpi ne, %rem3A, %ne3A_14 : i32
    %and3A = arith.andi %ne3A, %ne3A_15 : i1
    %sub3A = arith.constant 1 : i32
    %sub3A_16 = arith.subi %div3A, %sub3A : i32
    %select_n3A = arith.select %and3A, %sub3A_16, %div3A : i32
    %jit3A_17 = arith.constant 2 : i32
    %eq3A = arith.constant 0 : i32
    %eq3A_18 = arith.cmpi eq, %jit3A_17, %eq3A : i32
    %jit3A_19 = arith.constant 1 : i32
    %select_n3A_20 = arith.select %eq3A_18, %jit3A_19, %jit3A_17 : i32
    %rem3A_21 = arith.remsi %select_n3A, %select_n3A_20 : i32
    %ne3A_22 = arith.constant 0 : i32
    %ne3A_23 = arith.cmpi ne, %rem3A_21, %ne3A_22 : i32
    %lt3A = arith.constant 0 : i32
    %lt3A_24 = arith.cmpi slt, %rem3A_21, %lt3A : i32
    %lt3A_25 = arith.constant 0 : i32
    %lt3A_26 = arith.cmpi slt, %select_n3A_20, %lt3A_25 : i32
    %ne3A_27 = arith.xori %lt3A_24, %lt3A_26 : i1
    %and3A_28 = arith.andi %ne3A_27, %ne3A_23 : i1
    %add3A_29 = arith.addi %rem3A_21, %select_n3A_20 : i32
    %select_n3A_30 = arith.select %and3A_28, %add3A_29, %rem3A_21 : i32
    %broadcast_in_dim3A = arith.constant 0 : i32
    %broadcast_in_dim3A_31 = vector.broadcast %broadcast_in_dim3A : i32 to vector<16xi32>
    %add3A_32 = vector.broadcast %select_n3A_30 : i32 to vector<16xi32>
    %add3A_33 = arith.addi %broadcast_in_dim3A_31, %add3A_32 : vector<16xi32>
    %eq3A_34 = arith.constant 0 : i32
    %eq3A_35 = vector.broadcast %eq3A_34 : i32 to vector<16xi32>
    %eq3A_36 = arith.cmpi eq, %add3A_33, %eq3A_35 : vector<16xi32>
    %iota3A = tpu.iota {dimensions = array<i32: 0>} : vector<16xi32>
    %sub3A_37 = arith.constant 1 : i32
    %sub3A_38 = vector.broadcast %sub3A_37 : i32 to vector<16xi32>
    %sub3A_39 = arith.subi %iota3A, %sub3A_38 : vector<16xi32>
    %max3A = arith.constant 0 : i32
    %max3A_40 = vector.broadcast %max3A : i32 to vector<16xi32>
    %max3A_41 = arith.maxsi %sub3A_39, %max3A_40 : vector<16xi32>
    %sub3A_42 = arith.constant 2 : i32
    %sub3A_43 = vector.broadcast %sub3A_42 : i32 to vector<16xi32>
    %sub3A_44 = arith.subi %iota3A, %sub3A_43 : vector<16xi32>
    %max3A_45 = arith.constant 0 : i32
    %max3A_46 = vector.broadcast %max3A_45 : i32 to vector<16xi32>
    %max3A_47 = arith.maxsi %sub3A_44, %max3A_46 : vector<16xi32>
    %sub3A_48 = arith.constant 4 : i32
    %sub3A_49 = vector.broadcast %sub3A_48 : i32 to vector<16xi32>
    %sub3A_50 = arith.subi %iota3A, %sub3A_49 : vector<16xi32>
    %max3A_51 = arith.constant 0 : i32
    %max3A_52 = vector.broadcast %max3A_51 : i32 to vector<16xi32>
    %max3A_53 = arith.maxsi %sub3A_50, %max3A_52 : vector<16xi32>
    %sub3A_54 = arith.constant 8 : i32
    %sub3A_55 = vector.broadcast %sub3A_54 : i32 to vector<16xi32>
    %sub3A_56 = arith.subi %iota3A, %sub3A_55 : vector<16xi32>
    %max3A_57 = arith.constant 0 : i32
    %max3A_58 = vector.broadcast %max3A_57 : i32 to vector<16xi32>
    %max3A_59 = arith.maxsi %sub3A_56, %max3A_58 : vector<16xi32>
    %add3A_60 = arith.constant 1 : i32
    %add3A_61 = vector.broadcast %add3A_60 : i32 to vector<16xi32>
    %add3A_62 = arith.addi %iota3A, %add3A_61 : vector<16xi32>
    %min3A = arith.constant 15 : i32
    %min3A_63 = vector.broadcast %min3A : i32 to vector<16xi32>
    %min3A_64 = arith.minsi %add3A_62, %min3A_63 : vector<16xi32>
    %eq3A_65 = arith.constant 15 : i32
    %eq3A_66 = vector.broadcast %eq3A_65 : i32 to vector<16xi32>
    %eq3A_67 = arith.cmpi eq, %iota3A, %eq3A_66 : vector<16xi32>
    %multiple_of3A = arith.constant 0 : i32
    %multiple_of3A_68 = tpu.assume_multiple %multiple_of3A, 8 : i32
    "tpu.region"() ({
      %run_scoped3A = tpu.sem_alloc : memref<!tpu.dma_semaphore, #tpu.memory_space<semaphore_mem>>
      %dma_start3A_178 = tpu.memref_slice %arg2[%multiple_of3A_68] : memref<51200xf32, #tpu.memory_space<hbm>> -> memref<50000xf32, #tpu.memory_space<hbm>>
      %dma_start3A_179 = tpu.memref_slice %arg2[%multiple_of3A_68] : memref<51200xf32, #tpu.memory_space<hbm>> -> memref<50000xf32, #tpu.memory_space<hbm>>
      tpu.enqueue_dma source(%dma_start3A_179 : memref<50000xf32, #tpu.memory_space<hbm>>) target(%arg6 : memref<50000xf32, #tpu.memory_space<vmem>>) target_semaphore(%run_scoped3A : memref<!tpu.dma_semaphore, #tpu.memory_space<semaphore_mem>>)
      %dma_wait3A_180 = tpu.memref_slice %arg2[%multiple_of3A_68] : memref<51200xf32, #tpu.memory_space<hbm>> -> memref<50000xf32, #tpu.memory_space<hbm>>
      %dma_wait3A_181 = tpu.memref_slice %arg2[%multiple_of3A_68] : memref<51200xf32, #tpu.memory_space<hbm>> -> memref<50000xf32, #tpu.memory_space<hbm>>
      tpu.wait_dma2 semaphore(%run_scoped3A : memref<!tpu.dma_semaphore, #tpu.memory_space<semaphore_mem>>) src(%dma_wait3A_181 : memref<50000xf32, #tpu.memory_space<hbm>>) dst(%arg6 : memref<50000xf32, #tpu.memory_space<vmem>>)
      tpu.yield
    }) : () -> ()
    "tpu.region"() ({
      %run_scoped3A = tpu.sem_alloc : memref<!tpu.dma_semaphore, #tpu.memory_space<semaphore_mem>>
      %dma_start3A_178 = tpu.memref_slice %arg2[%multiple_of3A_68] : memref<51200xf32, #tpu.memory_space<hbm>> -> memref<50000xf32, #tpu.memory_space<hbm>>
      %dma_start3A_179 = tpu.memref_slice %arg2[%multiple_of3A_68] : memref<51200xf32, #tpu.memory_space<hbm>> -> memref<50000xf32, #tpu.memory_space<hbm>>
      tpu.enqueue_dma source(%dma_start3A_179 : memref<50000xf32, #tpu.memory_space<hbm>>) target(%arg7 : memref<50000xf32, #tpu.memory_space<vmem>>) target_semaphore(%run_scoped3A : memref<!tpu.dma_semaphore, #tpu.memory_space<semaphore_mem>>)
      %dma_wait3A_180 = tpu.memref_slice %arg2[%multiple_of3A_68] : memref<51200xf32, #tpu.memory_space<hbm>> -> memref<50000xf32, #tpu.memory_space<hbm>>
      %dma_wait3A_181 = tpu.memref_slice %arg2[%multiple_of3A_68] : memref<51200xf32, #tpu.memory_space<hbm>> -> memref<50000xf32, #tpu.memory_space<hbm>>
      tpu.wait_dma2 semaphore(%run_scoped3A : memref<!tpu.dma_semaphore, #tpu.memory_space<semaphore_mem>>) src(%dma_wait3A_181 : memref<50000xf32, #tpu.memory_space<hbm>>) dst(%arg7 : memref<50000xf32, #tpu.memory_space<vmem>>)
      tpu.yield
    }) : () -> ()
    %jit3A_69 = arith.constant 2 : i32
    %div3A_70 = arith.divsi %add3A, %jit3A_69 : i32
    %sign3A_71 = arith.constant 0 : i32
    %sign3A_72 = arith.cmpi sgt, %add3A, %sign3A_71 : i32
    %sign3A_73 = arith.extui %sign3A_72 : i1 to i32
    %sign3A_74 = arith.constant 0 : i32
    %sign3A_75 = arith.cmpi slt, %add3A, %sign3A_74 : i32
    %sign3A_76 = arith.extui %sign3A_75 : i1 to i32
    %sign3A_77 = arith.subi %sign3A_73, %sign3A_76 : i32
    %sign3A_78 = arith.constant 0 : i32
    %sign3A_79 = arith.cmpi sgt, %jit3A_69, %sign3A_78 : i32
    %sign3A_80 = arith.extui %sign3A_79 : i1 to i32
    %sign3A_81 = arith.constant 0 : i32
    %sign3A_82 = arith.cmpi slt, %jit3A_69, %sign3A_81 : i32
    %sign3A_83 = arith.extui %sign3A_82 : i1 to i32
    %sign3A_84 = arith.subi %sign3A_80, %sign3A_83 : i32
    %ne3A_85 = arith.cmpi ne, %sign3A_77, %sign3A_84 : i32
    %rem3A_86 = arith.remsi %add3A, %jit3A_69 : i32
    %ne3A_87 = arith.constant 0 : i32
    %ne3A_88 = arith.cmpi ne, %rem3A_86, %ne3A_87 : i32
    %and3A_89 = arith.andi %ne3A_85, %ne3A_88 : i1
    %sub3A_90 = arith.constant 1 : i32
    %sub3A_91 = arith.subi %div3A_70, %sub3A_90 : i32
    %select_n3A_92 = arith.select %and3A_89, %sub3A_91, %div3A_70 : i32
    %mul3A_93 = arith.constant 50000 : i32
    %mul3A_94 = arith.muli %select_n3A_92, %mul3A_93 : i32
    %add3A_95 = arith.constant 0 : i32
    %add3A_96 = arith.addi %mul3A_94, %add3A_95 : i32
    %multiple_of3A_97 = tpu.assume_multiple %add3A_96, 8 : i32
    %dma_start3A = tpu.memref_slice %arg3[%multiple_of3A_97] : memref<800000xi32, #tpu.memory_space<hbm>> -> memref<2000xi32, #tpu.memory_space<hbm>>
    %dma_start3A_98 = tpu.memref_slice %arg3[%multiple_of3A_97] : memref<800000xi32, #tpu.memory_space<hbm>> -> memref<2000xi32, #tpu.memory_space<hbm>>
    tpu.enqueue_dma source(%dma_start3A_98 : memref<2000xi32, #tpu.memory_space<hbm>>) target(%arg8 : memref<2000xi32, #tpu.memory_space<vmem>>) target_semaphore(%arg12 : memref<!tpu.dma_semaphore, #tpu.memory_space<semaphore_mem>>)
    %dma_start3A_99 = tpu.memref_slice %arg4[%multiple_of3A_97] : memref<800000xi32, #tpu.memory_space<hbm>> -> memref<2000xi32, #tpu.memory_space<hbm>>
    %dma_start3A_100 = tpu.memref_slice %arg4[%multiple_of3A_97] : memref<800000xi32, #tpu.memory_space<hbm>> -> memref<2000xi32, #tpu.memory_space<hbm>>
    tpu.enqueue_dma source(%dma_start3A_100 : memref<2000xi32, #tpu.memory_space<hbm>>) target(%arg9 : memref<2000xi32, #tpu.memory_space<vmem>>) target_semaphore(%arg12 : memref<!tpu.dma_semaphore, #tpu.memory_space<semaphore_mem>>)
    %scan3A = arith.constant 0 : i32
    %scan3A_101 = arith.constant 0 : i32
    %scan3A_102 = arith.constant 12 : i32
    %scan3A_103 = arith.addi %scan3A_101, %scan3A_102 : i32
    %scan3A_104 = arith.constant 1 : i32
    scf.for %scan3A_178 = %scan3A_101 to %scan3A_103 step %scan3A_104  : i32 {
      %mul3A_179 = arith.constant 2 : i32
      %mul3A_180 = arith.muli %mul3A_179, %scan3A_178 : i32
      %add3A_181 = arith.constant 1 : i32
      %add3A_182 = arith.addi %mul3A_180, %add3A_181 : i32
      %mul3A_183 = arith.constant 2000 : i32
      %mul3A_184 = arith.muli %add3A_182, %mul3A_183 : i32
      %add3A_185 = arith.addi %mul3A_94, %mul3A_184 : i32
      %multiple_of3A_186 = tpu.assume_multiple %add3A_185, 8 : i32
      %dma_start3A_187 = tpu.memref_slice %arg3[%multiple_of3A_186] : memref<800000xi32, #tpu.memory_space<hbm>> -> memref<2000xi32, #tpu.memory_space<hbm>>
      %dma_start3A_188 = tpu.memref_slice %arg3[%multiple_of3A_186] : memref<800000xi32, #tpu.memory_space<hbm>> -> memref<2000xi32, #tpu.memory_space<hbm>>
      tpu.enqueue_dma source(%dma_start3A_188 : memref<2000xi32, #tpu.memory_space<hbm>>) target(%arg10 : memref<2000xi32, #tpu.memory_space<vmem>>) target_semaphore(%arg13 : memref<!tpu.dma_semaphore, #tpu.memory_space<semaphore_mem>>)
      %dma_start3A_189 = tpu.memref_slice %arg4[%multiple_of3A_186] : memref<800000xi32, #tpu.memory_space<hbm>> -> memref<2000xi32, #tpu.memory_space<hbm>>
      %dma_start3A_190 = tpu.memref_slice %arg4[%multiple_of3A_186] : memref<800000xi32, #tpu.memory_space<hbm>> -> memref<2000xi32, #tpu.memory_space<hbm>>
      tpu.enqueue_dma source(%dma_start3A_190 : memref<2000xi32, #tpu.memory_space<hbm>>) target(%arg11 : memref<2000xi32, #tpu.memory_space<vmem>>) target_semaphore(%arg13 : memref<!tpu.dma_semaphore, #tpu.memory_space<semaphore_mem>>)
      %dma_wait3A_191 = arith.constant 0 : i32
      %dma_wait3A_192 = tpu.memref_slice %arg3[%dma_wait3A_191] : memref<800000xi32, #tpu.memory_space<hbm>> -> memref<2000xi32, #tpu.memory_space<hbm>>
      %dma_wait3A_193 = arith.constant 0 : i32
      %dma_wait3A_194 = tpu.memref_slice %arg3[%dma_wait3A_193] : memref<800000xi32, #tpu.memory_space<hbm>> -> memref<2000xi32, #tpu.memory_space<hbm>>
      tpu.wait_dma2 semaphore(%arg12 : memref<!tpu.dma_semaphore, #tpu.memory_space<semaphore_mem>>) src(%dma_wait3A_194 : memref<2000xi32, #tpu.memory_space<hbm>>) dst(%arg8 : memref<2000xi32, #tpu.memory_space<vmem>>)
      %dma_wait3A_195 = arith.constant 0 : i32
      %dma_wait3A_196 = tpu.memref_slice %arg4[%dma_wait3A_195] : memref<800000xi32, #tpu.memory_space<hbm>> -> memref<2000xi32, #tpu.memory_space<hbm>>
      %dma_wait3A_197 = arith.constant 0 : i32
      %dma_wait3A_198 = tpu.memref_slice %arg4[%dma_wait3A_197] : memref<800000xi32, #tpu.memory_space<hbm>> -> memref<2000xi32, #tpu.memory_space<hbm>>
      tpu.wait_dma2 semaphore(%arg12 : memref<!tpu.dma_semaphore, #tpu.memory_space<semaphore_mem>>) src(%dma_wait3A_198 : memref<2000xi32, #tpu.memory_space<hbm>>) dst(%arg9 : memref<2000xi32, #tpu.memory_space<vmem>>)
      %broadcast_in_dim3A_199 = arith.constant false
      %broadcast_in_dim3A_200 = vector.broadcast %broadcast_in_dim3A_199 : i1 to vector<16xi1>
      %scan3A_201 = arith.constant 0 : i32
      %scan3A_202 = arith.constant 25 : i32
      %scan3A_203 = arith.addi %scan3A_201, %scan3A_202 : i32
      %scan3A_204 = arith.constant 1 : i32
      %scan3A_205 = scf.for %scan3A_265 = %scan3A_201 to %scan3A_203 step %scan3A_204 iter_args(%scan3A_266 = %broadcast_in_dim3A_200) -> (vector<16xi1>)  : i32 {
        %mul3A_267 = arith.constant 5 : i32
        %mul3A_268 = arith.muli %scan3A_265, %mul3A_267 : i32
        %add3A_269 = arith.constant 0 : i32
        %add3A_270 = arith.addi %mul3A_268, %add3A_269 : i32
        %mul3A_271 = arith.constant 16 : i32
        %mul3A_272 = arith.muli %add3A_270, %mul3A_271 : i32
        %get3A = arith.index_cast %mul3A_272 : i32 to index
        %get3A_273 = tpu.vector_load %arg9[%get3A] {strides = array<i32>} : memref<2000xi32, #tpu.memory_space<vmem>>, vector<16xi32>,
        %add3A_274 = arith.constant 1 : i32
        %add3A_275 = arith.addi %mul3A_268, %add3A_274 : i32
        %mul3A_276 = arith.constant 16 : i32
        %mul3A_277 = arith.muli %add3A_275, %mul3A_276 : i32
        %get3A_278 = arith.index_cast %mul3A_277 : i32 to index
        %get3A_279 = tpu.vector_load %arg9[%get3A_278] {strides = array<i32>} : memref<2000xi32, #tpu.memory_space<vmem>>, vector<16xi32>,
        %add3A_280 = arith.constant 2 : i32
        %add3A_281 = arith.addi %mul3A_268, %add3A_280 : i32
        %mul3A_282 = arith.constant 16 : i32
        %mul3A_283 = arith.muli %add3A_281, %mul3A_282 : i32
        %get3A_284 = arith.index_cast %mul3A_283 : i32 to index
        %get3A_285 = tpu.vector_load %arg9[%get3A_284] {strides = array<i32>} : memref<2000xi32, #tpu.memory_space<vmem>>, vector<16xi32>,
        %add3A_286 = arith.constant 3 : i32
        %add3A_287 = arith.addi %mul3A_268, %add3A_286 : i32
        %mul3A_288 = arith.constant 16 : i32
        %mul3A_289 = arith.muli %add3A_287, %mul3A_288 : i32
        %get3A_290 = arith.index_cast %mul3A_289 : i32 to index
        %get3A_291 = tpu.vector_load %arg9[%get3A_290] {strides = array<i32>} : memref<2000xi32, #tpu.memory_space<vmem>>, vector<16xi32>,
        %add3A_292 = arith.constant 4 : i32
        %add3A_293 = arith.addi %mul3A_268, %add3A_292 : i32
        %mul3A_294 = arith.constant 16 : i32
        %mul3A_295 = arith.muli %add3A_293, %mul3A_294 : i32
        %get3A_296 = arith.index_cast %mul3A_295 : i32 to index
        %get3A_297 = tpu.vector_load %arg9[%get3A_296] {strides = array<i32>} : memref<2000xi32, #tpu.memory_space<vmem>>, vector<16xi32>,
        %add3A_298 = arith.constant 0 : i32
        %add3A_299 = arith.addi %mul3A_268, %add3A_298 : i32
        %mul3A_300 = arith.constant 16 : i32
        %mul3A_301 = arith.muli %add3A_299, %mul3A_300 : i32
        %get3A_302 = arith.index_cast %mul3A_301 : i32 to index
        %get3A_303 = tpu.vector_load %arg8[%get3A_302] {strides = array<i32>} : memref<2000xi32, #tpu.memory_space<vmem>>, vector<16xi32>,
        %add3A_304 = arith.constant 1 : i32
        %add3A_305 = arith.addi %mul3A_268, %add3A_304 : i32
        %mul3A_306 = arith.constant 16 : i32
        %mul3A_307 = arith.muli %add3A_305, %mul3A_306 : i32
        %get3A_308 = arith.index_cast %mul3A_307 : i32 to index
        %get3A_309 = tpu.vector_load %arg8[%get3A_308] {strides = array<i32>} : memref<2000xi32, #tpu.memory_space<vmem>>, vector<16xi32>,
        %add3A_310 = arith.constant 2 : i32
        %add3A_311 = arith.addi %mul3A_268, %add3A_310 : i32
        %mul3A_312 = arith.constant 16 : i32
        %mul3A_313 = arith.muli %add3A_311, %mul3A_312 : i32
        %get3A_314 = arith.index_cast %mul3A_313 : i32 to index
        %get3A_315 = tpu.vector_load %arg8[%get3A_314] {strides = array<i32>} : memref<2000xi32, #tpu.memory_space<vmem>>, vector<16xi32>,
        %add3A_316 = arith.constant 3 : i32
        %add3A_317 = arith.addi %mul3A_268, %add3A_316 : i32
        %mul3A_318 = arith.constant 16 : i32
        %mul3A_319 = arith.muli %add3A_317, %mul3A_318 : i32
        %get3A_320 = arith.index_cast %mul3A_319 : i32 to index
        %get3A_321 = tpu.vector_load %arg8[%get3A_320] {strides = array<i32>} : memref<2000xi32, #tpu.memory_space<vmem>>, vector<16xi32>,
        %add3A_322 = arith.constant 4 : i32
        %add3A_323 = arith.addi %mul3A_268, %add3A_322 : i32
        %mul3A_324 = arith.constant 16 : i32
        %mul3A_325 = arith.muli %add3A_323, %mul3A_324 : i32
        %get3A_326 = arith.index_cast %mul3A_325 : i32 to index
        %get3A_327 = tpu.vector_load %arg8[%get3A_326] {strides = array<i32>} : memref<2000xi32, #tpu.memory_space<vmem>>, vector<16xi32>,
        %gather3A = tpu.vector_load_idx %arg6[%get3A_303] : memref<50000xf32, #tpu.memory_space<vmem>>[vector<16xi32>], vector<16xf32>,
        %gather3A_328 = tpu.vector_load_idx %arg6[%get3A_309] : memref<50000xf32, #tpu.memory_space<vmem>>[vector<16xi32>], vector<16xf32>,
        %gather3A_329 = tpu.vector_load_idx %arg6[%get3A_315] : memref<50000xf32, #tpu.memory_space<vmem>>[vector<16xi32>], vector<16xf32>,
        %gather3A_330 = tpu.vector_load_idx %arg6[%get3A_321] : memref<50000xf32, #tpu.memory_space<vmem>>[vector<16xi32>], vector<16xf32>,
        %gather3A_331 = tpu.vector_load_idx %arg6[%get3A_327] : memref<50000xf32, #tpu.memory_space<vmem>>[vector<16xi32>], vector<16xf32>,
        %gather3A_332 = tpu.vector_load_idx %arg7[%get3A_273] : memref<50000xf32, #tpu.memory_space<vmem>>[vector<16xi32>], vector<16xf32>,
        %gather3A_333 = tpu.vector_load_idx %arg7[%get3A_279] : memref<50000xf32, #tpu.memory_space<vmem>>[vector<16xi32>], vector<16xf32>,
        %gather3A_334 = tpu.vector_load_idx %arg7[%get3A_285] : memref<50000xf32, #tpu.memory_space<vmem>>[vector<16xi32>], vector<16xf32>,
        %gather3A_335 = tpu.vector_load_idx %arg7[%get3A_291] : memref<50000xf32, #tpu.memory_space<vmem>>[vector<16xi32>], vector<16xf32>,
        %gather3A_336 = tpu.vector_load_idx %arg7[%get3A_297] : memref<50000xf32, #tpu.memory_space<vmem>>[vector<16xi32>], vector<16xf32>,
        %min3A_337 = arith.minimumf %gather3A_332, %gather3A : vector<16xf32>
        %max3A_338 = arith.maximumf %gather3A_332, %gather3A : vector<16xf32>
        %select_n3A_339 = arith.select %eq3A_36, %min3A_337, %max3A_338 : vector<16xi1>, vector<16xf32>
        tpu.vector_store_idx %arg7[%get3A_273], %select_n3A_339 : memref<50000xf32, #tpu.memory_space<vmem>>[vector<16xi32>], vector<16xf32>,
        %min3A_340 = arith.minimumf %gather3A_333, %gather3A_328 : vector<16xf32>
        %max3A_341 = arith.maximumf %gather3A_333, %gather3A_328 : vector<16xf32>
        %select_n3A_342 = arith.select %eq3A_36, %min3A_340, %max3A_341 : vector<16xi1>, vector<16xf32>
        tpu.vector_store_idx %arg7[%get3A_279], %select_n3A_342 : memref<50000xf32, #tpu.memory_space<vmem>>[vector<16xi32>], vector<16xf32>,
        %min3A_343 = arith.minimumf %gather3A_334, %gather3A_329 : vector<16xf32>
        %max3A_344 = arith.maximumf %gather3A_334, %gather3A_329 : vector<16xf32>
        %select_n3A_345 = arith.select %eq3A_36, %min3A_343, %max3A_344 : vector<16xi1>, vector<16xf32>
        tpu.vector_store_idx %arg7[%get3A_285], %select_n3A_345 : memref<50000xf32, #tpu.memory_space<vmem>>[vector<16xi32>], vector<16xf32>,
        %min3A_346 = arith.minimumf %gather3A_335, %gather3A_330 : vector<16xf32>
        %max3A_347 = arith.maximumf %gather3A_335, %gather3A_330 : vector<16xf32>
        %select_n3A_348 = arith.select %eq3A_36, %min3A_346, %max3A_347 : vector<16xi1>, vector<16xf32>
        tpu.vector_store_idx %arg7[%get3A_291], %select_n3A_348 : memref<50000xf32, #tpu.memory_space<vmem>>[vector<16xi32>], vector<16xf32>,
        %min3A_349 = arith.minimumf %gather3A_336, %gather3A_331 : vector<16xf32>
        %max3A_350 = arith.maximumf %gather3A_336, %gather3A_331 : vector<16xf32>
        %select_n3A_351 = arith.select %eq3A_36, %min3A_349, %max3A_350 : vector<16xi1>, vector<16xf32>
        tpu.vector_store_idx %arg7[%get3A_297], %select_n3A_351 : memref<50000xf32, #tpu.memory_space<vmem>>[vector<16xi32>], vector<16xf32>,
        %gather3A_352 = tpu.vector_load_idx %arg7[%get3A_273] : memref<50000xf32, #tpu.memory_space<vmem>>[vector<16xi32>], vector<16xf32>,
        %gather3A_353 = tpu.vector_load_idx %arg7[%get3A_279] : memref<50000xf32, #tpu.memory_space<vmem>>[vector<16xi32>], vector<16xf32>,
        %gather3A_354 = tpu.vector_load_idx %arg7[%get3A_285] : memref<50000xf32, #tpu.memory_space<vmem>>[vector<16xi32>], vector<16xf32>,
        %gather3A_355 = tpu.vector_load_idx %arg7[%get3A_291] : memref<50000xf32, #tpu.memory_space<vmem>>[vector<16xi32>], vector<16xf32>,
        %gather3A_356 = tpu.vector_load_idx %arg7[%get3A_297] : memref<50000xf32, #tpu.memory_space<vmem>>[vector<16xi32>], vector<16xf32>,
        %gt3A = arith.cmpf ogt, %gather3A_352, %gather3A : vector<16xf32>
        %lt3A_357 = arith.cmpf olt, %gather3A_352, %gather3A : vector<16xf32>
        %select_n3A_358 = arith.select %eq3A_36, %gt3A, %lt3A_357 : vector<16xi1>, vector<16xi1>
        %gt3A_359 = arith.cmpf ogt, %gather3A_353, %gather3A_328 : vector<16xf32>
        %lt3A_360 = arith.cmpf olt, %gather3A_353, %gather3A_328 : vector<16xf32>
        %select_n3A_361 = arith.select %eq3A_36, %gt3A_359, %lt3A_360 : vector<16xi1>, vector<16xi1>
        %gt3A_362 = arith.cmpf ogt, %gather3A_354, %gather3A_329 : vector<16xf32>
        %lt3A_363 = arith.cmpf olt, %gather3A_354, %gather3A_329 : vector<16xf32>
        %select_n3A_364 = arith.select %eq3A_36, %gt3A_362, %lt3A_363 : vector<16xi1>, vector<16xi1>
        %gt3A_365 = arith.cmpf ogt, %gather3A_355, %gather3A_330 : vector<16xf32>
        %lt3A_366 = arith.cmpf olt, %gather3A_355, %gather3A_330 : vector<16xf32>
        %select_n3A_367 = arith.select %eq3A_36, %gt3A_365, %lt3A_366 : vector<16xi1>, vector<16xi1>
        %gt3A_368 = arith.cmpf ogt, %gather3A_356, %gather3A_331 : vector<16xf32>
        %lt3A_369 = arith.cmpf olt, %gather3A_356, %gather3A_331 : vector<16xf32>
        %select_n3A_370 = arith.select %eq3A_36, %gt3A_368, %lt3A_369 : vector<16xi1>, vector<16xi1>
        tpu.vector_store_idx %arg7[%get3A_273], %gather3A masked %select_n3A_358 : memref<50000xf32, #tpu.memory_space<vmem>>[vector<16xi32>], vector<16xf32>, vector<16xi1>
        tpu.vector_store_idx %arg7[%get3A_279], %gather3A_328 masked %select_n3A_361 : memref<50000xf32, #tpu.memory_space<vmem>>[vector<16xi32>], vector<16xf32>, vector<16xi1>
        tpu.vector_store_idx %arg7[%get3A_285], %gather3A_329 masked %select_n3A_364 : memref<50000xf32, #tpu.memory_space<vmem>>[vector<16xi32>], vector<16xf32>, vector<16xi1>
        tpu.vector_store_idx %arg7[%get3A_291], %gather3A_330 masked %select_n3A_367 : memref<50000xf32, #tpu.memory_space<vmem>>[vector<16xi32>], vector<16xf32>, vector<16xi1>
        tpu.vector_store_idx %arg7[%get3A_297], %gather3A_331 masked %select_n3A_370 : memref<50000xf32, #tpu.memory_space<vmem>>[vector<16xi32>], vector<16xf32>, vector<16xi1>
        %gather3A_371 = tpu.vector_load_idx %arg7[%get3A_273] : memref<50000xf32, #tpu.memory_space<vmem>>[vector<16xi32>], vector<16xf32>,
        %gather3A_372 = tpu.vector_load_idx %arg7[%get3A_279] : memref<50000xf32, #tpu.memory_space<vmem>>[vector<16xi32>], vector<16xf32>,
        %gather3A_373 = tpu.vector_load_idx %arg7[%get3A_285] : memref<50000xf32, #tpu.memory_space<vmem>>[vector<16xi32>], vector<16xf32>,
        %gather3A_374 = tpu.vector_load_idx %arg7[%get3A_291] : memref<50000xf32, #tpu.memory_space<vmem>>[vector<16xi32>], vector<16xf32>,
        %gather3A_375 = tpu.vector_load_idx %arg7[%get3A_297] : memref<50000xf32, #tpu.memory_space<vmem>>[vector<16xi32>], vector<16xf32>,
        %gt3A_376 = arith.cmpf ogt, %gather3A_371, %gather3A : vector<16xf32>
        %lt3A_377 = arith.cmpf olt, %gather3A_371, %gather3A : vector<16xf32>
        %select_n3A_378 = arith.select %eq3A_36, %gt3A_376, %lt3A_377 : vector<16xi1>, vector<16xi1>
        %or3A = arith.ori %scan3A_266, %select_n3A_378 : vector<16xi1>
        %gt3A_379 = arith.cmpf ogt, %gather3A_372, %gather3A_328 : vector<16xf32>
        %lt3A_380 = arith.cmpf olt, %gather3A_372, %gather3A_328 : vector<16xf32>
        %select_n3A_381 = arith.select %eq3A_36, %gt3A_379, %lt3A_380 : vector<16xi1>, vector<16xi1>
        %or3A_382 = arith.ori %or3A, %select_n3A_381 : vector<16xi1>
        %gt3A_383 = arith.cmpf ogt, %gather3A_373, %gather3A_329 : vector<16xf32>
        %lt3A_384 = arith.cmpf olt, %gather3A_373, %gather3A_329 : vector<16xf32>
        %select_n3A_385 = arith.select %eq3A_36, %gt3A_383, %lt3A_384 : vector<16xi1>, vector<16xi1>
        %or3A_386 = arith.ori %or3A_382, %select_n3A_385 : vector<16xi1>
        %gt3A_387 = arith.cmpf ogt, %gather3A_374, %gather3A_330 : vector<16xf32>
        %lt3A_388 = arith.cmpf olt, %gather3A_374, %gather3A_330 : vector<16xf32>
        %select_n3A_389 = arith.select %eq3A_36, %gt3A_387, %lt3A_388 : vector<16xi1>, vector<16xi1>
        %or3A_390 = arith.ori %or3A_386, %select_n3A_389 : vector<16xi1>
        %gt3A_391 = arith.cmpf ogt, %gather3A_375, %gather3A_331 : vector<16xf32>
        %lt3A_392 = arith.cmpf olt, %gather3A_375, %gather3A_331 : vector<16xf32>
        %select_n3A_393 = arith.select %eq3A_36, %gt3A_391, %lt3A_392 : vector<16xi1>, vector<16xi1>
        %or3A_394 = arith.ori %or3A_390, %select_n3A_393 : vector<16xi1>
        scf.yield %or3A_394 : vector<16xi1>
      }
      %scan3A_206 = arith.constant 25 : i32
      %reduce_or3A_207 = arith.constant 1.000000e+00 : f32
      %reduce_or3A_208 = arith.constant 0.000000e+00 : f32
      %reduce_or3A_209 = vector.broadcast %reduce_or3A_207 : f32 to vector<16xf32>
      %reduce_or3A_210 = vector.broadcast %reduce_or3A_208 : f32 to vector<16xf32>
      %reduce_or3A_211 = arith.select %scan3A_205, %reduce_or3A_209, %reduce_or3A_210 : vector<16xi1>, vector<16xf32>
      %reduce_or3A_212 = arith.constant true
      %reduce_or3A_213 = vector.broadcast %reduce_or3A_212 : i1 to vector<16xi1>
      %reduce_or3A_214 = tpu.scan <max>, %reduce_or3A_211 masked %reduce_or3A_213 : vector<16xf32>, vector<16xi1> -> vector<16xf32>
      %reduce_or3A_215 = vector.extract %reduce_or3A_214[15] : f32 from vector<16xf32>
      %reduce_or3A_216 = arith.constant 0.000000e+00 : f32
      %reduce_or3A_217 = arith.cmpf ogt, %reduce_or3A_215, %reduce_or3A_216 : f32
      %convert_element_type3A_218 = arith.extui %reduce_or3A_217 : i1 to i32
      %cond3A_219 = arith.constant 0 : i32
      %cond3A_220 = arith.cmpi ne, %convert_element_type3A_218, %cond3A_219 : i32
      scf.if %cond3A_220 {
        %scan3A_265 = arith.constant 0 : i32
        %scan3A_266 = arith.constant 0 : i32
        %scan3A_267 = arith.constant 125 : i32
        %scan3A_268 = arith.addi %scan3A_266, %scan3A_267 : i32
        %scan3A_269 = arith.constant 1 : i32
        scf.for %scan3A_271 = %scan3A_266 to %scan3A_268 step %scan3A_269  : i32 {
          %mul3A_272 = arith.constant 16 : i32
          %mul3A_273 = arith.muli %scan3A_271, %mul3A_272 : i32
          %get3A = arith.index_cast %mul3A_273 : i32 to index
          %get3A_274 = tpu.vector_load %arg8[%get3A] {strides = array<i32>} : memref<2000xi32, #tpu.memory_space<vmem>>, vector<16xi32>,
          %mul3A_275 = arith.constant 16 : i32
          %mul3A_276 = arith.muli %scan3A_271, %mul3A_275 : i32
          %get3A_277 = arith.index_cast %mul3A_276 : i32 to index
          %get3A_278 = tpu.vector_load %arg9[%get3A_277] {strides = array<i32>} : memref<2000xi32, #tpu.memory_space<vmem>>, vector<16xi32>,
          %gather3A = tpu.vector_load_idx %arg6[%get3A_274] : memref<50000xf32, #tpu.memory_space<vmem>>[vector<16xi32>], vector<16xf32>,
          %masked_sort3A = arith.constant dense<true> : vector<16xi1>
          %masked_sort3A_279 = arith.constant -2147483648 : i32
          %masked_sort3A_280 = vector.broadcast %masked_sort3A_279 : i32 to vector<16xi32>
          %masked_sort3A_281 = arith.xori %get3A_278, %masked_sort3A_280 : vector<16xi32>
          %masked_sort3A_282, %masked_sort3A_283, %masked_sort3A_284 = tpu.sort %masked_sort3A_281, %gather3A masked %masked_sort3A : (vector<16xi32>, vector<16xf32>, vector<16xi1>) -> (vector<16xi1>, vector<16xi32>, vector<16xf32>)
          %masked_sort3A_285 = arith.xori %masked_sort3A_283, %masked_sort3A_280 : vector<16xi32>
          %broadcast_in_dim3A_286 = vector.shape_cast %max3A_41 : vector<16xi32> to vector<16x1xi32>
          %gather3A_287 = vector.shape_cast %broadcast_in_dim3A_286 : vector<16x1xi32> to vector<16xi32>
          %gather3A_288 = tpu.dynamic_gather %masked_sort3A_285[%gather3A_287] in [0] : vector<16xi32>, vector<16xi32> -> vector<16xi32>
          %broadcast_in_dim3A_289 = vector.shape_cast %max3A_41 : vector<16xi32> to vector<16x1xi32>
          %gather3A_290 = vector.shape_cast %broadcast_in_dim3A_289 : vector<16x1xi32> to vector<16xi32>
          %gather3A_291 = tpu.dynamic_gather %masked_sort3A_284[%gather3A_290] in [0] : vector<16xf32>, vector<16xi32> -> vector<16xf32>
          %eq3A_292 = arith.cmpi eq, %gather3A_288, %masked_sort3A_285 : vector<16xi32>
          %ge3A = arith.constant 1 : i32
          %ge3A_293 = vector.broadcast %ge3A : i32 to vector<16xi32>
          %ge3A_294 = arith.cmpi sge, %iota3A, %ge3A_293 : vector<16xi32>
          %and3A_295 = arith.andi %eq3A_292, %ge3A_294 : vector<16xi1>
          %min3A_296 = arith.minimumf %masked_sort3A_284, %gather3A_291 : vector<16xf32>
          %max3A_297 = arith.maximumf %masked_sort3A_284, %gather3A_291 : vector<16xf32>
          %select_n3A_298 = arith.select %eq3A_36, %min3A_296, %max3A_297 : vector<16xi1>, vector<16xf32>
          %select_n3A_299 = arith.select %and3A_295, %select_n3A_298, %masked_sort3A_284 : vector<16xi1>, vector<16xf32>
          %broadcast_in_dim3A_300 = vector.shape_cast %max3A_47 : vector<16xi32> to vector<16x1xi32>
          %gather3A_301 = vector.shape_cast %broadcast_in_dim3A_300 : vector<16x1xi32> to vector<16xi32>
          %gather3A_302 = tpu.dynamic_gather %masked_sort3A_285[%gather3A_301] in [0] : vector<16xi32>, vector<16xi32> -> vector<16xi32>
          %broadcast_in_dim3A_303 = vector.shape_cast %max3A_47 : vector<16xi32> to vector<16x1xi32>
          %gather3A_304 = vector.shape_cast %broadcast_in_dim3A_303 : vector<16x1xi32> to vector<16xi32>
          %gather3A_305 = tpu.dynamic_gather %select_n3A_299[%gather3A_304] in [0] : vector<16xf32>, vector<16xi32> -> vector<16xf32>
          %eq3A_306 = arith.cmpi eq, %gather3A_302, %masked_sort3A_285 : vector<16xi32>
          %ge3A_307 = arith.constant 2 : i32
          %ge3A_308 = vector.broadcast %ge3A_307 : i32 to vector<16xi32>
          %ge3A_309 = arith.cmpi sge, %iota3A, %ge3A_308 : vector<16xi32>
          %and3A_310 = arith.andi %eq3A_306, %ge3A_309 : vector<16xi1>
          %min3A_311 = arith.minimumf %select_n3A_299, %gather3A_305 : vector<16xf32>
          %max3A_312 = arith.maximumf %select_n3A_299, %gather3A_305 : vector<16xf32>
          %select_n3A_313 = arith.select %eq3A_36, %min3A_311, %max3A_312 : vector<16xi1>, vector<16xf32>
          %select_n3A_314 = arith.select %and3A_310, %select_n3A_313, %select_n3A_299 : vector<16xi1>, vector<16xf32>
          %broadcast_in_dim3A_315 = vector.shape_cast %max3A_53 : vector<16xi32> to vector<16x1xi32>
          %gather3A_316 = vector.shape_cast %broadcast_in_dim3A_315 : vector<16x1xi32> to vector<16xi32>
          %gather3A_317 = tpu.dynamic_gather %masked_sort3A_285[%gather3A_316] in [0] : vector<16xi32>, vector<16xi32> -> vector<16xi32>
          %broadcast_in_dim3A_318 = vector.shape_cast %max3A_53 : vector<16xi32> to vector<16x1xi32>
          %gather3A_319 = vector.shape_cast %broadcast_in_dim3A_318 : vector<16x1xi32> to vector<16xi32>
          %gather3A_320 = tpu.dynamic_gather %select_n3A_314[%gather3A_319] in [0] : vector<16xf32>, vector<16xi32> -> vector<16xf32>
          %eq3A_321 = arith.cmpi eq, %gather3A_317, %masked_sort3A_285 : vector<16xi32>
          %ge3A_322 = arith.constant 4 : i32
          %ge3A_323 = vector.broadcast %ge3A_322 : i32 to vector<16xi32>
          %ge3A_324 = arith.cmpi sge, %iota3A, %ge3A_323 : vector<16xi32>
          %and3A_325 = arith.andi %eq3A_321, %ge3A_324 : vector<16xi1>
          %min3A_326 = arith.minimumf %select_n3A_314, %gather3A_320 : vector<16xf32>
          %max3A_327 = arith.maximumf %select_n3A_314, %gather3A_320 : vector<16xf32>
          %select_n3A_328 = arith.select %eq3A_36, %min3A_326, %max3A_327 : vector<16xi1>, vector<16xf32>
          %select_n3A_329 = arith.select %and3A_325, %select_n3A_328, %select_n3A_314 : vector<16xi1>, vector<16xf32>
          %broadcast_in_dim3A_330 = vector.shape_cast %max3A_59 : vector<16xi32> to vector<16x1xi32>
          %gather3A_331 = vector.shape_cast %broadcast_in_dim3A_330 : vector<16x1xi32> to vector<16xi32>
          %gather3A_332 = tpu.dynamic_gather %masked_sort3A_285[%gather3A_331] in [0] : vector<16xi32>, vector<16xi32> -> vector<16xi32>
          %broadcast_in_dim3A_333 = vector.shape_cast %max3A_59 : vector<16xi32> to vector<16x1xi32>
          %gather3A_334 = vector.shape_cast %broadcast_in_dim3A_333 : vector<16x1xi32> to vector<16xi32>
          %gather3A_335 = tpu.dynamic_gather %select_n3A_329[%gather3A_334] in [0] : vector<16xf32>, vector<16xi32> -> vector<16xf32>
          %eq3A_336 = arith.cmpi eq, %gather3A_332, %masked_sort3A_285 : vector<16xi32>
          %ge3A_337 = arith.constant 8 : i32
          %ge3A_338 = vector.broadcast %ge3A_337 : i32 to vector<16xi32>
          %ge3A_339 = arith.cmpi sge, %iota3A, %ge3A_338 : vector<16xi32>
          %and3A_340 = arith.andi %eq3A_336, %ge3A_339 : vector<16xi1>
          %min3A_341 = arith.minimumf %select_n3A_329, %gather3A_335 : vector<16xf32>
          %max3A_342 = arith.maximumf %select_n3A_329, %gather3A_335 : vector<16xf32>
          %select_n3A_343 = arith.select %eq3A_36, %min3A_341, %max3A_342 : vector<16xi1>, vector<16xf32>
          %select_n3A_344 = arith.select %and3A_340, %select_n3A_343, %select_n3A_329 : vector<16xi1>, vector<16xf32>
          %broadcast_in_dim3A_345 = vector.shape_cast %min3A_64 : vector<16xi32> to vector<16x1xi32>
          %gather3A_346 = vector.shape_cast %broadcast_in_dim3A_345 : vector<16x1xi32> to vector<16xi32>
          %gather3A_347 = tpu.dynamic_gather %masked_sort3A_285[%gather3A_346] in [0] : vector<16xi32>, vector<16xi32> -> vector<16xi32>
          %ne3A_348 = arith.cmpi ne, %masked_sort3A_285, %gather3A_347 : vector<16xi32>
          %or3A = arith.ori %ne3A_348, %eq3A_67 : vector<16xi1>
          %gather3A_349 = tpu.vector_load_idx %arg7[%masked_sort3A_285] : memref<50000xf32, #tpu.memory_space<vmem>>[vector<16xi32>], vector<16xf32>,
          %min3A_350 = arith.minimumf %gather3A_349, %select_n3A_344 : vector<16xf32>
          %max3A_351 = arith.maximumf %gather3A_349, %select_n3A_344 : vector<16xf32>
          %select_n3A_352 = arith.select %eq3A_36, %min3A_350, %max3A_351 : vector<16xi1>, vector<16xf32>
          tpu.vector_store_idx %arg7[%masked_sort3A_285], %select_n3A_352 masked %or3A : memref<50000xf32, #tpu.memory_space<vmem>>[vector<16xi32>], vector<16xf32>, vector<16xi1>
        }
        %scan3A_270 = arith.constant 125 : i32
      } else {
      }
      %mul3A_221 = arith.constant 2 : i32
      %mul3A_222 = arith.muli %mul3A_221, %scan3A_178 : i32
      %add3A_223 = arith.constant 2 : i32
      %add3A_224 = arith.addi %mul3A_222, %add3A_223 : i32
      %min3A_225 = arith.constant 24 : i32
      %min3A_226 = arith.minsi %add3A_224, %min3A_225 : i32
      %mul3A_227 = arith.constant 2000 : i32
      %mul3A_228 = arith.muli %min3A_226, %mul3A_227 : i32
      %add3A_229 = arith.addi %mul3A_94, %mul3A_228 : i32
      %multiple_of3A_230 = tpu.assume_multiple %add3A_229, 8 : i32
      %dma_start3A_231 = tpu.memref_slice %arg3[%multiple_of3A_230] : memref<800000xi32, #tpu.memory_space<hbm>> -> memref<2000xi32, #tpu.memory_space<hbm>>
      %dma_start3A_232 = tpu.memref_slice %arg3[%multiple_of3A_230] : memref<800000xi32, #tpu.memory_space<hbm>> -> memref<2000xi32, #tpu.memory_space<hbm>>
      tpu.enqueue_dma source(%dma_start3A_232 : memref<2000xi32, #tpu.memory_space<hbm>>) target(%arg8 : memref<2000xi32, #tpu.memory_space<vmem>>) target_semaphore(%arg12 : memref<!tpu.dma_semaphore, #tpu.memory_space<semaphore_mem>>)
      %dma_start3A_233 = tpu.memref_slice %arg4[%multiple_of3A_230] : memref<800000xi32, #tpu.memory_space<hbm>> -> memref<2000xi32, #tpu.memory_space<hbm>>
      %dma_start3A_234 = tpu.memref_slice %arg4[%multiple_of3A_230] : memref<800000xi32, #tpu.memory_space<hbm>> -> memref<2000xi32, #tpu.memory_space<hbm>>
      tpu.enqueue_dma source(%dma_start3A_234 : memref<2000xi32, #tpu.memory_space<hbm>>) target(%arg9 : memref<2000xi32, #tpu.memory_space<vmem>>) target_semaphore(%arg12 : memref<!tpu.dma_semaphore, #tpu.memory_space<semaphore_mem>>)
      %dma_wait3A_235 = arith.constant 0 : i32
      %dma_wait3A_236 = tpu.memref_slice %arg3[%dma_wait3A_235] : memref<800000xi32, #tpu.memory_space<hbm>> -> memref<2000xi32, #tpu.memory_space<hbm>>
      %dma_wait3A_237 = arith.constant 0 : i32
      %dma_wait3A_238 = tpu.memref_slice %arg3[%dma_wait3A_237] : memref<800000xi32, #tpu.memory_space<hbm>> -> memref<2000xi32, #tpu.memory_space<hbm>>
      tpu.wait_dma2 semaphore(%arg13 : memref<!tpu.dma_semaphore, #tpu.memory_space<semaphore_mem>>) src(%dma_wait3A_238 : memref<2000xi32, #tpu.memory_space<hbm>>) dst(%arg10 : memref<2000xi32, #tpu.memory_space<vmem>>)
      %dma_wait3A_239 = arith.constant 0 : i32
      %dma_wait3A_240 = tpu.memref_slice %arg4[%dma_wait3A_239] : memref<800000xi32, #tpu.memory_space<hbm>> -> memref<2000xi32, #tpu.memory_space<hbm>>
      %dma_wait3A_241 = arith.constant 0 : i32
      %dma_wait3A_242 = tpu.memref_slice %arg4[%dma_wait3A_241] : memref<800000xi32, #tpu.memory_space<hbm>> -> memref<2000xi32, #tpu.memory_space<hbm>>
      tpu.wait_dma2 semaphore(%arg13 : memref<!tpu.dma_semaphore, #tpu.memory_space<semaphore_mem>>) src(%dma_wait3A_242 : memref<2000xi32, #tpu.memory_space<hbm>>) dst(%arg11 : memref<2000xi32, #tpu.memory_space<vmem>>)
      %broadcast_in_dim3A_243 = arith.constant false
      %broadcast_in_dim3A_244 = vector.broadcast %broadcast_in_dim3A_243 : i1 to vector<16xi1>
      %scan3A_245 = arith.constant 0 : i32
      %scan3A_246 = arith.constant 25 : i32
      %scan3A_247 = arith.addi %scan3A_245, %scan3A_246 : i32
      %scan3A_248 = arith.constant 1 : i32
      %scan3A_249 = scf.for %scan3A_265 = %scan3A_245 to %scan3A_247 step %scan3A_248 iter_args(%scan3A_266 = %broadcast_in_dim3A_244) -> (vector<16xi1>)  : i32 {
        %mul3A_267 = arith.constant 5 : i32
        %mul3A_268 = arith.muli %scan3A_265, %mul3A_267 : i32
        %add3A_269 = arith.constant 0 : i32
        %add3A_270 = arith.addi %mul3A_268, %add3A_269 : i32
        %mul3A_271 = arith.constant 16 : i32
        %mul3A_272 = arith.muli %add3A_270, %mul3A_271 : i32
        %get3A = arith.index_cast %mul3A_272 : i32 to index
        %get3A_273 = tpu.vector_load %arg11[%get3A] {strides = array<i32>} : memref<2000xi32, #tpu.memory_space<vmem>>, vector<16xi32>,
        %add3A_274 = arith.constant 1 : i32
        %add3A_275 = arith.addi %mul3A_268, %add3A_274 : i32
        %mul3A_276 = arith.constant 16 : i32
        %mul3A_277 = arith.muli %add3A_275, %mul3A_276 : i32
        %get3A_278 = arith.index_cast %mul3A_277 : i32 to index
        %get3A_279 = tpu.vector_load %arg11[%get3A_278] {strides = array<i32>} : memref<2000xi32, #tpu.memory_space<vmem>>, vector<16xi32>,
        %add3A_280 = arith.constant 2 : i32
        %add3A_281 = arith.addi %mul3A_268, %add3A_280 : i32
        %mul3A_282 = arith.constant 16 : i32
        %mul3A_283 = arith.muli %add3A_281, %mul3A_282 : i32
        %get3A_284 = arith.index_cast %mul3A_283 : i32 to index
        %get3A_285 = tpu.vector_load %arg11[%get3A_284] {strides = array<i32>} : memref<2000xi32, #tpu.memory_space<vmem>>, vector<16xi32>,
        %add3A_286 = arith.constant 3 : i32
        %add3A_287 = arith.addi %mul3A_268, %add3A_286 : i32
        %mul3A_288 = arith.constant 16 : i32
        %mul3A_289 = arith.muli %add3A_287, %mul3A_288 : i32
        %get3A_290 = arith.index_cast %mul3A_289 : i32 to index
        %get3A_291 = tpu.vector_load %arg11[%get3A_290] {strides = array<i32>} : memref<2000xi32, #tpu.memory_space<vmem>>, vector<16xi32>,
        %add3A_292 = arith.constant 4 : i32
        %add3A_293 = arith.addi %mul3A_268, %add3A_292 : i32
        %mul3A_294 = arith.constant 16 : i32
        %mul3A_295 = arith.muli %add3A_293, %mul3A_294 : i32
        %get3A_296 = arith.index_cast %mul3A_295 : i32 to index
        %get3A_297 = tpu.vector_load %arg11[%get3A_296] {strides = array<i32>} : memref<2000xi32, #tpu.memory_space<vmem>>, vector<16xi32>,
        %add3A_298 = arith.constant 0 : i32
        %add3A_299 = arith.addi %mul3A_268, %add3A_298 : i32
        %mul3A_300 = arith.constant 16 : i32
        %mul3A_301 = arith.muli %add3A_299, %mul3A_300 : i32
        %get3A_302 = arith.index_cast %mul3A_301 : i32 to index
        %get3A_303 = tpu.vector_load %arg10[%get3A_302] {strides = array<i32>} : memref<2000xi32, #tpu.memory_space<vmem>>, vector<16xi32>,
        %add3A_304 = arith.constant 1 : i32
        %add3A_305 = arith.addi %mul3A_268, %add3A_304 : i32
        %mul3A_306 = arith.constant 16 : i32
        %mul3A_307 = arith.muli %add3A_305, %mul3A_306 : i32
        %get3A_308 = arith.index_cast %mul3A_307 : i32 to index
        %get3A_309 = tpu.vector_load %arg10[%get3A_308] {strides = array<i32>} : memref<2000xi32, #tpu.memory_space<vmem>>, vector<16xi32>,
        %add3A_310 = arith.constant 2 : i32
        %add3A_311 = arith.addi %mul3A_268, %add3A_310 : i32
        %mul3A_312 = arith.constant 16 : i32
        %mul3A_313 = arith.muli %add3A_311, %mul3A_312 : i32
        %get3A_314 = arith.index_cast %mul3A_313 : i32 to index
        %get3A_315 = tpu.vector_load %arg10[%get3A_314] {strides = array<i32>} : memref<2000xi32, #tpu.memory_space<vmem>>, vector<16xi32>,
        %add3A_316 = arith.constant 3 : i32
        %add3A_317 = arith.addi %mul3A_268, %add3A_316 : i32
        %mul3A_318 = arith.constant 16 : i32
        %mul3A_319 = arith.muli %add3A_317, %mul3A_318 : i32
        %get3A_320 = arith.index_cast %mul3A_319 : i32 to index
        %get3A_321 = tpu.vector_load %arg10[%get3A_320] {strides = array<i32>} : memref<2000xi32, #tpu.memory_space<vmem>>, vector<16xi32>,
        %add3A_322 = arith.constant 4 : i32
        %add3A_323 = arith.addi %mul3A_268, %add3A_322 : i32
        %mul3A_324 = arith.constant 16 : i32
        %mul3A_325 = arith.muli %add3A_323, %mul3A_324 : i32
        %get3A_326 = arith.index_cast %mul3A_325 : i32 to index
        %get3A_327 = tpu.vector_load %arg10[%get3A_326] {strides = array<i32>} : memref<2000xi32, #tpu.memory_space<vmem>>, vector<16xi32>,
        %gather3A = tpu.vector_load_idx %arg6[%get3A_303] : memref<50000xf32, #tpu.memory_space<vmem>>[vector<16xi32>], vector<16xf32>,
        %gather3A_328 = tpu.vector_load_idx %arg6[%get3A_309] : memref<50000xf32, #tpu.memory_space<vmem>>[vector<16xi32>], vector<16xf32>,
        %gather3A_329 = tpu.vector_load_idx %arg6[%get3A_315] : memref<50000xf32, #tpu.memory_space<vmem>>[vector<16xi32>], vector<16xf32>,
        %gather3A_330 = tpu.vector_load_idx %arg6[%get3A_321] : memref<50000xf32, #tpu.memory_space<vmem>>[vector<16xi32>], vector<16xf32>,
        %gather3A_331 = tpu.vector_load_idx %arg6[%get3A_327] : memref<50000xf32, #tpu.memory_space<vmem>>[vector<16xi32>], vector<16xf32>,
        %gather3A_332 = tpu.vector_load_idx %arg7[%get3A_273] : memref<50000xf32, #tpu.memory_space<vmem>>[vector<16xi32>], vector<16xf32>,
        %gather3A_333 = tpu.vector_load_idx %arg7[%get3A_279] : memref<50000xf32, #tpu.memory_space<vmem>>[vector<16xi32>], vector<16xf32>,
        %gather3A_334 = tpu.vector_load_idx %arg7[%get3A_285] : memref<50000xf32, #tpu.memory_space<vmem>>[vector<16xi32>], vector<16xf32>,
        %gather3A_335 = tpu.vector_load_idx %arg7[%get3A_291] : memref<50000xf32, #tpu.memory_space<vmem>>[vector<16xi32>], vector<16xf32>,
        %gather3A_336 = tpu.vector_load_idx %arg7[%get3A_297] : memref<50000xf32, #tpu.memory_space<vmem>>[vector<16xi32>], vector<16xf32>,
        %min3A_337 = arith.minimumf %gather3A_332, %gather3A : vector<16xf32>
        %max3A_338 = arith.maximumf %gather3A_332, %gather3A : vector<16xf32>
        %select_n3A_339 = arith.select %eq3A_36, %min3A_337, %max3A_338 : vector<16xi1>, vector<16xf32>
        tpu.vector_store_idx %arg7[%get3A_273], %select_n3A_339 : memref<50000xf32, #tpu.memory_space<vmem>>[vector<16xi32>], vector<16xf32>,
        %min3A_340 = arith.minimumf %gather3A_333, %gather3A_328 : vector<16xf32>
        %max3A_341 = arith.maximumf %gather3A_333, %gather3A_328 : vector<16xf32>
        %select_n3A_342 = arith.select %eq3A_36, %min3A_340, %max3A_341 : vector<16xi1>, vector<16xf32>
        tpu.vector_store_idx %arg7[%get3A_279], %select_n3A_342 : memref<50000xf32, #tpu.memory_space<vmem>>[vector<16xi32>], vector<16xf32>,
        %min3A_343 = arith.minimumf %gather3A_334, %gather3A_329 : vector<16xf32>
        %max3A_344 = arith.maximumf %gather3A_334, %gather3A_329 : vector<16xf32>
        %select_n3A_345 = arith.select %eq3A_36, %min3A_343, %max3A_344 : vector<16xi1>, vector<16xf32>
        tpu.vector_store_idx %arg7[%get3A_285], %select_n3A_345 : memref<50000xf32, #tpu.memory_space<vmem>>[vector<16xi32>], vector<16xf32>,
        %min3A_346 = arith.minimumf %gather3A_335, %gather3A_330 : vector<16xf32>
        %max3A_347 = arith.maximumf %gather3A_335, %gather3A_330 : vector<16xf32>
        %select_n3A_348 = arith.select %eq3A_36, %min3A_346, %max3A_347 : vector<16xi1>, vector<16xf32>
        tpu.vector_store_idx %arg7[%get3A_291], %select_n3A_348 : memref<50000xf32, #tpu.memory_space<vmem>>[vector<16xi32>], vector<16xf32>,
        %min3A_349 = arith.minimumf %gather3A_336, %gather3A_331 : vector<16xf32>
        %max3A_350 = arith.maximumf %gather3A_336, %gather3A_331 : vector<16xf32>
        %select_n3A_351 = arith.select %eq3A_36, %min3A_349, %max3A_350 : vector<16xi1>, vector<16xf32>
        tpu.vector_store_idx %arg7[%get3A_297], %select_n3A_351 : memref<50000xf32, #tpu.memory_space<vmem>>[vector<16xi32>], vector<16xf32>,
        %gather3A_352 = tpu.vector_load_idx %arg7[%get3A_273] : memref<50000xf32, #tpu.memory_space<vmem>>[vector<16xi32>], vector<16xf32>,
        %gather3A_353 = tpu.vector_load_idx %arg7[%get3A_279] : memref<50000xf32, #tpu.memory_space<vmem>>[vector<16xi32>], vector<16xf32>,
        %gather3A_354 = tpu.vector_load_idx %arg7[%get3A_285] : memref<50000xf32, #tpu.memory_space<vmem>>[vector<16xi32>], vector<16xf32>,
        %gather3A_355 = tpu.vector_load_idx %arg7[%get3A_291] : memref<50000xf32, #tpu.memory_space<vmem>>[vector<16xi32>], vector<16xf32>,
        %gather3A_356 = tpu.vector_load_idx %arg7[%get3A_297] : memref<50000xf32, #tpu.memory_space<vmem>>[vector<16xi32>], vector<16xf32>,
        %gt3A = arith.cmpf ogt, %gather3A_352, %gather3A : vector<16xf32>
        %lt3A_357 = arith.cmpf olt, %gather3A_352, %gather3A : vector<16xf32>
        %select_n3A_358 = arith.select %eq3A_36, %gt3A, %lt3A_357 : vector<16xi1>, vector<16xi1>
        %gt3A_359 = arith.cmpf ogt, %gather3A_353, %gather3A_328 : vector<16xf32>
        %lt3A_360 = arith.cmpf olt, %gather3A_353, %gather3A_328 : vector<16xf32>
        %select_n3A_361 = arith.select %eq3A_36, %gt3A_359, %lt3A_360 : vector<16xi1>, vector<16xi1>
        %gt3A_362 = arith.cmpf ogt, %gather3A_354, %gather3A_329 : vector<16xf32>
        %lt3A_363 = arith.cmpf olt, %gather3A_354, %gather3A_329 : vector<16xf32>
        %select_n3A_364 = arith.select %eq3A_36, %gt3A_362, %lt3A_363 : vector<16xi1>, vector<16xi1>
        %gt3A_365 = arith.cmpf ogt, %gather3A_355, %gather3A_330 : vector<16xf32>
        %lt3A_366 = arith.cmpf olt, %gather3A_355, %gather3A_330 : vector<16xf32>
        %select_n3A_367 = arith.select %eq3A_36, %gt3A_365, %lt3A_366 : vector<16xi1>, vector<16xi1>
        %gt3A_368 = arith.cmpf ogt, %gather3A_356, %gather3A_331 : vector<16xf32>
        %lt3A_369 = arith.cmpf olt, %gather3A_356, %gather3A_331 : vector<16xf32>
        %select_n3A_370 = arith.select %eq3A_36, %gt3A_368, %lt3A_369 : vector<16xi1>, vector<16xi1>
        tpu.vector_store_idx %arg7[%get3A_273], %gather3A masked %select_n3A_358 : memref<50000xf32, #tpu.memory_space<vmem>>[vector<16xi32>], vector<16xf32>, vector<16xi1>
        tpu.vector_store_idx %arg7[%get3A_279], %gather3A_328 masked %select_n3A_361 : memref<50000xf32, #tpu.memory_space<vmem>>[vector<16xi32>], vector<16xf32>, vector<16xi1>
        tpu.vector_store_idx %arg7[%get3A_285], %gather3A_329 masked %select_n3A_364 : memref<50000xf32, #tpu.memory_space<vmem>>[vector<16xi32>], vector<16xf32>, vector<16xi1>
        tpu.vector_store_idx %arg7[%get3A_291], %gather3A_330 masked %select_n3A_367 : memref<50000xf32, #tpu.memory_space<vmem>>[vector<16xi32>], vector<16xf32>, vector<16xi1>
        tpu.vector_store_idx %arg7[%get3A_297], %gather3A_331 masked %select_n3A_370 : memref<50000xf32, #tpu.memory_space<vmem>>[vector<16xi32>], vector<16xf32>, vector<16xi1>
        %gather3A_371 = tpu.vector_load_idx %arg7[%get3A_273] : memref<50000xf32, #tpu.memory_space<vmem>>[vector<16xi32>], vector<16xf32>,
        %gather3A_372 = tpu.vector_load_idx %arg7[%get3A_279] : memref<50000xf32, #tpu.memory_space<vmem>>[vector<16xi32>], vector<16xf32>,
        %gather3A_373 = tpu.vector_load_idx %arg7[%get3A_285] : memref<50000xf32, #tpu.memory_space<vmem>>[vector<16xi32>], vector<16xf32>,
        %gather3A_374 = tpu.vector_load_idx %arg7[%get3A_291] : memref<50000xf32, #tpu.memory_space<vmem>>[vector<16xi32>], vector<16xf32>,
        %gather3A_375 = tpu.vector_load_idx %arg7[%get3A_297] : memref<50000xf32, #tpu.memory_space<vmem>>[vector<16xi32>], vector<16xf32>,
        %gt3A_376 = arith.cmpf ogt, %gather3A_371, %gather3A : vector<16xf32>
        %lt3A_377 = arith.cmpf olt, %gather3A_371, %gather3A : vector<16xf32>
        %select_n3A_378 = arith.select %eq3A_36, %gt3A_376, %lt3A_377 : vector<16xi1>, vector<16xi1>
        %or3A = arith.ori %scan3A_266, %select_n3A_378 : vector<16xi1>
        %gt3A_379 = arith.cmpf ogt, %gather3A_372, %gather3A_328 : vector<16xf32>
        %lt3A_380 = arith.cmpf olt, %gather3A_372, %gather3A_328 : vector<16xf32>
        %select_n3A_381 = arith.select %eq3A_36, %gt3A_379, %lt3A_380 : vector<16xi1>, vector<16xi1>
        %or3A_382 = arith.ori %or3A, %select_n3A_381 : vector<16xi1>
        %gt3A_383 = arith.cmpf ogt, %gather3A_373, %gather3A_329 : vector<16xf32>
        %lt3A_384 = arith.cmpf olt, %gather3A_373, %gather3A_329 : vector<16xf32>
        %select_n3A_385 = arith.select %eq3A_36, %gt3A_383, %lt3A_384 : vector<16xi1>, vector<16xi1>
        %or3A_386 = arith.ori %or3A_382, %select_n3A_385 : vector<16xi1>
        %gt3A_387 = arith.cmpf ogt, %gather3A_374, %gather3A_330 : vector<16xf32>
        %lt3A_388 = arith.cmpf olt, %gather3A_374, %gather3A_330 : vector<16xf32>
        %select_n3A_389 = arith.select %eq3A_36, %gt3A_387, %lt3A_388 : vector<16xi1>, vector<16xi1>
        %or3A_390 = arith.ori %or3A_386, %select_n3A_389 : vector<16xi1>
        %gt3A_391 = arith.cmpf ogt, %gather3A_375, %gather3A_331 : vector<16xf32>
        %lt3A_392 = arith.cmpf olt, %gather3A_375, %gather3A_331 : vector<16xf32>
        %select_n3A_393 = arith.select %eq3A_36, %gt3A_391, %lt3A_392 : vector<16xi1>, vector<16xi1>
        %or3A_394 = arith.ori %or3A_390, %select_n3A_393 : vector<16xi1>
        scf.yield %or3A_394 : vector<16xi1>
      }
      %scan3A_250 = arith.constant 25 : i32
      %reduce_or3A_251 = arith.constant 1.000000e+00 : f32
      %reduce_or3A_252 = arith.constant 0.000000e+00 : f32
      %reduce_or3A_253 = vector.broadcast %reduce_or3A_251 : f32 to vector<16xf32>
      %reduce_or3A_254 = vector.broadcast %reduce_or3A_252 : f32 to vector<16xf32>
      %reduce_or3A_255 = arith.select %scan3A_249, %reduce_or3A_253, %reduce_or3A_254 : vector<16xi1>, vector<16xf32>
      %reduce_or3A_256 = arith.constant true
      %reduce_or3A_257 = vector.broadcast %reduce_or3A_256 : i1 to vector<16xi1>
      %reduce_or3A_258 = tpu.scan <max>, %reduce_or3A_255 masked %reduce_or3A_257 : vector<16xf32>, vector<16xi1> -> vector<16xf32>
      %reduce_or3A_259 = vector.extract %reduce_or3A_258[15] : f32 from vector<16xf32>
      %reduce_or3A_260 = arith.constant 0.000000e+00 : f32
      %reduce_or3A_261 = arith.cmpf ogt, %reduce_or3A_259, %reduce_or3A_260 : f32
      %convert_element_type3A_262 = arith.extui %reduce_or3A_261 : i1 to i32
      %cond3A_263 = arith.constant 0 : i32
      %cond3A_264 = arith.cmpi ne, %convert_element_type3A_262, %cond3A_263 : i32
      scf.if %cond3A_264 {
        %scan3A_265 = arith.constant 0 : i32
        %scan3A_266 = arith.constant 0 : i32
        %scan3A_267 = arith.constant 125 : i32
        %scan3A_268 = arith.addi %scan3A_266, %scan3A_267 : i32
        %scan3A_269 = arith.constant 1 : i32
        scf.for %scan3A_271 = %scan3A_266 to %scan3A_268 step %scan3A_269  : i32 {
          %mul3A_272 = arith.constant 16 : i32
          %mul3A_273 = arith.muli %scan3A_271, %mul3A_272 : i32
          %get3A = arith.index_cast %mul3A_273 : i32 to index
          %get3A_274 = tpu.vector_load %arg10[%get3A] {strides = array<i32>} : memref<2000xi32, #tpu.memory_space<vmem>>, vector<16xi32>,
          %mul3A_275 = arith.constant 16 : i32
          %mul3A_276 = arith.muli %scan3A_271, %mul3A_275 : i32
          %get3A_277 = arith.index_cast %mul3A_276 : i32 to index
          %get3A_278 = tpu.vector_load %arg11[%get3A_277] {strides = array<i32>} : memref<2000xi32, #tpu.memory_space<vmem>>, vector<16xi32>,
          %gather3A = tpu.vector_load_idx %arg6[%get3A_274] : memref<50000xf32, #tpu.memory_space<vmem>>[vector<16xi32>], vector<16xf32>,
          %masked_sort3A = arith.constant dense<true> : vector<16xi1>
          %masked_sort3A_279 = arith.constant -2147483648 : i32
          %masked_sort3A_280 = vector.broadcast %masked_sort3A_279 : i32 to vector<16xi32>
          %masked_sort3A_281 = arith.xori %get3A_278, %masked_sort3A_280 : vector<16xi32>
          %masked_sort3A_282, %masked_sort3A_283, %masked_sort3A_284 = tpu.sort %masked_sort3A_281, %gather3A masked %masked_sort3A : (vector<16xi32>, vector<16xf32>, vector<16xi1>) -> (vector<16xi1>, vector<16xi32>, vector<16xf32>)
          %masked_sort3A_285 = arith.xori %masked_sort3A_283, %masked_sort3A_280 : vector<16xi32>
          %broadcast_in_dim3A_286 = vector.shape_cast %max3A_41 : vector<16xi32> to vector<16x1xi32>
          %gather3A_287 = vector.shape_cast %broadcast_in_dim3A_286 : vector<16x1xi32> to vector<16xi32>
          %gather3A_288 = tpu.dynamic_gather %masked_sort3A_285[%gather3A_287] in [0] : vector<16xi32>, vector<16xi32> -> vector<16xi32>
          %broadcast_in_dim3A_289 = vector.shape_cast %max3A_41 : vector<16xi32> to vector<16x1xi32>
          %gather3A_290 = vector.shape_cast %broadcast_in_dim3A_289 : vector<16x1xi32> to vector<16xi32>
          %gather3A_291 = tpu.dynamic_gather %masked_sort3A_284[%gather3A_290] in [0] : vector<16xf32>, vector<16xi32> -> vector<16xf32>
          %eq3A_292 = arith.cmpi eq, %gather3A_288, %masked_sort3A_285 : vector<16xi32>
          %ge3A = arith.constant 1 : i32
          %ge3A_293 = vector.broadcast %ge3A : i32 to vector<16xi32>
          %ge3A_294 = arith.cmpi sge, %iota3A, %ge3A_293 : vector<16xi32>
          %and3A_295 = arith.andi %eq3A_292, %ge3A_294 : vector<16xi1>
          %min3A_296 = arith.minimumf %masked_sort3A_284, %gather3A_291 : vector<16xf32>
          %max3A_297 = arith.maximumf %masked_sort3A_284, %gather3A_291 : vector<16xf32>
          %select_n3A_298 = arith.select %eq3A_36, %min3A_296, %max3A_297 : vector<16xi1>, vector<16xf32>
          %select_n3A_299 = arith.select %and3A_295, %select_n3A_298, %masked_sort3A_284 : vector<16xi1>, vector<16xf32>
          %broadcast_in_dim3A_300 = vector.shape_cast %max3A_47 : vector<16xi32> to vector<16x1xi32>
          %gather3A_301 = vector.shape_cast %broadcast_in_dim3A_300 : vector<16x1xi32> to vector<16xi32>
          %gather3A_302 = tpu.dynamic_gather %masked_sort3A_285[%gather3A_301] in [0] : vector<16xi32>, vector<16xi32> -> vector<16xi32>
          %broadcast_in_dim3A_303 = vector.shape_cast %max3A_47 : vector<16xi32> to vector<16x1xi32>
          %gather3A_304 = vector.shape_cast %broadcast_in_dim3A_303 : vector<16x1xi32> to vector<16xi32>
          %gather3A_305 = tpu.dynamic_gather %select_n3A_299[%gather3A_304] in [0] : vector<16xf32>, vector<16xi32> -> vector<16xf32>
          %eq3A_306 = arith.cmpi eq, %gather3A_302, %masked_sort3A_285 : vector<16xi32>
          %ge3A_307 = arith.constant 2 : i32
          %ge3A_308 = vector.broadcast %ge3A_307 : i32 to vector<16xi32>
          %ge3A_309 = arith.cmpi sge, %iota3A, %ge3A_308 : vector<16xi32>
          %and3A_310 = arith.andi %eq3A_306, %ge3A_309 : vector<16xi1>
          %min3A_311 = arith.minimumf %select_n3A_299, %gather3A_305 : vector<16xf32>
          %max3A_312 = arith.maximumf %select_n3A_299, %gather3A_305 : vector<16xf32>
          %select_n3A_313 = arith.select %eq3A_36, %min3A_311, %max3A_312 : vector<16xi1>, vector<16xf32>
          %select_n3A_314 = arith.select %and3A_310, %select_n3A_313, %select_n3A_299 : vector<16xi1>, vector<16xf32>
          %broadcast_in_dim3A_315 = vector.shape_cast %max3A_53 : vector<16xi32> to vector<16x1xi32>
          %gather3A_316 = vector.shape_cast %broadcast_in_dim3A_315 : vector<16x1xi32> to vector<16xi32>
          %gather3A_317 = tpu.dynamic_gather %masked_sort3A_285[%gather3A_316] in [0] : vector<16xi32>, vector<16xi32> -> vector<16xi32>
          %broadcast_in_dim3A_318 = vector.shape_cast %max3A_53 : vector<16xi32> to vector<16x1xi32>
          %gather3A_319 = vector.shape_cast %broadcast_in_dim3A_318 : vector<16x1xi32> to vector<16xi32>
          %gather3A_320 = tpu.dynamic_gather %select_n3A_314[%gather3A_319] in [0] : vector<16xf32>, vector<16xi32> -> vector<16xf32>
          %eq3A_321 = arith.cmpi eq, %gather3A_317, %masked_sort3A_285 : vector<16xi32>
          %ge3A_322 = arith.constant 4 : i32
          %ge3A_323 = vector.broadcast %ge3A_322 : i32 to vector<16xi32>
          %ge3A_324 = arith.cmpi sge, %iota3A, %ge3A_323 : vector<16xi32>
          %and3A_325 = arith.andi %eq3A_321, %ge3A_324 : vector<16xi1>
          %min3A_326 = arith.minimumf %select_n3A_314, %gather3A_320 : vector<16xf32>
          %max3A_327 = arith.maximumf %select_n3A_314, %gather3A_320 : vector<16xf32>
          %select_n3A_328 = arith.select %eq3A_36, %min3A_326, %max3A_327 : vector<16xi1>, vector<16xf32>
          %select_n3A_329 = arith.select %and3A_325, %select_n3A_328, %select_n3A_314 : vector<16xi1>, vector<16xf32>
          %broadcast_in_dim3A_330 = vector.shape_cast %max3A_59 : vector<16xi32> to vector<16x1xi32>
          %gather3A_331 = vector.shape_cast %broadcast_in_dim3A_330 : vector<16x1xi32> to vector<16xi32>
          %gather3A_332 = tpu.dynamic_gather %masked_sort3A_285[%gather3A_331] in [0] : vector<16xi32>, vector<16xi32> -> vector<16xi32>
          %broadcast_in_dim3A_333 = vector.shape_cast %max3A_59 : vector<16xi32> to vector<16x1xi32>
          %gather3A_334 = vector.shape_cast %broadcast_in_dim3A_333 : vector<16x1xi32> to vector<16xi32>
          %gather3A_335 = tpu.dynamic_gather %select_n3A_329[%gather3A_334] in [0] : vector<16xf32>, vector<16xi32> -> vector<16xf32>
          %eq3A_336 = arith.cmpi eq, %gather3A_332, %masked_sort3A_285 : vector<16xi32>
          %ge3A_337 = arith.constant 8 : i32
          %ge3A_338 = vector.broadcast %ge3A_337 : i32 to vector<16xi32>
          %ge3A_339 = arith.cmpi sge, %iota3A, %ge3A_338 : vector<16xi32>
          %and3A_340 = arith.andi %eq3A_336, %ge3A_339 : vector<16xi1>
          %min3A_341 = arith.minimumf %select_n3A_329, %gather3A_335 : vector<16xf32>
          %max3A_342 = arith.maximumf %select_n3A_329, %gather3A_335 : vector<16xf32>
          %select_n3A_343 = arith.select %eq3A_36, %min3A_341, %max3A_342 : vector<16xi1>, vector<16xf32>
          %select_n3A_344 = arith.select %and3A_340, %select_n3A_343, %select_n3A_329 : vector<16xi1>, vector<16xf32>
          %broadcast_in_dim3A_345 = vector.shape_cast %min3A_64 : vector<16xi32> to vector<16x1xi32>
          %gather3A_346 = vector.shape_cast %broadcast_in_dim3A_345 : vector<16x1xi32> to vector<16xi32>
          %gather3A_347 = tpu.dynamic_gather %masked_sort3A_285[%gather3A_346] in [0] : vector<16xi32>, vector<16xi32> -> vector<16xi32>
          %ne3A_348 = arith.cmpi ne, %masked_sort3A_285, %gather3A_347 : vector<16xi32>
          %or3A = arith.ori %ne3A_348, %eq3A_67 : vector<16xi1>
          %gather3A_349 = tpu.vector_load_idx %arg7[%masked_sort3A_285] : memref<50000xf32, #tpu.memory_space<vmem>>[vector<16xi32>], vector<16xf32>,
          %min3A_350 = arith.minimumf %gather3A_349, %select_n3A_344 : vector<16xf32>
          %max3A_351 = arith.maximumf %gather3A_349, %select_n3A_344 : vector<16xf32>
          %select_n3A_352 = arith.select %eq3A_36, %min3A_350, %max3A_351 : vector<16xi1>, vector<16xf32>
          tpu.vector_store_idx %arg7[%masked_sort3A_285], %select_n3A_352 masked %or3A : memref<50000xf32, #tpu.memory_space<vmem>>[vector<16xi32>], vector<16xf32>, vector<16xi1>
        }
        %scan3A_270 = arith.constant 125 : i32
      } else {
      }
    }
    %scan3A_105 = arith.constant 12 : i32
    %dma_wait3A = arith.constant 0 : i32
    %dma_wait3A_106 = tpu.memref_slice %arg3[%dma_wait3A] : memref<800000xi32, #tpu.memory_space<hbm>> -> memref<2000xi32, #tpu.memory_space<hbm>>
    %dma_wait3A_107 = arith.constant 0 : i32
    %dma_wait3A_108 = tpu.memref_slice %arg3[%dma_wait3A_107] : memref<800000xi32, #tpu.memory_space<hbm>> -> memref<2000xi32, #tpu.memory_space<hbm>>
    tpu.wait_dma2 semaphore(%arg12 : memref<!tpu.dma_semaphore, #tpu.memory_space<semaphore_mem>>) src(%dma_wait3A_108 : memref<2000xi32, #tpu.memory_space<hbm>>) dst(%arg8 : memref<2000xi32, #tpu.memory_space<vmem>>)
    %dma_wait3A_109 = arith.constant 0 : i32
    %dma_wait3A_110 = tpu.memref_slice %arg4[%dma_wait3A_109] : memref<800000xi32, #tpu.memory_space<hbm>> -> memref<2000xi32, #tpu.memory_space<hbm>>
    %dma_wait3A_111 = arith.constant 0 : i32
    %dma_wait3A_112 = tpu.memref_slice %arg4[%dma_wait3A_111] : memref<800000xi32, #tpu.memory_space<hbm>> -> memref<2000xi32, #tpu.memory_space<hbm>>
    tpu.wait_dma2 semaphore(%arg12 : memref<!tpu.dma_semaphore, #tpu.memory_space<semaphore_mem>>) src(%dma_wait3A_112 : memref<2000xi32, #tpu.memory_space<hbm>>) dst(%arg9 : memref<2000xi32, #tpu.memory_space<vmem>>)
    %broadcast_in_dim3A_113 = arith.constant false
    %broadcast_in_dim3A_114 = vector.broadcast %broadcast_in_dim3A_113 : i1 to vector<16xi1>
    %scan3A_115 = arith.constant 0 : i32
    %scan3A_116 = arith.constant 25 : i32
    %scan3A_117 = arith.addi %scan3A_115, %scan3A_116 : i32
    %scan3A_118 = arith.constant 1 : i32
    %scan3A_119 = scf.for %scan3A_178 = %scan3A_115 to %scan3A_117 step %scan3A_118 iter_args(%scan3A_179 = %broadcast_in_dim3A_114) -> (vector<16xi1>)  : i32 {
      %mul3A_180 = arith.constant 5 : i32
      %mul3A_181 = arith.muli %scan3A_178, %mul3A_180 : i32
      %add3A_182 = arith.constant 0 : i32
      %add3A_183 = arith.addi %mul3A_181, %add3A_182 : i32
      %mul3A_184 = arith.constant 16 : i32
      %mul3A_185 = arith.muli %add3A_183, %mul3A_184 : i32
      %get3A = arith.index_cast %mul3A_185 : i32 to index
      %get3A_186 = tpu.vector_load %arg9[%get3A] {strides = array<i32>} : memref<2000xi32, #tpu.memory_space<vmem>>, vector<16xi32>,
      %add3A_187 = arith.constant 1 : i32
      %add3A_188 = arith.addi %mul3A_181, %add3A_187 : i32
      %mul3A_189 = arith.constant 16 : i32
      %mul3A_190 = arith.muli %add3A_188, %mul3A_189 : i32
      %get3A_191 = arith.index_cast %mul3A_190 : i32 to index
      %get3A_192 = tpu.vector_load %arg9[%get3A_191] {strides = array<i32>} : memref<2000xi32, #tpu.memory_space<vmem>>, vector<16xi32>,
      %add3A_193 = arith.constant 2 : i32
      %add3A_194 = arith.addi %mul3A_181, %add3A_193 : i32
      %mul3A_195 = arith.constant 16 : i32
      %mul3A_196 = arith.muli %add3A_194, %mul3A_195 : i32
      %get3A_197 = arith.index_cast %mul3A_196 : i32 to index
      %get3A_198 = tpu.vector_load %arg9[%get3A_197] {strides = array<i32>} : memref<2000xi32, #tpu.memory_space<vmem>>, vector<16xi32>,
      %add3A_199 = arith.constant 3 : i32
      %add3A_200 = arith.addi %mul3A_181, %add3A_199 : i32
      %mul3A_201 = arith.constant 16 : i32
      %mul3A_202 = arith.muli %add3A_200, %mul3A_201 : i32
      %get3A_203 = arith.index_cast %mul3A_202 : i32 to index
      %get3A_204 = tpu.vector_load %arg9[%get3A_203] {strides = array<i32>} : memref<2000xi32, #tpu.memory_space<vmem>>, vector<16xi32>,
      %add3A_205 = arith.constant 4 : i32
      %add3A_206 = arith.addi %mul3A_181, %add3A_205 : i32
      %mul3A_207 = arith.constant 16 : i32
      %mul3A_208 = arith.muli %add3A_206, %mul3A_207 : i32
      %get3A_209 = arith.index_cast %mul3A_208 : i32 to index
      %get3A_210 = tpu.vector_load %arg9[%get3A_209] {strides = array<i32>} : memref<2000xi32, #tpu.memory_space<vmem>>, vector<16xi32>,
      %add3A_211 = arith.constant 0 : i32
      %add3A_212 = arith.addi %mul3A_181, %add3A_211 : i32
      %mul3A_213 = arith.constant 16 : i32
      %mul3A_214 = arith.muli %add3A_212, %mul3A_213 : i32
      %get3A_215 = arith.index_cast %mul3A_214 : i32 to index
      %get3A_216 = tpu.vector_load %arg8[%get3A_215] {strides = array<i32>} : memref<2000xi32, #tpu.memory_space<vmem>>, vector<16xi32>,
      %add3A_217 = arith.constant 1 : i32
      %add3A_218 = arith.addi %mul3A_181, %add3A_217 : i32
      %mul3A_219 = arith.constant 16 : i32
      %mul3A_220 = arith.muli %add3A_218, %mul3A_219 : i32
      %get3A_221 = arith.index_cast %mul3A_220 : i32 to index
      %get3A_222 = tpu.vector_load %arg8[%get3A_221] {strides = array<i32>} : memref<2000xi32, #tpu.memory_space<vmem>>, vector<16xi32>,
      %add3A_223 = arith.constant 2 : i32
      %add3A_224 = arith.addi %mul3A_181, %add3A_223 : i32
      %mul3A_225 = arith.constant 16 : i32
      %mul3A_226 = arith.muli %add3A_224, %mul3A_225 : i32
      %get3A_227 = arith.index_cast %mul3A_226 : i32 to index
      %get3A_228 = tpu.vector_load %arg8[%get3A_227] {strides = array<i32>} : memref<2000xi32, #tpu.memory_space<vmem>>, vector<16xi32>,
      %add3A_229 = arith.constant 3 : i32
      %add3A_230 = arith.addi %mul3A_181, %add3A_229 : i32
      %mul3A_231 = arith.constant 16 : i32
      %mul3A_232 = arith.muli %add3A_230, %mul3A_231 : i32
      %get3A_233 = arith.index_cast %mul3A_232 : i32 to index
      %get3A_234 = tpu.vector_load %arg8[%get3A_233] {strides = array<i32>} : memref<2000xi32, #tpu.memory_space<vmem>>, vector<16xi32>,
      %add3A_235 = arith.constant 4 : i32
      %add3A_236 = arith.addi %mul3A_181, %add3A_235 : i32
      %mul3A_237 = arith.constant 16 : i32
      %mul3A_238 = arith.muli %add3A_236, %mul3A_237 : i32
      %get3A_239 = arith.index_cast %mul3A_238 : i32 to index
      %get3A_240 = tpu.vector_load %arg8[%get3A_239] {strides = array<i32>} : memref<2000xi32, #tpu.memory_space<vmem>>, vector<16xi32>,
      %gather3A = tpu.vector_load_idx %arg6[%get3A_216] : memref<50000xf32, #tpu.memory_space<vmem>>[vector<16xi32>], vector<16xf32>,
      %gather3A_241 = tpu.vector_load_idx %arg6[%get3A_222] : memref<50000xf32, #tpu.memory_space<vmem>>[vector<16xi32>], vector<16xf32>,
      %gather3A_242 = tpu.vector_load_idx %arg6[%get3A_228] : memref<50000xf32, #tpu.memory_space<vmem>>[vector<16xi32>], vector<16xf32>,
      %gather3A_243 = tpu.vector_load_idx %arg6[%get3A_234] : memref<50000xf32, #tpu.memory_space<vmem>>[vector<16xi32>], vector<16xf32>,
      %gather3A_244 = tpu.vector_load_idx %arg6[%get3A_240] : memref<50000xf32, #tpu.memory_space<vmem>>[vector<16xi32>], vector<16xf32>,
      %gather3A_245 = tpu.vector_load_idx %arg7[%get3A_186] : memref<50000xf32, #tpu.memory_space<vmem>>[vector<16xi32>], vector<16xf32>,
      %gather3A_246 = tpu.vector_load_idx %arg7[%get3A_192] : memref<50000xf32, #tpu.memory_space<vmem>>[vector<16xi32>], vector<16xf32>,
      %gather3A_247 = tpu.vector_load_idx %arg7[%get3A_198] : memref<50000xf32, #tpu.memory_space<vmem>>[vector<16xi32>], vector<16xf32>,
      %gather3A_248 = tpu.vector_load_idx %arg7[%get3A_204] : memref<50000xf32, #tpu.memory_space<vmem>>[vector<16xi32>], vector<16xf32>,
      %gather3A_249 = tpu.vector_load_idx %arg7[%get3A_210] : memref<50000xf32, #tpu.memory_space<vmem>>[vector<16xi32>], vector<16xf32>,
      %min3A_250 = arith.minimumf %gather3A_245, %gather3A : vector<16xf32>
      %max3A_251 = arith.maximumf %gather3A_245, %gather3A : vector<16xf32>
      %select_n3A_252 = arith.select %eq3A_36, %min3A_250, %max3A_251 : vector<16xi1>, vector<16xf32>
      tpu.vector_store_idx %arg7[%get3A_186], %select_n3A_252 : memref<50000xf32, #tpu.memory_space<vmem>>[vector<16xi32>], vector<16xf32>,
      %min3A_253 = arith.minimumf %gather3A_246, %gather3A_241 : vector<16xf32>
      %max3A_254 = arith.maximumf %gather3A_246, %gather3A_241 : vector<16xf32>
      %select_n3A_255 = arith.select %eq3A_36, %min3A_253, %max3A_254 : vector<16xi1>, vector<16xf32>
      tpu.vector_store_idx %arg7[%get3A_192], %select_n3A_255 : memref<50000xf32, #tpu.memory_space<vmem>>[vector<16xi32>], vector<16xf32>,
      %min3A_256 = arith.minimumf %gather3A_247, %gather3A_242 : vector<16xf32>
      %max3A_257 = arith.maximumf %gather3A_247, %gather3A_242 : vector<16xf32>
      %select_n3A_258 = arith.select %eq3A_36, %min3A_256, %max3A_257 : vector<16xi1>, vector<16xf32>
      tpu.vector_store_idx %arg7[%get3A_198], %select_n3A_258 : memref<50000xf32, #tpu.memory_space<vmem>>[vector<16xi32>], vector<16xf32>,
      %min3A_259 = arith.minimumf %gather3A_248, %gather3A_243 : vector<16xf32>
      %max3A_260 = arith.maximumf %gather3A_248, %gather3A_243 : vector<16xf32>
      %select_n3A_261 = arith.select %eq3A_36, %min3A_259, %max3A_260 : vector<16xi1>, vector<16xf32>
      tpu.vector_store_idx %arg7[%get3A_204], %select_n3A_261 : memref<50000xf32, #tpu.memory_space<vmem>>[vector<16xi32>], vector<16xf32>,
      %min3A_262 = arith.minimumf %gather3A_249, %gather3A_244 : vector<16xf32>
      %max3A_263 = arith.maximumf %gather3A_249, %gather3A_244 : vector<16xf32>
      %select_n3A_264 = arith.select %eq3A_36, %min3A_262, %max3A_263 : vector<16xi1>, vector<16xf32>
      tpu.vector_store_idx %arg7[%get3A_210], %select_n3A_264 : memref<50000xf32, #tpu.memory_space<vmem>>[vector<16xi32>], vector<16xf32>,
      %gather3A_265 = tpu.vector_load_idx %arg7[%get3A_186] : memref<50000xf32, #tpu.memory_space<vmem>>[vector<16xi32>], vector<16xf32>,
      %gather3A_266 = tpu.vector_load_idx %arg7[%get3A_192] : memref<50000xf32, #tpu.memory_space<vmem>>[vector<16xi32>], vector<16xf32>,
      %gather3A_267 = tpu.vector_load_idx %arg7[%get3A_198] : memref<50000xf32, #tpu.memory_space<vmem>>[vector<16xi32>], vector<16xf32>,
      %gather3A_268 = tpu.vector_load_idx %arg7[%get3A_204] : memref<50000xf32, #tpu.memory_space<vmem>>[vector<16xi32>], vector<16xf32>,
      %gather3A_269 = tpu.vector_load_idx %arg7[%get3A_210] : memref<50000xf32, #tpu.memory_space<vmem>>[vector<16xi32>], vector<16xf32>,
      %gt3A = arith.cmpf ogt, %gather3A_265, %gather3A : vector<16xf32>
      %lt3A_270 = arith.cmpf olt, %gather3A_265, %gather3A : vector<16xf32>
      %select_n3A_271 = arith.select %eq3A_36, %gt3A, %lt3A_270 : vector<16xi1>, vector<16xi1>
      %gt3A_272 = arith.cmpf ogt, %gather3A_266, %gather3A_241 : vector<16xf32>
      %lt3A_273 = arith.cmpf olt, %gather3A_266, %gather3A_241 : vector<16xf32>
      %select_n3A_274 = arith.select %eq3A_36, %gt3A_272, %lt3A_273 : vector<16xi1>, vector<16xi1>
      %gt3A_275 = arith.cmpf ogt, %gather3A_267, %gather3A_242 : vector<16xf32>
      %lt3A_276 = arith.cmpf olt, %gather3A_267, %gather3A_242 : vector<16xf32>
      %select_n3A_277 = arith.select %eq3A_36, %gt3A_275, %lt3A_276 : vector<16xi1>, vector<16xi1>
      %gt3A_278 = arith.cmpf ogt, %gather3A_268, %gather3A_243 : vector<16xf32>
      %lt3A_279 = arith.cmpf olt, %gather3A_268, %gather3A_243 : vector<16xf32>
      %select_n3A_280 = arith.select %eq3A_36, %gt3A_278, %lt3A_279 : vector<16xi1>, vector<16xi1>
      %gt3A_281 = arith.cmpf ogt, %gather3A_269, %gather3A_244 : vector<16xf32>
      %lt3A_282 = arith.cmpf olt, %gather3A_269, %gather3A_244 : vector<16xf32>
      %select_n3A_283 = arith.select %eq3A_36, %gt3A_281, %lt3A_282 : vector<16xi1>, vector<16xi1>
      tpu.vector_store_idx %arg7[%get3A_186], %gather3A masked %select_n3A_271 : memref<50000xf32, #tpu.memory_space<vmem>>[vector<16xi32>], vector<16xf32>, vector<16xi1>
      tpu.vector_store_idx %arg7[%get3A_192], %gather3A_241 masked %select_n3A_274 : memref<50000xf32, #tpu.memory_space<vmem>>[vector<16xi32>], vector<16xf32>, vector<16xi1>
      tpu.vector_store_idx %arg7[%get3A_198], %gather3A_242 masked %select_n3A_277 : memref<50000xf32, #tpu.memory_space<vmem>>[vector<16xi32>], vector<16xf32>, vector<16xi1>
      tpu.vector_store_idx %arg7[%get3A_204], %gather3A_243 masked %select_n3A_280 : memref<50000xf32, #tpu.memory_space<vmem>>[vector<16xi32>], vector<16xf32>, vector<16xi1>
      tpu.vector_store_idx %arg7[%get3A_210], %gather3A_244 masked %select_n3A_283 : memref<50000xf32, #tpu.memory_space<vmem>>[vector<16xi32>], vector<16xf32>, vector<16xi1>
      %gather3A_284 = tpu.vector_load_idx %arg7[%get3A_186] : memref<50000xf32, #tpu.memory_space<vmem>>[vector<16xi32>], vector<16xf32>,
      %gather3A_285 = tpu.vector_load_idx %arg7[%get3A_192] : memref<50000xf32, #tpu.memory_space<vmem>>[vector<16xi32>], vector<16xf32>,
      %gather3A_286 = tpu.vector_load_idx %arg7[%get3A_198] : memref<50000xf32, #tpu.memory_space<vmem>>[vector<16xi32>], vector<16xf32>,
      %gather3A_287 = tpu.vector_load_idx %arg7[%get3A_204] : memref<50000xf32, #tpu.memory_space<vmem>>[vector<16xi32>], vector<16xf32>,
      %gather3A_288 = tpu.vector_load_idx %arg7[%get3A_210] : memref<50000xf32, #tpu.memory_space<vmem>>[vector<16xi32>], vector<16xf32>,
      %gt3A_289 = arith.cmpf ogt, %gather3A_284, %gather3A : vector<16xf32>
      %lt3A_290 = arith.cmpf olt, %gather3A_284, %gather3A : vector<16xf32>
      %select_n3A_291 = arith.select %eq3A_36, %gt3A_289, %lt3A_290 : vector<16xi1>, vector<16xi1>
      %or3A = arith.ori %scan3A_179, %select_n3A_291 : vector<16xi1>
      %gt3A_292 = arith.cmpf ogt, %gather3A_285, %gather3A_241 : vector<16xf32>
      %lt3A_293 = arith.cmpf olt, %gather3A_285, %gather3A_241 : vector<16xf32>
      %select_n3A_294 = arith.select %eq3A_36, %gt3A_292, %lt3A_293 : vector<16xi1>, vector<16xi1>
      %or3A_295 = arith.ori %or3A, %select_n3A_294 : vector<16xi1>
      %gt3A_296 = arith.cmpf ogt, %gather3A_286, %gather3A_242 : vector<16xf32>
      %lt3A_297 = arith.cmpf olt, %gather3A_286, %gather3A_242 : vector<16xf32>
      %select_n3A_298 = arith.select %eq3A_36, %gt3A_296, %lt3A_297 : vector<16xi1>, vector<16xi1>
      %or3A_299 = arith.ori %or3A_295, %select_n3A_298 : vector<16xi1>
      %gt3A_300 = arith.cmpf ogt, %gather3A_287, %gather3A_243 : vector<16xf32>
      %lt3A_301 = arith.cmpf olt, %gather3A_287, %gather3A_243 : vector<16xf32>
      %select_n3A_302 = arith.select %eq3A_36, %gt3A_300, %lt3A_301 : vector<16xi1>, vector<16xi1>
      %or3A_303 = arith.ori %or3A_299, %select_n3A_302 : vector<16xi1>
      %gt3A_304 = arith.cmpf ogt, %gather3A_288, %gather3A_244 : vector<16xf32>
      %lt3A_305 = arith.cmpf olt, %gather3A_288, %gather3A_244 : vector<16xf32>
      %select_n3A_306 = arith.select %eq3A_36, %gt3A_304, %lt3A_305 : vector<16xi1>, vector<16xi1>
      %or3A_307 = arith.ori %or3A_303, %select_n3A_306 : vector<16xi1>
      scf.yield %or3A_307 : vector<16xi1>
    }
    %scan3A_120 = arith.constant 25 : i32
    %reduce_or3A = arith.constant 1.000000e+00 : f32
    %reduce_or3A_121 = arith.constant 0.000000e+00 : f32
    %reduce_or3A_122 = vector.broadcast %reduce_or3A : f32 to vector<16xf32>
    %reduce_or3A_123 = vector.broadcast %reduce_or3A_121 : f32 to vector<16xf32>
    %reduce_or3A_124 = arith.select %scan3A_119, %reduce_or3A_122, %reduce_or3A_123 : vector<16xi1>, vector<16xf32>
    %reduce_or3A_125 = arith.constant true
    %reduce_or3A_126 = vector.broadcast %reduce_or3A_125 : i1 to vector<16xi1>
    %reduce_or3A_127 = tpu.scan <max>, %reduce_or3A_124 masked %reduce_or3A_126 : vector<16xf32>, vector<16xi1> -> vector<16xf32>
    %reduce_or3A_128 = vector.extract %reduce_or3A_127[15] : f32 from vector<16xf32>
    %reduce_or3A_129 = arith.constant 0.000000e+00 : f32
    %reduce_or3A_130 = arith.cmpf ogt, %reduce_or3A_128, %reduce_or3A_129 : f32
    %convert_element_type3A = arith.extui %reduce_or3A_130 : i1 to i32
    %cond3A = arith.constant 0 : i32
    %cond3A_131 = arith.cmpi ne, %convert_element_type3A, %cond3A : i32
    scf.if %cond3A_131 {
      %scan3A_178 = arith.constant 0 : i32
      %scan3A_179 = arith.constant 0 : i32
      %scan3A_180 = arith.constant 125 : i32
      %scan3A_181 = arith.addi %scan3A_179, %scan3A_180 : i32
      %scan3A_182 = arith.constant 1 : i32
      scf.for %scan3A_184 = %scan3A_179 to %scan3A_181 step %scan3A_182  : i32 {
        %mul3A_185 = arith.constant 16 : i32
        %mul3A_186 = arith.muli %scan3A_184, %mul3A_185 : i32
        %get3A = arith.index_cast %mul3A_186 : i32 to index
        %get3A_187 = tpu.vector_load %arg8[%get3A] {strides = array<i32>} : memref<2000xi32, #tpu.memory_space<vmem>>, vector<16xi32>,
        %mul3A_188 = arith.constant 16 : i32
        %mul3A_189 = arith.muli %scan3A_184, %mul3A_188 : i32
        %get3A_190 = arith.index_cast %mul3A_189 : i32 to index
        %get3A_191 = tpu.vector_load %arg9[%get3A_190] {strides = array<i32>} : memref<2000xi32, #tpu.memory_space<vmem>>, vector<16xi32>,
        %gather3A = tpu.vector_load_idx %arg6[%get3A_187] : memref<50000xf32, #tpu.memory_space<vmem>>[vector<16xi32>], vector<16xf32>,
        %masked_sort3A = arith.constant dense<true> : vector<16xi1>
        %masked_sort3A_192 = arith.constant -2147483648 : i32
        %masked_sort3A_193 = vector.broadcast %masked_sort3A_192 : i32 to vector<16xi32>
        %masked_sort3A_194 = arith.xori %get3A_191, %masked_sort3A_193 : vector<16xi32>
        %masked_sort3A_195, %masked_sort3A_196, %masked_sort3A_197 = tpu.sort %masked_sort3A_194, %gather3A masked %masked_sort3A : (vector<16xi32>, vector<16xf32>, vector<16xi1>) -> (vector<16xi1>, vector<16xi32>, vector<16xf32>)
        %masked_sort3A_198 = arith.xori %masked_sort3A_196, %masked_sort3A_193 : vector<16xi32>
        %broadcast_in_dim3A_199 = vector.shape_cast %max3A_41 : vector<16xi32> to vector<16x1xi32>
        %gather3A_200 = vector.shape_cast %broadcast_in_dim3A_199 : vector<16x1xi32> to vector<16xi32>
        %gather3A_201 = tpu.dynamic_gather %masked_sort3A_198[%gather3A_200] in [0] : vector<16xi32>, vector<16xi32> -> vector<16xi32>
        %broadcast_in_dim3A_202 = vector.shape_cast %max3A_41 : vector<16xi32> to vector<16x1xi32>
        %gather3A_203 = vector.shape_cast %broadcast_in_dim3A_202 : vector<16x1xi32> to vector<16xi32>
        %gather3A_204 = tpu.dynamic_gather %masked_sort3A_197[%gather3A_203] in [0] : vector<16xf32>, vector<16xi32> -> vector<16xf32>
        %eq3A_205 = arith.cmpi eq, %gather3A_201, %masked_sort3A_198 : vector<16xi32>
        %ge3A = arith.constant 1 : i32
        %ge3A_206 = vector.broadcast %ge3A : i32 to vector<16xi32>
        %ge3A_207 = arith.cmpi sge, %iota3A, %ge3A_206 : vector<16xi32>
        %and3A_208 = arith.andi %eq3A_205, %ge3A_207 : vector<16xi1>
        %min3A_209 = arith.minimumf %masked_sort3A_197, %gather3A_204 : vector<16xf32>
        %max3A_210 = arith.maximumf %masked_sort3A_197, %gather3A_204 : vector<16xf32>
        %select_n3A_211 = arith.select %eq3A_36, %min3A_209, %max3A_210 : vector<16xi1>, vector<16xf32>
        %select_n3A_212 = arith.select %and3A_208, %select_n3A_211, %masked_sort3A_197 : vector<16xi1>, vector<16xf32>
        %broadcast_in_dim3A_213 = vector.shape_cast %max3A_47 : vector<16xi32> to vector<16x1xi32>
        %gather3A_214 = vector.shape_cast %broadcast_in_dim3A_213 : vector<16x1xi32> to vector<16xi32>
        %gather3A_215 = tpu.dynamic_gather %masked_sort3A_198[%gather3A_214] in [0] : vector<16xi32>, vector<16xi32> -> vector<16xi32>
        %broadcast_in_dim3A_216 = vector.shape_cast %max3A_47 : vector<16xi32> to vector<16x1xi32>
        %gather3A_217 = vector.shape_cast %broadcast_in_dim3A_216 : vector<16x1xi32> to vector<16xi32>
        %gather3A_218 = tpu.dynamic_gather %select_n3A_212[%gather3A_217] in [0] : vector<16xf32>, vector<16xi32> -> vector<16xf32>
        %eq3A_219 = arith.cmpi eq, %gather3A_215, %masked_sort3A_198 : vector<16xi32>
        %ge3A_220 = arith.constant 2 : i32
        %ge3A_221 = vector.broadcast %ge3A_220 : i32 to vector<16xi32>
        %ge3A_222 = arith.cmpi sge, %iota3A, %ge3A_221 : vector<16xi32>
        %and3A_223 = arith.andi %eq3A_219, %ge3A_222 : vector<16xi1>
        %min3A_224 = arith.minimumf %select_n3A_212, %gather3A_218 : vector<16xf32>
        %max3A_225 = arith.maximumf %select_n3A_212, %gather3A_218 : vector<16xf32>
        %select_n3A_226 = arith.select %eq3A_36, %min3A_224, %max3A_225 : vector<16xi1>, vector<16xf32>
        %select_n3A_227 = arith.select %and3A_223, %select_n3A_226, %select_n3A_212 : vector<16xi1>, vector<16xf32>
        %broadcast_in_dim3A_228 = vector.shape_cast %max3A_53 : vector<16xi32> to vector<16x1xi32>
        %gather3A_229 = vector.shape_cast %broadcast_in_dim3A_228 : vector<16x1xi32> to vector<16xi32>
        %gather3A_230 = tpu.dynamic_gather %masked_sort3A_198[%gather3A_229] in [0] : vector<16xi32>, vector<16xi32> -> vector<16xi32>
        %broadcast_in_dim3A_231 = vector.shape_cast %max3A_53 : vector<16xi32> to vector<16x1xi32>
        %gather3A_232 = vector.shape_cast %broadcast_in_dim3A_231 : vector<16x1xi32> to vector<16xi32>
        %gather3A_233 = tpu.dynamic_gather %select_n3A_227[%gather3A_232] in [0] : vector<16xf32>, vector<16xi32> -> vector<16xf32>
        %eq3A_234 = arith.cmpi eq, %gather3A_230, %masked_sort3A_198 : vector<16xi32>
        %ge3A_235 = arith.constant 4 : i32
        %ge3A_236 = vector.broadcast %ge3A_235 : i32 to vector<16xi32>
        %ge3A_237 = arith.cmpi sge, %iota3A, %ge3A_236 : vector<16xi32>
        %and3A_238 = arith.andi %eq3A_234, %ge3A_237 : vector<16xi1>
        %min3A_239 = arith.minimumf %select_n3A_227, %gather3A_233 : vector<16xf32>
        %max3A_240 = arith.maximumf %select_n3A_227, %gather3A_233 : vector<16xf32>
        %select_n3A_241 = arith.select %eq3A_36, %min3A_239, %max3A_240 : vector<16xi1>, vector<16xf32>
        %select_n3A_242 = arith.select %and3A_238, %select_n3A_241, %select_n3A_227 : vector<16xi1>, vector<16xf32>
        %broadcast_in_dim3A_243 = vector.shape_cast %max3A_59 : vector<16xi32> to vector<16x1xi32>
        %gather3A_244 = vector.shape_cast %broadcast_in_dim3A_243 : vector<16x1xi32> to vector<16xi32>
        %gather3A_245 = tpu.dynamic_gather %masked_sort3A_198[%gather3A_244] in [0] : vector<16xi32>, vector<16xi32> -> vector<16xi32>
        %broadcast_in_dim3A_246 = vector.shape_cast %max3A_59 : vector<16xi32> to vector<16x1xi32>
        %gather3A_247 = vector.shape_cast %broadcast_in_dim3A_246 : vector<16x1xi32> to vector<16xi32>
        %gather3A_248 = tpu.dynamic_gather %select_n3A_242[%gather3A_247] in [0] : vector<16xf32>, vector<16xi32> -> vector<16xf32>
        %eq3A_249 = arith.cmpi eq, %gather3A_245, %masked_sort3A_198 : vector<16xi32>
        %ge3A_250 = arith.constant 8 : i32
        %ge3A_251 = vector.broadcast %ge3A_250 : i32 to vector<16xi32>
        %ge3A_252 = arith.cmpi sge, %iota3A, %ge3A_251 : vector<16xi32>
        %and3A_253 = arith.andi %eq3A_249, %ge3A_252 : vector<16xi1>
        %min3A_254 = arith.minimumf %select_n3A_242, %gather3A_248 : vector<16xf32>
        %max3A_255 = arith.maximumf %select_n3A_242, %gather3A_248 : vector<16xf32>
        %select_n3A_256 = arith.select %eq3A_36, %min3A_254, %max3A_255 : vector<16xi1>, vector<16xf32>
        %select_n3A_257 = arith.select %and3A_253, %select_n3A_256, %select_n3A_242 : vector<16xi1>, vector<16xf32>
        %broadcast_in_dim3A_258 = vector.shape_cast %min3A_64 : vector<16xi32> to vector<16x1xi32>
        %gather3A_259 = vector.shape_cast %broadcast_in_dim3A_258 : vector<16x1xi32> to vector<16xi32>
        %gather3A_260 = tpu.dynamic_gather %masked_sort3A_198[%gather3A_259] in [0] : vector<16xi32>, vector<16xi32> -> vector<16xi32>
        %ne3A_261 = arith.cmpi ne, %masked_sort3A_198, %gather3A_260 : vector<16xi32>
        %or3A = arith.ori %ne3A_261, %eq3A_67 : vector<16xi1>
        %gather3A_262 = tpu.vector_load_idx %arg7[%masked_sort3A_198] : memref<50000xf32, #tpu.memory_space<vmem>>[vector<16xi32>], vector<16xf32>,
        %min3A_263 = arith.minimumf %gather3A_262, %select_n3A_257 : vector<16xf32>
        %max3A_264 = arith.maximumf %gather3A_262, %select_n3A_257 : vector<16xf32>
        %select_n3A_265 = arith.select %eq3A_36, %min3A_263, %max3A_264 : vector<16xi1>, vector<16xf32>
        tpu.vector_store_idx %arg7[%masked_sort3A_198], %select_n3A_265 masked %or3A : memref<50000xf32, #tpu.memory_space<vmem>>[vector<16xi32>], vector<16xf32>, vector<16xi1>
      }
      %scan3A_183 = arith.constant 125 : i32
    } else {
    }
    %jit3A_132 = arith.constant 2 : i32
    %eq3A_133 = arith.constant 0 : i32
    %eq3A_134 = arith.cmpi eq, %jit3A_132, %eq3A_133 : i32
    %jit3A_135 = arith.constant 1 : i32
    %select_n3A_136 = arith.select %eq3A_134, %jit3A_135, %jit3A_132 : i32
    %rem3A_137 = arith.remsi %add3A, %select_n3A_136 : i32
    %ne3A_138 = arith.constant 0 : i32
    %ne3A_139 = arith.cmpi ne, %rem3A_137, %ne3A_138 : i32
    %lt3A_140 = arith.constant 0 : i32
    %lt3A_141 = arith.cmpi slt, %rem3A_137, %lt3A_140 : i32
    %lt3A_142 = arith.constant 0 : i32
    %lt3A_143 = arith.cmpi slt, %select_n3A_136, %lt3A_142 : i32
    %ne3A_144 = arith.xori %lt3A_141, %lt3A_143 : i1
    %and3A_145 = arith.andi %ne3A_144, %ne3A_139 : i1
    %add3A_146 = arith.addi %rem3A_137, %select_n3A_136 : i32
    %select_n3A_147 = arith.select %and3A_145, %add3A_146, %rem3A_137 : i32
    %mul3A_148 = arith.constant 16 : i32
    %mul3A_149 = arith.muli %select_n3A_147, %mul3A_148 : i32
    %jit3A_150 = arith.constant 2 : i32
    %div3A_151 = arith.divsi %add3A, %jit3A_150 : i32
    %sign3A_152 = arith.constant 0 : i32
    %sign3A_153 = arith.cmpi sgt, %add3A, %sign3A_152 : i32
    %sign3A_154 = arith.extui %sign3A_153 : i1 to i32
    %sign3A_155 = arith.constant 0 : i32
    %sign3A_156 = arith.cmpi slt, %add3A, %sign3A_155 : i32
    %sign3A_157 = arith.extui %sign3A_156 : i1 to i32
    %sign3A_158 = arith.subi %sign3A_154, %sign3A_157 : i32
    %sign3A_159 = arith.constant 0 : i32
    %sign3A_160 = arith.cmpi sgt, %jit3A_150, %sign3A_159 : i32
    %sign3A_161 = arith.extui %sign3A_160 : i1 to i32
    %sign3A_162 = arith.constant 0 : i32
    %sign3A_163 = arith.cmpi slt, %jit3A_150, %sign3A_162 : i32
    %sign3A_164 = arith.extui %sign3A_163 : i1 to i32
    %sign3A_165 = arith.subi %sign3A_161, %sign3A_164 : i32
    %ne3A_166 = arith.cmpi ne, %sign3A_158, %sign3A_165 : i32
    %rem3A_167 = arith.remsi %add3A, %jit3A_150 : i32
    %ne3A_168 = arith.constant 0 : i32
    %ne3A_169 = arith.cmpi ne, %rem3A_167, %ne3A_168 : i32
    %and3A_170 = arith.andi %ne3A_166, %ne3A_169 : i1
    %sub3A_171 = arith.constant 1 : i32
    %sub3A_172 = arith.subi %div3A_151, %sub3A_171 : i32
    %select_n3A_173 = arith.select %and3A_170, %sub3A_172, %div3A_151 : i32
    %add3A_174 = arith.addi %mul3A_149, %select_n3A_173 : i32
    %mul3A_175 = arith.constant 51200 : i32
    %mul3A_176 = arith.muli %add3A_174, %mul3A_175 : i32
    %multiple_of3A_177 = tpu.assume_multiple %mul3A_176, 8 : i32
    "tpu.region"() ({
      %run_scoped3A = tpu.sem_alloc : memref<!tpu.dma_semaphore, #tpu.memory_space<semaphore_mem>>
      %dma_start3A_178 = tpu.memref_slice %arg5[%multiple_of3A_177] : memref<1638400xf32, #tpu.memory_space<hbm>> -> memref<50000xf32, #tpu.memory_space<hbm>>
      %dma_start3A_179 = tpu.memref_slice %arg5[%multiple_of3A_177] : memref<1638400xf32, #tpu.memory_space<hbm>> -> memref<50000xf32, #tpu.memory_space<hbm>>
      tpu.enqueue_dma source(%arg7 : memref<50000xf32, #tpu.memory_space<vmem>>) target(%dma_start3A_179 : memref<50000xf32, #tpu.memory_space<hbm>>) target_semaphore(%run_scoped3A : memref<!tpu.dma_semaphore, #tpu.memory_space<semaphore_mem>>)
      %dma_wait3A_180 = tpu.memref_slice %arg5[%multiple_of3A_177] : memref<1638400xf32, #tpu.memory_space<hbm>> -> memref<50000xf32, #tpu.memory_space<hbm>>
      %dma_wait3A_181 = tpu.memref_slice %arg5[%multiple_of3A_177] : memref<1638400xf32, #tpu.memory_space<hbm>> -> memref<50000xf32, #tpu.memory_space<hbm>>
      tpu.wait_dma2 semaphore(%run_scoped3A : memref<!tpu.dma_semaphore, #tpu.memory_space<semaphore_mem>>) src(%arg7 : memref<50000xf32, #tpu.memory_space<vmem>>) dst(%dma_wait3A_181 : memref<50000xf32, #tpu.memory_space<hbm>>)
      tpu.yield
    }) : () -> ()
    return
  }
}

#map = affine_map<(d0, d1) -> (0)>
module attributes {stable_mosaic.version = 14 : i64} {
  func.func @run(%arg0: i32, %arg1: i32, %arg2: memref<400000xf32, #tpu.memory_space<hbm>>, %arg3: memref<800000xi32, #tpu.memory_space<hbm>>, %arg4: memref<800000xi32, #tpu.memory_space<hbm>>, %arg5: memref<1638400xf32, #tpu.memory_space<hbm>>, %arg6: memref<50000xf32, #tpu.memory_space<vmem>>, %arg7: memref<50000xf32, #tpu.memory_space<vmem>>, %arg8: memref<4000xi32, #tpu.memory_space<vmem>>, %arg9: memref<4000xi32, #tpu.memory_space<vmem>>, %arg10: memref<4000xi32, #tpu.memory_space<vmem>>, %arg11: memref<4000xi32, #tpu.memory_space<vmem>>, %arg12: memref<!tpu.dma_semaphore, #tpu.memory_space<semaphore_mem>>, %arg13: memref<!tpu.dma_semaphore, #tpu.memory_space<semaphore_mem>>) attributes {dimension_semantics = [#tpu.dimension_semantics<core_parallel>, #tpu.dimension_semantics<subcore_parallel>], iteration_bounds = array<i64: 2, 16>, scalar_prefetch = 0 : i64, scratch_operands = 8 : i64, tpu.core_type = #tpu.core_type<sc_vector_subcore>, window_params = [{transform_indices = #map}, {transform_indices = #map}, {transform_indices = #map}, {transform_indices = #map}]} {
    %mul3A = arith.constant 2 : i32
    %mul3A_0 = arith.muli %arg1, %mul3A : i32
    %add3A = arith.addi %mul3A_0, %arg0 : i32
    %jit3A = arith.constant 8 : i32
    %div3A = arith.divsi %add3A, %jit3A : i32
    %sign3A = arith.constant 0 : i32
    %sign3A_1 = arith.cmpi sgt, %add3A, %sign3A : i32
    %sign3A_2 = arith.extui %sign3A_1 : i1 to i32
    %sign3A_3 = arith.constant 0 : i32
    %sign3A_4 = arith.cmpi slt, %add3A, %sign3A_3 : i32
    %sign3A_5 = arith.extui %sign3A_4 : i1 to i32
    %sign3A_6 = arith.subi %sign3A_2, %sign3A_5 : i32
    %sign3A_7 = arith.constant 0 : i32
    %sign3A_8 = arith.cmpi sgt, %jit3A, %sign3A_7 : i32
    %sign3A_9 = arith.extui %sign3A_8 : i1 to i32
    %sign3A_10 = arith.constant 0 : i32
    %sign3A_11 = arith.cmpi slt, %jit3A, %sign3A_10 : i32
    %sign3A_12 = arith.extui %sign3A_11 : i1 to i32
    %sign3A_13 = arith.subi %sign3A_9, %sign3A_12 : i32
    %ne3A = arith.cmpi ne, %sign3A_6, %sign3A_13 : i32
    %rem3A = arith.remsi %add3A, %jit3A : i32
    %ne3A_14 = arith.constant 0 : i32
    %ne3A_15 = arith.cmpi ne, %rem3A, %ne3A_14 : i32
    %and3A = arith.andi %ne3A, %ne3A_15 : i1
    %sub3A = arith.constant 1 : i32
    %sub3A_16 = arith.subi %div3A, %sub3A : i32
    %select_n3A = arith.select %and3A, %sub3A_16, %div3A : i32
    %jit3A_17 = arith.constant 2 : i32
    %eq3A = arith.constant 0 : i32
    %eq3A_18 = arith.cmpi eq, %jit3A_17, %eq3A : i32
    %jit3A_19 = arith.constant 1 : i32
    %select_n3A_20 = arith.select %eq3A_18, %jit3A_19, %jit3A_17 : i32
    %rem3A_21 = arith.remsi %select_n3A, %select_n3A_20 : i32
    %ne3A_22 = arith.constant 0 : i32
    %ne3A_23 = arith.cmpi ne, %rem3A_21, %ne3A_22 : i32
    %lt3A = arith.constant 0 : i32
    %lt3A_24 = arith.cmpi slt, %rem3A_21, %lt3A : i32
    %lt3A_25 = arith.constant 0 : i32
    %lt3A_26 = arith.cmpi slt, %select_n3A_20, %lt3A_25 : i32
    %ne3A_27 = arith.xori %lt3A_24, %lt3A_26 : i1
    %and3A_28 = arith.andi %ne3A_27, %ne3A_23 : i1
    %add3A_29 = arith.addi %rem3A_21, %select_n3A_20 : i32
    %select_n3A_30 = arith.select %and3A_28, %add3A_29, %rem3A_21 : i32
    %broadcast_in_dim3A = arith.constant 0 : i32
    %broadcast_in_dim3A_31 = vector.broadcast %broadcast_in_dim3A : i32 to vector<16xi32>
    %add3A_32 = vector.broadcast %select_n3A_30 : i32 to vector<16xi32>
    %add3A_33 = arith.addi %broadcast_in_dim3A_31, %add3A_32 : vector<16xi32>
    %eq3A_34 = arith.constant 0 : i32
    %eq3A_35 = vector.broadcast %eq3A_34 : i32 to vector<16xi32>
    %eq3A_36 = arith.cmpi eq, %add3A_33, %eq3A_35 : vector<16xi32>
    %iota3A = tpu.iota {dimensions = array<i32: 0>} : vector<16xi32>
    %sub3A_37 = arith.constant 1 : i32
    %sub3A_38 = vector.broadcast %sub3A_37 : i32 to vector<16xi32>
    %sub3A_39 = arith.subi %iota3A, %sub3A_38 : vector<16xi32>
    %max3A = arith.constant 0 : i32
    %max3A_40 = vector.broadcast %max3A : i32 to vector<16xi32>
    %max3A_41 = arith.maxsi %sub3A_39, %max3A_40 : vector<16xi32>
    %sub3A_42 = arith.constant 2 : i32
    %sub3A_43 = vector.broadcast %sub3A_42 : i32 to vector<16xi32>
    %sub3A_44 = arith.subi %iota3A, %sub3A_43 : vector<16xi32>
    %max3A_45 = arith.constant 0 : i32
    %max3A_46 = vector.broadcast %max3A_45 : i32 to vector<16xi32>
    %max3A_47 = arith.maxsi %sub3A_44, %max3A_46 : vector<16xi32>
    %sub3A_48 = arith.constant 4 : i32
    %sub3A_49 = vector.broadcast %sub3A_48 : i32 to vector<16xi32>
    %sub3A_50 = arith.subi %iota3A, %sub3A_49 : vector<16xi32>
    %max3A_51 = arith.constant 0 : i32
    %max3A_52 = vector.broadcast %max3A_51 : i32 to vector<16xi32>
    %max3A_53 = arith.maxsi %sub3A_50, %max3A_52 : vector<16xi32>
    %sub3A_54 = arith.constant 8 : i32
    %sub3A_55 = vector.broadcast %sub3A_54 : i32 to vector<16xi32>
    %sub3A_56 = arith.subi %iota3A, %sub3A_55 : vector<16xi32>
    %max3A_57 = arith.constant 0 : i32
    %max3A_58 = vector.broadcast %max3A_57 : i32 to vector<16xi32>
    %max3A_59 = arith.maxsi %sub3A_56, %max3A_58 : vector<16xi32>
    %add3A_60 = arith.constant 1 : i32
    %add3A_61 = vector.broadcast %add3A_60 : i32 to vector<16xi32>
    %add3A_62 = arith.addi %iota3A, %add3A_61 : vector<16xi32>
    %min3A = arith.constant 15 : i32
    %min3A_63 = vector.broadcast %min3A : i32 to vector<16xi32>
    %min3A_64 = arith.minsi %add3A_62, %min3A_63 : vector<16xi32>
    %eq3A_65 = arith.constant 15 : i32
    %eq3A_66 = vector.broadcast %eq3A_65 : i32 to vector<16xi32>
    %eq3A_67 = arith.cmpi eq, %iota3A, %eq3A_66 : vector<16xi32>
    %jit3A_68 = arith.constant 8 : i32
    %eq3A_69 = arith.constant 0 : i32
    %eq3A_70 = arith.cmpi eq, %jit3A_68, %eq3A_69 : i32
    %jit3A_71 = arith.constant 1 : i32
    %select_n3A_72 = arith.select %eq3A_70, %jit3A_71, %jit3A_68 : i32
    %rem3A_73 = arith.remsi %add3A, %select_n3A_72 : i32
    %ne3A_74 = arith.constant 0 : i32
    %ne3A_75 = arith.cmpi ne, %rem3A_73, %ne3A_74 : i32
    %lt3A_76 = arith.constant 0 : i32
    %lt3A_77 = arith.cmpi slt, %rem3A_73, %lt3A_76 : i32
    %lt3A_78 = arith.constant 0 : i32
    %lt3A_79 = arith.cmpi slt, %select_n3A_72, %lt3A_78 : i32
    %ne3A_80 = arith.xori %lt3A_77, %lt3A_79 : i1
    %and3A_81 = arith.andi %ne3A_80, %ne3A_75 : i1
    %add3A_82 = arith.addi %rem3A_73, %select_n3A_72 : i32
    %select_n3A_83 = arith.select %and3A_81, %add3A_82, %rem3A_73 : i32
    %mul3A_84 = arith.constant 50000 : i32
    %mul3A_85 = arith.muli %select_n3A_83, %mul3A_84 : i32
    %multiple_of3A = tpu.assume_multiple %mul3A_85, 8 : i32
    "tpu.region"() ({
      %run_scoped3A = tpu.sem_alloc : memref<!tpu.dma_semaphore, #tpu.memory_space<semaphore_mem>>
      %dma_start3A_219 = tpu.memref_slice %arg2[%multiple_of3A] : memref<400000xf32, #tpu.memory_space<hbm>> -> memref<50000xf32, #tpu.memory_space<hbm>>
      %dma_start3A_220 = tpu.memref_slice %arg2[%multiple_of3A] : memref<400000xf32, #tpu.memory_space<hbm>> -> memref<50000xf32, #tpu.memory_space<hbm>>
      tpu.enqueue_dma source(%dma_start3A_220 : memref<50000xf32, #tpu.memory_space<hbm>>) target(%arg6 : memref<50000xf32, #tpu.memory_space<vmem>>) target_semaphore(%run_scoped3A : memref<!tpu.dma_semaphore, #tpu.memory_space<semaphore_mem>>)
      %dma_wait3A_221 = tpu.memref_slice %arg2[%multiple_of3A] : memref<400000xf32, #tpu.memory_space<hbm>> -> memref<50000xf32, #tpu.memory_space<hbm>>
      %dma_wait3A_222 = tpu.memref_slice %arg2[%multiple_of3A] : memref<400000xf32, #tpu.memory_space<hbm>> -> memref<50000xf32, #tpu.memory_space<hbm>>
      tpu.wait_dma2 semaphore(%run_scoped3A : memref<!tpu.dma_semaphore, #tpu.memory_space<semaphore_mem>>) src(%dma_wait3A_222 : memref<50000xf32, #tpu.memory_space<hbm>>) dst(%arg6 : memref<50000xf32, #tpu.memory_space<vmem>>)
      tpu.yield
    }) : () -> ()
    "tpu.region"() ({
      %run_scoped3A = tpu.sem_alloc : memref<!tpu.dma_semaphore, #tpu.memory_space<semaphore_mem>>
      %dma_start3A_219 = tpu.memref_slice %arg2[%multiple_of3A] : memref<400000xf32, #tpu.memory_space<hbm>> -> memref<50000xf32, #tpu.memory_space<hbm>>
      %dma_start3A_220 = tpu.memref_slice %arg2[%multiple_of3A] : memref<400000xf32, #tpu.memory_space<hbm>> -> memref<50000xf32, #tpu.memory_space<hbm>>
      tpu.enqueue_dma source(%dma_start3A_220 : memref<50000xf32, #tpu.memory_space<hbm>>) target(%arg7 : memref<50000xf32, #tpu.memory_space<vmem>>) target_semaphore(%run_scoped3A : memref<!tpu.dma_semaphore, #tpu.memory_space<semaphore_mem>>)
      %dma_wait3A_221 = tpu.memref_slice %arg2[%multiple_of3A] : memref<400000xf32, #tpu.memory_space<hbm>> -> memref<50000xf32, #tpu.memory_space<hbm>>
      %dma_wait3A_222 = tpu.memref_slice %arg2[%multiple_of3A] : memref<400000xf32, #tpu.memory_space<hbm>> -> memref<50000xf32, #tpu.memory_space<hbm>>
      tpu.wait_dma2 semaphore(%run_scoped3A : memref<!tpu.dma_semaphore, #tpu.memory_space<semaphore_mem>>) src(%dma_wait3A_222 : memref<50000xf32, #tpu.memory_space<hbm>>) dst(%arg7 : memref<50000xf32, #tpu.memory_space<vmem>>)
      tpu.yield
    }) : () -> ()
    %jit3A_86 = arith.constant 16 : i32
    %div3A_87 = arith.divsi %add3A, %jit3A_86 : i32
    %sign3A_88 = arith.constant 0 : i32
    %sign3A_89 = arith.cmpi sgt, %add3A, %sign3A_88 : i32
    %sign3A_90 = arith.extui %sign3A_89 : i1 to i32
    %sign3A_91 = arith.constant 0 : i32
    %sign3A_92 = arith.cmpi slt, %add3A, %sign3A_91 : i32
    %sign3A_93 = arith.extui %sign3A_92 : i1 to i32
    %sign3A_94 = arith.subi %sign3A_90, %sign3A_93 : i32
    %sign3A_95 = arith.constant 0 : i32
    %sign3A_96 = arith.cmpi sgt, %jit3A_86, %sign3A_95 : i32
    %sign3A_97 = arith.extui %sign3A_96 : i1 to i32
    %sign3A_98 = arith.constant 0 : i32
    %sign3A_99 = arith.cmpi slt, %jit3A_86, %sign3A_98 : i32
    %sign3A_100 = arith.extui %sign3A_99 : i1 to i32
    %sign3A_101 = arith.subi %sign3A_97, %sign3A_100 : i32
    %ne3A_102 = arith.cmpi ne, %sign3A_94, %sign3A_101 : i32
    %rem3A_103 = arith.remsi %add3A, %jit3A_86 : i32
    %ne3A_104 = arith.constant 0 : i32
    %ne3A_105 = arith.cmpi ne, %rem3A_103, %ne3A_104 : i32
    %and3A_106 = arith.andi %ne3A_102, %ne3A_105 : i1
    %sub3A_107 = arith.constant 1 : i32
    %sub3A_108 = arith.subi %div3A_87, %sub3A_107 : i32
    %select_n3A_109 = arith.select %and3A_106, %sub3A_108, %div3A_87 : i32
    %mul3A_110 = arith.constant 400000 : i32
    %mul3A_111 = arith.muli %select_n3A_109, %mul3A_110 : i32
    %add3A_112 = arith.constant 0 : i32
    %add3A_113 = arith.addi %mul3A_111, %add3A_112 : i32
    %multiple_of3A_114 = tpu.assume_multiple %add3A_113, 8 : i32
    %dma_start3A = tpu.memref_slice %arg3[%multiple_of3A_114] : memref<800000xi32, #tpu.memory_space<hbm>> -> memref<4000xi32, #tpu.memory_space<hbm>>
    %dma_start3A_115 = tpu.memref_slice %arg3[%multiple_of3A_114] : memref<800000xi32, #tpu.memory_space<hbm>> -> memref<4000xi32, #tpu.memory_space<hbm>>
    tpu.enqueue_dma source(%dma_start3A_115 : memref<4000xi32, #tpu.memory_space<hbm>>) target(%arg8 : memref<4000xi32, #tpu.memory_space<vmem>>) target_semaphore(%arg12 : memref<!tpu.dma_semaphore, #tpu.memory_space<semaphore_mem>>)
    %dma_start3A_116 = tpu.memref_slice %arg4[%multiple_of3A_114] : memref<800000xi32, #tpu.memory_space<hbm>> -> memref<4000xi32, #tpu.memory_space<hbm>>
    %dma_start3A_117 = tpu.memref_slice %arg4[%multiple_of3A_114] : memref<800000xi32, #tpu.memory_space<hbm>> -> memref<4000xi32, #tpu.memory_space<hbm>>
    tpu.enqueue_dma source(%dma_start3A_117 : memref<4000xi32, #tpu.memory_space<hbm>>) target(%arg9 : memref<4000xi32, #tpu.memory_space<vmem>>) target_semaphore(%arg12 : memref<!tpu.dma_semaphore, #tpu.memory_space<semaphore_mem>>)
    %scan3A = arith.constant 0 : i32
    %scan3A_118 = arith.constant 0 : i32
    %scan3A_119 = arith.constant 50 : i32
    %scan3A_120 = arith.addi %scan3A_118, %scan3A_119 : i32
    %scan3A_121 = arith.constant 1 : i32
    scf.for %scan3A_219 = %scan3A_118 to %scan3A_120 step %scan3A_121  : i32 {
      %mul3A_220 = arith.constant 2 : i32
      %mul3A_221 = arith.muli %mul3A_220, %scan3A_219 : i32
      %add3A_222 = arith.constant 1 : i32
      %add3A_223 = arith.addi %mul3A_221, %add3A_222 : i32
      %mul3A_224 = arith.constant 4000 : i32
      %mul3A_225 = arith.muli %add3A_223, %mul3A_224 : i32
      %add3A_226 = arith.addi %mul3A_111, %mul3A_225 : i32
      %multiple_of3A_227 = tpu.assume_multiple %add3A_226, 8 : i32
      %dma_start3A_228 = tpu.memref_slice %arg3[%multiple_of3A_227] : memref<800000xi32, #tpu.memory_space<hbm>> -> memref<4000xi32, #tpu.memory_space<hbm>>
      %dma_start3A_229 = tpu.memref_slice %arg3[%multiple_of3A_227] : memref<800000xi32, #tpu.memory_space<hbm>> -> memref<4000xi32, #tpu.memory_space<hbm>>
      tpu.enqueue_dma source(%dma_start3A_229 : memref<4000xi32, #tpu.memory_space<hbm>>) target(%arg10 : memref<4000xi32, #tpu.memory_space<vmem>>) target_semaphore(%arg13 : memref<!tpu.dma_semaphore, #tpu.memory_space<semaphore_mem>>)
      %dma_start3A_230 = tpu.memref_slice %arg4[%multiple_of3A_227] : memref<800000xi32, #tpu.memory_space<hbm>> -> memref<4000xi32, #tpu.memory_space<hbm>>
      %dma_start3A_231 = tpu.memref_slice %arg4[%multiple_of3A_227] : memref<800000xi32, #tpu.memory_space<hbm>> -> memref<4000xi32, #tpu.memory_space<hbm>>
      tpu.enqueue_dma source(%dma_start3A_231 : memref<4000xi32, #tpu.memory_space<hbm>>) target(%arg11 : memref<4000xi32, #tpu.memory_space<vmem>>) target_semaphore(%arg13 : memref<!tpu.dma_semaphore, #tpu.memory_space<semaphore_mem>>)
      %dma_wait3A_232 = arith.constant 0 : i32
      %dma_wait3A_233 = tpu.memref_slice %arg3[%dma_wait3A_232] : memref<800000xi32, #tpu.memory_space<hbm>> -> memref<4000xi32, #tpu.memory_space<hbm>>
      %dma_wait3A_234 = arith.constant 0 : i32
      %dma_wait3A_235 = tpu.memref_slice %arg3[%dma_wait3A_234] : memref<800000xi32, #tpu.memory_space<hbm>> -> memref<4000xi32, #tpu.memory_space<hbm>>
      tpu.wait_dma2 semaphore(%arg12 : memref<!tpu.dma_semaphore, #tpu.memory_space<semaphore_mem>>) src(%dma_wait3A_235 : memref<4000xi32, #tpu.memory_space<hbm>>) dst(%arg8 : memref<4000xi32, #tpu.memory_space<vmem>>)
      %dma_wait3A_236 = arith.constant 0 : i32
      %dma_wait3A_237 = tpu.memref_slice %arg4[%dma_wait3A_236] : memref<800000xi32, #tpu.memory_space<hbm>> -> memref<4000xi32, #tpu.memory_space<hbm>>
      %dma_wait3A_238 = arith.constant 0 : i32
      %dma_wait3A_239 = tpu.memref_slice %arg4[%dma_wait3A_238] : memref<800000xi32, #tpu.memory_space<hbm>> -> memref<4000xi32, #tpu.memory_space<hbm>>
      tpu.wait_dma2 semaphore(%arg12 : memref<!tpu.dma_semaphore, #tpu.memory_space<semaphore_mem>>) src(%dma_wait3A_239 : memref<4000xi32, #tpu.memory_space<hbm>>) dst(%arg9 : memref<4000xi32, #tpu.memory_space<vmem>>)
      %broadcast_in_dim3A_240 = arith.constant false
      %broadcast_in_dim3A_241 = vector.broadcast %broadcast_in_dim3A_240 : i1 to vector<16xi1>
      %scan3A_242 = arith.constant 0 : i32
      %scan3A_243 = arith.constant 50 : i32
      %scan3A_244 = arith.addi %scan3A_242, %scan3A_243 : i32
      %scan3A_245 = arith.constant 1 : i32
      %scan3A_246 = scf.for %scan3A_303 = %scan3A_242 to %scan3A_244 step %scan3A_245 iter_args(%scan3A_304 = %broadcast_in_dim3A_241) -> (vector<16xi1>)  : i32 {
        %mul3A_305 = arith.constant 5 : i32
        %mul3A_306 = arith.muli %scan3A_303, %mul3A_305 : i32
        %add3A_307 = arith.constant 0 : i32
        %add3A_308 = arith.addi %mul3A_306, %add3A_307 : i32
        %mul3A_309 = arith.constant 16 : i32
        %mul3A_310 = arith.muli %add3A_308, %mul3A_309 : i32
        %get3A = arith.index_cast %mul3A_310 : i32 to index
        %get3A_311 = tpu.vector_load %arg9[%get3A] {strides = array<i32>} : memref<4000xi32, #tpu.memory_space<vmem>>, vector<16xi32>,
        %add3A_312 = arith.constant 1 : i32
        %add3A_313 = arith.addi %mul3A_306, %add3A_312 : i32
        %mul3A_314 = arith.constant 16 : i32
        %mul3A_315 = arith.muli %add3A_313, %mul3A_314 : i32
        %get3A_316 = arith.index_cast %mul3A_315 : i32 to index
        %get3A_317 = tpu.vector_load %arg9[%get3A_316] {strides = array<i32>} : memref<4000xi32, #tpu.memory_space<vmem>>, vector<16xi32>,
        %add3A_318 = arith.constant 2 : i32
        %add3A_319 = arith.addi %mul3A_306, %add3A_318 : i32
        %mul3A_320 = arith.constant 16 : i32
        %mul3A_321 = arith.muli %add3A_319, %mul3A_320 : i32
        %get3A_322 = arith.index_cast %mul3A_321 : i32 to index
        %get3A_323 = tpu.vector_load %arg9[%get3A_322] {strides = array<i32>} : memref<4000xi32, #tpu.memory_space<vmem>>, vector<16xi32>,
        %add3A_324 = arith.constant 3 : i32
        %add3A_325 = arith.addi %mul3A_306, %add3A_324 : i32
        %mul3A_326 = arith.constant 16 : i32
        %mul3A_327 = arith.muli %add3A_325, %mul3A_326 : i32
        %get3A_328 = arith.index_cast %mul3A_327 : i32 to index
        %get3A_329 = tpu.vector_load %arg9[%get3A_328] {strides = array<i32>} : memref<4000xi32, #tpu.memory_space<vmem>>, vector<16xi32>,
        %add3A_330 = arith.constant 4 : i32
        %add3A_331 = arith.addi %mul3A_306, %add3A_330 : i32
        %mul3A_332 = arith.constant 16 : i32
        %mul3A_333 = arith.muli %add3A_331, %mul3A_332 : i32
        %get3A_334 = arith.index_cast %mul3A_333 : i32 to index
        %get3A_335 = tpu.vector_load %arg9[%get3A_334] {strides = array<i32>} : memref<4000xi32, #tpu.memory_space<vmem>>, vector<16xi32>,
        %add3A_336 = arith.constant 0 : i32
        %add3A_337 = arith.addi %mul3A_306, %add3A_336 : i32
        %mul3A_338 = arith.constant 16 : i32
        %mul3A_339 = arith.muli %add3A_337, %mul3A_338 : i32
        %get3A_340 = arith.index_cast %mul3A_339 : i32 to index
        %get3A_341 = tpu.vector_load %arg8[%get3A_340] {strides = array<i32>} : memref<4000xi32, #tpu.memory_space<vmem>>, vector<16xi32>,
        %add3A_342 = arith.constant 1 : i32
        %add3A_343 = arith.addi %mul3A_306, %add3A_342 : i32
        %mul3A_344 = arith.constant 16 : i32
        %mul3A_345 = arith.muli %add3A_343, %mul3A_344 : i32
        %get3A_346 = arith.index_cast %mul3A_345 : i32 to index
        %get3A_347 = tpu.vector_load %arg8[%get3A_346] {strides = array<i32>} : memref<4000xi32, #tpu.memory_space<vmem>>, vector<16xi32>,
        %add3A_348 = arith.constant 2 : i32
        %add3A_349 = arith.addi %mul3A_306, %add3A_348 : i32
        %mul3A_350 = arith.constant 16 : i32
        %mul3A_351 = arith.muli %add3A_349, %mul3A_350 : i32
        %get3A_352 = arith.index_cast %mul3A_351 : i32 to index
        %get3A_353 = tpu.vector_load %arg8[%get3A_352] {strides = array<i32>} : memref<4000xi32, #tpu.memory_space<vmem>>, vector<16xi32>,
        %add3A_354 = arith.constant 3 : i32
        %add3A_355 = arith.addi %mul3A_306, %add3A_354 : i32
        %mul3A_356 = arith.constant 16 : i32
        %mul3A_357 = arith.muli %add3A_355, %mul3A_356 : i32
        %get3A_358 = arith.index_cast %mul3A_357 : i32 to index
        %get3A_359 = tpu.vector_load %arg8[%get3A_358] {strides = array<i32>} : memref<4000xi32, #tpu.memory_space<vmem>>, vector<16xi32>,
        %add3A_360 = arith.constant 4 : i32
        %add3A_361 = arith.addi %mul3A_306, %add3A_360 : i32
        %mul3A_362 = arith.constant 16 : i32
        %mul3A_363 = arith.muli %add3A_361, %mul3A_362 : i32
        %get3A_364 = arith.index_cast %mul3A_363 : i32 to index
        %get3A_365 = tpu.vector_load %arg8[%get3A_364] {strides = array<i32>} : memref<4000xi32, #tpu.memory_space<vmem>>, vector<16xi32>,
        %gather3A = tpu.vector_load_idx %arg6[%get3A_341] : memref<50000xf32, #tpu.memory_space<vmem>>[vector<16xi32>], vector<16xf32>,
        %gather3A_366 = tpu.vector_load_idx %arg6[%get3A_347] : memref<50000xf32, #tpu.memory_space<vmem>>[vector<16xi32>], vector<16xf32>,
        %gather3A_367 = tpu.vector_load_idx %arg6[%get3A_353] : memref<50000xf32, #tpu.memory_space<vmem>>[vector<16xi32>], vector<16xf32>,
        %gather3A_368 = tpu.vector_load_idx %arg6[%get3A_359] : memref<50000xf32, #tpu.memory_space<vmem>>[vector<16xi32>], vector<16xf32>,
        %gather3A_369 = tpu.vector_load_idx %arg6[%get3A_365] : memref<50000xf32, #tpu.memory_space<vmem>>[vector<16xi32>], vector<16xf32>,
        %gather3A_370 = tpu.vector_load_idx %arg7[%get3A_311] : memref<50000xf32, #tpu.memory_space<vmem>>[vector<16xi32>], vector<16xf32>,
        %gather3A_371 = tpu.vector_load_idx %arg7[%get3A_317] : memref<50000xf32, #tpu.memory_space<vmem>>[vector<16xi32>], vector<16xf32>,
        %gather3A_372 = tpu.vector_load_idx %arg7[%get3A_323] : memref<50000xf32, #tpu.memory_space<vmem>>[vector<16xi32>], vector<16xf32>,
        %gather3A_373 = tpu.vector_load_idx %arg7[%get3A_329] : memref<50000xf32, #tpu.memory_space<vmem>>[vector<16xi32>], vector<16xf32>,
        %gather3A_374 = tpu.vector_load_idx %arg7[%get3A_335] : memref<50000xf32, #tpu.memory_space<vmem>>[vector<16xi32>], vector<16xf32>,
        %min3A_375 = arith.minimumf %gather3A_370, %gather3A : vector<16xf32>
        %max3A_376 = arith.maximumf %gather3A_370, %gather3A : vector<16xf32>
        %select_n3A_377 = arith.select %eq3A_36, %min3A_375, %max3A_376 : vector<16xi1>, vector<16xf32>
        tpu.vector_store_idx %arg7[%get3A_311], %select_n3A_377 : memref<50000xf32, #tpu.memory_space<vmem>>[vector<16xi32>], vector<16xf32>,
        %min3A_378 = arith.minimumf %gather3A_371, %gather3A_366 : vector<16xf32>
        %max3A_379 = arith.maximumf %gather3A_371, %gather3A_366 : vector<16xf32>
        %select_n3A_380 = arith.select %eq3A_36, %min3A_378, %max3A_379 : vector<16xi1>, vector<16xf32>
        tpu.vector_store_idx %arg7[%get3A_317], %select_n3A_380 : memref<50000xf32, #tpu.memory_space<vmem>>[vector<16xi32>], vector<16xf32>,
        %min3A_381 = arith.minimumf %gather3A_372, %gather3A_367 : vector<16xf32>
        %max3A_382 = arith.maximumf %gather3A_372, %gather3A_367 : vector<16xf32>
        %select_n3A_383 = arith.select %eq3A_36, %min3A_381, %max3A_382 : vector<16xi1>, vector<16xf32>
        tpu.vector_store_idx %arg7[%get3A_323], %select_n3A_383 : memref<50000xf32, #tpu.memory_space<vmem>>[vector<16xi32>], vector<16xf32>,
        %min3A_384 = arith.minimumf %gather3A_373, %gather3A_368 : vector<16xf32>
        %max3A_385 = arith.maximumf %gather3A_373, %gather3A_368 : vector<16xf32>
        %select_n3A_386 = arith.select %eq3A_36, %min3A_384, %max3A_385 : vector<16xi1>, vector<16xf32>
        tpu.vector_store_idx %arg7[%get3A_329], %select_n3A_386 : memref<50000xf32, #tpu.memory_space<vmem>>[vector<16xi32>], vector<16xf32>,
        %min3A_387 = arith.minimumf %gather3A_374, %gather3A_369 : vector<16xf32>
        %max3A_388 = arith.maximumf %gather3A_374, %gather3A_369 : vector<16xf32>
        %select_n3A_389 = arith.select %eq3A_36, %min3A_387, %max3A_388 : vector<16xi1>, vector<16xf32>
        tpu.vector_store_idx %arg7[%get3A_335], %select_n3A_389 : memref<50000xf32, #tpu.memory_space<vmem>>[vector<16xi32>], vector<16xf32>,
        %gather3A_390 = tpu.vector_load_idx %arg7[%get3A_311] : memref<50000xf32, #tpu.memory_space<vmem>>[vector<16xi32>], vector<16xf32>,
        %gather3A_391 = tpu.vector_load_idx %arg7[%get3A_317] : memref<50000xf32, #tpu.memory_space<vmem>>[vector<16xi32>], vector<16xf32>,
        %gather3A_392 = tpu.vector_load_idx %arg7[%get3A_323] : memref<50000xf32, #tpu.memory_space<vmem>>[vector<16xi32>], vector<16xf32>,
        %gather3A_393 = tpu.vector_load_idx %arg7[%get3A_329] : memref<50000xf32, #tpu.memory_space<vmem>>[vector<16xi32>], vector<16xf32>,
        %gather3A_394 = tpu.vector_load_idx %arg7[%get3A_335] : memref<50000xf32, #tpu.memory_space<vmem>>[vector<16xi32>], vector<16xf32>,
        %gt3A = arith.cmpf ogt, %gather3A_390, %gather3A : vector<16xf32>
        %lt3A_395 = arith.cmpf olt, %gather3A_390, %gather3A : vector<16xf32>
        %select_n3A_396 = arith.select %eq3A_36, %gt3A, %lt3A_395 : vector<16xi1>, vector<16xi1>
        %gt3A_397 = arith.cmpf ogt, %gather3A_391, %gather3A_366 : vector<16xf32>
        %lt3A_398 = arith.cmpf olt, %gather3A_391, %gather3A_366 : vector<16xf32>
        %select_n3A_399 = arith.select %eq3A_36, %gt3A_397, %lt3A_398 : vector<16xi1>, vector<16xi1>
        %gt3A_400 = arith.cmpf ogt, %gather3A_392, %gather3A_367 : vector<16xf32>
        %lt3A_401 = arith.cmpf olt, %gather3A_392, %gather3A_367 : vector<16xf32>
        %select_n3A_402 = arith.select %eq3A_36, %gt3A_400, %lt3A_401 : vector<16xi1>, vector<16xi1>
        %gt3A_403 = arith.cmpf ogt, %gather3A_393, %gather3A_368 : vector<16xf32>
        %lt3A_404 = arith.cmpf olt, %gather3A_393, %gather3A_368 : vector<16xf32>
        %select_n3A_405 = arith.select %eq3A_36, %gt3A_403, %lt3A_404 : vector<16xi1>, vector<16xi1>
        %gt3A_406 = arith.cmpf ogt, %gather3A_394, %gather3A_369 : vector<16xf32>
        %lt3A_407 = arith.cmpf olt, %gather3A_394, %gather3A_369 : vector<16xf32>
        %select_n3A_408 = arith.select %eq3A_36, %gt3A_406, %lt3A_407 : vector<16xi1>, vector<16xi1>
        tpu.vector_store_idx %arg7[%get3A_311], %gather3A masked %select_n3A_396 : memref<50000xf32, #tpu.memory_space<vmem>>[vector<16xi32>], vector<16xf32>, vector<16xi1>
        tpu.vector_store_idx %arg7[%get3A_317], %gather3A_366 masked %select_n3A_399 : memref<50000xf32, #tpu.memory_space<vmem>>[vector<16xi32>], vector<16xf32>, vector<16xi1>
        tpu.vector_store_idx %arg7[%get3A_323], %gather3A_367 masked %select_n3A_402 : memref<50000xf32, #tpu.memory_space<vmem>>[vector<16xi32>], vector<16xf32>, vector<16xi1>
        tpu.vector_store_idx %arg7[%get3A_329], %gather3A_368 masked %select_n3A_405 : memref<50000xf32, #tpu.memory_space<vmem>>[vector<16xi32>], vector<16xf32>, vector<16xi1>
        tpu.vector_store_idx %arg7[%get3A_335], %gather3A_369 masked %select_n3A_408 : memref<50000xf32, #tpu.memory_space<vmem>>[vector<16xi32>], vector<16xf32>, vector<16xi1>
        %gather3A_409 = tpu.vector_load_idx %arg7[%get3A_311] : memref<50000xf32, #tpu.memory_space<vmem>>[vector<16xi32>], vector<16xf32>,
        %gather3A_410 = tpu.vector_load_idx %arg7[%get3A_317] : memref<50000xf32, #tpu.memory_space<vmem>>[vector<16xi32>], vector<16xf32>,
        %gather3A_411 = tpu.vector_load_idx %arg7[%get3A_323] : memref<50000xf32, #tpu.memory_space<vmem>>[vector<16xi32>], vector<16xf32>,
        %gather3A_412 = tpu.vector_load_idx %arg7[%get3A_329] : memref<50000xf32, #tpu.memory_space<vmem>>[vector<16xi32>], vector<16xf32>,
        %gather3A_413 = tpu.vector_load_idx %arg7[%get3A_335] : memref<50000xf32, #tpu.memory_space<vmem>>[vector<16xi32>], vector<16xf32>,
        %gt3A_414 = arith.cmpf ogt, %gather3A_409, %gather3A : vector<16xf32>
        %lt3A_415 = arith.cmpf olt, %gather3A_409, %gather3A : vector<16xf32>
        %select_n3A_416 = arith.select %eq3A_36, %gt3A_414, %lt3A_415 : vector<16xi1>, vector<16xi1>
        %or3A = arith.ori %scan3A_304, %select_n3A_416 : vector<16xi1>
        %gt3A_417 = arith.cmpf ogt, %gather3A_410, %gather3A_366 : vector<16xf32>
        %lt3A_418 = arith.cmpf olt, %gather3A_410, %gather3A_366 : vector<16xf32>
        %select_n3A_419 = arith.select %eq3A_36, %gt3A_417, %lt3A_418 : vector<16xi1>, vector<16xi1>
        %or3A_420 = arith.ori %or3A, %select_n3A_419 : vector<16xi1>
        %gt3A_421 = arith.cmpf ogt, %gather3A_411, %gather3A_367 : vector<16xf32>
        %lt3A_422 = arith.cmpf olt, %gather3A_411, %gather3A_367 : vector<16xf32>
        %select_n3A_423 = arith.select %eq3A_36, %gt3A_421, %lt3A_422 : vector<16xi1>, vector<16xi1>
        %or3A_424 = arith.ori %or3A_420, %select_n3A_423 : vector<16xi1>
        %gt3A_425 = arith.cmpf ogt, %gather3A_412, %gather3A_368 : vector<16xf32>
        %lt3A_426 = arith.cmpf olt, %gather3A_412, %gather3A_368 : vector<16xf32>
        %select_n3A_427 = arith.select %eq3A_36, %gt3A_425, %lt3A_426 : vector<16xi1>, vector<16xi1>
        %or3A_428 = arith.ori %or3A_424, %select_n3A_427 : vector<16xi1>
        %gt3A_429 = arith.cmpf ogt, %gather3A_413, %gather3A_369 : vector<16xf32>
        %lt3A_430 = arith.cmpf olt, %gather3A_413, %gather3A_369 : vector<16xf32>
        %select_n3A_431 = arith.select %eq3A_36, %gt3A_429, %lt3A_430 : vector<16xi1>, vector<16xi1>
        %or3A_432 = arith.ori %or3A_428, %select_n3A_431 : vector<16xi1>
        scf.yield %or3A_432 : vector<16xi1>
      }
      %scan3A_247 = arith.constant 50 : i32
      %reduce_or3A = arith.constant 1.000000e+00 : f32
      %reduce_or3A_248 = arith.constant 0.000000e+00 : f32
      %reduce_or3A_249 = vector.broadcast %reduce_or3A : f32 to vector<16xf32>
      %reduce_or3A_250 = vector.broadcast %reduce_or3A_248 : f32 to vector<16xf32>
      %reduce_or3A_251 = arith.select %scan3A_246, %reduce_or3A_249, %reduce_or3A_250 : vector<16xi1>, vector<16xf32>
      %reduce_or3A_252 = arith.constant true
      %reduce_or3A_253 = vector.broadcast %reduce_or3A_252 : i1 to vector<16xi1>
      %reduce_or3A_254 = tpu.scan <max>, %reduce_or3A_251 masked %reduce_or3A_253 : vector<16xf32>, vector<16xi1> -> vector<16xf32>
      %reduce_or3A_255 = vector.extract %reduce_or3A_254[15] : f32 from vector<16xf32>
      %reduce_or3A_256 = arith.constant 0.000000e+00 : f32
      %reduce_or3A_257 = arith.cmpf ogt, %reduce_or3A_255, %reduce_or3A_256 : f32
      %convert_element_type3A = arith.extui %reduce_or3A_257 : i1 to i32
      %cond3A = arith.constant 0 : i32
      %cond3A_258 = arith.cmpi ne, %convert_element_type3A, %cond3A : i32
      scf.if %cond3A_258 {
        %scan3A_303 = arith.constant 0 : i32
        %scan3A_304 = arith.constant 0 : i32
        %scan3A_305 = arith.constant 250 : i32
        %scan3A_306 = arith.addi %scan3A_304, %scan3A_305 : i32
        %scan3A_307 = arith.constant 1 : i32
        scf.for %scan3A_309 = %scan3A_304 to %scan3A_306 step %scan3A_307  : i32 {
          %mul3A_310 = arith.constant 16 : i32
          %mul3A_311 = arith.muli %scan3A_309, %mul3A_310 : i32
          %get3A = arith.index_cast %mul3A_311 : i32 to index
          %get3A_312 = tpu.vector_load %arg8[%get3A] {strides = array<i32>} : memref<4000xi32, #tpu.memory_space<vmem>>, vector<16xi32>,
          %mul3A_313 = arith.constant 16 : i32
          %mul3A_314 = arith.muli %scan3A_309, %mul3A_313 : i32
          %get3A_315 = arith.index_cast %mul3A_314 : i32 to index
          %get3A_316 = tpu.vector_load %arg9[%get3A_315] {strides = array<i32>} : memref<4000xi32, #tpu.memory_space<vmem>>, vector<16xi32>,
          %gather3A = tpu.vector_load_idx %arg6[%get3A_312] : memref<50000xf32, #tpu.memory_space<vmem>>[vector<16xi32>], vector<16xf32>,
          %masked_sort3A = arith.constant dense<true> : vector<16xi1>
          %masked_sort3A_317 = arith.constant -2147483648 : i32
          %masked_sort3A_318 = vector.broadcast %masked_sort3A_317 : i32 to vector<16xi32>
          %masked_sort3A_319 = arith.xori %get3A_316, %masked_sort3A_318 : vector<16xi32>
          %masked_sort3A_320, %masked_sort3A_321, %masked_sort3A_322 = tpu.sort %masked_sort3A_319, %gather3A masked %masked_sort3A : (vector<16xi32>, vector<16xf32>, vector<16xi1>) -> (vector<16xi1>, vector<16xi32>, vector<16xf32>)
          %masked_sort3A_323 = arith.xori %masked_sort3A_321, %masked_sort3A_318 : vector<16xi32>
          %broadcast_in_dim3A_324 = vector.shape_cast %max3A_41 : vector<16xi32> to vector<16x1xi32>
          %gather3A_325 = vector.shape_cast %broadcast_in_dim3A_324 : vector<16x1xi32> to vector<16xi32>
          %gather3A_326 = tpu.dynamic_gather %masked_sort3A_323[%gather3A_325] in [0] : vector<16xi32>, vector<16xi32> -> vector<16xi32>
          %broadcast_in_dim3A_327 = vector.shape_cast %max3A_41 : vector<16xi32> to vector<16x1xi32>
          %gather3A_328 = vector.shape_cast %broadcast_in_dim3A_327 : vector<16x1xi32> to vector<16xi32>
          %gather3A_329 = tpu.dynamic_gather %masked_sort3A_322[%gather3A_328] in [0] : vector<16xf32>, vector<16xi32> -> vector<16xf32>
          %eq3A_330 = arith.cmpi eq, %gather3A_326, %masked_sort3A_323 : vector<16xi32>
          %ge3A = arith.constant 1 : i32
          %ge3A_331 = vector.broadcast %ge3A : i32 to vector<16xi32>
          %ge3A_332 = arith.cmpi sge, %iota3A, %ge3A_331 : vector<16xi32>
          %and3A_333 = arith.andi %eq3A_330, %ge3A_332 : vector<16xi1>
          %min3A_334 = arith.minimumf %masked_sort3A_322, %gather3A_329 : vector<16xf32>
          %max3A_335 = arith.maximumf %masked_sort3A_322, %gather3A_329 : vector<16xf32>
          %select_n3A_336 = arith.select %eq3A_36, %min3A_334, %max3A_335 : vector<16xi1>, vector<16xf32>
          %select_n3A_337 = arith.select %and3A_333, %select_n3A_336, %masked_sort3A_322 : vector<16xi1>, vector<16xf32>
          %broadcast_in_dim3A_338 = vector.shape_cast %max3A_47 : vector<16xi32> to vector<16x1xi32>
          %gather3A_339 = vector.shape_cast %broadcast_in_dim3A_338 : vector<16x1xi32> to vector<16xi32>
          %gather3A_340 = tpu.dynamic_gather %masked_sort3A_323[%gather3A_339] in [0] : vector<16xi32>, vector<16xi32> -> vector<16xi32>
          %broadcast_in_dim3A_341 = vector.shape_cast %max3A_47 : vector<16xi32> to vector<16x1xi32>
          %gather3A_342 = vector.shape_cast %broadcast_in_dim3A_341 : vector<16x1xi32> to vector<16xi32>
          %gather3A_343 = tpu.dynamic_gather %select_n3A_337[%gather3A_342] in [0] : vector<16xf32>, vector<16xi32> -> vector<16xf32>
          %eq3A_344 = arith.cmpi eq, %gather3A_340, %masked_sort3A_323 : vector<16xi32>
          %ge3A_345 = arith.constant 2 : i32
          %ge3A_346 = vector.broadcast %ge3A_345 : i32 to vector<16xi32>
          %ge3A_347 = arith.cmpi sge, %iota3A, %ge3A_346 : vector<16xi32>
          %and3A_348 = arith.andi %eq3A_344, %ge3A_347 : vector<16xi1>
          %min3A_349 = arith.minimumf %select_n3A_337, %gather3A_343 : vector<16xf32>
          %max3A_350 = arith.maximumf %select_n3A_337, %gather3A_343 : vector<16xf32>
          %select_n3A_351 = arith.select %eq3A_36, %min3A_349, %max3A_350 : vector<16xi1>, vector<16xf32>
          %select_n3A_352 = arith.select %and3A_348, %select_n3A_351, %select_n3A_337 : vector<16xi1>, vector<16xf32>
          %broadcast_in_dim3A_353 = vector.shape_cast %max3A_53 : vector<16xi32> to vector<16x1xi32>
          %gather3A_354 = vector.shape_cast %broadcast_in_dim3A_353 : vector<16x1xi32> to vector<16xi32>
          %gather3A_355 = tpu.dynamic_gather %masked_sort3A_323[%gather3A_354] in [0] : vector<16xi32>, vector<16xi32> -> vector<16xi32>
          %broadcast_in_dim3A_356 = vector.shape_cast %max3A_53 : vector<16xi32> to vector<16x1xi32>
          %gather3A_357 = vector.shape_cast %broadcast_in_dim3A_356 : vector<16x1xi32> to vector<16xi32>
          %gather3A_358 = tpu.dynamic_gather %select_n3A_352[%gather3A_357] in [0] : vector<16xf32>, vector<16xi32> -> vector<16xf32>
          %eq3A_359 = arith.cmpi eq, %gather3A_355, %masked_sort3A_323 : vector<16xi32>
          %ge3A_360 = arith.constant 4 : i32
          %ge3A_361 = vector.broadcast %ge3A_360 : i32 to vector<16xi32>
          %ge3A_362 = arith.cmpi sge, %iota3A, %ge3A_361 : vector<16xi32>
          %and3A_363 = arith.andi %eq3A_359, %ge3A_362 : vector<16xi1>
          %min3A_364 = arith.minimumf %select_n3A_352, %gather3A_358 : vector<16xf32>
          %max3A_365 = arith.maximumf %select_n3A_352, %gather3A_358 : vector<16xf32>
          %select_n3A_366 = arith.select %eq3A_36, %min3A_364, %max3A_365 : vector<16xi1>, vector<16xf32>
          %select_n3A_367 = arith.select %and3A_363, %select_n3A_366, %select_n3A_352 : vector<16xi1>, vector<16xf32>
          %broadcast_in_dim3A_368 = vector.shape_cast %max3A_59 : vector<16xi32> to vector<16x1xi32>
          %gather3A_369 = vector.shape_cast %broadcast_in_dim3A_368 : vector<16x1xi32> to vector<16xi32>
          %gather3A_370 = tpu.dynamic_gather %masked_sort3A_323[%gather3A_369] in [0] : vector<16xi32>, vector<16xi32> -> vector<16xi32>
          %broadcast_in_dim3A_371 = vector.shape_cast %max3A_59 : vector<16xi32> to vector<16x1xi32>
          %gather3A_372 = vector.shape_cast %broadcast_in_dim3A_371 : vector<16x1xi32> to vector<16xi32>
          %gather3A_373 = tpu.dynamic_gather %select_n3A_367[%gather3A_372] in [0] : vector<16xf32>, vector<16xi32> -> vector<16xf32>
          %eq3A_374 = arith.cmpi eq, %gather3A_370, %masked_sort3A_323 : vector<16xi32>
          %ge3A_375 = arith.constant 8 : i32
          %ge3A_376 = vector.broadcast %ge3A_375 : i32 to vector<16xi32>
          %ge3A_377 = arith.cmpi sge, %iota3A, %ge3A_376 : vector<16xi32>
          %and3A_378 = arith.andi %eq3A_374, %ge3A_377 : vector<16xi1>
          %min3A_379 = arith.minimumf %select_n3A_367, %gather3A_373 : vector<16xf32>
          %max3A_380 = arith.maximumf %select_n3A_367, %gather3A_373 : vector<16xf32>
          %select_n3A_381 = arith.select %eq3A_36, %min3A_379, %max3A_380 : vector<16xi1>, vector<16xf32>
          %select_n3A_382 = arith.select %and3A_378, %select_n3A_381, %select_n3A_367 : vector<16xi1>, vector<16xf32>
          %broadcast_in_dim3A_383 = vector.shape_cast %min3A_64 : vector<16xi32> to vector<16x1xi32>
          %gather3A_384 = vector.shape_cast %broadcast_in_dim3A_383 : vector<16x1xi32> to vector<16xi32>
          %gather3A_385 = tpu.dynamic_gather %masked_sort3A_323[%gather3A_384] in [0] : vector<16xi32>, vector<16xi32> -> vector<16xi32>
          %ne3A_386 = arith.cmpi ne, %masked_sort3A_323, %gather3A_385 : vector<16xi32>
          %or3A = arith.ori %ne3A_386, %eq3A_67 : vector<16xi1>
          %gather3A_387 = tpu.vector_load_idx %arg7[%masked_sort3A_323] : memref<50000xf32, #tpu.memory_space<vmem>>[vector<16xi32>], vector<16xf32>,
          %min3A_388 = arith.minimumf %gather3A_387, %select_n3A_382 : vector<16xf32>
          %max3A_389 = arith.maximumf %gather3A_387, %select_n3A_382 : vector<16xf32>
          %select_n3A_390 = arith.select %eq3A_36, %min3A_388, %max3A_389 : vector<16xi1>, vector<16xf32>
          tpu.vector_store_idx %arg7[%masked_sort3A_323], %select_n3A_390 masked %or3A : memref<50000xf32, #tpu.memory_space<vmem>>[vector<16xi32>], vector<16xf32>, vector<16xi1>
        }
        %scan3A_308 = arith.constant 250 : i32
      } else {
      }
      %mul3A_259 = arith.constant 2 : i32
      %mul3A_260 = arith.muli %mul3A_259, %scan3A_219 : i32
      %add3A_261 = arith.constant 2 : i32
      %add3A_262 = arith.addi %mul3A_260, %add3A_261 : i32
      %min3A_263 = arith.constant 99 : i32
      %min3A_264 = arith.minsi %add3A_262, %min3A_263 : i32
      %mul3A_265 = arith.constant 4000 : i32
      %mul3A_266 = arith.muli %min3A_264, %mul3A_265 : i32
      %add3A_267 = arith.addi %mul3A_111, %mul3A_266 : i32
      %multiple_of3A_268 = tpu.assume_multiple %add3A_267, 8 : i32
      %dma_start3A_269 = tpu.memref_slice %arg3[%multiple_of3A_268] : memref<800000xi32, #tpu.memory_space<hbm>> -> memref<4000xi32, #tpu.memory_space<hbm>>
      %dma_start3A_270 = tpu.memref_slice %arg3[%multiple_of3A_268] : memref<800000xi32, #tpu.memory_space<hbm>> -> memref<4000xi32, #tpu.memory_space<hbm>>
      tpu.enqueue_dma source(%dma_start3A_270 : memref<4000xi32, #tpu.memory_space<hbm>>) target(%arg8 : memref<4000xi32, #tpu.memory_space<vmem>>) target_semaphore(%arg12 : memref<!tpu.dma_semaphore, #tpu.memory_space<semaphore_mem>>)
      %dma_start3A_271 = tpu.memref_slice %arg4[%multiple_of3A_268] : memref<800000xi32, #tpu.memory_space<hbm>> -> memref<4000xi32, #tpu.memory_space<hbm>>
      %dma_start3A_272 = tpu.memref_slice %arg4[%multiple_of3A_268] : memref<800000xi32, #tpu.memory_space<hbm>> -> memref<4000xi32, #tpu.memory_space<hbm>>
      tpu.enqueue_dma source(%dma_start3A_272 : memref<4000xi32, #tpu.memory_space<hbm>>) target(%arg9 : memref<4000xi32, #tpu.memory_space<vmem>>) target_semaphore(%arg12 : memref<!tpu.dma_semaphore, #tpu.memory_space<semaphore_mem>>)
      %dma_wait3A_273 = arith.constant 0 : i32
      %dma_wait3A_274 = tpu.memref_slice %arg3[%dma_wait3A_273] : memref<800000xi32, #tpu.memory_space<hbm>> -> memref<4000xi32, #tpu.memory_space<hbm>>
      %dma_wait3A_275 = arith.constant 0 : i32
      %dma_wait3A_276 = tpu.memref_slice %arg3[%dma_wait3A_275] : memref<800000xi32, #tpu.memory_space<hbm>> -> memref<4000xi32, #tpu.memory_space<hbm>>
      tpu.wait_dma2 semaphore(%arg13 : memref<!tpu.dma_semaphore, #tpu.memory_space<semaphore_mem>>) src(%dma_wait3A_276 : memref<4000xi32, #tpu.memory_space<hbm>>) dst(%arg10 : memref<4000xi32, #tpu.memory_space<vmem>>)
      %dma_wait3A_277 = arith.constant 0 : i32
      %dma_wait3A_278 = tpu.memref_slice %arg4[%dma_wait3A_277] : memref<800000xi32, #tpu.memory_space<hbm>> -> memref<4000xi32, #tpu.memory_space<hbm>>
      %dma_wait3A_279 = arith.constant 0 : i32
      %dma_wait3A_280 = tpu.memref_slice %arg4[%dma_wait3A_279] : memref<800000xi32, #tpu.memory_space<hbm>> -> memref<4000xi32, #tpu.memory_space<hbm>>
      tpu.wait_dma2 semaphore(%arg13 : memref<!tpu.dma_semaphore, #tpu.memory_space<semaphore_mem>>) src(%dma_wait3A_280 : memref<4000xi32, #tpu.memory_space<hbm>>) dst(%arg11 : memref<4000xi32, #tpu.memory_space<vmem>>)
      %broadcast_in_dim3A_281 = arith.constant false
      %broadcast_in_dim3A_282 = vector.broadcast %broadcast_in_dim3A_281 : i1 to vector<16xi1>
      %scan3A_283 = arith.constant 0 : i32
      %scan3A_284 = arith.constant 50 : i32
      %scan3A_285 = arith.addi %scan3A_283, %scan3A_284 : i32
      %scan3A_286 = arith.constant 1 : i32
      %scan3A_287 = scf.for %scan3A_303 = %scan3A_283 to %scan3A_285 step %scan3A_286 iter_args(%scan3A_304 = %broadcast_in_dim3A_282) -> (vector<16xi1>)  : i32 {
        %mul3A_305 = arith.constant 5 : i32
        %mul3A_306 = arith.muli %scan3A_303, %mul3A_305 : i32
        %add3A_307 = arith.constant 0 : i32
        %add3A_308 = arith.addi %mul3A_306, %add3A_307 : i32
        %mul3A_309 = arith.constant 16 : i32
        %mul3A_310 = arith.muli %add3A_308, %mul3A_309 : i32
        %get3A = arith.index_cast %mul3A_310 : i32 to index
        %get3A_311 = tpu.vector_load %arg11[%get3A] {strides = array<i32>} : memref<4000xi32, #tpu.memory_space<vmem>>, vector<16xi32>,
        %add3A_312 = arith.constant 1 : i32
        %add3A_313 = arith.addi %mul3A_306, %add3A_312 : i32
        %mul3A_314 = arith.constant 16 : i32
        %mul3A_315 = arith.muli %add3A_313, %mul3A_314 : i32
        %get3A_316 = arith.index_cast %mul3A_315 : i32 to index
        %get3A_317 = tpu.vector_load %arg11[%get3A_316] {strides = array<i32>} : memref<4000xi32, #tpu.memory_space<vmem>>, vector<16xi32>,
        %add3A_318 = arith.constant 2 : i32
        %add3A_319 = arith.addi %mul3A_306, %add3A_318 : i32
        %mul3A_320 = arith.constant 16 : i32
        %mul3A_321 = arith.muli %add3A_319, %mul3A_320 : i32
        %get3A_322 = arith.index_cast %mul3A_321 : i32 to index
        %get3A_323 = tpu.vector_load %arg11[%get3A_322] {strides = array<i32>} : memref<4000xi32, #tpu.memory_space<vmem>>, vector<16xi32>,
        %add3A_324 = arith.constant 3 : i32
        %add3A_325 = arith.addi %mul3A_306, %add3A_324 : i32
        %mul3A_326 = arith.constant 16 : i32
        %mul3A_327 = arith.muli %add3A_325, %mul3A_326 : i32
        %get3A_328 = arith.index_cast %mul3A_327 : i32 to index
        %get3A_329 = tpu.vector_load %arg11[%get3A_328] {strides = array<i32>} : memref<4000xi32, #tpu.memory_space<vmem>>, vector<16xi32>,
        %add3A_330 = arith.constant 4 : i32
        %add3A_331 = arith.addi %mul3A_306, %add3A_330 : i32
        %mul3A_332 = arith.constant 16 : i32
        %mul3A_333 = arith.muli %add3A_331, %mul3A_332 : i32
        %get3A_334 = arith.index_cast %mul3A_333 : i32 to index
        %get3A_335 = tpu.vector_load %arg11[%get3A_334] {strides = array<i32>} : memref<4000xi32, #tpu.memory_space<vmem>>, vector<16xi32>,
        %add3A_336 = arith.constant 0 : i32
        %add3A_337 = arith.addi %mul3A_306, %add3A_336 : i32
        %mul3A_338 = arith.constant 16 : i32
        %mul3A_339 = arith.muli %add3A_337, %mul3A_338 : i32
        %get3A_340 = arith.index_cast %mul3A_339 : i32 to index
        %get3A_341 = tpu.vector_load %arg10[%get3A_340] {strides = array<i32>} : memref<4000xi32, #tpu.memory_space<vmem>>, vector<16xi32>,
        %add3A_342 = arith.constant 1 : i32
        %add3A_343 = arith.addi %mul3A_306, %add3A_342 : i32
        %mul3A_344 = arith.constant 16 : i32
        %mul3A_345 = arith.muli %add3A_343, %mul3A_344 : i32
        %get3A_346 = arith.index_cast %mul3A_345 : i32 to index
        %get3A_347 = tpu.vector_load %arg10[%get3A_346] {strides = array<i32>} : memref<4000xi32, #tpu.memory_space<vmem>>, vector<16xi32>,
        %add3A_348 = arith.constant 2 : i32
        %add3A_349 = arith.addi %mul3A_306, %add3A_348 : i32
        %mul3A_350 = arith.constant 16 : i32
        %mul3A_351 = arith.muli %add3A_349, %mul3A_350 : i32
        %get3A_352 = arith.index_cast %mul3A_351 : i32 to index
        %get3A_353 = tpu.vector_load %arg10[%get3A_352] {strides = array<i32>} : memref<4000xi32, #tpu.memory_space<vmem>>, vector<16xi32>,
        %add3A_354 = arith.constant 3 : i32
        %add3A_355 = arith.addi %mul3A_306, %add3A_354 : i32
        %mul3A_356 = arith.constant 16 : i32
        %mul3A_357 = arith.muli %add3A_355, %mul3A_356 : i32
        %get3A_358 = arith.index_cast %mul3A_357 : i32 to index
        %get3A_359 = tpu.vector_load %arg10[%get3A_358] {strides = array<i32>} : memref<4000xi32, #tpu.memory_space<vmem>>, vector<16xi32>,
        %add3A_360 = arith.constant 4 : i32
        %add3A_361 = arith.addi %mul3A_306, %add3A_360 : i32
        %mul3A_362 = arith.constant 16 : i32
        %mul3A_363 = arith.muli %add3A_361, %mul3A_362 : i32
        %get3A_364 = arith.index_cast %mul3A_363 : i32 to index
        %get3A_365 = tpu.vector_load %arg10[%get3A_364] {strides = array<i32>} : memref<4000xi32, #tpu.memory_space<vmem>>, vector<16xi32>,
        %gather3A = tpu.vector_load_idx %arg6[%get3A_341] : memref<50000xf32, #tpu.memory_space<vmem>>[vector<16xi32>], vector<16xf32>,
        %gather3A_366 = tpu.vector_load_idx %arg6[%get3A_347] : memref<50000xf32, #tpu.memory_space<vmem>>[vector<16xi32>], vector<16xf32>,
        %gather3A_367 = tpu.vector_load_idx %arg6[%get3A_353] : memref<50000xf32, #tpu.memory_space<vmem>>[vector<16xi32>], vector<16xf32>,
        %gather3A_368 = tpu.vector_load_idx %arg6[%get3A_359] : memref<50000xf32, #tpu.memory_space<vmem>>[vector<16xi32>], vector<16xf32>,
        %gather3A_369 = tpu.vector_load_idx %arg6[%get3A_365] : memref<50000xf32, #tpu.memory_space<vmem>>[vector<16xi32>], vector<16xf32>,
        %gather3A_370 = tpu.vector_load_idx %arg7[%get3A_311] : memref<50000xf32, #tpu.memory_space<vmem>>[vector<16xi32>], vector<16xf32>,
        %gather3A_371 = tpu.vector_load_idx %arg7[%get3A_317] : memref<50000xf32, #tpu.memory_space<vmem>>[vector<16xi32>], vector<16xf32>,
        %gather3A_372 = tpu.vector_load_idx %arg7[%get3A_323] : memref<50000xf32, #tpu.memory_space<vmem>>[vector<16xi32>], vector<16xf32>,
        %gather3A_373 = tpu.vector_load_idx %arg7[%get3A_329] : memref<50000xf32, #tpu.memory_space<vmem>>[vector<16xi32>], vector<16xf32>,
        %gather3A_374 = tpu.vector_load_idx %arg7[%get3A_335] : memref<50000xf32, #tpu.memory_space<vmem>>[vector<16xi32>], vector<16xf32>,
        %min3A_375 = arith.minimumf %gather3A_370, %gather3A : vector<16xf32>
        %max3A_376 = arith.maximumf %gather3A_370, %gather3A : vector<16xf32>
        %select_n3A_377 = arith.select %eq3A_36, %min3A_375, %max3A_376 : vector<16xi1>, vector<16xf32>
        tpu.vector_store_idx %arg7[%get3A_311], %select_n3A_377 : memref<50000xf32, #tpu.memory_space<vmem>>[vector<16xi32>], vector<16xf32>,
        %min3A_378 = arith.minimumf %gather3A_371, %gather3A_366 : vector<16xf32>
        %max3A_379 = arith.maximumf %gather3A_371, %gather3A_366 : vector<16xf32>
        %select_n3A_380 = arith.select %eq3A_36, %min3A_378, %max3A_379 : vector<16xi1>, vector<16xf32>
        tpu.vector_store_idx %arg7[%get3A_317], %select_n3A_380 : memref<50000xf32, #tpu.memory_space<vmem>>[vector<16xi32>], vector<16xf32>,
        %min3A_381 = arith.minimumf %gather3A_372, %gather3A_367 : vector<16xf32>
        %max3A_382 = arith.maximumf %gather3A_372, %gather3A_367 : vector<16xf32>
        %select_n3A_383 = arith.select %eq3A_36, %min3A_381, %max3A_382 : vector<16xi1>, vector<16xf32>
        tpu.vector_store_idx %arg7[%get3A_323], %select_n3A_383 : memref<50000xf32, #tpu.memory_space<vmem>>[vector<16xi32>], vector<16xf32>,
        %min3A_384 = arith.minimumf %gather3A_373, %gather3A_368 : vector<16xf32>
        %max3A_385 = arith.maximumf %gather3A_373, %gather3A_368 : vector<16xf32>
        %select_n3A_386 = arith.select %eq3A_36, %min3A_384, %max3A_385 : vector<16xi1>, vector<16xf32>
        tpu.vector_store_idx %arg7[%get3A_329], %select_n3A_386 : memref<50000xf32, #tpu.memory_space<vmem>>[vector<16xi32>], vector<16xf32>,
        %min3A_387 = arith.minimumf %gather3A_374, %gather3A_369 : vector<16xf32>
        %max3A_388 = arith.maximumf %gather3A_374, %gather3A_369 : vector<16xf32>
        %select_n3A_389 = arith.select %eq3A_36, %min3A_387, %max3A_388 : vector<16xi1>, vector<16xf32>
        tpu.vector_store_idx %arg7[%get3A_335], %select_n3A_389 : memref<50000xf32, #tpu.memory_space<vmem>>[vector<16xi32>], vector<16xf32>,
        %gather3A_390 = tpu.vector_load_idx %arg7[%get3A_311] : memref<50000xf32, #tpu.memory_space<vmem>>[vector<16xi32>], vector<16xf32>,
        %gather3A_391 = tpu.vector_load_idx %arg7[%get3A_317] : memref<50000xf32, #tpu.memory_space<vmem>>[vector<16xi32>], vector<16xf32>,
        %gather3A_392 = tpu.vector_load_idx %arg7[%get3A_323] : memref<50000xf32, #tpu.memory_space<vmem>>[vector<16xi32>], vector<16xf32>,
        %gather3A_393 = tpu.vector_load_idx %arg7[%get3A_329] : memref<50000xf32, #tpu.memory_space<vmem>>[vector<16xi32>], vector<16xf32>,
        %gather3A_394 = tpu.vector_load_idx %arg7[%get3A_335] : memref<50000xf32, #tpu.memory_space<vmem>>[vector<16xi32>], vector<16xf32>,
        %gt3A = arith.cmpf ogt, %gather3A_390, %gather3A : vector<16xf32>
        %lt3A_395 = arith.cmpf olt, %gather3A_390, %gather3A : vector<16xf32>
        %select_n3A_396 = arith.select %eq3A_36, %gt3A, %lt3A_395 : vector<16xi1>, vector<16xi1>
        %gt3A_397 = arith.cmpf ogt, %gather3A_391, %gather3A_366 : vector<16xf32>
        %lt3A_398 = arith.cmpf olt, %gather3A_391, %gather3A_366 : vector<16xf32>
        %select_n3A_399 = arith.select %eq3A_36, %gt3A_397, %lt3A_398 : vector<16xi1>, vector<16xi1>
        %gt3A_400 = arith.cmpf ogt, %gather3A_392, %gather3A_367 : vector<16xf32>
        %lt3A_401 = arith.cmpf olt, %gather3A_392, %gather3A_367 : vector<16xf32>
        %select_n3A_402 = arith.select %eq3A_36, %gt3A_400, %lt3A_401 : vector<16xi1>, vector<16xi1>
        %gt3A_403 = arith.cmpf ogt, %gather3A_393, %gather3A_368 : vector<16xf32>
        %lt3A_404 = arith.cmpf olt, %gather3A_393, %gather3A_368 : vector<16xf32>
        %select_n3A_405 = arith.select %eq3A_36, %gt3A_403, %lt3A_404 : vector<16xi1>, vector<16xi1>
        %gt3A_406 = arith.cmpf ogt, %gather3A_394, %gather3A_369 : vector<16xf32>
        %lt3A_407 = arith.cmpf olt, %gather3A_394, %gather3A_369 : vector<16xf32>
        %select_n3A_408 = arith.select %eq3A_36, %gt3A_406, %lt3A_407 : vector<16xi1>, vector<16xi1>
        tpu.vector_store_idx %arg7[%get3A_311], %gather3A masked %select_n3A_396 : memref<50000xf32, #tpu.memory_space<vmem>>[vector<16xi32>], vector<16xf32>, vector<16xi1>
        tpu.vector_store_idx %arg7[%get3A_317], %gather3A_366 masked %select_n3A_399 : memref<50000xf32, #tpu.memory_space<vmem>>[vector<16xi32>], vector<16xf32>, vector<16xi1>
        tpu.vector_store_idx %arg7[%get3A_323], %gather3A_367 masked %select_n3A_402 : memref<50000xf32, #tpu.memory_space<vmem>>[vector<16xi32>], vector<16xf32>, vector<16xi1>
        tpu.vector_store_idx %arg7[%get3A_329], %gather3A_368 masked %select_n3A_405 : memref<50000xf32, #tpu.memory_space<vmem>>[vector<16xi32>], vector<16xf32>, vector<16xi1>
        tpu.vector_store_idx %arg7[%get3A_335], %gather3A_369 masked %select_n3A_408 : memref<50000xf32, #tpu.memory_space<vmem>>[vector<16xi32>], vector<16xf32>, vector<16xi1>
        %gather3A_409 = tpu.vector_load_idx %arg7[%get3A_311] : memref<50000xf32, #tpu.memory_space<vmem>>[vector<16xi32>], vector<16xf32>,
        %gather3A_410 = tpu.vector_load_idx %arg7[%get3A_317] : memref<50000xf32, #tpu.memory_space<vmem>>[vector<16xi32>], vector<16xf32>,
        %gather3A_411 = tpu.vector_load_idx %arg7[%get3A_323] : memref<50000xf32, #tpu.memory_space<vmem>>[vector<16xi32>], vector<16xf32>,
        %gather3A_412 = tpu.vector_load_idx %arg7[%get3A_329] : memref<50000xf32, #tpu.memory_space<vmem>>[vector<16xi32>], vector<16xf32>,
        %gather3A_413 = tpu.vector_load_idx %arg7[%get3A_335] : memref<50000xf32, #tpu.memory_space<vmem>>[vector<16xi32>], vector<16xf32>,
        %gt3A_414 = arith.cmpf ogt, %gather3A_409, %gather3A : vector<16xf32>
        %lt3A_415 = arith.cmpf olt, %gather3A_409, %gather3A : vector<16xf32>
        %select_n3A_416 = arith.select %eq3A_36, %gt3A_414, %lt3A_415 : vector<16xi1>, vector<16xi1>
        %or3A = arith.ori %scan3A_304, %select_n3A_416 : vector<16xi1>
        %gt3A_417 = arith.cmpf ogt, %gather3A_410, %gather3A_366 : vector<16xf32>
        %lt3A_418 = arith.cmpf olt, %gather3A_410, %gather3A_366 : vector<16xf32>
        %select_n3A_419 = arith.select %eq3A_36, %gt3A_417, %lt3A_418 : vector<16xi1>, vector<16xi1>
        %or3A_420 = arith.ori %or3A, %select_n3A_419 : vector<16xi1>
        %gt3A_421 = arith.cmpf ogt, %gather3A_411, %gather3A_367 : vector<16xf32>
        %lt3A_422 = arith.cmpf olt, %gather3A_411, %gather3A_367 : vector<16xf32>
        %select_n3A_423 = arith.select %eq3A_36, %gt3A_421, %lt3A_422 : vector<16xi1>, vector<16xi1>
        %or3A_424 = arith.ori %or3A_420, %select_n3A_423 : vector<16xi1>
        %gt3A_425 = arith.cmpf ogt, %gather3A_412, %gather3A_368 : vector<16xf32>
        %lt3A_426 = arith.cmpf olt, %gather3A_412, %gather3A_368 : vector<16xf32>
        %select_n3A_427 = arith.select %eq3A_36, %gt3A_425, %lt3A_426 : vector<16xi1>, vector<16xi1>
        %or3A_428 = arith.ori %or3A_424, %select_n3A_427 : vector<16xi1>
        %gt3A_429 = arith.cmpf ogt, %gather3A_413, %gather3A_369 : vector<16xf32>
        %lt3A_430 = arith.cmpf olt, %gather3A_413, %gather3A_369 : vector<16xf32>
        %select_n3A_431 = arith.select %eq3A_36, %gt3A_429, %lt3A_430 : vector<16xi1>, vector<16xi1>
        %or3A_432 = arith.ori %or3A_428, %select_n3A_431 : vector<16xi1>
        scf.yield %or3A_432 : vector<16xi1>
      }
      %scan3A_288 = arith.constant 50 : i32
      %reduce_or3A_289 = arith.constant 1.000000e+00 : f32
      %reduce_or3A_290 = arith.constant 0.000000e+00 : f32
      %reduce_or3A_291 = vector.broadcast %reduce_or3A_289 : f32 to vector<16xf32>
      %reduce_or3A_292 = vector.broadcast %reduce_or3A_290 : f32 to vector<16xf32>
      %reduce_or3A_293 = arith.select %scan3A_287, %reduce_or3A_291, %reduce_or3A_292 : vector<16xi1>, vector<16xf32>
      %reduce_or3A_294 = arith.constant true
      %reduce_or3A_295 = vector.broadcast %reduce_or3A_294 : i1 to vector<16xi1>
      %reduce_or3A_296 = tpu.scan <max>, %reduce_or3A_293 masked %reduce_or3A_295 : vector<16xf32>, vector<16xi1> -> vector<16xf32>
      %reduce_or3A_297 = vector.extract %reduce_or3A_296[15] : f32 from vector<16xf32>
      %reduce_or3A_298 = arith.constant 0.000000e+00 : f32
      %reduce_or3A_299 = arith.cmpf ogt, %reduce_or3A_297, %reduce_or3A_298 : f32
      %convert_element_type3A_300 = arith.extui %reduce_or3A_299 : i1 to i32
      %cond3A_301 = arith.constant 0 : i32
      %cond3A_302 = arith.cmpi ne, %convert_element_type3A_300, %cond3A_301 : i32
      scf.if %cond3A_302 {
        %scan3A_303 = arith.constant 0 : i32
        %scan3A_304 = arith.constant 0 : i32
        %scan3A_305 = arith.constant 250 : i32
        %scan3A_306 = arith.addi %scan3A_304, %scan3A_305 : i32
        %scan3A_307 = arith.constant 1 : i32
        scf.for %scan3A_309 = %scan3A_304 to %scan3A_306 step %scan3A_307  : i32 {
          %mul3A_310 = arith.constant 16 : i32
          %mul3A_311 = arith.muli %scan3A_309, %mul3A_310 : i32
          %get3A = arith.index_cast %mul3A_311 : i32 to index
          %get3A_312 = tpu.vector_load %arg10[%get3A] {strides = array<i32>} : memref<4000xi32, #tpu.memory_space<vmem>>, vector<16xi32>,
          %mul3A_313 = arith.constant 16 : i32
          %mul3A_314 = arith.muli %scan3A_309, %mul3A_313 : i32
          %get3A_315 = arith.index_cast %mul3A_314 : i32 to index
          %get3A_316 = tpu.vector_load %arg11[%get3A_315] {strides = array<i32>} : memref<4000xi32, #tpu.memory_space<vmem>>, vector<16xi32>,
          %gather3A = tpu.vector_load_idx %arg6[%get3A_312] : memref<50000xf32, #tpu.memory_space<vmem>>[vector<16xi32>], vector<16xf32>,
          %masked_sort3A = arith.constant dense<true> : vector<16xi1>
          %masked_sort3A_317 = arith.constant -2147483648 : i32
          %masked_sort3A_318 = vector.broadcast %masked_sort3A_317 : i32 to vector<16xi32>
          %masked_sort3A_319 = arith.xori %get3A_316, %masked_sort3A_318 : vector<16xi32>
          %masked_sort3A_320, %masked_sort3A_321, %masked_sort3A_322 = tpu.sort %masked_sort3A_319, %gather3A masked %masked_sort3A : (vector<16xi32>, vector<16xf32>, vector<16xi1>) -> (vector<16xi1>, vector<16xi32>, vector<16xf32>)
          %masked_sort3A_323 = arith.xori %masked_sort3A_321, %masked_sort3A_318 : vector<16xi32>
          %broadcast_in_dim3A_324 = vector.shape_cast %max3A_41 : vector<16xi32> to vector<16x1xi32>
          %gather3A_325 = vector.shape_cast %broadcast_in_dim3A_324 : vector<16x1xi32> to vector<16xi32>
          %gather3A_326 = tpu.dynamic_gather %masked_sort3A_323[%gather3A_325] in [0] : vector<16xi32>, vector<16xi32> -> vector<16xi32>
          %broadcast_in_dim3A_327 = vector.shape_cast %max3A_41 : vector<16xi32> to vector<16x1xi32>
          %gather3A_328 = vector.shape_cast %broadcast_in_dim3A_327 : vector<16x1xi32> to vector<16xi32>
          %gather3A_329 = tpu.dynamic_gather %masked_sort3A_322[%gather3A_328] in [0] : vector<16xf32>, vector<16xi32> -> vector<16xf32>
          %eq3A_330 = arith.cmpi eq, %gather3A_326, %masked_sort3A_323 : vector<16xi32>
          %ge3A = arith.constant 1 : i32
          %ge3A_331 = vector.broadcast %ge3A : i32 to vector<16xi32>
          %ge3A_332 = arith.cmpi sge, %iota3A, %ge3A_331 : vector<16xi32>
          %and3A_333 = arith.andi %eq3A_330, %ge3A_332 : vector<16xi1>
          %min3A_334 = arith.minimumf %masked_sort3A_322, %gather3A_329 : vector<16xf32>
          %max3A_335 = arith.maximumf %masked_sort3A_322, %gather3A_329 : vector<16xf32>
          %select_n3A_336 = arith.select %eq3A_36, %min3A_334, %max3A_335 : vector<16xi1>, vector<16xf32>
          %select_n3A_337 = arith.select %and3A_333, %select_n3A_336, %masked_sort3A_322 : vector<16xi1>, vector<16xf32>
          %broadcast_in_dim3A_338 = vector.shape_cast %max3A_47 : vector<16xi32> to vector<16x1xi32>
          %gather3A_339 = vector.shape_cast %broadcast_in_dim3A_338 : vector<16x1xi32> to vector<16xi32>
          %gather3A_340 = tpu.dynamic_gather %masked_sort3A_323[%gather3A_339] in [0] : vector<16xi32>, vector<16xi32> -> vector<16xi32>
          %broadcast_in_dim3A_341 = vector.shape_cast %max3A_47 : vector<16xi32> to vector<16x1xi32>
          %gather3A_342 = vector.shape_cast %broadcast_in_dim3A_341 : vector<16x1xi32> to vector<16xi32>
          %gather3A_343 = tpu.dynamic_gather %select_n3A_337[%gather3A_342] in [0] : vector<16xf32>, vector<16xi32> -> vector<16xf32>
          %eq3A_344 = arith.cmpi eq, %gather3A_340, %masked_sort3A_323 : vector<16xi32>
          %ge3A_345 = arith.constant 2 : i32
          %ge3A_346 = vector.broadcast %ge3A_345 : i32 to vector<16xi32>
          %ge3A_347 = arith.cmpi sge, %iota3A, %ge3A_346 : vector<16xi32>
          %and3A_348 = arith.andi %eq3A_344, %ge3A_347 : vector<16xi1>
          %min3A_349 = arith.minimumf %select_n3A_337, %gather3A_343 : vector<16xf32>
          %max3A_350 = arith.maximumf %select_n3A_337, %gather3A_343 : vector<16xf32>
          %select_n3A_351 = arith.select %eq3A_36, %min3A_349, %max3A_350 : vector<16xi1>, vector<16xf32>
          %select_n3A_352 = arith.select %and3A_348, %select_n3A_351, %select_n3A_337 : vector<16xi1>, vector<16xf32>
          %broadcast_in_dim3A_353 = vector.shape_cast %max3A_53 : vector<16xi32> to vector<16x1xi32>
          %gather3A_354 = vector.shape_cast %broadcast_in_dim3A_353 : vector<16x1xi32> to vector<16xi32>
          %gather3A_355 = tpu.dynamic_gather %masked_sort3A_323[%gather3A_354] in [0] : vector<16xi32>, vector<16xi32> -> vector<16xi32>
          %broadcast_in_dim3A_356 = vector.shape_cast %max3A_53 : vector<16xi32> to vector<16x1xi32>
          %gather3A_357 = vector.shape_cast %broadcast_in_dim3A_356 : vector<16x1xi32> to vector<16xi32>
          %gather3A_358 = tpu.dynamic_gather %select_n3A_352[%gather3A_357] in [0] : vector<16xf32>, vector<16xi32> -> vector<16xf32>
          %eq3A_359 = arith.cmpi eq, %gather3A_355, %masked_sort3A_323 : vector<16xi32>
          %ge3A_360 = arith.constant 4 : i32
          %ge3A_361 = vector.broadcast %ge3A_360 : i32 to vector<16xi32>
          %ge3A_362 = arith.cmpi sge, %iota3A, %ge3A_361 : vector<16xi32>
          %and3A_363 = arith.andi %eq3A_359, %ge3A_362 : vector<16xi1>
          %min3A_364 = arith.minimumf %select_n3A_352, %gather3A_358 : vector<16xf32>
          %max3A_365 = arith.maximumf %select_n3A_352, %gather3A_358 : vector<16xf32>
          %select_n3A_366 = arith.select %eq3A_36, %min3A_364, %max3A_365 : vector<16xi1>, vector<16xf32>
          %select_n3A_367 = arith.select %and3A_363, %select_n3A_366, %select_n3A_352 : vector<16xi1>, vector<16xf32>
          %broadcast_in_dim3A_368 = vector.shape_cast %max3A_59 : vector<16xi32> to vector<16x1xi32>
          %gather3A_369 = vector.shape_cast %broadcast_in_dim3A_368 : vector<16x1xi32> to vector<16xi32>
          %gather3A_370 = tpu.dynamic_gather %masked_sort3A_323[%gather3A_369] in [0] : vector<16xi32>, vector<16xi32> -> vector<16xi32>
          %broadcast_in_dim3A_371 = vector.shape_cast %max3A_59 : vector<16xi32> to vector<16x1xi32>
          %gather3A_372 = vector.shape_cast %broadcast_in_dim3A_371 : vector<16x1xi32> to vector<16xi32>
          %gather3A_373 = tpu.dynamic_gather %select_n3A_367[%gather3A_372] in [0] : vector<16xf32>, vector<16xi32> -> vector<16xf32>
          %eq3A_374 = arith.cmpi eq, %gather3A_370, %masked_sort3A_323 : vector<16xi32>
          %ge3A_375 = arith.constant 8 : i32
          %ge3A_376 = vector.broadcast %ge3A_375 : i32 to vector<16xi32>
          %ge3A_377 = arith.cmpi sge, %iota3A, %ge3A_376 : vector<16xi32>
          %and3A_378 = arith.andi %eq3A_374, %ge3A_377 : vector<16xi1>
          %min3A_379 = arith.minimumf %select_n3A_367, %gather3A_373 : vector<16xf32>
          %max3A_380 = arith.maximumf %select_n3A_367, %gather3A_373 : vector<16xf32>
          %select_n3A_381 = arith.select %eq3A_36, %min3A_379, %max3A_380 : vector<16xi1>, vector<16xf32>
          %select_n3A_382 = arith.select %and3A_378, %select_n3A_381, %select_n3A_367 : vector<16xi1>, vector<16xf32>
          %broadcast_in_dim3A_383 = vector.shape_cast %min3A_64 : vector<16xi32> to vector<16x1xi32>
          %gather3A_384 = vector.shape_cast %broadcast_in_dim3A_383 : vector<16x1xi32> to vector<16xi32>
          %gather3A_385 = tpu.dynamic_gather %masked_sort3A_323[%gather3A_384] in [0] : vector<16xi32>, vector<16xi32> -> vector<16xi32>
          %ne3A_386 = arith.cmpi ne, %masked_sort3A_323, %gather3A_385 : vector<16xi32>
          %or3A = arith.ori %ne3A_386, %eq3A_67 : vector<16xi1>
          %gather3A_387 = tpu.vector_load_idx %arg7[%masked_sort3A_323] : memref<50000xf32, #tpu.memory_space<vmem>>[vector<16xi32>], vector<16xf32>,
          %min3A_388 = arith.minimumf %gather3A_387, %select_n3A_382 : vector<16xf32>
          %max3A_389 = arith.maximumf %gather3A_387, %select_n3A_382 : vector<16xf32>
          %select_n3A_390 = arith.select %eq3A_36, %min3A_388, %max3A_389 : vector<16xi1>, vector<16xf32>
          tpu.vector_store_idx %arg7[%masked_sort3A_323], %select_n3A_390 masked %or3A : memref<50000xf32, #tpu.memory_space<vmem>>[vector<16xi32>], vector<16xf32>, vector<16xi1>
        }
        %scan3A_308 = arith.constant 250 : i32
      } else {
      }
    }
    %scan3A_122 = arith.constant 50 : i32
    %dma_wait3A = arith.constant 0 : i32
    %dma_wait3A_123 = tpu.memref_slice %arg3[%dma_wait3A] : memref<800000xi32, #tpu.memory_space<hbm>> -> memref<4000xi32, #tpu.memory_space<hbm>>
    %dma_wait3A_124 = arith.constant 0 : i32
    %dma_wait3A_125 = tpu.memref_slice %arg3[%dma_wait3A_124] : memref<800000xi32, #tpu.memory_space<hbm>> -> memref<4000xi32, #tpu.memory_space<hbm>>
    tpu.wait_dma2 semaphore(%arg12 : memref<!tpu.dma_semaphore, #tpu.memory_space<semaphore_mem>>) src(%dma_wait3A_125 : memref<4000xi32, #tpu.memory_space<hbm>>) dst(%arg8 : memref<4000xi32, #tpu.memory_space<vmem>>)
    %dma_wait3A_126 = arith.constant 0 : i32
    %dma_wait3A_127 = tpu.memref_slice %arg4[%dma_wait3A_126] : memref<800000xi32, #tpu.memory_space<hbm>> -> memref<4000xi32, #tpu.memory_space<hbm>>
    %dma_wait3A_128 = arith.constant 0 : i32
    %dma_wait3A_129 = tpu.memref_slice %arg4[%dma_wait3A_128] : memref<800000xi32, #tpu.memory_space<hbm>> -> memref<4000xi32, #tpu.memory_space<hbm>>
    tpu.wait_dma2 semaphore(%arg12 : memref<!tpu.dma_semaphore, #tpu.memory_space<semaphore_mem>>) src(%dma_wait3A_129 : memref<4000xi32, #tpu.memory_space<hbm>>) dst(%arg9 : memref<4000xi32, #tpu.memory_space<vmem>>)
    %jit3A_130 = arith.constant 8 : i32
    %eq3A_131 = arith.constant 0 : i32
    %eq3A_132 = arith.cmpi eq, %jit3A_130, %eq3A_131 : i32
    %jit3A_133 = arith.constant 1 : i32
    %select_n3A_134 = arith.select %eq3A_132, %jit3A_133, %jit3A_130 : i32
    %rem3A_135 = arith.remsi %add3A, %select_n3A_134 : i32
    %ne3A_136 = arith.constant 0 : i32
    %ne3A_137 = arith.cmpi ne, %rem3A_135, %ne3A_136 : i32
    %lt3A_138 = arith.constant 0 : i32
    %lt3A_139 = arith.cmpi slt, %rem3A_135, %lt3A_138 : i32
    %lt3A_140 = arith.constant 0 : i32
    %lt3A_141 = arith.cmpi slt, %select_n3A_134, %lt3A_140 : i32
    %ne3A_142 = arith.xori %lt3A_139, %lt3A_141 : i1
    %and3A_143 = arith.andi %ne3A_142, %ne3A_137 : i1
    %add3A_144 = arith.addi %rem3A_135, %select_n3A_134 : i32
    %select_n3A_145 = arith.select %and3A_143, %add3A_144, %rem3A_135 : i32
    %mul3A_146 = arith.constant 4 : i32
    %mul3A_147 = arith.muli %select_n3A_145, %mul3A_146 : i32
    %jit3A_148 = arith.constant 8 : i32
    %div3A_149 = arith.divsi %add3A, %jit3A_148 : i32
    %sign3A_150 = arith.constant 0 : i32
    %sign3A_151 = arith.cmpi sgt, %add3A, %sign3A_150 : i32
    %sign3A_152 = arith.extui %sign3A_151 : i1 to i32
    %sign3A_153 = arith.constant 0 : i32
    %sign3A_154 = arith.cmpi slt, %add3A, %sign3A_153 : i32
    %sign3A_155 = arith.extui %sign3A_154 : i1 to i32
    %sign3A_156 = arith.subi %sign3A_152, %sign3A_155 : i32
    %sign3A_157 = arith.constant 0 : i32
    %sign3A_158 = arith.cmpi sgt, %jit3A_148, %sign3A_157 : i32
    %sign3A_159 = arith.extui %sign3A_158 : i1 to i32
    %sign3A_160 = arith.constant 0 : i32
    %sign3A_161 = arith.cmpi slt, %jit3A_148, %sign3A_160 : i32
    %sign3A_162 = arith.extui %sign3A_161 : i1 to i32
    %sign3A_163 = arith.subi %sign3A_159, %sign3A_162 : i32
    %ne3A_164 = arith.cmpi ne, %sign3A_156, %sign3A_163 : i32
    %rem3A_165 = arith.remsi %add3A, %jit3A_148 : i32
    %ne3A_166 = arith.constant 0 : i32
    %ne3A_167 = arith.cmpi ne, %rem3A_165, %ne3A_166 : i32
    %and3A_168 = arith.andi %ne3A_164, %ne3A_167 : i1
    %sub3A_169 = arith.constant 1 : i32
    %sub3A_170 = arith.subi %div3A_149, %sub3A_169 : i32
    %select_n3A_171 = arith.select %and3A_168, %sub3A_170, %div3A_149 : i32
    %jit3A_172 = arith.constant 2 : i32
    %eq3A_173 = arith.constant 0 : i32
    %eq3A_174 = arith.cmpi eq, %jit3A_172, %eq3A_173 : i32
    %jit3A_175 = arith.constant 1 : i32
    %select_n3A_176 = arith.select %eq3A_174, %jit3A_175, %jit3A_172 : i32
    %rem3A_177 = arith.remsi %select_n3A_171, %select_n3A_176 : i32
    %ne3A_178 = arith.constant 0 : i32
    %ne3A_179 = arith.cmpi ne, %rem3A_177, %ne3A_178 : i32
    %lt3A_180 = arith.constant 0 : i32
    %lt3A_181 = arith.cmpi slt, %rem3A_177, %lt3A_180 : i32
    %lt3A_182 = arith.constant 0 : i32
    %lt3A_183 = arith.cmpi slt, %select_n3A_176, %lt3A_182 : i32
    %ne3A_184 = arith.xori %lt3A_181, %lt3A_183 : i1
    %and3A_185 = arith.andi %ne3A_184, %ne3A_179 : i1
    %add3A_186 = arith.addi %rem3A_177, %select_n3A_176 : i32
    %select_n3A_187 = arith.select %and3A_185, %add3A_186, %rem3A_177 : i32
    %mul3A_188 = arith.constant 2 : i32
    %mul3A_189 = arith.muli %select_n3A_187, %mul3A_188 : i32
    %add3A_190 = arith.addi %mul3A_147, %mul3A_189 : i32
    %jit3A_191 = arith.constant 16 : i32
    %div3A_192 = arith.divsi %add3A, %jit3A_191 : i32
    %sign3A_193 = arith.constant 0 : i32
    %sign3A_194 = arith.cmpi sgt, %add3A, %sign3A_193 : i32
    %sign3A_195 = arith.extui %sign3A_194 : i1 to i32
    %sign3A_196 = arith.constant 0 : i32
    %sign3A_197 = arith.cmpi slt, %add3A, %sign3A_196 : i32
    %sign3A_198 = arith.extui %sign3A_197 : i1 to i32
    %sign3A_199 = arith.subi %sign3A_195, %sign3A_198 : i32
    %sign3A_200 = arith.constant 0 : i32
    %sign3A_201 = arith.cmpi sgt, %jit3A_191, %sign3A_200 : i32
    %sign3A_202 = arith.extui %sign3A_201 : i1 to i32
    %sign3A_203 = arith.constant 0 : i32
    %sign3A_204 = arith.cmpi slt, %jit3A_191, %sign3A_203 : i32
    %sign3A_205 = arith.extui %sign3A_204 : i1 to i32
    %sign3A_206 = arith.subi %sign3A_202, %sign3A_205 : i32
    %ne3A_207 = arith.cmpi ne, %sign3A_199, %sign3A_206 : i32
    %rem3A_208 = arith.remsi %add3A, %jit3A_191 : i32
    %ne3A_209 = arith.constant 0 : i32
    %ne3A_210 = arith.cmpi ne, %rem3A_208, %ne3A_209 : i32
    %and3A_211 = arith.andi %ne3A_207, %ne3A_210 : i1
    %sub3A_212 = arith.constant 1 : i32
    %sub3A_213 = arith.subi %div3A_192, %sub3A_212 : i32
    %select_n3A_214 = arith.select %and3A_211, %sub3A_213, %div3A_192 : i32
    %add3A_215 = arith.addi %add3A_190, %select_n3A_214 : i32
    %mul3A_216 = arith.constant 51200 : i32
    %mul3A_217 = arith.muli %add3A_215, %mul3A_216 : i32
    %multiple_of3A_218 = tpu.assume_multiple %mul3A_217, 8 : i32
    "tpu.region"() ({
      %run_scoped3A = tpu.sem_alloc : memref<!tpu.dma_semaphore, #tpu.memory_space<semaphore_mem>>
      %dma_start3A_219 = tpu.memref_slice %arg5[%multiple_of3A_218] : memref<1638400xf32, #tpu.memory_space<hbm>> -> memref<50000xf32, #tpu.memory_space<hbm>>
      %dma_start3A_220 = tpu.memref_slice %arg5[%multiple_of3A_218] : memref<1638400xf32, #tpu.memory_space<hbm>> -> memref<50000xf32, #tpu.memory_space<hbm>>
      tpu.enqueue_dma source(%arg7 : memref<50000xf32, #tpu.memory_space<vmem>>) target(%dma_start3A_220 : memref<50000xf32, #tpu.memory_space<hbm>>) target_semaphore(%run_scoped3A : memref<!tpu.dma_semaphore, #tpu.memory_space<semaphore_mem>>)
      %dma_wait3A_221 = tpu.memref_slice %arg5[%multiple_of3A_218] : memref<1638400xf32, #tpu.memory_space<hbm>> -> memref<50000xf32, #tpu.memory_space<hbm>>
      %dma_wait3A_222 = tpu.memref_slice %arg5[%multiple_of3A_218] : memref<1638400xf32, #tpu.memory_space<hbm>> -> memref<50000xf32, #tpu.memory_space<hbm>>
      tpu.wait_dma2 semaphore(%run_scoped3A : memref<!tpu.dma_semaphore, #tpu.memory_space<semaphore_mem>>) src(%arg7 : memref<50000xf32, #tpu.memory_space<vmem>>) dst(%dma_wait3A_222 : memref<50000xf32, #tpu.memory_space<hbm>>)
      tpu.yield
    }) : () -> ()
    return
  }
}

#map = affine_map<(d0, d1) -> (0)>
module attributes {stable_mosaic.version = 14 : i64} {
  func.func @run(%arg0: i32, %arg1: i32, %arg2: memref<51200xf32, #tpu.memory_space<hbm>>, %arg3: memref<800000xi32, #tpu.memory_space<hbm>>, %arg4: memref<800000xi32, #tpu.memory_space<hbm>>, %arg5: memref<1638400xf32, #tpu.memory_space<hbm>>, %arg6: memref<50000xf32, #tpu.memory_space<vmem>>, %arg7: memref<50000xf32, #tpu.memory_space<vmem>>, %arg8: memref<2000xi32, #tpu.memory_space<vmem>>, %arg9: memref<2000xi32, #tpu.memory_space<vmem>>, %arg10: memref<2000xi32, #tpu.memory_space<vmem>>, %arg11: memref<2000xi32, #tpu.memory_space<vmem>>, %arg12: memref<!tpu.dma_semaphore, #tpu.memory_space<semaphore_mem>>, %arg13: memref<!tpu.dma_semaphore, #tpu.memory_space<semaphore_mem>>) attributes {dimension_semantics = [#tpu.dimension_semantics<core_parallel>, #tpu.dimension_semantics<subcore_parallel>], iteration_bounds = array<i64: 2, 16>, scalar_prefetch = 0 : i64, scratch_operands = 8 : i64, tpu.core_type = #tpu.core_type<sc_vector_subcore>, window_params = [{transform_indices = #map}, {transform_indices = #map}, {transform_indices = #map}, {transform_indices = #map}]} {
    %mul3A = arith.constant 2 : i32
    %mul3A_0 = arith.muli %arg1, %mul3A : i32
    %add3A = arith.addi %mul3A_0, %arg0 : i32
    %jit3A = arith.constant 1 : i32
    %div3A = arith.divsi %add3A, %jit3A : i32
    %sign3A = arith.constant 0 : i32
    %sign3A_1 = arith.cmpi sgt, %add3A, %sign3A : i32
    %sign3A_2 = arith.extui %sign3A_1 : i1 to i32
    %sign3A_3 = arith.constant 0 : i32
    %sign3A_4 = arith.cmpi slt, %add3A, %sign3A_3 : i32
    %sign3A_5 = arith.extui %sign3A_4 : i1 to i32
    %sign3A_6 = arith.subi %sign3A_2, %sign3A_5 : i32
    %sign3A_7 = arith.constant 0 : i32
    %sign3A_8 = arith.cmpi sgt, %jit3A, %sign3A_7 : i32
    %sign3A_9 = arith.extui %sign3A_8 : i1 to i32
    %sign3A_10 = arith.constant 0 : i32
    %sign3A_11 = arith.cmpi slt, %jit3A, %sign3A_10 : i32
    %sign3A_12 = arith.extui %sign3A_11 : i1 to i32
    %sign3A_13 = arith.subi %sign3A_9, %sign3A_12 : i32
    %ne3A = arith.cmpi ne, %sign3A_6, %sign3A_13 : i32
    %rem3A = arith.remsi %add3A, %jit3A : i32
    %ne3A_14 = arith.constant 0 : i32
    %ne3A_15 = arith.cmpi ne, %rem3A, %ne3A_14 : i32
    %and3A = arith.andi %ne3A, %ne3A_15 : i1
    %sub3A = arith.constant 1 : i32
    %sub3A_16 = arith.subi %div3A, %sub3A : i32
    %select_n3A = arith.select %and3A, %sub3A_16, %div3A : i32
    %jit3A_17 = arith.constant 2 : i32
    %eq3A = arith.constant 0 : i32
    %eq3A_18 = arith.cmpi eq, %jit3A_17, %eq3A : i32
    %jit3A_19 = arith.constant 1 : i32
    %select_n3A_20 = arith.select %eq3A_18, %jit3A_19, %jit3A_17 : i32
    %rem3A_21 = arith.remsi %select_n3A, %select_n3A_20 : i32
    %ne3A_22 = arith.constant 0 : i32
    %ne3A_23 = arith.cmpi ne, %rem3A_21, %ne3A_22 : i32
    %lt3A = arith.constant 0 : i32
    %lt3A_24 = arith.cmpi slt, %rem3A_21, %lt3A : i32
    %lt3A_25 = arith.constant 0 : i32
    %lt3A_26 = arith.cmpi slt, %select_n3A_20, %lt3A_25 : i32
    %ne3A_27 = arith.xori %lt3A_24, %lt3A_26 : i1
    %and3A_28 = arith.andi %ne3A_27, %ne3A_23 : i1
    %add3A_29 = arith.addi %rem3A_21, %select_n3A_20 : i32
    %select_n3A_30 = arith.select %and3A_28, %add3A_29, %rem3A_21 : i32
    %broadcast_in_dim3A = arith.constant 0 : i32
    %broadcast_in_dim3A_31 = vector.broadcast %broadcast_in_dim3A : i32 to vector<16xi32>
    %add3A_32 = vector.broadcast %select_n3A_30 : i32 to vector<16xi32>
    %add3A_33 = arith.addi %broadcast_in_dim3A_31, %add3A_32 : vector<16xi32>
    %eq3A_34 = arith.constant 0 : i32
    %eq3A_35 = vector.broadcast %eq3A_34 : i32 to vector<16xi32>
    %eq3A_36 = arith.cmpi eq, %add3A_33, %eq3A_35 : vector<16xi32>
    %iota3A = tpu.iota {dimensions = array<i32: 0>} : vector<16xi32>
    %sub3A_37 = arith.constant 1 : i32
    %sub3A_38 = vector.broadcast %sub3A_37 : i32 to vector<16xi32>
    %sub3A_39 = arith.subi %iota3A, %sub3A_38 : vector<16xi32>
    %max3A = arith.constant 0 : i32
    %max3A_40 = vector.broadcast %max3A : i32 to vector<16xi32>
    %max3A_41 = arith.maxsi %sub3A_39, %max3A_40 : vector<16xi32>
    %sub3A_42 = arith.constant 2 : i32
    %sub3A_43 = vector.broadcast %sub3A_42 : i32 to vector<16xi32>
    %sub3A_44 = arith.subi %iota3A, %sub3A_43 : vector<16xi32>
    %max3A_45 = arith.constant 0 : i32
    %max3A_46 = vector.broadcast %max3A_45 : i32 to vector<16xi32>
    %max3A_47 = arith.maxsi %sub3A_44, %max3A_46 : vector<16xi32>
    %sub3A_48 = arith.constant 4 : i32
    %sub3A_49 = vector.broadcast %sub3A_48 : i32 to vector<16xi32>
    %sub3A_50 = arith.subi %iota3A, %sub3A_49 : vector<16xi32>
    %max3A_51 = arith.constant 0 : i32
    %max3A_52 = vector.broadcast %max3A_51 : i32 to vector<16xi32>
    %max3A_53 = arith.maxsi %sub3A_50, %max3A_52 : vector<16xi32>
    %sub3A_54 = arith.constant 8 : i32
    %sub3A_55 = vector.broadcast %sub3A_54 : i32 to vector<16xi32>
    %sub3A_56 = arith.subi %iota3A, %sub3A_55 : vector<16xi32>
    %max3A_57 = arith.constant 0 : i32
    %max3A_58 = vector.broadcast %max3A_57 : i32 to vector<16xi32>
    %max3A_59 = arith.maxsi %sub3A_56, %max3A_58 : vector<16xi32>
    %add3A_60 = arith.constant 1 : i32
    %add3A_61 = vector.broadcast %add3A_60 : i32 to vector<16xi32>
    %add3A_62 = arith.addi %iota3A, %add3A_61 : vector<16xi32>
    %min3A = arith.constant 15 : i32
    %min3A_63 = vector.broadcast %min3A : i32 to vector<16xi32>
    %min3A_64 = arith.minsi %add3A_62, %min3A_63 : vector<16xi32>
    %eq3A_65 = arith.constant 15 : i32
    %eq3A_66 = vector.broadcast %eq3A_65 : i32 to vector<16xi32>
    %eq3A_67 = arith.cmpi eq, %iota3A, %eq3A_66 : vector<16xi32>
    %multiple_of3A = arith.constant 0 : i32
    %multiple_of3A_68 = tpu.assume_multiple %multiple_of3A, 8 : i32
    "tpu.region"() ({
      %run_scoped3A = tpu.sem_alloc : memref<!tpu.dma_semaphore, #tpu.memory_space<semaphore_mem>>
      %dma_start3A_178 = tpu.memref_slice %arg2[%multiple_of3A_68] : memref<51200xf32, #tpu.memory_space<hbm>> -> memref<50000xf32, #tpu.memory_space<hbm>>
      %dma_start3A_179 = tpu.memref_slice %arg2[%multiple_of3A_68] : memref<51200xf32, #tpu.memory_space<hbm>> -> memref<50000xf32, #tpu.memory_space<hbm>>
      tpu.enqueue_dma source(%dma_start3A_179 : memref<50000xf32, #tpu.memory_space<hbm>>) target(%arg6 : memref<50000xf32, #tpu.memory_space<vmem>>) target_semaphore(%run_scoped3A : memref<!tpu.dma_semaphore, #tpu.memory_space<semaphore_mem>>)
      %dma_wait3A_180 = tpu.memref_slice %arg2[%multiple_of3A_68] : memref<51200xf32, #tpu.memory_space<hbm>> -> memref<50000xf32, #tpu.memory_space<hbm>>
      %dma_wait3A_181 = tpu.memref_slice %arg2[%multiple_of3A_68] : memref<51200xf32, #tpu.memory_space<hbm>> -> memref<50000xf32, #tpu.memory_space<hbm>>
      tpu.wait_dma2 semaphore(%run_scoped3A : memref<!tpu.dma_semaphore, #tpu.memory_space<semaphore_mem>>) src(%dma_wait3A_181 : memref<50000xf32, #tpu.memory_space<hbm>>) dst(%arg6 : memref<50000xf32, #tpu.memory_space<vmem>>)
      tpu.yield
    }) : () -> ()
    "tpu.region"() ({
      %run_scoped3A = tpu.sem_alloc : memref<!tpu.dma_semaphore, #tpu.memory_space<semaphore_mem>>
      %dma_start3A_178 = tpu.memref_slice %arg2[%multiple_of3A_68] : memref<51200xf32, #tpu.memory_space<hbm>> -> memref<50000xf32, #tpu.memory_space<hbm>>
      %dma_start3A_179 = tpu.memref_slice %arg2[%multiple_of3A_68] : memref<51200xf32, #tpu.memory_space<hbm>> -> memref<50000xf32, #tpu.memory_space<hbm>>
      tpu.enqueue_dma source(%dma_start3A_179 : memref<50000xf32, #tpu.memory_space<hbm>>) target(%arg7 : memref<50000xf32, #tpu.memory_space<vmem>>) target_semaphore(%run_scoped3A : memref<!tpu.dma_semaphore, #tpu.memory_space<semaphore_mem>>)
      %dma_wait3A_180 = tpu.memref_slice %arg2[%multiple_of3A_68] : memref<51200xf32, #tpu.memory_space<hbm>> -> memref<50000xf32, #tpu.memory_space<hbm>>
      %dma_wait3A_181 = tpu.memref_slice %arg2[%multiple_of3A_68] : memref<51200xf32, #tpu.memory_space<hbm>> -> memref<50000xf32, #tpu.memory_space<hbm>>
      tpu.wait_dma2 semaphore(%run_scoped3A : memref<!tpu.dma_semaphore, #tpu.memory_space<semaphore_mem>>) src(%dma_wait3A_181 : memref<50000xf32, #tpu.memory_space<hbm>>) dst(%arg7 : memref<50000xf32, #tpu.memory_space<vmem>>)
      tpu.yield
    }) : () -> ()
    %jit3A_69 = arith.constant 2 : i32
    %div3A_70 = arith.divsi %add3A, %jit3A_69 : i32
    %sign3A_71 = arith.constant 0 : i32
    %sign3A_72 = arith.cmpi sgt, %add3A, %sign3A_71 : i32
    %sign3A_73 = arith.extui %sign3A_72 : i1 to i32
    %sign3A_74 = arith.constant 0 : i32
    %sign3A_75 = arith.cmpi slt, %add3A, %sign3A_74 : i32
    %sign3A_76 = arith.extui %sign3A_75 : i1 to i32
    %sign3A_77 = arith.subi %sign3A_73, %sign3A_76 : i32
    %sign3A_78 = arith.constant 0 : i32
    %sign3A_79 = arith.cmpi sgt, %jit3A_69, %sign3A_78 : i32
    %sign3A_80 = arith.extui %sign3A_79 : i1 to i32
    %sign3A_81 = arith.constant 0 : i32
    %sign3A_82 = arith.cmpi slt, %jit3A_69, %sign3A_81 : i32
    %sign3A_83 = arith.extui %sign3A_82 : i1 to i32
    %sign3A_84 = arith.subi %sign3A_80, %sign3A_83 : i32
    %ne3A_85 = arith.cmpi ne, %sign3A_77, %sign3A_84 : i32
    %rem3A_86 = arith.remsi %add3A, %jit3A_69 : i32
    %ne3A_87 = arith.constant 0 : i32
    %ne3A_88 = arith.cmpi ne, %rem3A_86, %ne3A_87 : i32
    %and3A_89 = arith.andi %ne3A_85, %ne3A_88 : i1
    %sub3A_90 = arith.constant 1 : i32
    %sub3A_91 = arith.subi %div3A_70, %sub3A_90 : i32
    %select_n3A_92 = arith.select %and3A_89, %sub3A_91, %div3A_70 : i32
    %mul3A_93 = arith.constant 50000 : i32
    %mul3A_94 = arith.muli %select_n3A_92, %mul3A_93 : i32
    %add3A_95 = arith.constant 0 : i32
    %add3A_96 = arith.addi %mul3A_94, %add3A_95 : i32
    %multiple_of3A_97 = tpu.assume_multiple %add3A_96, 8 : i32
    %dma_start3A = tpu.memref_slice %arg3[%multiple_of3A_97] : memref<800000xi32, #tpu.memory_space<hbm>> -> memref<2000xi32, #tpu.memory_space<hbm>>
    %dma_start3A_98 = tpu.memref_slice %arg3[%multiple_of3A_97] : memref<800000xi32, #tpu.memory_space<hbm>> -> memref<2000xi32, #tpu.memory_space<hbm>>
    tpu.enqueue_dma source(%dma_start3A_98 : memref<2000xi32, #tpu.memory_space<hbm>>) target(%arg8 : memref<2000xi32, #tpu.memory_space<vmem>>) target_semaphore(%arg12 : memref<!tpu.dma_semaphore, #tpu.memory_space<semaphore_mem>>)
    %dma_start3A_99 = tpu.memref_slice %arg4[%multiple_of3A_97] : memref<800000xi32, #tpu.memory_space<hbm>> -> memref<2000xi32, #tpu.memory_space<hbm>>
    %dma_start3A_100 = tpu.memref_slice %arg4[%multiple_of3A_97] : memref<800000xi32, #tpu.memory_space<hbm>> -> memref<2000xi32, #tpu.memory_space<hbm>>
    tpu.enqueue_dma source(%dma_start3A_100 : memref<2000xi32, #tpu.memory_space<hbm>>) target(%arg9 : memref<2000xi32, #tpu.memory_space<vmem>>) target_semaphore(%arg12 : memref<!tpu.dma_semaphore, #tpu.memory_space<semaphore_mem>>)
    %scan3A = arith.constant 0 : i32
    %scan3A_101 = arith.constant 0 : i32
    %scan3A_102 = arith.constant 12 : i32
    %scan3A_103 = arith.addi %scan3A_101, %scan3A_102 : i32
    %scan3A_104 = arith.constant 1 : i32
    scf.for %scan3A_178 = %scan3A_101 to %scan3A_103 step %scan3A_104  : i32 {
      %mul3A_179 = arith.constant 2 : i32
      %mul3A_180 = arith.muli %mul3A_179, %scan3A_178 : i32
      %add3A_181 = arith.constant 1 : i32
      %add3A_182 = arith.addi %mul3A_180, %add3A_181 : i32
      %mul3A_183 = arith.constant 2000 : i32
      %mul3A_184 = arith.muli %add3A_182, %mul3A_183 : i32
      %add3A_185 = arith.addi %mul3A_94, %mul3A_184 : i32
      %multiple_of3A_186 = tpu.assume_multiple %add3A_185, 8 : i32
      %dma_start3A_187 = tpu.memref_slice %arg3[%multiple_of3A_186] : memref<800000xi32, #tpu.memory_space<hbm>> -> memref<2000xi32, #tpu.memory_space<hbm>>
      %dma_start3A_188 = tpu.memref_slice %arg3[%multiple_of3A_186] : memref<800000xi32, #tpu.memory_space<hbm>> -> memref<2000xi32, #tpu.memory_space<hbm>>
      tpu.enqueue_dma source(%dma_start3A_188 : memref<2000xi32, #tpu.memory_space<hbm>>) target(%arg10 : memref<2000xi32, #tpu.memory_space<vmem>>) target_semaphore(%arg13 : memref<!tpu.dma_semaphore, #tpu.memory_space<semaphore_mem>>)
      %dma_start3A_189 = tpu.memref_slice %arg4[%multiple_of3A_186] : memref<800000xi32, #tpu.memory_space<hbm>> -> memref<2000xi32, #tpu.memory_space<hbm>>
      %dma_start3A_190 = tpu.memref_slice %arg4[%multiple_of3A_186] : memref<800000xi32, #tpu.memory_space<hbm>> -> memref<2000xi32, #tpu.memory_space<hbm>>
      tpu.enqueue_dma source(%dma_start3A_190 : memref<2000xi32, #tpu.memory_space<hbm>>) target(%arg11 : memref<2000xi32, #tpu.memory_space<vmem>>) target_semaphore(%arg13 : memref<!tpu.dma_semaphore, #tpu.memory_space<semaphore_mem>>)
      %dma_wait3A_191 = arith.constant 0 : i32
      %dma_wait3A_192 = tpu.memref_slice %arg3[%dma_wait3A_191] : memref<800000xi32, #tpu.memory_space<hbm>> -> memref<2000xi32, #tpu.memory_space<hbm>>
      %dma_wait3A_193 = arith.constant 0 : i32
      %dma_wait3A_194 = tpu.memref_slice %arg3[%dma_wait3A_193] : memref<800000xi32, #tpu.memory_space<hbm>> -> memref<2000xi32, #tpu.memory_space<hbm>>
      tpu.wait_dma2 semaphore(%arg12 : memref<!tpu.dma_semaphore, #tpu.memory_space<semaphore_mem>>) src(%dma_wait3A_194 : memref<2000xi32, #tpu.memory_space<hbm>>) dst(%arg8 : memref<2000xi32, #tpu.memory_space<vmem>>)
      %dma_wait3A_195 = arith.constant 0 : i32
      %dma_wait3A_196 = tpu.memref_slice %arg4[%dma_wait3A_195] : memref<800000xi32, #tpu.memory_space<hbm>> -> memref<2000xi32, #tpu.memory_space<hbm>>
      %dma_wait3A_197 = arith.constant 0 : i32
      %dma_wait3A_198 = tpu.memref_slice %arg4[%dma_wait3A_197] : memref<800000xi32, #tpu.memory_space<hbm>> -> memref<2000xi32, #tpu.memory_space<hbm>>
      tpu.wait_dma2 semaphore(%arg12 : memref<!tpu.dma_semaphore, #tpu.memory_space<semaphore_mem>>) src(%dma_wait3A_198 : memref<2000xi32, #tpu.memory_space<hbm>>) dst(%arg9 : memref<2000xi32, #tpu.memory_space<vmem>>)
      %broadcast_in_dim3A_199 = arith.constant false
      %broadcast_in_dim3A_200 = vector.broadcast %broadcast_in_dim3A_199 : i1 to vector<16xi1>
      %scan3A_201 = arith.constant 0 : i32
      %scan3A_202 = arith.constant 25 : i32
      %scan3A_203 = arith.addi %scan3A_201, %scan3A_202 : i32
      %scan3A_204 = arith.constant 1 : i32
      %scan3A_205 = scf.for %scan3A_265 = %scan3A_201 to %scan3A_203 step %scan3A_204 iter_args(%scan3A_266 = %broadcast_in_dim3A_200) -> (vector<16xi1>)  : i32 {
        %mul3A_267 = arith.constant 5 : i32
        %mul3A_268 = arith.muli %scan3A_265, %mul3A_267 : i32
        %add3A_269 = arith.constant 0 : i32
        %add3A_270 = arith.addi %mul3A_268, %add3A_269 : i32
        %mul3A_271 = arith.constant 16 : i32
        %mul3A_272 = arith.muli %add3A_270, %mul3A_271 : i32
        %get3A = arith.index_cast %mul3A_272 : i32 to index
        %get3A_273 = tpu.vector_load %arg9[%get3A] {strides = array<i32>} : memref<2000xi32, #tpu.memory_space<vmem>>, vector<16xi32>,
        %add3A_274 = arith.constant 1 : i32
        %add3A_275 = arith.addi %mul3A_268, %add3A_274 : i32
        %mul3A_276 = arith.constant 16 : i32
        %mul3A_277 = arith.muli %add3A_275, %mul3A_276 : i32
        %get3A_278 = arith.index_cast %mul3A_277 : i32 to index
        %get3A_279 = tpu.vector_load %arg9[%get3A_278] {strides = array<i32>} : memref<2000xi32, #tpu.memory_space<vmem>>, vector<16xi32>,
        %add3A_280 = arith.constant 2 : i32
        %add3A_281 = arith.addi %mul3A_268, %add3A_280 : i32
        %mul3A_282 = arith.constant 16 : i32
        %mul3A_283 = arith.muli %add3A_281, %mul3A_282 : i32
        %get3A_284 = arith.index_cast %mul3A_283 : i32 to index
        %get3A_285 = tpu.vector_load %arg9[%get3A_284] {strides = array<i32>} : memref<2000xi32, #tpu.memory_space<vmem>>, vector<16xi32>,
        %add3A_286 = arith.constant 3 : i32
        %add3A_287 = arith.addi %mul3A_268, %add3A_286 : i32
        %mul3A_288 = arith.constant 16 : i32
        %mul3A_289 = arith.muli %add3A_287, %mul3A_288 : i32
        %get3A_290 = arith.index_cast %mul3A_289 : i32 to index
        %get3A_291 = tpu.vector_load %arg9[%get3A_290] {strides = array<i32>} : memref<2000xi32, #tpu.memory_space<vmem>>, vector<16xi32>,
        %add3A_292 = arith.constant 4 : i32
        %add3A_293 = arith.addi %mul3A_268, %add3A_292 : i32
        %mul3A_294 = arith.constant 16 : i32
        %mul3A_295 = arith.muli %add3A_293, %mul3A_294 : i32
        %get3A_296 = arith.index_cast %mul3A_295 : i32 to index
        %get3A_297 = tpu.vector_load %arg9[%get3A_296] {strides = array<i32>} : memref<2000xi32, #tpu.memory_space<vmem>>, vector<16xi32>,
        %add3A_298 = arith.constant 0 : i32
        %add3A_299 = arith.addi %mul3A_268, %add3A_298 : i32
        %mul3A_300 = arith.constant 16 : i32
        %mul3A_301 = arith.muli %add3A_299, %mul3A_300 : i32
        %get3A_302 = arith.index_cast %mul3A_301 : i32 to index
        %get3A_303 = tpu.vector_load %arg8[%get3A_302] {strides = array<i32>} : memref<2000xi32, #tpu.memory_space<vmem>>, vector<16xi32>,
        %add3A_304 = arith.constant 1 : i32
        %add3A_305 = arith.addi %mul3A_268, %add3A_304 : i32
        %mul3A_306 = arith.constant 16 : i32
        %mul3A_307 = arith.muli %add3A_305, %mul3A_306 : i32
        %get3A_308 = arith.index_cast %mul3A_307 : i32 to index
        %get3A_309 = tpu.vector_load %arg8[%get3A_308] {strides = array<i32>} : memref<2000xi32, #tpu.memory_space<vmem>>, vector<16xi32>,
        %add3A_310 = arith.constant 2 : i32
        %add3A_311 = arith.addi %mul3A_268, %add3A_310 : i32
        %mul3A_312 = arith.constant 16 : i32
        %mul3A_313 = arith.muli %add3A_311, %mul3A_312 : i32
        %get3A_314 = arith.index_cast %mul3A_313 : i32 to index
        %get3A_315 = tpu.vector_load %arg8[%get3A_314] {strides = array<i32>} : memref<2000xi32, #tpu.memory_space<vmem>>, vector<16xi32>,
        %add3A_316 = arith.constant 3 : i32
        %add3A_317 = arith.addi %mul3A_268, %add3A_316 : i32
        %mul3A_318 = arith.constant 16 : i32
        %mul3A_319 = arith.muli %add3A_317, %mul3A_318 : i32
        %get3A_320 = arith.index_cast %mul3A_319 : i32 to index
        %get3A_321 = tpu.vector_load %arg8[%get3A_320] {strides = array<i32>} : memref<2000xi32, #tpu.memory_space<vmem>>, vector<16xi32>,
        %add3A_322 = arith.constant 4 : i32
        %add3A_323 = arith.addi %mul3A_268, %add3A_322 : i32
        %mul3A_324 = arith.constant 16 : i32
        %mul3A_325 = arith.muli %add3A_323, %mul3A_324 : i32
        %get3A_326 = arith.index_cast %mul3A_325 : i32 to index
        %get3A_327 = tpu.vector_load %arg8[%get3A_326] {strides = array<i32>} : memref<2000xi32, #tpu.memory_space<vmem>>, vector<16xi32>,
        %gather3A = tpu.vector_load_idx %arg6[%get3A_303] : memref<50000xf32, #tpu.memory_space<vmem>>[vector<16xi32>], vector<16xf32>,
        %gather3A_328 = tpu.vector_load_idx %arg6[%get3A_309] : memref<50000xf32, #tpu.memory_space<vmem>>[vector<16xi32>], vector<16xf32>,
        %gather3A_329 = tpu.vector_load_idx %arg6[%get3A_315] : memref<50000xf32, #tpu.memory_space<vmem>>[vector<16xi32>], vector<16xf32>,
        %gather3A_330 = tpu.vector_load_idx %arg6[%get3A_321] : memref<50000xf32, #tpu.memory_space<vmem>>[vector<16xi32>], vector<16xf32>,
        %gather3A_331 = tpu.vector_load_idx %arg6[%get3A_327] : memref<50000xf32, #tpu.memory_space<vmem>>[vector<16xi32>], vector<16xf32>,
        %gather3A_332 = tpu.vector_load_idx %arg7[%get3A_273] : memref<50000xf32, #tpu.memory_space<vmem>>[vector<16xi32>], vector<16xf32>,
        %gather3A_333 = tpu.vector_load_idx %arg7[%get3A_279] : memref<50000xf32, #tpu.memory_space<vmem>>[vector<16xi32>], vector<16xf32>,
        %gather3A_334 = tpu.vector_load_idx %arg7[%get3A_285] : memref<50000xf32, #tpu.memory_space<vmem>>[vector<16xi32>], vector<16xf32>,
        %gather3A_335 = tpu.vector_load_idx %arg7[%get3A_291] : memref<50000xf32, #tpu.memory_space<vmem>>[vector<16xi32>], vector<16xf32>,
        %gather3A_336 = tpu.vector_load_idx %arg7[%get3A_297] : memref<50000xf32, #tpu.memory_space<vmem>>[vector<16xi32>], vector<16xf32>,
        %min3A_337 = arith.minimumf %gather3A_332, %gather3A : vector<16xf32>
        %max3A_338 = arith.maximumf %gather3A_332, %gather3A : vector<16xf32>
        %select_n3A_339 = arith.select %eq3A_36, %min3A_337, %max3A_338 : vector<16xi1>, vector<16xf32>
        tpu.vector_store_idx %arg7[%get3A_273], %select_n3A_339 : memref<50000xf32, #tpu.memory_space<vmem>>[vector<16xi32>], vector<16xf32>,
        %min3A_340 = arith.minimumf %gather3A_333, %gather3A_328 : vector<16xf32>
        %max3A_341 = arith.maximumf %gather3A_333, %gather3A_328 : vector<16xf32>
        %select_n3A_342 = arith.select %eq3A_36, %min3A_340, %max3A_341 : vector<16xi1>, vector<16xf32>
        tpu.vector_store_idx %arg7[%get3A_279], %select_n3A_342 : memref<50000xf32, #tpu.memory_space<vmem>>[vector<16xi32>], vector<16xf32>,
        %min3A_343 = arith.minimumf %gather3A_334, %gather3A_329 : vector<16xf32>
        %max3A_344 = arith.maximumf %gather3A_334, %gather3A_329 : vector<16xf32>
        %select_n3A_345 = arith.select %eq3A_36, %min3A_343, %max3A_344 : vector<16xi1>, vector<16xf32>
        tpu.vector_store_idx %arg7[%get3A_285], %select_n3A_345 : memref<50000xf32, #tpu.memory_space<vmem>>[vector<16xi32>], vector<16xf32>,
        %min3A_346 = arith.minimumf %gather3A_335, %gather3A_330 : vector<16xf32>
        %max3A_347 = arith.maximumf %gather3A_335, %gather3A_330 : vector<16xf32>
        %select_n3A_348 = arith.select %eq3A_36, %min3A_346, %max3A_347 : vector<16xi1>, vector<16xf32>
        tpu.vector_store_idx %arg7[%get3A_291], %select_n3A_348 : memref<50000xf32, #tpu.memory_space<vmem>>[vector<16xi32>], vector<16xf32>,
        %min3A_349 = arith.minimumf %gather3A_336, %gather3A_331 : vector<16xf32>
        %max3A_350 = arith.maximumf %gather3A_336, %gather3A_331 : vector<16xf32>
        %select_n3A_351 = arith.select %eq3A_36, %min3A_349, %max3A_350 : vector<16xi1>, vector<16xf32>
        tpu.vector_store_idx %arg7[%get3A_297], %select_n3A_351 : memref<50000xf32, #tpu.memory_space<vmem>>[vector<16xi32>], vector<16xf32>,
        %gather3A_352 = tpu.vector_load_idx %arg7[%get3A_273] : memref<50000xf32, #tpu.memory_space<vmem>>[vector<16xi32>], vector<16xf32>,
        %gather3A_353 = tpu.vector_load_idx %arg7[%get3A_279] : memref<50000xf32, #tpu.memory_space<vmem>>[vector<16xi32>], vector<16xf32>,
        %gather3A_354 = tpu.vector_load_idx %arg7[%get3A_285] : memref<50000xf32, #tpu.memory_space<vmem>>[vector<16xi32>], vector<16xf32>,
        %gather3A_355 = tpu.vector_load_idx %arg7[%get3A_291] : memref<50000xf32, #tpu.memory_space<vmem>>[vector<16xi32>], vector<16xf32>,
        %gather3A_356 = tpu.vector_load_idx %arg7[%get3A_297] : memref<50000xf32, #tpu.memory_space<vmem>>[vector<16xi32>], vector<16xf32>,
        %gt3A = arith.cmpf ogt, %gather3A_352, %gather3A : vector<16xf32>
        %lt3A_357 = arith.cmpf olt, %gather3A_352, %gather3A : vector<16xf32>
        %select_n3A_358 = arith.select %eq3A_36, %gt3A, %lt3A_357 : vector<16xi1>, vector<16xi1>
        %gt3A_359 = arith.cmpf ogt, %gather3A_353, %gather3A_328 : vector<16xf32>
        %lt3A_360 = arith.cmpf olt, %gather3A_353, %gather3A_328 : vector<16xf32>
        %select_n3A_361 = arith.select %eq3A_36, %gt3A_359, %lt3A_360 : vector<16xi1>, vector<16xi1>
        %gt3A_362 = arith.cmpf ogt, %gather3A_354, %gather3A_329 : vector<16xf32>
        %lt3A_363 = arith.cmpf olt, %gather3A_354, %gather3A_329 : vector<16xf32>
        %select_n3A_364 = arith.select %eq3A_36, %gt3A_362, %lt3A_363 : vector<16xi1>, vector<16xi1>
        %gt3A_365 = arith.cmpf ogt, %gather3A_355, %gather3A_330 : vector<16xf32>
        %lt3A_366 = arith.cmpf olt, %gather3A_355, %gather3A_330 : vector<16xf32>
        %select_n3A_367 = arith.select %eq3A_36, %gt3A_365, %lt3A_366 : vector<16xi1>, vector<16xi1>
        %gt3A_368 = arith.cmpf ogt, %gather3A_356, %gather3A_331 : vector<16xf32>
        %lt3A_369 = arith.cmpf olt, %gather3A_356, %gather3A_331 : vector<16xf32>
        %select_n3A_370 = arith.select %eq3A_36, %gt3A_368, %lt3A_369 : vector<16xi1>, vector<16xi1>
        tpu.vector_store_idx %arg7[%get3A_273], %gather3A masked %select_n3A_358 : memref<50000xf32, #tpu.memory_space<vmem>>[vector<16xi32>], vector<16xf32>, vector<16xi1>
        tpu.vector_store_idx %arg7[%get3A_279], %gather3A_328 masked %select_n3A_361 : memref<50000xf32, #tpu.memory_space<vmem>>[vector<16xi32>], vector<16xf32>, vector<16xi1>
        tpu.vector_store_idx %arg7[%get3A_285], %gather3A_329 masked %select_n3A_364 : memref<50000xf32, #tpu.memory_space<vmem>>[vector<16xi32>], vector<16xf32>, vector<16xi1>
        tpu.vector_store_idx %arg7[%get3A_291], %gather3A_330 masked %select_n3A_367 : memref<50000xf32, #tpu.memory_space<vmem>>[vector<16xi32>], vector<16xf32>, vector<16xi1>
        tpu.vector_store_idx %arg7[%get3A_297], %gather3A_331 masked %select_n3A_370 : memref<50000xf32, #tpu.memory_space<vmem>>[vector<16xi32>], vector<16xf32>, vector<16xi1>
        %gather3A_371 = tpu.vector_load_idx %arg7[%get3A_273] : memref<50000xf32, #tpu.memory_space<vmem>>[vector<16xi32>], vector<16xf32>,
        %gather3A_372 = tpu.vector_load_idx %arg7[%get3A_279] : memref<50000xf32, #tpu.memory_space<vmem>>[vector<16xi32>], vector<16xf32>,
        %gather3A_373 = tpu.vector_load_idx %arg7[%get3A_285] : memref<50000xf32, #tpu.memory_space<vmem>>[vector<16xi32>], vector<16xf32>,
        %gather3A_374 = tpu.vector_load_idx %arg7[%get3A_291] : memref<50000xf32, #tpu.memory_space<vmem>>[vector<16xi32>], vector<16xf32>,
        %gather3A_375 = tpu.vector_load_idx %arg7[%get3A_297] : memref<50000xf32, #tpu.memory_space<vmem>>[vector<16xi32>], vector<16xf32>,
        %gt3A_376 = arith.cmpf ogt, %gather3A_371, %gather3A : vector<16xf32>
        %lt3A_377 = arith.cmpf olt, %gather3A_371, %gather3A : vector<16xf32>
        %select_n3A_378 = arith.select %eq3A_36, %gt3A_376, %lt3A_377 : vector<16xi1>, vector<16xi1>
        %or3A = arith.ori %scan3A_266, %select_n3A_378 : vector<16xi1>
        %gt3A_379 = arith.cmpf ogt, %gather3A_372, %gather3A_328 : vector<16xf32>
        %lt3A_380 = arith.cmpf olt, %gather3A_372, %gather3A_328 : vector<16xf32>
        %select_n3A_381 = arith.select %eq3A_36, %gt3A_379, %lt3A_380 : vector<16xi1>, vector<16xi1>
        %or3A_382 = arith.ori %or3A, %select_n3A_381 : vector<16xi1>
        %gt3A_383 = arith.cmpf ogt, %gather3A_373, %gather3A_329 : vector<16xf32>
        %lt3A_384 = arith.cmpf olt, %gather3A_373, %gather3A_329 : vector<16xf32>
        %select_n3A_385 = arith.select %eq3A_36, %gt3A_383, %lt3A_384 : vector<16xi1>, vector<16xi1>
        %or3A_386 = arith.ori %or3A_382, %select_n3A_385 : vector<16xi1>
        %gt3A_387 = arith.cmpf ogt, %gather3A_374, %gather3A_330 : vector<16xf32>
        %lt3A_388 = arith.cmpf olt, %gather3A_374, %gather3A_330 : vector<16xf32>
        %select_n3A_389 = arith.select %eq3A_36, %gt3A_387, %lt3A_388 : vector<16xi1>, vector<16xi1>
        %or3A_390 = arith.ori %or3A_386, %select_n3A_389 : vector<16xi1>
        %gt3A_391 = arith.cmpf ogt, %gather3A_375, %gather3A_331 : vector<16xf32>
        %lt3A_392 = arith.cmpf olt, %gather3A_375, %gather3A_331 : vector<16xf32>
        %select_n3A_393 = arith.select %eq3A_36, %gt3A_391, %lt3A_392 : vector<16xi1>, vector<16xi1>
        %or3A_394 = arith.ori %or3A_390, %select_n3A_393 : vector<16xi1>
        scf.yield %or3A_394 : vector<16xi1>
      }
      %scan3A_206 = arith.constant 25 : i32
      %reduce_or3A_207 = arith.constant 1.000000e+00 : f32
      %reduce_or3A_208 = arith.constant 0.000000e+00 : f32
      %reduce_or3A_209 = vector.broadcast %reduce_or3A_207 : f32 to vector<16xf32>
      %reduce_or3A_210 = vector.broadcast %reduce_or3A_208 : f32 to vector<16xf32>
      %reduce_or3A_211 = arith.select %scan3A_205, %reduce_or3A_209, %reduce_or3A_210 : vector<16xi1>, vector<16xf32>
      %reduce_or3A_212 = arith.constant true
      %reduce_or3A_213 = vector.broadcast %reduce_or3A_212 : i1 to vector<16xi1>
      %reduce_or3A_214 = tpu.scan <max>, %reduce_or3A_211 masked %reduce_or3A_213 : vector<16xf32>, vector<16xi1> -> vector<16xf32>
      %reduce_or3A_215 = vector.extract %reduce_or3A_214[15] : f32 from vector<16xf32>
      %reduce_or3A_216 = arith.constant 0.000000e+00 : f32
      %reduce_or3A_217 = arith.cmpf ogt, %reduce_or3A_215, %reduce_or3A_216 : f32
      %convert_element_type3A_218 = arith.extui %reduce_or3A_217 : i1 to i32
      %cond3A_219 = arith.constant 0 : i32
      %cond3A_220 = arith.cmpi ne, %convert_element_type3A_218, %cond3A_219 : i32
      scf.if %cond3A_220 {
        %scan3A_265 = arith.constant 0 : i32
        %scan3A_266 = arith.constant 0 : i32
        %scan3A_267 = arith.constant 125 : i32
        %scan3A_268 = arith.addi %scan3A_266, %scan3A_267 : i32
        %scan3A_269 = arith.constant 1 : i32
        scf.for %scan3A_271 = %scan3A_266 to %scan3A_268 step %scan3A_269  : i32 {
          %mul3A_272 = arith.constant 16 : i32
          %mul3A_273 = arith.muli %scan3A_271, %mul3A_272 : i32
          %get3A = arith.index_cast %mul3A_273 : i32 to index
          %get3A_274 = tpu.vector_load %arg8[%get3A] {strides = array<i32>} : memref<2000xi32, #tpu.memory_space<vmem>>, vector<16xi32>,
          %mul3A_275 = arith.constant 16 : i32
          %mul3A_276 = arith.muli %scan3A_271, %mul3A_275 : i32
          %get3A_277 = arith.index_cast %mul3A_276 : i32 to index
          %get3A_278 = tpu.vector_load %arg9[%get3A_277] {strides = array<i32>} : memref<2000xi32, #tpu.memory_space<vmem>>, vector<16xi32>,
          %gather3A = tpu.vector_load_idx %arg6[%get3A_274] : memref<50000xf32, #tpu.memory_space<vmem>>[vector<16xi32>], vector<16xf32>,
          %masked_sort3A = arith.constant dense<true> : vector<16xi1>
          %masked_sort3A_279 = arith.constant -2147483648 : i32
          %masked_sort3A_280 = vector.broadcast %masked_sort3A_279 : i32 to vector<16xi32>
          %masked_sort3A_281 = arith.xori %get3A_278, %masked_sort3A_280 : vector<16xi32>
          %masked_sort3A_282, %masked_sort3A_283, %masked_sort3A_284 = tpu.sort %masked_sort3A_281, %gather3A masked %masked_sort3A : (vector<16xi32>, vector<16xf32>, vector<16xi1>) -> (vector<16xi1>, vector<16xi32>, vector<16xf32>)
          %masked_sort3A_285 = arith.xori %masked_sort3A_283, %masked_sort3A_280 : vector<16xi32>
          %broadcast_in_dim3A_286 = vector.shape_cast %max3A_41 : vector<16xi32> to vector<16x1xi32>
          %gather3A_287 = vector.shape_cast %broadcast_in_dim3A_286 : vector<16x1xi32> to vector<16xi32>
          %gather3A_288 = tpu.dynamic_gather %masked_sort3A_285[%gather3A_287] in [0] : vector<16xi32>, vector<16xi32> -> vector<16xi32>
          %broadcast_in_dim3A_289 = vector.shape_cast %max3A_41 : vector<16xi32> to vector<16x1xi32>
          %gather3A_290 = vector.shape_cast %broadcast_in_dim3A_289 : vector<16x1xi32> to vector<16xi32>
          %gather3A_291 = tpu.dynamic_gather %masked_sort3A_284[%gather3A_290] in [0] : vector<16xf32>, vector<16xi32> -> vector<16xf32>
          %eq3A_292 = arith.cmpi eq, %gather3A_288, %masked_sort3A_285 : vector<16xi32>
          %ge3A = arith.constant 1 : i32
          %ge3A_293 = vector.broadcast %ge3A : i32 to vector<16xi32>
          %ge3A_294 = arith.cmpi sge, %iota3A, %ge3A_293 : vector<16xi32>
          %and3A_295 = arith.andi %eq3A_292, %ge3A_294 : vector<16xi1>
          %min3A_296 = arith.minimumf %masked_sort3A_284, %gather3A_291 : vector<16xf32>
          %max3A_297 = arith.maximumf %masked_sort3A_284, %gather3A_291 : vector<16xf32>
          %select_n3A_298 = arith.select %eq3A_36, %min3A_296, %max3A_297 : vector<16xi1>, vector<16xf32>
          %select_n3A_299 = arith.select %and3A_295, %select_n3A_298, %masked_sort3A_284 : vector<16xi1>, vector<16xf32>
          %broadcast_in_dim3A_300 = vector.shape_cast %max3A_47 : vector<16xi32> to vector<16x1xi32>
          %gather3A_301 = vector.shape_cast %broadcast_in_dim3A_300 : vector<16x1xi32> to vector<16xi32>
          %gather3A_302 = tpu.dynamic_gather %masked_sort3A_285[%gather3A_301] in [0] : vector<16xi32>, vector<16xi32> -> vector<16xi32>
          %broadcast_in_dim3A_303 = vector.shape_cast %max3A_47 : vector<16xi32> to vector<16x1xi32>
          %gather3A_304 = vector.shape_cast %broadcast_in_dim3A_303 : vector<16x1xi32> to vector<16xi32>
          %gather3A_305 = tpu.dynamic_gather %select_n3A_299[%gather3A_304] in [0] : vector<16xf32>, vector<16xi32> -> vector<16xf32>
          %eq3A_306 = arith.cmpi eq, %gather3A_302, %masked_sort3A_285 : vector<16xi32>
          %ge3A_307 = arith.constant 2 : i32
          %ge3A_308 = vector.broadcast %ge3A_307 : i32 to vector<16xi32>
          %ge3A_309 = arith.cmpi sge, %iota3A, %ge3A_308 : vector<16xi32>
          %and3A_310 = arith.andi %eq3A_306, %ge3A_309 : vector<16xi1>
          %min3A_311 = arith.minimumf %select_n3A_299, %gather3A_305 : vector<16xf32>
          %max3A_312 = arith.maximumf %select_n3A_299, %gather3A_305 : vector<16xf32>
          %select_n3A_313 = arith.select %eq3A_36, %min3A_311, %max3A_312 : vector<16xi1>, vector<16xf32>
          %select_n3A_314 = arith.select %and3A_310, %select_n3A_313, %select_n3A_299 : vector<16xi1>, vector<16xf32>
          %broadcast_in_dim3A_315 = vector.shape_cast %max3A_53 : vector<16xi32> to vector<16x1xi32>
          %gather3A_316 = vector.shape_cast %broadcast_in_dim3A_315 : vector<16x1xi32> to vector<16xi32>
          %gather3A_317 = tpu.dynamic_gather %masked_sort3A_285[%gather3A_316] in [0] : vector<16xi32>, vector<16xi32> -> vector<16xi32>
          %broadcast_in_dim3A_318 = vector.shape_cast %max3A_53 : vector<16xi32> to vector<16x1xi32>
          %gather3A_319 = vector.shape_cast %broadcast_in_dim3A_318 : vector<16x1xi32> to vector<16xi32>
          %gather3A_320 = tpu.dynamic_gather %select_n3A_314[%gather3A_319] in [0] : vector<16xf32>, vector<16xi32> -> vector<16xf32>
          %eq3A_321 = arith.cmpi eq, %gather3A_317, %masked_sort3A_285 : vector<16xi32>
          %ge3A_322 = arith.constant 4 : i32
          %ge3A_323 = vector.broadcast %ge3A_322 : i32 to vector<16xi32>
          %ge3A_324 = arith.cmpi sge, %iota3A, %ge3A_323 : vector<16xi32>
          %and3A_325 = arith.andi %eq3A_321, %ge3A_324 : vector<16xi1>
          %min3A_326 = arith.minimumf %select_n3A_314, %gather3A_320 : vector<16xf32>
          %max3A_327 = arith.maximumf %select_n3A_314, %gather3A_320 : vector<16xf32>
          %select_n3A_328 = arith.select %eq3A_36, %min3A_326, %max3A_327 : vector<16xi1>, vector<16xf32>
          %select_n3A_329 = arith.select %and3A_325, %select_n3A_328, %select_n3A_314 : vector<16xi1>, vector<16xf32>
          %broadcast_in_dim3A_330 = vector.shape_cast %max3A_59 : vector<16xi32> to vector<16x1xi32>
          %gather3A_331 = vector.shape_cast %broadcast_in_dim3A_330 : vector<16x1xi32> to vector<16xi32>
          %gather3A_332 = tpu.dynamic_gather %masked_sort3A_285[%gather3A_331] in [0] : vector<16xi32>, vector<16xi32> -> vector<16xi32>
          %broadcast_in_dim3A_333 = vector.shape_cast %max3A_59 : vector<16xi32> to vector<16x1xi32>
          %gather3A_334 = vector.shape_cast %broadcast_in_dim3A_333 : vector<16x1xi32> to vector<16xi32>
          %gather3A_335 = tpu.dynamic_gather %select_n3A_329[%gather3A_334] in [0] : vector<16xf32>, vector<16xi32> -> vector<16xf32>
          %eq3A_336 = arith.cmpi eq, %gather3A_332, %masked_sort3A_285 : vector<16xi32>
          %ge3A_337 = arith.constant 8 : i32
          %ge3A_338 = vector.broadcast %ge3A_337 : i32 to vector<16xi32>
          %ge3A_339 = arith.cmpi sge, %iota3A, %ge3A_338 : vector<16xi32>
          %and3A_340 = arith.andi %eq3A_336, %ge3A_339 : vector<16xi1>
          %min3A_341 = arith.minimumf %select_n3A_329, %gather3A_335 : vector<16xf32>
          %max3A_342 = arith.maximumf %select_n3A_329, %gather3A_335 : vector<16xf32>
          %select_n3A_343 = arith.select %eq3A_36, %min3A_341, %max3A_342 : vector<16xi1>, vector<16xf32>
          %select_n3A_344 = arith.select %and3A_340, %select_n3A_343, %select_n3A_329 : vector<16xi1>, vector<16xf32>
          %broadcast_in_dim3A_345 = vector.shape_cast %min3A_64 : vector<16xi32> to vector<16x1xi32>
          %gather3A_346 = vector.shape_cast %broadcast_in_dim3A_345 : vector<16x1xi32> to vector<16xi32>
          %gather3A_347 = tpu.dynamic_gather %masked_sort3A_285[%gather3A_346] in [0] : vector<16xi32>, vector<16xi32> -> vector<16xi32>
          %ne3A_348 = arith.cmpi ne, %masked_sort3A_285, %gather3A_347 : vector<16xi32>
          %or3A = arith.ori %ne3A_348, %eq3A_67 : vector<16xi1>
          %gather3A_349 = tpu.vector_load_idx %arg7[%masked_sort3A_285] : memref<50000xf32, #tpu.memory_space<vmem>>[vector<16xi32>], vector<16xf32>,
          %min3A_350 = arith.minimumf %gather3A_349, %select_n3A_344 : vector<16xf32>
          %max3A_351 = arith.maximumf %gather3A_349, %select_n3A_344 : vector<16xf32>
          %select_n3A_352 = arith.select %eq3A_36, %min3A_350, %max3A_351 : vector<16xi1>, vector<16xf32>
          tpu.vector_store_idx %arg7[%masked_sort3A_285], %select_n3A_352 masked %or3A : memref<50000xf32, #tpu.memory_space<vmem>>[vector<16xi32>], vector<16xf32>, vector<16xi1>
        }
        %scan3A_270 = arith.constant 125 : i32
      } else {
      }
      %mul3A_221 = arith.constant 2 : i32
      %mul3A_222 = arith.muli %mul3A_221, %scan3A_178 : i32
      %add3A_223 = arith.constant 2 : i32
      %add3A_224 = arith.addi %mul3A_222, %add3A_223 : i32
      %min3A_225 = arith.constant 24 : i32
      %min3A_226 = arith.minsi %add3A_224, %min3A_225 : i32
      %mul3A_227 = arith.constant 2000 : i32
      %mul3A_228 = arith.muli %min3A_226, %mul3A_227 : i32
      %add3A_229 = arith.addi %mul3A_94, %mul3A_228 : i32
      %multiple_of3A_230 = tpu.assume_multiple %add3A_229, 8 : i32
      %dma_start3A_231 = tpu.memref_slice %arg3[%multiple_of3A_230] : memref<800000xi32, #tpu.memory_space<hbm>> -> memref<2000xi32, #tpu.memory_space<hbm>>
      %dma_start3A_232 = tpu.memref_slice %arg3[%multiple_of3A_230] : memref<800000xi32, #tpu.memory_space<hbm>> -> memref<2000xi32, #tpu.memory_space<hbm>>
      tpu.enqueue_dma source(%dma_start3A_232 : memref<2000xi32, #tpu.memory_space<hbm>>) target(%arg8 : memref<2000xi32, #tpu.memory_space<vmem>>) target_semaphore(%arg12 : memref<!tpu.dma_semaphore, #tpu.memory_space<semaphore_mem>>)
      %dma_start3A_233 = tpu.memref_slice %arg4[%multiple_of3A_230] : memref<800000xi32, #tpu.memory_space<hbm>> -> memref<2000xi32, #tpu.memory_space<hbm>>
      %dma_start3A_234 = tpu.memref_slice %arg4[%multiple_of3A_230] : memref<800000xi32, #tpu.memory_space<hbm>> -> memref<2000xi32, #tpu.memory_space<hbm>>
      tpu.enqueue_dma source(%dma_start3A_234 : memref<2000xi32, #tpu.memory_space<hbm>>) target(%arg9 : memref<2000xi32, #tpu.memory_space<vmem>>) target_semaphore(%arg12 : memref<!tpu.dma_semaphore, #tpu.memory_space<semaphore_mem>>)
      %dma_wait3A_235 = arith.constant 0 : i32
      %dma_wait3A_236 = tpu.memref_slice %arg3[%dma_wait3A_235] : memref<800000xi32, #tpu.memory_space<hbm>> -> memref<2000xi32, #tpu.memory_space<hbm>>
      %dma_wait3A_237 = arith.constant 0 : i32
      %dma_wait3A_238 = tpu.memref_slice %arg3[%dma_wait3A_237] : memref<800000xi32, #tpu.memory_space<hbm>> -> memref<2000xi32, #tpu.memory_space<hbm>>
      tpu.wait_dma2 semaphore(%arg13 : memref<!tpu.dma_semaphore, #tpu.memory_space<semaphore_mem>>) src(%dma_wait3A_238 : memref<2000xi32, #tpu.memory_space<hbm>>) dst(%arg10 : memref<2000xi32, #tpu.memory_space<vmem>>)
      %dma_wait3A_239 = arith.constant 0 : i32
      %dma_wait3A_240 = tpu.memref_slice %arg4[%dma_wait3A_239] : memref<800000xi32, #tpu.memory_space<hbm>> -> memref<2000xi32, #tpu.memory_space<hbm>>
      %dma_wait3A_241 = arith.constant 0 : i32
      %dma_wait3A_242 = tpu.memref_slice %arg4[%dma_wait3A_241] : memref<800000xi32, #tpu.memory_space<hbm>> -> memref<2000xi32, #tpu.memory_space<hbm>>
      tpu.wait_dma2 semaphore(%arg13 : memref<!tpu.dma_semaphore, #tpu.memory_space<semaphore_mem>>) src(%dma_wait3A_242 : memref<2000xi32, #tpu.memory_space<hbm>>) dst(%arg11 : memref<2000xi32, #tpu.memory_space<vmem>>)
      %broadcast_in_dim3A_243 = arith.constant false
      %broadcast_in_dim3A_244 = vector.broadcast %broadcast_in_dim3A_243 : i1 to vector<16xi1>
      %scan3A_245 = arith.constant 0 : i32
      %scan3A_246 = arith.constant 25 : i32
      %scan3A_247 = arith.addi %scan3A_245, %scan3A_246 : i32
      %scan3A_248 = arith.constant 1 : i32
      %scan3A_249 = scf.for %scan3A_265 = %scan3A_245 to %scan3A_247 step %scan3A_248 iter_args(%scan3A_266 = %broadcast_in_dim3A_244) -> (vector<16xi1>)  : i32 {
        %mul3A_267 = arith.constant 5 : i32
        %mul3A_268 = arith.muli %scan3A_265, %mul3A_267 : i32
        %add3A_269 = arith.constant 0 : i32
        %add3A_270 = arith.addi %mul3A_268, %add3A_269 : i32
        %mul3A_271 = arith.constant 16 : i32
        %mul3A_272 = arith.muli %add3A_270, %mul3A_271 : i32
        %get3A = arith.index_cast %mul3A_272 : i32 to index
        %get3A_273 = tpu.vector_load %arg11[%get3A] {strides = array<i32>} : memref<2000xi32, #tpu.memory_space<vmem>>, vector<16xi32>,
        %add3A_274 = arith.constant 1 : i32
        %add3A_275 = arith.addi %mul3A_268, %add3A_274 : i32
        %mul3A_276 = arith.constant 16 : i32
        %mul3A_277 = arith.muli %add3A_275, %mul3A_276 : i32
        %get3A_278 = arith.index_cast %mul3A_277 : i32 to index
        %get3A_279 = tpu.vector_load %arg11[%get3A_278] {strides = array<i32>} : memref<2000xi32, #tpu.memory_space<vmem>>, vector<16xi32>,
        %add3A_280 = arith.constant 2 : i32
        %add3A_281 = arith.addi %mul3A_268, %add3A_280 : i32
        %mul3A_282 = arith.constant 16 : i32
        %mul3A_283 = arith.muli %add3A_281, %mul3A_282 : i32
        %get3A_284 = arith.index_cast %mul3A_283 : i32 to index
        %get3A_285 = tpu.vector_load %arg11[%get3A_284] {strides = array<i32>} : memref<2000xi32, #tpu.memory_space<vmem>>, vector<16xi32>,
        %add3A_286 = arith.constant 3 : i32
        %add3A_287 = arith.addi %mul3A_268, %add3A_286 : i32
        %mul3A_288 = arith.constant 16 : i32
        %mul3A_289 = arith.muli %add3A_287, %mul3A_288 : i32
        %get3A_290 = arith.index_cast %mul3A_289 : i32 to index
        %get3A_291 = tpu.vector_load %arg11[%get3A_290] {strides = array<i32>} : memref<2000xi32, #tpu.memory_space<vmem>>, vector<16xi32>,
        %add3A_292 = arith.constant 4 : i32
        %add3A_293 = arith.addi %mul3A_268, %add3A_292 : i32
        %mul3A_294 = arith.constant 16 : i32
        %mul3A_295 = arith.muli %add3A_293, %mul3A_294 : i32
        %get3A_296 = arith.index_cast %mul3A_295 : i32 to index
        %get3A_297 = tpu.vector_load %arg11[%get3A_296] {strides = array<i32>} : memref<2000xi32, #tpu.memory_space<vmem>>, vector<16xi32>,
        %add3A_298 = arith.constant 0 : i32
        %add3A_299 = arith.addi %mul3A_268, %add3A_298 : i32
        %mul3A_300 = arith.constant 16 : i32
        %mul3A_301 = arith.muli %add3A_299, %mul3A_300 : i32
        %get3A_302 = arith.index_cast %mul3A_301 : i32 to index
        %get3A_303 = tpu.vector_load %arg10[%get3A_302] {strides = array<i32>} : memref<2000xi32, #tpu.memory_space<vmem>>, vector<16xi32>,
        %add3A_304 = arith.constant 1 : i32
        %add3A_305 = arith.addi %mul3A_268, %add3A_304 : i32
        %mul3A_306 = arith.constant 16 : i32
        %mul3A_307 = arith.muli %add3A_305, %mul3A_306 : i32
        %get3A_308 = arith.index_cast %mul3A_307 : i32 to index
        %get3A_309 = tpu.vector_load %arg10[%get3A_308] {strides = array<i32>} : memref<2000xi32, #tpu.memory_space<vmem>>, vector<16xi32>,
        %add3A_310 = arith.constant 2 : i32
        %add3A_311 = arith.addi %mul3A_268, %add3A_310 : i32
        %mul3A_312 = arith.constant 16 : i32
        %mul3A_313 = arith.muli %add3A_311, %mul3A_312 : i32
        %get3A_314 = arith.index_cast %mul3A_313 : i32 to index
        %get3A_315 = tpu.vector_load %arg10[%get3A_314] {strides = array<i32>} : memref<2000xi32, #tpu.memory_space<vmem>>, vector<16xi32>,
        %add3A_316 = arith.constant 3 : i32
        %add3A_317 = arith.addi %mul3A_268, %add3A_316 : i32
        %mul3A_318 = arith.constant 16 : i32
        %mul3A_319 = arith.muli %add3A_317, %mul3A_318 : i32
        %get3A_320 = arith.index_cast %mul3A_319 : i32 to index
        %get3A_321 = tpu.vector_load %arg10[%get3A_320] {strides = array<i32>} : memref<2000xi32, #tpu.memory_space<vmem>>, vector<16xi32>,
        %add3A_322 = arith.constant 4 : i32
        %add3A_323 = arith.addi %mul3A_268, %add3A_322 : i32
        %mul3A_324 = arith.constant 16 : i32
        %mul3A_325 = arith.muli %add3A_323, %mul3A_324 : i32
        %get3A_326 = arith.index_cast %mul3A_325 : i32 to index
        %get3A_327 = tpu.vector_load %arg10[%get3A_326] {strides = array<i32>} : memref<2000xi32, #tpu.memory_space<vmem>>, vector<16xi32>,
        %gather3A = tpu.vector_load_idx %arg6[%get3A_303] : memref<50000xf32, #tpu.memory_space<vmem>>[vector<16xi32>], vector<16xf32>,
        %gather3A_328 = tpu.vector_load_idx %arg6[%get3A_309] : memref<50000xf32, #tpu.memory_space<vmem>>[vector<16xi32>], vector<16xf32>,
        %gather3A_329 = tpu.vector_load_idx %arg6[%get3A_315] : memref<50000xf32, #tpu.memory_space<vmem>>[vector<16xi32>], vector<16xf32>,
        %gather3A_330 = tpu.vector_load_idx %arg6[%get3A_321] : memref<50000xf32, #tpu.memory_space<vmem>>[vector<16xi32>], vector<16xf32>,
        %gather3A_331 = tpu.vector_load_idx %arg6[%get3A_327] : memref<50000xf32, #tpu.memory_space<vmem>>[vector<16xi32>], vector<16xf32>,
        %gather3A_332 = tpu.vector_load_idx %arg7[%get3A_273] : memref<50000xf32, #tpu.memory_space<vmem>>[vector<16xi32>], vector<16xf32>,
        %gather3A_333 = tpu.vector_load_idx %arg7[%get3A_279] : memref<50000xf32, #tpu.memory_space<vmem>>[vector<16xi32>], vector<16xf32>,
        %gather3A_334 = tpu.vector_load_idx %arg7[%get3A_285] : memref<50000xf32, #tpu.memory_space<vmem>>[vector<16xi32>], vector<16xf32>,
        %gather3A_335 = tpu.vector_load_idx %arg7[%get3A_291] : memref<50000xf32, #tpu.memory_space<vmem>>[vector<16xi32>], vector<16xf32>,
        %gather3A_336 = tpu.vector_load_idx %arg7[%get3A_297] : memref<50000xf32, #tpu.memory_space<vmem>>[vector<16xi32>], vector<16xf32>,
        %min3A_337 = arith.minimumf %gather3A_332, %gather3A : vector<16xf32>
        %max3A_338 = arith.maximumf %gather3A_332, %gather3A : vector<16xf32>
        %select_n3A_339 = arith.select %eq3A_36, %min3A_337, %max3A_338 : vector<16xi1>, vector<16xf32>
        tpu.vector_store_idx %arg7[%get3A_273], %select_n3A_339 : memref<50000xf32, #tpu.memory_space<vmem>>[vector<16xi32>], vector<16xf32>,
        %min3A_340 = arith.minimumf %gather3A_333, %gather3A_328 : vector<16xf32>
        %max3A_341 = arith.maximumf %gather3A_333, %gather3A_328 : vector<16xf32>
        %select_n3A_342 = arith.select %eq3A_36, %min3A_340, %max3A_341 : vector<16xi1>, vector<16xf32>
        tpu.vector_store_idx %arg7[%get3A_279], %select_n3A_342 : memref<50000xf32, #tpu.memory_space<vmem>>[vector<16xi32>], vector<16xf32>,
        %min3A_343 = arith.minimumf %gather3A_334, %gather3A_329 : vector<16xf32>
        %max3A_344 = arith.maximumf %gather3A_334, %gather3A_329 : vector<16xf32>
        %select_n3A_345 = arith.select %eq3A_36, %min3A_343, %max3A_344 : vector<16xi1>, vector<16xf32>
        tpu.vector_store_idx %arg7[%get3A_285], %select_n3A_345 : memref<50000xf32, #tpu.memory_space<vmem>>[vector<16xi32>], vector<16xf32>,
        %min3A_346 = arith.minimumf %gather3A_335, %gather3A_330 : vector<16xf32>
        %max3A_347 = arith.maximumf %gather3A_335, %gather3A_330 : vector<16xf32>
        %select_n3A_348 = arith.select %eq3A_36, %min3A_346, %max3A_347 : vector<16xi1>, vector<16xf32>
        tpu.vector_store_idx %arg7[%get3A_291], %select_n3A_348 : memref<50000xf32, #tpu.memory_space<vmem>>[vector<16xi32>], vector<16xf32>,
        %min3A_349 = arith.minimumf %gather3A_336, %gather3A_331 : vector<16xf32>
        %max3A_350 = arith.maximumf %gather3A_336, %gather3A_331 : vector<16xf32>
        %select_n3A_351 = arith.select %eq3A_36, %min3A_349, %max3A_350 : vector<16xi1>, vector<16xf32>
        tpu.vector_store_idx %arg7[%get3A_297], %select_n3A_351 : memref<50000xf32, #tpu.memory_space<vmem>>[vector<16xi32>], vector<16xf32>,
        %gather3A_352 = tpu.vector_load_idx %arg7[%get3A_273] : memref<50000xf32, #tpu.memory_space<vmem>>[vector<16xi32>], vector<16xf32>,
        %gather3A_353 = tpu.vector_load_idx %arg7[%get3A_279] : memref<50000xf32, #tpu.memory_space<vmem>>[vector<16xi32>], vector<16xf32>,
        %gather3A_354 = tpu.vector_load_idx %arg7[%get3A_285] : memref<50000xf32, #tpu.memory_space<vmem>>[vector<16xi32>], vector<16xf32>,
        %gather3A_355 = tpu.vector_load_idx %arg7[%get3A_291] : memref<50000xf32, #tpu.memory_space<vmem>>[vector<16xi32>], vector<16xf32>,
        %gather3A_356 = tpu.vector_load_idx %arg7[%get3A_297] : memref<50000xf32, #tpu.memory_space<vmem>>[vector<16xi32>], vector<16xf32>,
        %gt3A = arith.cmpf ogt, %gather3A_352, %gather3A : vector<16xf32>
        %lt3A_357 = arith.cmpf olt, %gather3A_352, %gather3A : vector<16xf32>
        %select_n3A_358 = arith.select %eq3A_36, %gt3A, %lt3A_357 : vector<16xi1>, vector<16xi1>
        %gt3A_359 = arith.cmpf ogt, %gather3A_353, %gather3A_328 : vector<16xf32>
        %lt3A_360 = arith.cmpf olt, %gather3A_353, %gather3A_328 : vector<16xf32>
        %select_n3A_361 = arith.select %eq3A_36, %gt3A_359, %lt3A_360 : vector<16xi1>, vector<16xi1>
        %gt3A_362 = arith.cmpf ogt, %gather3A_354, %gather3A_329 : vector<16xf32>
        %lt3A_363 = arith.cmpf olt, %gather3A_354, %gather3A_329 : vector<16xf32>
        %select_n3A_364 = arith.select %eq3A_36, %gt3A_362, %lt3A_363 : vector<16xi1>, vector<16xi1>
        %gt3A_365 = arith.cmpf ogt, %gather3A_355, %gather3A_330 : vector<16xf32>
        %lt3A_366 = arith.cmpf olt, %gather3A_355, %gather3A_330 : vector<16xf32>
        %select_n3A_367 = arith.select %eq3A_36, %gt3A_365, %lt3A_366 : vector<16xi1>, vector<16xi1>
        %gt3A_368 = arith.cmpf ogt, %gather3A_356, %gather3A_331 : vector<16xf32>
        %lt3A_369 = arith.cmpf olt, %gather3A_356, %gather3A_331 : vector<16xf32>
        %select_n3A_370 = arith.select %eq3A_36, %gt3A_368, %lt3A_369 : vector<16xi1>, vector<16xi1>
        tpu.vector_store_idx %arg7[%get3A_273], %gather3A masked %select_n3A_358 : memref<50000xf32, #tpu.memory_space<vmem>>[vector<16xi32>], vector<16xf32>, vector<16xi1>
        tpu.vector_store_idx %arg7[%get3A_279], %gather3A_328 masked %select_n3A_361 : memref<50000xf32, #tpu.memory_space<vmem>>[vector<16xi32>], vector<16xf32>, vector<16xi1>
        tpu.vector_store_idx %arg7[%get3A_285], %gather3A_329 masked %select_n3A_364 : memref<50000xf32, #tpu.memory_space<vmem>>[vector<16xi32>], vector<16xf32>, vector<16xi1>
        tpu.vector_store_idx %arg7[%get3A_291], %gather3A_330 masked %select_n3A_367 : memref<50000xf32, #tpu.memory_space<vmem>>[vector<16xi32>], vector<16xf32>, vector<16xi1>
        tpu.vector_store_idx %arg7[%get3A_297], %gather3A_331 masked %select_n3A_370 : memref<50000xf32, #tpu.memory_space<vmem>>[vector<16xi32>], vector<16xf32>, vector<16xi1>
        %gather3A_371 = tpu.vector_load_idx %arg7[%get3A_273] : memref<50000xf32, #tpu.memory_space<vmem>>[vector<16xi32>], vector<16xf32>,
        %gather3A_372 = tpu.vector_load_idx %arg7[%get3A_279] : memref<50000xf32, #tpu.memory_space<vmem>>[vector<16xi32>], vector<16xf32>,
        %gather3A_373 = tpu.vector_load_idx %arg7[%get3A_285] : memref<50000xf32, #tpu.memory_space<vmem>>[vector<16xi32>], vector<16xf32>,
        %gather3A_374 = tpu.vector_load_idx %arg7[%get3A_291] : memref<50000xf32, #tpu.memory_space<vmem>>[vector<16xi32>], vector<16xf32>,
        %gather3A_375 = tpu.vector_load_idx %arg7[%get3A_297] : memref<50000xf32, #tpu.memory_space<vmem>>[vector<16xi32>], vector<16xf32>,
        %gt3A_376 = arith.cmpf ogt, %gather3A_371, %gather3A : vector<16xf32>
        %lt3A_377 = arith.cmpf olt, %gather3A_371, %gather3A : vector<16xf32>
        %select_n3A_378 = arith.select %eq3A_36, %gt3A_376, %lt3A_377 : vector<16xi1>, vector<16xi1>
        %or3A = arith.ori %scan3A_266, %select_n3A_378 : vector<16xi1>
        %gt3A_379 = arith.cmpf ogt, %gather3A_372, %gather3A_328 : vector<16xf32>
        %lt3A_380 = arith.cmpf olt, %gather3A_372, %gather3A_328 : vector<16xf32>
        %select_n3A_381 = arith.select %eq3A_36, %gt3A_379, %lt3A_380 : vector<16xi1>, vector<16xi1>
        %or3A_382 = arith.ori %or3A, %select_n3A_381 : vector<16xi1>
        %gt3A_383 = arith.cmpf ogt, %gather3A_373, %gather3A_329 : vector<16xf32>
        %lt3A_384 = arith.cmpf olt, %gather3A_373, %gather3A_329 : vector<16xf32>
        %select_n3A_385 = arith.select %eq3A_36, %gt3A_383, %lt3A_384 : vector<16xi1>, vector<16xi1>
        %or3A_386 = arith.ori %or3A_382, %select_n3A_385 : vector<16xi1>
        %gt3A_387 = arith.cmpf ogt, %gather3A_374, %gather3A_330 : vector<16xf32>
        %lt3A_388 = arith.cmpf olt, %gather3A_374, %gather3A_330 : vector<16xf32>
        %select_n3A_389 = arith.select %eq3A_36, %gt3A_387, %lt3A_388 : vector<16xi1>, vector<16xi1>
        %or3A_390 = arith.ori %or3A_386, %select_n3A_389 : vector<16xi1>
        %gt3A_391 = arith.cmpf ogt, %gather3A_375, %gather3A_331 : vector<16xf32>
        %lt3A_392 = arith.cmpf olt, %gather3A_375, %gather3A_331 : vector<16xf32>
        %select_n3A_393 = arith.select %eq3A_36, %gt3A_391, %lt3A_392 : vector<16xi1>, vector<16xi1>
        %or3A_394 = arith.ori %or3A_390, %select_n3A_393 : vector<16xi1>
        scf.yield %or3A_394 : vector<16xi1>
      }
      %scan3A_250 = arith.constant 25 : i32
      %reduce_or3A_251 = arith.constant 1.000000e+00 : f32
      %reduce_or3A_252 = arith.constant 0.000000e+00 : f32
      %reduce_or3A_253 = vector.broadcast %reduce_or3A_251 : f32 to vector<16xf32>
      %reduce_or3A_254 = vector.broadcast %reduce_or3A_252 : f32 to vector<16xf32>
      %reduce_or3A_255 = arith.select %scan3A_249, %reduce_or3A_253, %reduce_or3A_254 : vector<16xi1>, vector<16xf32>
      %reduce_or3A_256 = arith.constant true
      %reduce_or3A_257 = vector.broadcast %reduce_or3A_256 : i1 to vector<16xi1>
      %reduce_or3A_258 = tpu.scan <max>, %reduce_or3A_255 masked %reduce_or3A_257 : vector<16xf32>, vector<16xi1> -> vector<16xf32>
      %reduce_or3A_259 = vector.extract %reduce_or3A_258[15] : f32 from vector<16xf32>
      %reduce_or3A_260 = arith.constant 0.000000e+00 : f32
      %reduce_or3A_261 = arith.cmpf ogt, %reduce_or3A_259, %reduce_or3A_260 : f32
      %convert_element_type3A_262 = arith.extui %reduce_or3A_261 : i1 to i32
      %cond3A_263 = arith.constant 0 : i32
      %cond3A_264 = arith.cmpi ne, %convert_element_type3A_262, %cond3A_263 : i32
      scf.if %cond3A_264 {
        %scan3A_265 = arith.constant 0 : i32
        %scan3A_266 = arith.constant 0 : i32
        %scan3A_267 = arith.constant 125 : i32
        %scan3A_268 = arith.addi %scan3A_266, %scan3A_267 : i32
        %scan3A_269 = arith.constant 1 : i32
        scf.for %scan3A_271 = %scan3A_266 to %scan3A_268 step %scan3A_269  : i32 {
          %mul3A_272 = arith.constant 16 : i32
          %mul3A_273 = arith.muli %scan3A_271, %mul3A_272 : i32
          %get3A = arith.index_cast %mul3A_273 : i32 to index
          %get3A_274 = tpu.vector_load %arg10[%get3A] {strides = array<i32>} : memref<2000xi32, #tpu.memory_space<vmem>>, vector<16xi32>,
          %mul3A_275 = arith.constant 16 : i32
          %mul3A_276 = arith.muli %scan3A_271, %mul3A_275 : i32
          %get3A_277 = arith.index_cast %mul3A_276 : i32 to index
          %get3A_278 = tpu.vector_load %arg11[%get3A_277] {strides = array<i32>} : memref<2000xi32, #tpu.memory_space<vmem>>, vector<16xi32>,
          %gather3A = tpu.vector_load_idx %arg6[%get3A_274] : memref<50000xf32, #tpu.memory_space<vmem>>[vector<16xi32>], vector<16xf32>,
          %masked_sort3A = arith.constant dense<true> : vector<16xi1>
          %masked_sort3A_279 = arith.constant -2147483648 : i32
          %masked_sort3A_280 = vector.broadcast %masked_sort3A_279 : i32 to vector<16xi32>
          %masked_sort3A_281 = arith.xori %get3A_278, %masked_sort3A_280 : vector<16xi32>
          %masked_sort3A_282, %masked_sort3A_283, %masked_sort3A_284 = tpu.sort %masked_sort3A_281, %gather3A masked %masked_sort3A : (vector<16xi32>, vector<16xf32>, vector<16xi1>) -> (vector<16xi1>, vector<16xi32>, vector<16xf32>)
          %masked_sort3A_285 = arith.xori %masked_sort3A_283, %masked_sort3A_280 : vector<16xi32>
          %broadcast_in_dim3A_286 = vector.shape_cast %max3A_41 : vector<16xi32> to vector<16x1xi32>
          %gather3A_287 = vector.shape_cast %broadcast_in_dim3A_286 : vector<16x1xi32> to vector<16xi32>
          %gather3A_288 = tpu.dynamic_gather %masked_sort3A_285[%gather3A_287] in [0] : vector<16xi32>, vector<16xi32> -> vector<16xi32>
          %broadcast_in_dim3A_289 = vector.shape_cast %max3A_41 : vector<16xi32> to vector<16x1xi32>
          %gather3A_290 = vector.shape_cast %broadcast_in_dim3A_289 : vector<16x1xi32> to vector<16xi32>
          %gather3A_291 = tpu.dynamic_gather %masked_sort3A_284[%gather3A_290] in [0] : vector<16xf32>, vector<16xi32> -> vector<16xf32>
          %eq3A_292 = arith.cmpi eq, %gather3A_288, %masked_sort3A_285 : vector<16xi32>
          %ge3A = arith.constant 1 : i32
          %ge3A_293 = vector.broadcast %ge3A : i32 to vector<16xi32>
          %ge3A_294 = arith.cmpi sge, %iota3A, %ge3A_293 : vector<16xi32>
          %and3A_295 = arith.andi %eq3A_292, %ge3A_294 : vector<16xi1>
          %min3A_296 = arith.minimumf %masked_sort3A_284, %gather3A_291 : vector<16xf32>
          %max3A_297 = arith.maximumf %masked_sort3A_284, %gather3A_291 : vector<16xf32>
          %select_n3A_298 = arith.select %eq3A_36, %min3A_296, %max3A_297 : vector<16xi1>, vector<16xf32>
          %select_n3A_299 = arith.select %and3A_295, %select_n3A_298, %masked_sort3A_284 : vector<16xi1>, vector<16xf32>
          %broadcast_in_dim3A_300 = vector.shape_cast %max3A_47 : vector<16xi32> to vector<16x1xi32>
          %gather3A_301 = vector.shape_cast %broadcast_in_dim3A_300 : vector<16x1xi32> to vector<16xi32>
          %gather3A_302 = tpu.dynamic_gather %masked_sort3A_285[%gather3A_301] in [0] : vector<16xi32>, vector<16xi32> -> vector<16xi32>
          %broadcast_in_dim3A_303 = vector.shape_cast %max3A_47 : vector<16xi32> to vector<16x1xi32>
          %gather3A_304 = vector.shape_cast %broadcast_in_dim3A_303 : vector<16x1xi32> to vector<16xi32>
          %gather3A_305 = tpu.dynamic_gather %select_n3A_299[%gather3A_304] in [0] : vector<16xf32>, vector<16xi32> -> vector<16xf32>
          %eq3A_306 = arith.cmpi eq, %gather3A_302, %masked_sort3A_285 : vector<16xi32>
          %ge3A_307 = arith.constant 2 : i32
          %ge3A_308 = vector.broadcast %ge3A_307 : i32 to vector<16xi32>
          %ge3A_309 = arith.cmpi sge, %iota3A, %ge3A_308 : vector<16xi32>
          %and3A_310 = arith.andi %eq3A_306, %ge3A_309 : vector<16xi1>
          %min3A_311 = arith.minimumf %select_n3A_299, %gather3A_305 : vector<16xf32>
          %max3A_312 = arith.maximumf %select_n3A_299, %gather3A_305 : vector<16xf32>
          %select_n3A_313 = arith.select %eq3A_36, %min3A_311, %max3A_312 : vector<16xi1>, vector<16xf32>
          %select_n3A_314 = arith.select %and3A_310, %select_n3A_313, %select_n3A_299 : vector<16xi1>, vector<16xf32>
          %broadcast_in_dim3A_315 = vector.shape_cast %max3A_53 : vector<16xi32> to vector<16x1xi32>
          %gather3A_316 = vector.shape_cast %broadcast_in_dim3A_315 : vector<16x1xi32> to vector<16xi32>
          %gather3A_317 = tpu.dynamic_gather %masked_sort3A_285[%gather3A_316] in [0] : vector<16xi32>, vector<16xi32> -> vector<16xi32>
          %broadcast_in_dim3A_318 = vector.shape_cast %max3A_53 : vector<16xi32> to vector<16x1xi32>
          %gather3A_319 = vector.shape_cast %broadcast_in_dim3A_318 : vector<16x1xi32> to vector<16xi32>
          %gather3A_320 = tpu.dynamic_gather %select_n3A_314[%gather3A_319] in [0] : vector<16xf32>, vector<16xi32> -> vector<16xf32>
          %eq3A_321 = arith.cmpi eq, %gather3A_317, %masked_sort3A_285 : vector<16xi32>
          %ge3A_322 = arith.constant 4 : i32
          %ge3A_323 = vector.broadcast %ge3A_322 : i32 to vector<16xi32>
          %ge3A_324 = arith.cmpi sge, %iota3A, %ge3A_323 : vector<16xi32>
          %and3A_325 = arith.andi %eq3A_321, %ge3A_324 : vector<16xi1>
          %min3A_326 = arith.minimumf %select_n3A_314, %gather3A_320 : vector<16xf32>
          %max3A_327 = arith.maximumf %select_n3A_314, %gather3A_320 : vector<16xf32>
          %select_n3A_328 = arith.select %eq3A_36, %min3A_326, %max3A_327 : vector<16xi1>, vector<16xf32>
          %select_n3A_329 = arith.select %and3A_325, %select_n3A_328, %select_n3A_314 : vector<16xi1>, vector<16xf32>
          %broadcast_in_dim3A_330 = vector.shape_cast %max3A_59 : vector<16xi32> to vector<16x1xi32>
          %gather3A_331 = vector.shape_cast %broadcast_in_dim3A_330 : vector<16x1xi32> to vector<16xi32>
          %gather3A_332 = tpu.dynamic_gather %masked_sort3A_285[%gather3A_331] in [0] : vector<16xi32>, vector<16xi32> -> vector<16xi32>
          %broadcast_in_dim3A_333 = vector.shape_cast %max3A_59 : vector<16xi32> to vector<16x1xi32>
          %gather3A_334 = vector.shape_cast %broadcast_in_dim3A_333 : vector<16x1xi32> to vector<16xi32>
          %gather3A_335 = tpu.dynamic_gather %select_n3A_329[%gather3A_334] in [0] : vector<16xf32>, vector<16xi32> -> vector<16xf32>
          %eq3A_336 = arith.cmpi eq, %gather3A_332, %masked_sort3A_285 : vector<16xi32>
          %ge3A_337 = arith.constant 8 : i32
          %ge3A_338 = vector.broadcast %ge3A_337 : i32 to vector<16xi32>
          %ge3A_339 = arith.cmpi sge, %iota3A, %ge3A_338 : vector<16xi32>
          %and3A_340 = arith.andi %eq3A_336, %ge3A_339 : vector<16xi1>
          %min3A_341 = arith.minimumf %select_n3A_329, %gather3A_335 : vector<16xf32>
          %max3A_342 = arith.maximumf %select_n3A_329, %gather3A_335 : vector<16xf32>
          %select_n3A_343 = arith.select %eq3A_36, %min3A_341, %max3A_342 : vector<16xi1>, vector<16xf32>
          %select_n3A_344 = arith.select %and3A_340, %select_n3A_343, %select_n3A_329 : vector<16xi1>, vector<16xf32>
          %broadcast_in_dim3A_345 = vector.shape_cast %min3A_64 : vector<16xi32> to vector<16x1xi32>
          %gather3A_346 = vector.shape_cast %broadcast_in_dim3A_345 : vector<16x1xi32> to vector<16xi32>
          %gather3A_347 = tpu.dynamic_gather %masked_sort3A_285[%gather3A_346] in [0] : vector<16xi32>, vector<16xi32> -> vector<16xi32>
          %ne3A_348 = arith.cmpi ne, %masked_sort3A_285, %gather3A_347 : vector<16xi32>
          %or3A = arith.ori %ne3A_348, %eq3A_67 : vector<16xi1>
          %gather3A_349 = tpu.vector_load_idx %arg7[%masked_sort3A_285] : memref<50000xf32, #tpu.memory_space<vmem>>[vector<16xi32>], vector<16xf32>,
          %min3A_350 = arith.minimumf %gather3A_349, %select_n3A_344 : vector<16xf32>
          %max3A_351 = arith.maximumf %gather3A_349, %select_n3A_344 : vector<16xf32>
          %select_n3A_352 = arith.select %eq3A_36, %min3A_350, %max3A_351 : vector<16xi1>, vector<16xf32>
          tpu.vector_store_idx %arg7[%masked_sort3A_285], %select_n3A_352 masked %or3A : memref<50000xf32, #tpu.memory_space<vmem>>[vector<16xi32>], vector<16xf32>, vector<16xi1>
        }
        %scan3A_270 = arith.constant 125 : i32
      } else {
      }
    }
    %scan3A_105 = arith.constant 12 : i32
    %dma_wait3A = arith.constant 0 : i32
    %dma_wait3A_106 = tpu.memref_slice %arg3[%dma_wait3A] : memref<800000xi32, #tpu.memory_space<hbm>> -> memref<2000xi32, #tpu.memory_space<hbm>>
    %dma_wait3A_107 = arith.constant 0 : i32
    %dma_wait3A_108 = tpu.memref_slice %arg3[%dma_wait3A_107] : memref<800000xi32, #tpu.memory_space<hbm>> -> memref<2000xi32, #tpu.memory_space<hbm>>
    tpu.wait_dma2 semaphore(%arg12 : memref<!tpu.dma_semaphore, #tpu.memory_space<semaphore_mem>>) src(%dma_wait3A_108 : memref<2000xi32, #tpu.memory_space<hbm>>) dst(%arg8 : memref<2000xi32, #tpu.memory_space<vmem>>)
    %dma_wait3A_109 = arith.constant 0 : i32
    %dma_wait3A_110 = tpu.memref_slice %arg4[%dma_wait3A_109] : memref<800000xi32, #tpu.memory_space<hbm>> -> memref<2000xi32, #tpu.memory_space<hbm>>
    %dma_wait3A_111 = arith.constant 0 : i32
    %dma_wait3A_112 = tpu.memref_slice %arg4[%dma_wait3A_111] : memref<800000xi32, #tpu.memory_space<hbm>> -> memref<2000xi32, #tpu.memory_space<hbm>>
    tpu.wait_dma2 semaphore(%arg12 : memref<!tpu.dma_semaphore, #tpu.memory_space<semaphore_mem>>) src(%dma_wait3A_112 : memref<2000xi32, #tpu.memory_space<hbm>>) dst(%arg9 : memref<2000xi32, #tpu.memory_space<vmem>>)
    %broadcast_in_dim3A_113 = arith.constant false
    %broadcast_in_dim3A_114 = vector.broadcast %broadcast_in_dim3A_113 : i1 to vector<16xi1>
    %scan3A_115 = arith.constant 0 : i32
    %scan3A_116 = arith.constant 25 : i32
    %scan3A_117 = arith.addi %scan3A_115, %scan3A_116 : i32
    %scan3A_118 = arith.constant 1 : i32
    %scan3A_119 = scf.for %scan3A_178 = %scan3A_115 to %scan3A_117 step %scan3A_118 iter_args(%scan3A_179 = %broadcast_in_dim3A_114) -> (vector<16xi1>)  : i32 {
      %mul3A_180 = arith.constant 5 : i32
      %mul3A_181 = arith.muli %scan3A_178, %mul3A_180 : i32
      %add3A_182 = arith.constant 0 : i32
      %add3A_183 = arith.addi %mul3A_181, %add3A_182 : i32
      %mul3A_184 = arith.constant 16 : i32
      %mul3A_185 = arith.muli %add3A_183, %mul3A_184 : i32
      %get3A = arith.index_cast %mul3A_185 : i32 to index
      %get3A_186 = tpu.vector_load %arg9[%get3A] {strides = array<i32>} : memref<2000xi32, #tpu.memory_space<vmem>>, vector<16xi32>,
      %add3A_187 = arith.constant 1 : i32
      %add3A_188 = arith.addi %mul3A_181, %add3A_187 : i32
      %mul3A_189 = arith.constant 16 : i32
      %mul3A_190 = arith.muli %add3A_188, %mul3A_189 : i32
      %get3A_191 = arith.index_cast %mul3A_190 : i32 to index
      %get3A_192 = tpu.vector_load %arg9[%get3A_191] {strides = array<i32>} : memref<2000xi32, #tpu.memory_space<vmem>>, vector<16xi32>,
      %add3A_193 = arith.constant 2 : i32
      %add3A_194 = arith.addi %mul3A_181, %add3A_193 : i32
      %mul3A_195 = arith.constant 16 : i32
      %mul3A_196 = arith.muli %add3A_194, %mul3A_195 : i32
      %get3A_197 = arith.index_cast %mul3A_196 : i32 to index
      %get3A_198 = tpu.vector_load %arg9[%get3A_197] {strides = array<i32>} : memref<2000xi32, #tpu.memory_space<vmem>>, vector<16xi32>,
      %add3A_199 = arith.constant 3 : i32
      %add3A_200 = arith.addi %mul3A_181, %add3A_199 : i32
      %mul3A_201 = arith.constant 16 : i32
      %mul3A_202 = arith.muli %add3A_200, %mul3A_201 : i32
      %get3A_203 = arith.index_cast %mul3A_202 : i32 to index
      %get3A_204 = tpu.vector_load %arg9[%get3A_203] {strides = array<i32>} : memref<2000xi32, #tpu.memory_space<vmem>>, vector<16xi32>,
      %add3A_205 = arith.constant 4 : i32
      %add3A_206 = arith.addi %mul3A_181, %add3A_205 : i32
      %mul3A_207 = arith.constant 16 : i32
      %mul3A_208 = arith.muli %add3A_206, %mul3A_207 : i32
      %get3A_209 = arith.index_cast %mul3A_208 : i32 to index
      %get3A_210 = tpu.vector_load %arg9[%get3A_209] {strides = array<i32>} : memref<2000xi32, #tpu.memory_space<vmem>>, vector<16xi32>,
      %add3A_211 = arith.constant 0 : i32
      %add3A_212 = arith.addi %mul3A_181, %add3A_211 : i32
      %mul3A_213 = arith.constant 16 : i32
      %mul3A_214 = arith.muli %add3A_212, %mul3A_213 : i32
      %get3A_215 = arith.index_cast %mul3A_214 : i32 to index
      %get3A_216 = tpu.vector_load %arg8[%get3A_215] {strides = array<i32>} : memref<2000xi32, #tpu.memory_space<vmem>>, vector<16xi32>,
      %add3A_217 = arith.constant 1 : i32
      %add3A_218 = arith.addi %mul3A_181, %add3A_217 : i32
      %mul3A_219 = arith.constant 16 : i32
      %mul3A_220 = arith.muli %add3A_218, %mul3A_219 : i32
      %get3A_221 = arith.index_cast %mul3A_220 : i32 to index
      %get3A_222 = tpu.vector_load %arg8[%get3A_221] {strides = array<i32>} : memref<2000xi32, #tpu.memory_space<vmem>>, vector<16xi32>,
      %add3A_223 = arith.constant 2 : i32
      %add3A_224 = arith.addi %mul3A_181, %add3A_223 : i32
      %mul3A_225 = arith.constant 16 : i32
      %mul3A_226 = arith.muli %add3A_224, %mul3A_225 : i32
      %get3A_227 = arith.index_cast %mul3A_226 : i32 to index
      %get3A_228 = tpu.vector_load %arg8[%get3A_227] {strides = array<i32>} : memref<2000xi32, #tpu.memory_space<vmem>>, vector<16xi32>,
      %add3A_229 = arith.constant 3 : i32
      %add3A_230 = arith.addi %mul3A_181, %add3A_229 : i32
      %mul3A_231 = arith.constant 16 : i32
      %mul3A_232 = arith.muli %add3A_230, %mul3A_231 : i32
      %get3A_233 = arith.index_cast %mul3A_232 : i32 to index
      %get3A_234 = tpu.vector_load %arg8[%get3A_233] {strides = array<i32>} : memref<2000xi32, #tpu.memory_space<vmem>>, vector<16xi32>,
      %add3A_235 = arith.constant 4 : i32
      %add3A_236 = arith.addi %mul3A_181, %add3A_235 : i32
      %mul3A_237 = arith.constant 16 : i32
      %mul3A_238 = arith.muli %add3A_236, %mul3A_237 : i32
      %get3A_239 = arith.index_cast %mul3A_238 : i32 to index
      %get3A_240 = tpu.vector_load %arg8[%get3A_239] {strides = array<i32>} : memref<2000xi32, #tpu.memory_space<vmem>>, vector<16xi32>,
      %gather3A = tpu.vector_load_idx %arg6[%get3A_216] : memref<50000xf32, #tpu.memory_space<vmem>>[vector<16xi32>], vector<16xf32>,
      %gather3A_241 = tpu.vector_load_idx %arg6[%get3A_222] : memref<50000xf32, #tpu.memory_space<vmem>>[vector<16xi32>], vector<16xf32>,
      %gather3A_242 = tpu.vector_load_idx %arg6[%get3A_228] : memref<50000xf32, #tpu.memory_space<vmem>>[vector<16xi32>], vector<16xf32>,
      %gather3A_243 = tpu.vector_load_idx %arg6[%get3A_234] : memref<50000xf32, #tpu.memory_space<vmem>>[vector<16xi32>], vector<16xf32>,
      %gather3A_244 = tpu.vector_load_idx %arg6[%get3A_240] : memref<50000xf32, #tpu.memory_space<vmem>>[vector<16xi32>], vector<16xf32>,
      %gather3A_245 = tpu.vector_load_idx %arg7[%get3A_186] : memref<50000xf32, #tpu.memory_space<vmem>>[vector<16xi32>], vector<16xf32>,
      %gather3A_246 = tpu.vector_load_idx %arg7[%get3A_192] : memref<50000xf32, #tpu.memory_space<vmem>>[vector<16xi32>], vector<16xf32>,
      %gather3A_247 = tpu.vector_load_idx %arg7[%get3A_198] : memref<50000xf32, #tpu.memory_space<vmem>>[vector<16xi32>], vector<16xf32>,
      %gather3A_248 = tpu.vector_load_idx %arg7[%get3A_204] : memref<50000xf32, #tpu.memory_space<vmem>>[vector<16xi32>], vector<16xf32>,
      %gather3A_249 = tpu.vector_load_idx %arg7[%get3A_210] : memref<50000xf32, #tpu.memory_space<vmem>>[vector<16xi32>], vector<16xf32>,
      %min3A_250 = arith.minimumf %gather3A_245, %gather3A : vector<16xf32>
      %max3A_251 = arith.maximumf %gather3A_245, %gather3A : vector<16xf32>
      %select_n3A_252 = arith.select %eq3A_36, %min3A_250, %max3A_251 : vector<16xi1>, vector<16xf32>
      tpu.vector_store_idx %arg7[%get3A_186], %select_n3A_252 : memref<50000xf32, #tpu.memory_space<vmem>>[vector<16xi32>], vector<16xf32>,
      %min3A_253 = arith.minimumf %gather3A_246, %gather3A_241 : vector<16xf32>
      %max3A_254 = arith.maximumf %gather3A_246, %gather3A_241 : vector<16xf32>
      %select_n3A_255 = arith.select %eq3A_36, %min3A_253, %max3A_254 : vector<16xi1>, vector<16xf32>
      tpu.vector_store_idx %arg7[%get3A_192], %select_n3A_255 : memref<50000xf32, #tpu.memory_space<vmem>>[vector<16xi32>], vector<16xf32>,
      %min3A_256 = arith.minimumf %gather3A_247, %gather3A_242 : vector<16xf32>
      %max3A_257 = arith.maximumf %gather3A_247, %gather3A_242 : vector<16xf32>
      %select_n3A_258 = arith.select %eq3A_36, %min3A_256, %max3A_257 : vector<16xi1>, vector<16xf32>
      tpu.vector_store_idx %arg7[%get3A_198], %select_n3A_258 : memref<50000xf32, #tpu.memory_space<vmem>>[vector<16xi32>], vector<16xf32>,
      %min3A_259 = arith.minimumf %gather3A_248, %gather3A_243 : vector<16xf32>
      %max3A_260 = arith.maximumf %gather3A_248, %gather3A_243 : vector<16xf32>
      %select_n3A_261 = arith.select %eq3A_36, %min3A_259, %max3A_260 : vector<16xi1>, vector<16xf32>
      tpu.vector_store_idx %arg7[%get3A_204], %select_n3A_261 : memref<50000xf32, #tpu.memory_space<vmem>>[vector<16xi32>], vector<16xf32>,
      %min3A_262 = arith.minimumf %gather3A_249, %gather3A_244 : vector<16xf32>
      %max3A_263 = arith.maximumf %gather3A_249, %gather3A_244 : vector<16xf32>
      %select_n3A_264 = arith.select %eq3A_36, %min3A_262, %max3A_263 : vector<16xi1>, vector<16xf32>
      tpu.vector_store_idx %arg7[%get3A_210], %select_n3A_264 : memref<50000xf32, #tpu.memory_space<vmem>>[vector<16xi32>], vector<16xf32>,
      %gather3A_265 = tpu.vector_load_idx %arg7[%get3A_186] : memref<50000xf32, #tpu.memory_space<vmem>>[vector<16xi32>], vector<16xf32>,
      %gather3A_266 = tpu.vector_load_idx %arg7[%get3A_192] : memref<50000xf32, #tpu.memory_space<vmem>>[vector<16xi32>], vector<16xf32>,
      %gather3A_267 = tpu.vector_load_idx %arg7[%get3A_198] : memref<50000xf32, #tpu.memory_space<vmem>>[vector<16xi32>], vector<16xf32>,
      %gather3A_268 = tpu.vector_load_idx %arg7[%get3A_204] : memref<50000xf32, #tpu.memory_space<vmem>>[vector<16xi32>], vector<16xf32>,
      %gather3A_269 = tpu.vector_load_idx %arg7[%get3A_210] : memref<50000xf32, #tpu.memory_space<vmem>>[vector<16xi32>], vector<16xf32>,
      %gt3A = arith.cmpf ogt, %gather3A_265, %gather3A : vector<16xf32>
      %lt3A_270 = arith.cmpf olt, %gather3A_265, %gather3A : vector<16xf32>
      %select_n3A_271 = arith.select %eq3A_36, %gt3A, %lt3A_270 : vector<16xi1>, vector<16xi1>
      %gt3A_272 = arith.cmpf ogt, %gather3A_266, %gather3A_241 : vector<16xf32>
      %lt3A_273 = arith.cmpf olt, %gather3A_266, %gather3A_241 : vector<16xf32>
      %select_n3A_274 = arith.select %eq3A_36, %gt3A_272, %lt3A_273 : vector<16xi1>, vector<16xi1>
      %gt3A_275 = arith.cmpf ogt, %gather3A_267, %gather3A_242 : vector<16xf32>
      %lt3A_276 = arith.cmpf olt, %gather3A_267, %gather3A_242 : vector<16xf32>
      %select_n3A_277 = arith.select %eq3A_36, %gt3A_275, %lt3A_276 : vector<16xi1>, vector<16xi1>
      %gt3A_278 = arith.cmpf ogt, %gather3A_268, %gather3A_243 : vector<16xf32>
      %lt3A_279 = arith.cmpf olt, %gather3A_268, %gather3A_243 : vector<16xf32>
      %select_n3A_280 = arith.select %eq3A_36, %gt3A_278, %lt3A_279 : vector<16xi1>, vector<16xi1>
      %gt3A_281 = arith.cmpf ogt, %gather3A_269, %gather3A_244 : vector<16xf32>
      %lt3A_282 = arith.cmpf olt, %gather3A_269, %gather3A_244 : vector<16xf32>
      %select_n3A_283 = arith.select %eq3A_36, %gt3A_281, %lt3A_282 : vector<16xi1>, vector<16xi1>
      tpu.vector_store_idx %arg7[%get3A_186], %gather3A masked %select_n3A_271 : memref<50000xf32, #tpu.memory_space<vmem>>[vector<16xi32>], vector<16xf32>, vector<16xi1>
      tpu.vector_store_idx %arg7[%get3A_192], %gather3A_241 masked %select_n3A_274 : memref<50000xf32, #tpu.memory_space<vmem>>[vector<16xi32>], vector<16xf32>, vector<16xi1>
      tpu.vector_store_idx %arg7[%get3A_198], %gather3A_242 masked %select_n3A_277 : memref<50000xf32, #tpu.memory_space<vmem>>[vector<16xi32>], vector<16xf32>, vector<16xi1>
      tpu.vector_store_idx %arg7[%get3A_204], %gather3A_243 masked %select_n3A_280 : memref<50000xf32, #tpu.memory_space<vmem>>[vector<16xi32>], vector<16xf32>, vector<16xi1>
      tpu.vector_store_idx %arg7[%get3A_210], %gather3A_244 masked %select_n3A_283 : memref<50000xf32, #tpu.memory_space<vmem>>[vector<16xi32>], vector<16xf32>, vector<16xi1>
      %gather3A_284 = tpu.vector_load_idx %arg7[%get3A_186] : memref<50000xf32, #tpu.memory_space<vmem>>[vector<16xi32>], vector<16xf32>,
      %gather3A_285 = tpu.vector_load_idx %arg7[%get3A_192] : memref<50000xf32, #tpu.memory_space<vmem>>[vector<16xi32>], vector<16xf32>,
      %gather3A_286 = tpu.vector_load_idx %arg7[%get3A_198] : memref<50000xf32, #tpu.memory_space<vmem>>[vector<16xi32>], vector<16xf32>,
      %gather3A_287 = tpu.vector_load_idx %arg7[%get3A_204] : memref<50000xf32, #tpu.memory_space<vmem>>[vector<16xi32>], vector<16xf32>,
      %gather3A_288 = tpu.vector_load_idx %arg7[%get3A_210] : memref<50000xf32, #tpu.memory_space<vmem>>[vector<16xi32>], vector<16xf32>,
      %gt3A_289 = arith.cmpf ogt, %gather3A_284, %gather3A : vector<16xf32>
      %lt3A_290 = arith.cmpf olt, %gather3A_284, %gather3A : vector<16xf32>
      %select_n3A_291 = arith.select %eq3A_36, %gt3A_289, %lt3A_290 : vector<16xi1>, vector<16xi1>
      %or3A = arith.ori %scan3A_179, %select_n3A_291 : vector<16xi1>
      %gt3A_292 = arith.cmpf ogt, %gather3A_285, %gather3A_241 : vector<16xf32>
      %lt3A_293 = arith.cmpf olt, %gather3A_285, %gather3A_241 : vector<16xf32>
      %select_n3A_294 = arith.select %eq3A_36, %gt3A_292, %lt3A_293 : vector<16xi1>, vector<16xi1>
      %or3A_295 = arith.ori %or3A, %select_n3A_294 : vector<16xi1>
      %gt3A_296 = arith.cmpf ogt, %gather3A_286, %gather3A_242 : vector<16xf32>
      %lt3A_297 = arith.cmpf olt, %gather3A_286, %gather3A_242 : vector<16xf32>
      %select_n3A_298 = arith.select %eq3A_36, %gt3A_296, %lt3A_297 : vector<16xi1>, vector<16xi1>
      %or3A_299 = arith.ori %or3A_295, %select_n3A_298 : vector<16xi1>
      %gt3A_300 = arith.cmpf ogt, %gather3A_287, %gather3A_243 : vector<16xf32>
      %lt3A_301 = arith.cmpf olt, %gather3A_287, %gather3A_243 : vector<16xf32>
      %select_n3A_302 = arith.select %eq3A_36, %gt3A_300, %lt3A_301 : vector<16xi1>, vector<16xi1>
      %or3A_303 = arith.ori %or3A_299, %select_n3A_302 : vector<16xi1>
      %gt3A_304 = arith.cmpf ogt, %gather3A_288, %gather3A_244 : vector<16xf32>
      %lt3A_305 = arith.cmpf olt, %gather3A_288, %gather3A_244 : vector<16xf32>
      %select_n3A_306 = arith.select %eq3A_36, %gt3A_304, %lt3A_305 : vector<16xi1>, vector<16xi1>
      %or3A_307 = arith.ori %or3A_303, %select_n3A_306 : vector<16xi1>
      scf.yield %or3A_307 : vector<16xi1>
    }
    %scan3A_120 = arith.constant 25 : i32
    %reduce_or3A = arith.constant 1.000000e+00 : f32
    %reduce_or3A_121 = arith.constant 0.000000e+00 : f32
    %reduce_or3A_122 = vector.broadcast %reduce_or3A : f32 to vector<16xf32>
    %reduce_or3A_123 = vector.broadcast %reduce_or3A_121 : f32 to vector<16xf32>
    %reduce_or3A_124 = arith.select %scan3A_119, %reduce_or3A_122, %reduce_or3A_123 : vector<16xi1>, vector<16xf32>
    %reduce_or3A_125 = arith.constant true
    %reduce_or3A_126 = vector.broadcast %reduce_or3A_125 : i1 to vector<16xi1>
    %reduce_or3A_127 = tpu.scan <max>, %reduce_or3A_124 masked %reduce_or3A_126 : vector<16xf32>, vector<16xi1> -> vector<16xf32>
    %reduce_or3A_128 = vector.extract %reduce_or3A_127[15] : f32 from vector<16xf32>
    %reduce_or3A_129 = arith.constant 0.000000e+00 : f32
    %reduce_or3A_130 = arith.cmpf ogt, %reduce_or3A_128, %reduce_or3A_129 : f32
    %convert_element_type3A = arith.extui %reduce_or3A_130 : i1 to i32
    %cond3A = arith.constant 0 : i32
    %cond3A_131 = arith.cmpi ne, %convert_element_type3A, %cond3A : i32
    scf.if %cond3A_131 {
      %scan3A_178 = arith.constant 0 : i32
      %scan3A_179 = arith.constant 0 : i32
      %scan3A_180 = arith.constant 125 : i32
      %scan3A_181 = arith.addi %scan3A_179, %scan3A_180 : i32
      %scan3A_182 = arith.constant 1 : i32
      scf.for %scan3A_184 = %scan3A_179 to %scan3A_181 step %scan3A_182  : i32 {
        %mul3A_185 = arith.constant 16 : i32
        %mul3A_186 = arith.muli %scan3A_184, %mul3A_185 : i32
        %get3A = arith.index_cast %mul3A_186 : i32 to index
        %get3A_187 = tpu.vector_load %arg8[%get3A] {strides = array<i32>} : memref<2000xi32, #tpu.memory_space<vmem>>, vector<16xi32>,
        %mul3A_188 = arith.constant 16 : i32
        %mul3A_189 = arith.muli %scan3A_184, %mul3A_188 : i32
        %get3A_190 = arith.index_cast %mul3A_189 : i32 to index
        %get3A_191 = tpu.vector_load %arg9[%get3A_190] {strides = array<i32>} : memref<2000xi32, #tpu.memory_space<vmem>>, vector<16xi32>,
        %gather3A = tpu.vector_load_idx %arg6[%get3A_187] : memref<50000xf32, #tpu.memory_space<vmem>>[vector<16xi32>], vector<16xf32>,
        %masked_sort3A = arith.constant dense<true> : vector<16xi1>
        %masked_sort3A_192 = arith.constant -2147483648 : i32
        %masked_sort3A_193 = vector.broadcast %masked_sort3A_192 : i32 to vector<16xi32>
        %masked_sort3A_194 = arith.xori %get3A_191, %masked_sort3A_193 : vector<16xi32>
        %masked_sort3A_195, %masked_sort3A_196, %masked_sort3A_197 = tpu.sort %masked_sort3A_194, %gather3A masked %masked_sort3A : (vector<16xi32>, vector<16xf32>, vector<16xi1>) -> (vector<16xi1>, vector<16xi32>, vector<16xf32>)
        %masked_sort3A_198 = arith.xori %masked_sort3A_196, %masked_sort3A_193 : vector<16xi32>
        %broadcast_in_dim3A_199 = vector.shape_cast %max3A_41 : vector<16xi32> to vector<16x1xi32>
        %gather3A_200 = vector.shape_cast %broadcast_in_dim3A_199 : vector<16x1xi32> to vector<16xi32>
        %gather3A_201 = tpu.dynamic_gather %masked_sort3A_198[%gather3A_200] in [0] : vector<16xi32>, vector<16xi32> -> vector<16xi32>
        %broadcast_in_dim3A_202 = vector.shape_cast %max3A_41 : vector<16xi32> to vector<16x1xi32>
        %gather3A_203 = vector.shape_cast %broadcast_in_dim3A_202 : vector<16x1xi32> to vector<16xi32>
        %gather3A_204 = tpu.dynamic_gather %masked_sort3A_197[%gather3A_203] in [0] : vector<16xf32>, vector<16xi32> -> vector<16xf32>
        %eq3A_205 = arith.cmpi eq, %gather3A_201, %masked_sort3A_198 : vector<16xi32>
        %ge3A = arith.constant 1 : i32
        %ge3A_206 = vector.broadcast %ge3A : i32 to vector<16xi32>
        %ge3A_207 = arith.cmpi sge, %iota3A, %ge3A_206 : vector<16xi32>
        %and3A_208 = arith.andi %eq3A_205, %ge3A_207 : vector<16xi1>
        %min3A_209 = arith.minimumf %masked_sort3A_197, %gather3A_204 : vector<16xf32>
        %max3A_210 = arith.maximumf %masked_sort3A_197, %gather3A_204 : vector<16xf32>
        %select_n3A_211 = arith.select %eq3A_36, %min3A_209, %max3A_210 : vector<16xi1>, vector<16xf32>
        %select_n3A_212 = arith.select %and3A_208, %select_n3A_211, %masked_sort3A_197 : vector<16xi1>, vector<16xf32>
        %broadcast_in_dim3A_213 = vector.shape_cast %max3A_47 : vector<16xi32> to vector<16x1xi32>
        %gather3A_214 = vector.shape_cast %broadcast_in_dim3A_213 : vector<16x1xi32> to vector<16xi32>
        %gather3A_215 = tpu.dynamic_gather %masked_sort3A_198[%gather3A_214] in [0] : vector<16xi32>, vector<16xi32> -> vector<16xi32>
        %broadcast_in_dim3A_216 = vector.shape_cast %max3A_47 : vector<16xi32> to vector<16x1xi32>
        %gather3A_217 = vector.shape_cast %broadcast_in_dim3A_216 : vector<16x1xi32> to vector<16xi32>
        %gather3A_218 = tpu.dynamic_gather %select_n3A_212[%gather3A_217] in [0] : vector<16xf32>, vector<16xi32> -> vector<16xf32>
        %eq3A_219 = arith.cmpi eq, %gather3A_215, %masked_sort3A_198 : vector<16xi32>
        %ge3A_220 = arith.constant 2 : i32
        %ge3A_221 = vector.broadcast %ge3A_220 : i32 to vector<16xi32>
        %ge3A_222 = arith.cmpi sge, %iota3A, %ge3A_221 : vector<16xi32>
        %and3A_223 = arith.andi %eq3A_219, %ge3A_222 : vector<16xi1>
        %min3A_224 = arith.minimumf %select_n3A_212, %gather3A_218 : vector<16xf32>
        %max3A_225 = arith.maximumf %select_n3A_212, %gather3A_218 : vector<16xf32>
        %select_n3A_226 = arith.select %eq3A_36, %min3A_224, %max3A_225 : vector<16xi1>, vector<16xf32>
        %select_n3A_227 = arith.select %and3A_223, %select_n3A_226, %select_n3A_212 : vector<16xi1>, vector<16xf32>
        %broadcast_in_dim3A_228 = vector.shape_cast %max3A_53 : vector<16xi32> to vector<16x1xi32>
        %gather3A_229 = vector.shape_cast %broadcast_in_dim3A_228 : vector<16x1xi32> to vector<16xi32>
        %gather3A_230 = tpu.dynamic_gather %masked_sort3A_198[%gather3A_229] in [0] : vector<16xi32>, vector<16xi32> -> vector<16xi32>
        %broadcast_in_dim3A_231 = vector.shape_cast %max3A_53 : vector<16xi32> to vector<16x1xi32>
        %gather3A_232 = vector.shape_cast %broadcast_in_dim3A_231 : vector<16x1xi32> to vector<16xi32>
        %gather3A_233 = tpu.dynamic_gather %select_n3A_227[%gather3A_232] in [0] : vector<16xf32>, vector<16xi32> -> vector<16xf32>
        %eq3A_234 = arith.cmpi eq, %gather3A_230, %masked_sort3A_198 : vector<16xi32>
        %ge3A_235 = arith.constant 4 : i32
        %ge3A_236 = vector.broadcast %ge3A_235 : i32 to vector<16xi32>
        %ge3A_237 = arith.cmpi sge, %iota3A, %ge3A_236 : vector<16xi32>
        %and3A_238 = arith.andi %eq3A_234, %ge3A_237 : vector<16xi1>
        %min3A_239 = arith.minimumf %select_n3A_227, %gather3A_233 : vector<16xf32>
        %max3A_240 = arith.maximumf %select_n3A_227, %gather3A_233 : vector<16xf32>
        %select_n3A_241 = arith.select %eq3A_36, %min3A_239, %max3A_240 : vector<16xi1>, vector<16xf32>
        %select_n3A_242 = arith.select %and3A_238, %select_n3A_241, %select_n3A_227 : vector<16xi1>, vector<16xf32>
        %broadcast_in_dim3A_243 = vector.shape_cast %max3A_59 : vector<16xi32> to vector<16x1xi32>
        %gather3A_244 = vector.shape_cast %broadcast_in_dim3A_243 : vector<16x1xi32> to vector<16xi32>
        %gather3A_245 = tpu.dynamic_gather %masked_sort3A_198[%gather3A_244] in [0] : vector<16xi32>, vector<16xi32> -> vector<16xi32>
        %broadcast_in_dim3A_246 = vector.shape_cast %max3A_59 : vector<16xi32> to vector<16x1xi32>
        %gather3A_247 = vector.shape_cast %broadcast_in_dim3A_246 : vector<16x1xi32> to vector<16xi32>
        %gather3A_248 = tpu.dynamic_gather %select_n3A_242[%gather3A_247] in [0] : vector<16xf32>, vector<16xi32> -> vector<16xf32>
        %eq3A_249 = arith.cmpi eq, %gather3A_245, %masked_sort3A_198 : vector<16xi32>
        %ge3A_250 = arith.constant 8 : i32
        %ge3A_251 = vector.broadcast %ge3A_250 : i32 to vector<16xi32>
        %ge3A_252 = arith.cmpi sge, %iota3A, %ge3A_251 : vector<16xi32>
        %and3A_253 = arith.andi %eq3A_249, %ge3A_252 : vector<16xi1>
        %min3A_254 = arith.minimumf %select_n3A_242, %gather3A_248 : vector<16xf32>
        %max3A_255 = arith.maximumf %select_n3A_242, %gather3A_248 : vector<16xf32>
        %select_n3A_256 = arith.select %eq3A_36, %min3A_254, %max3A_255 : vector<16xi1>, vector<16xf32>
        %select_n3A_257 = arith.select %and3A_253, %select_n3A_256, %select_n3A_242 : vector<16xi1>, vector<16xf32>
        %broadcast_in_dim3A_258 = vector.shape_cast %min3A_64 : vector<16xi32> to vector<16x1xi32>
        %gather3A_259 = vector.shape_cast %broadcast_in_dim3A_258 : vector<16x1xi32> to vector<16xi32>
        %gather3A_260 = tpu.dynamic_gather %masked_sort3A_198[%gather3A_259] in [0] : vector<16xi32>, vector<16xi32> -> vector<16xi32>
        %ne3A_261 = arith.cmpi ne, %masked_sort3A_198, %gather3A_260 : vector<16xi32>
        %or3A = arith.ori %ne3A_261, %eq3A_67 : vector<16xi1>
        %gather3A_262 = tpu.vector_load_idx %arg7[%masked_sort3A_198] : memref<50000xf32, #tpu.memory_space<vmem>>[vector<16xi32>], vector<16xf32>,
        %min3A_263 = arith.minimumf %gather3A_262, %select_n3A_257 : vector<16xf32>
        %max3A_264 = arith.maximumf %gather3A_262, %select_n3A_257 : vector<16xf32>
        %select_n3A_265 = arith.select %eq3A_36, %min3A_263, %max3A_264 : vector<16xi1>, vector<16xf32>
        tpu.vector_store_idx %arg7[%masked_sort3A_198], %select_n3A_265 masked %or3A : memref<50000xf32, #tpu.memory_space<vmem>>[vector<16xi32>], vector<16xf32>, vector<16xi1>
      }
      %scan3A_183 = arith.constant 125 : i32
    } else {
    }
    %jit3A_132 = arith.constant 2 : i32
    %eq3A_133 = arith.constant 0 : i32
    %eq3A_134 = arith.cmpi eq, %jit3A_132, %eq3A_133 : i32
    %jit3A_135 = arith.constant 1 : i32
    %select_n3A_136 = arith.select %eq3A_134, %jit3A_135, %jit3A_132 : i32
    %rem3A_137 = arith.remsi %add3A, %select_n3A_136 : i32
    %ne3A_138 = arith.constant 0 : i32
    %ne3A_139 = arith.cmpi ne, %rem3A_137, %ne3A_138 : i32
    %lt3A_140 = arith.constant 0 : i32
    %lt3A_141 = arith.cmpi slt, %rem3A_137, %lt3A_140 : i32
    %lt3A_142 = arith.constant 0 : i32
    %lt3A_143 = arith.cmpi slt, %select_n3A_136, %lt3A_142 : i32
    %ne3A_144 = arith.xori %lt3A_141, %lt3A_143 : i1
    %and3A_145 = arith.andi %ne3A_144, %ne3A_139 : i1
    %add3A_146 = arith.addi %rem3A_137, %select_n3A_136 : i32
    %select_n3A_147 = arith.select %and3A_145, %add3A_146, %rem3A_137 : i32
    %mul3A_148 = arith.constant 16 : i32
    %mul3A_149 = arith.muli %select_n3A_147, %mul3A_148 : i32
    %jit3A_150 = arith.constant 2 : i32
    %div3A_151 = arith.divsi %add3A, %jit3A_150 : i32
    %sign3A_152 = arith.constant 0 : i32
    %sign3A_153 = arith.cmpi sgt, %add3A, %sign3A_152 : i32
    %sign3A_154 = arith.extui %sign3A_153 : i1 to i32
    %sign3A_155 = arith.constant 0 : i32
    %sign3A_156 = arith.cmpi slt, %add3A, %sign3A_155 : i32
    %sign3A_157 = arith.extui %sign3A_156 : i1 to i32
    %sign3A_158 = arith.subi %sign3A_154, %sign3A_157 : i32
    %sign3A_159 = arith.constant 0 : i32
    %sign3A_160 = arith.cmpi sgt, %jit3A_150, %sign3A_159 : i32
    %sign3A_161 = arith.extui %sign3A_160 : i1 to i32
    %sign3A_162 = arith.constant 0 : i32
    %sign3A_163 = arith.cmpi slt, %jit3A_150, %sign3A_162 : i32
    %sign3A_164 = arith.extui %sign3A_163 : i1 to i32
    %sign3A_165 = arith.subi %sign3A_161, %sign3A_164 : i32
    %ne3A_166 = arith.cmpi ne, %sign3A_158, %sign3A_165 : i32
    %rem3A_167 = arith.remsi %add3A, %jit3A_150 : i32
    %ne3A_168 = arith.constant 0 : i32
    %ne3A_169 = arith.cmpi ne, %rem3A_167, %ne3A_168 : i32
    %and3A_170 = arith.andi %ne3A_166, %ne3A_169 : i1
    %sub3A_171 = arith.constant 1 : i32
    %sub3A_172 = arith.subi %div3A_151, %sub3A_171 : i32
    %select_n3A_173 = arith.select %and3A_170, %sub3A_172, %div3A_151 : i32
    %add3A_174 = arith.addi %mul3A_149, %select_n3A_173 : i32
    %mul3A_175 = arith.constant 51200 : i32
    %mul3A_176 = arith.muli %add3A_174, %mul3A_175 : i32
    %multiple_of3A_177 = tpu.assume_multiple %mul3A_176, 8 : i32
    "tpu.region"() ({
      %run_scoped3A = tpu.sem_alloc : memref<!tpu.dma_semaphore, #tpu.memory_space<semaphore_mem>>
      %dma_start3A_178 = tpu.memref_slice %arg5[%multiple_of3A_177] : memref<1638400xf32, #tpu.memory_space<hbm>> -> memref<50000xf32, #tpu.memory_space<hbm>>
      %dma_start3A_179 = tpu.memref_slice %arg5[%multiple_of3A_177] : memref<1638400xf32, #tpu.memory_space<hbm>> -> memref<50000xf32, #tpu.memory_space<hbm>>
      tpu.enqueue_dma source(%arg7 : memref<50000xf32, #tpu.memory_space<vmem>>) target(%dma_start3A_179 : memref<50000xf32, #tpu.memory_space<hbm>>) target_semaphore(%run_scoped3A : memref<!tpu.dma_semaphore, #tpu.memory_space<semaphore_mem>>)
      %dma_wait3A_180 = tpu.memref_slice %arg5[%multiple_of3A_177] : memref<1638400xf32, #tpu.memory_space<hbm>> -> memref<50000xf32, #tpu.memory_space<hbm>>
      %dma_wait3A_181 = tpu.memref_slice %arg5[%multiple_of3A_177] : memref<1638400xf32, #tpu.memory_space<hbm>> -> memref<50000xf32, #tpu.memory_space<hbm>>
      tpu.wait_dma2 semaphore(%run_scoped3A : memref<!tpu.dma_semaphore, #tpu.memory_space<semaphore_mem>>) src(%arg7 : memref<50000xf32, #tpu.memory_space<vmem>>) dst(%dma_wait3A_181 : memref<50000xf32, #tpu.memory_space<hbm>>)
      tpu.yield
    }) : () -> ()
    return
  }
}

module attributes {stable_mosaic.version = 14 : i64} {
  func.func @_t1_body(%arg0: i32, %arg1: memref<32x2048xf32, #tpu.memory_space<vmem>>, %arg2: memref<8x2048xf32, #tpu.memory_space<vmem>>, %arg3: memref<8x1xf32, #tpu.memory_space<smem>>, %arg4: memref<1xf32, #tpu.memory_space<smem>>, %arg5: memref<2048xf32, #tpu.memory_space<vmem>>) attributes {dimension_semantics = [#tpu.dimension_semantics<arbitrary>], iteration_bounds = array<i64: 25>, scalar_prefetch = 0 : i64, scratch_operands = 0 : i64, tpu.core_type = #tpu.core_type<tc>, window_params = [{transform_indices = @transform_0, window_bounds = array<i64: 32, 2048>}, {transform_indices = @transform_1, window_bounds = array<i64: 8, 2048>}, {transform_indices = @transform_2, window_bounds = array<i64: 8, 1>}, {transform_indices = @transform_3, window_bounds = array<i64: 1>}, {transform_indices = @transform_4, window_bounds = array<i64: 2048>}]} {
    %broadcast_in_dim3A = arith.constant 0.000000e+00 : f32
    %broadcast_in_dim3A_0 = vector.broadcast %broadcast_in_dim3A : f32 to vector<2048xf32>
    %get3A = arith.constant 0 : index
    %get3A_1 = arith.constant 0 : index
    %get3A_2 = vector.load %arg1[%get3A, %get3A_1] : memref<32x2048xf32, #tpu.memory_space<vmem>>, vector<1x2048xf32>
    %get3A_3 = vector.shape_cast %get3A_2 : vector<1x2048xf32> to vector<2048xf32>
    %get3A_4 = arith.constant 1 : index
    %get3A_5 = arith.constant 0 : index
    %get3A_6 = vector.load %arg1[%get3A_4, %get3A_5] : memref<32x2048xf32, #tpu.memory_space<vmem>>, vector<1x2048xf32>
    %get3A_7 = vector.shape_cast %get3A_6 : vector<1x2048xf32> to vector<2048xf32>
    %min3A = arith.minimumf %get3A_3, %get3A_7 : vector<2048xf32>
    %get3A_8 = arith.constant 2 : index
    %get3A_9 = arith.constant 0 : index
    %get3A_10 = vector.load %arg1[%get3A_8, %get3A_9] : memref<32x2048xf32, #tpu.memory_space<vmem>>, vector<1x2048xf32>
    %get3A_11 = vector.shape_cast %get3A_10 : vector<1x2048xf32> to vector<2048xf32>
    %get3A_12 = arith.constant 3 : index
    %get3A_13 = arith.constant 0 : index
    %get3A_14 = vector.load %arg1[%get3A_12, %get3A_13] : memref<32x2048xf32, #tpu.memory_space<vmem>>, vector<1x2048xf32>
    %get3A_15 = vector.shape_cast %get3A_14 : vector<1x2048xf32> to vector<2048xf32>
    %max3A = arith.maximumf %get3A_11, %get3A_15 : vector<2048xf32>
    %get3A_16 = arith.constant 0 : index
    %get3A_17 = arith.constant 0 : index
    %get3A_18 = vector.load %arg2[%get3A_16, %get3A_17] : memref<8x2048xf32, #tpu.memory_space<vmem>>, vector<1x2048xf32>
    %get3A_19 = vector.shape_cast %get3A_18 : vector<1x2048xf32> to vector<2048xf32>
    %sub3A = arith.subf %get3A_19, %min3A : vector<2048xf32>
    %sub3A_20 = arith.subf %max3A, %get3A_19 : vector<2048xf32>
    %max3A_21 = arith.maximumf %sub3A, %sub3A_20 : vector<2048xf32>
    %get3A_22 = arith.constant 0 : index
    %get3A_23 = arith.constant 0 : index
    %get3A_24 = memref.load %arg3[%get3A_22, %get3A_23] : memref<8x1xf32, #tpu.memory_space<smem>>
    %mul3A = vector.broadcast %get3A_24 : f32 to vector<2048xf32>
    %mul3A_25 = arith.mulf %max3A_21, %mul3A : vector<2048xf32>
    %add3A = arith.addf %broadcast_in_dim3A_0, %mul3A_25 : vector<2048xf32>
    %get3A_26 = arith.constant 4 : index
    %get3A_27 = arith.constant 0 : index
    %get3A_28 = vector.load %arg1[%get3A_26, %get3A_27] : memref<32x2048xf32, #tpu.memory_space<vmem>>, vector<1x2048xf32>
    %get3A_29 = vector.shape_cast %get3A_28 : vector<1x2048xf32> to vector<2048xf32>
    %get3A_30 = arith.constant 5 : index
    %get3A_31 = arith.constant 0 : index
    %get3A_32 = vector.load %arg1[%get3A_30, %get3A_31] : memref<32x2048xf32, #tpu.memory_space<vmem>>, vector<1x2048xf32>
    %get3A_33 = vector.shape_cast %get3A_32 : vector<1x2048xf32> to vector<2048xf32>
    %min3A_34 = arith.minimumf %get3A_29, %get3A_33 : vector<2048xf32>
    %get3A_35 = arith.constant 6 : index
    %get3A_36 = arith.constant 0 : index
    %get3A_37 = vector.load %arg1[%get3A_35, %get3A_36] : memref<32x2048xf32, #tpu.memory_space<vmem>>, vector<1x2048xf32>
    %get3A_38 = vector.shape_cast %get3A_37 : vector<1x2048xf32> to vector<2048xf32>
    %get3A_39 = arith.constant 7 : index
    %get3A_40 = arith.constant 0 : index
    %get3A_41 = vector.load %arg1[%get3A_39, %get3A_40] : memref<32x2048xf32, #tpu.memory_space<vmem>>, vector<1x2048xf32>
    %get3A_42 = vector.shape_cast %get3A_41 : vector<1x2048xf32> to vector<2048xf32>
    %max3A_43 = arith.maximumf %get3A_38, %get3A_42 : vector<2048xf32>
    %get3A_44 = arith.constant 1 : index
    %get3A_45 = arith.constant 0 : index
    %get3A_46 = vector.load %arg2[%get3A_44, %get3A_45] : memref<8x2048xf32, #tpu.memory_space<vmem>>, vector<1x2048xf32>
    %get3A_47 = vector.shape_cast %get3A_46 : vector<1x2048xf32> to vector<2048xf32>
    %sub3A_48 = arith.subf %get3A_47, %min3A_34 : vector<2048xf32>
    %sub3A_49 = arith.subf %max3A_43, %get3A_47 : vector<2048xf32>
    %max3A_50 = arith.maximumf %sub3A_48, %sub3A_49 : vector<2048xf32>
    %get3A_51 = arith.constant 1 : index
    %get3A_52 = arith.constant 0 : index
    %get3A_53 = memref.load %arg3[%get3A_51, %get3A_52] : memref<8x1xf32, #tpu.memory_space<smem>>
    %mul3A_54 = vector.broadcast %get3A_53 : f32 to vector<2048xf32>
    %mul3A_55 = arith.mulf %max3A_50, %mul3A_54 : vector<2048xf32>
    %add3A_56 = arith.addf %add3A, %mul3A_55 : vector<2048xf32>
    %get3A_57 = arith.constant 8 : index
    %get3A_58 = arith.constant 0 : index
    %get3A_59 = vector.load %arg1[%get3A_57, %get3A_58] : memref<32x2048xf32, #tpu.memory_space<vmem>>, vector<1x2048xf32>
    %get3A_60 = vector.shape_cast %get3A_59 : vector<1x2048xf32> to vector<2048xf32>
    %get3A_61 = arith.constant 9 : index
    %get3A_62 = arith.constant 0 : index
    %get3A_63 = vector.load %arg1[%get3A_61, %get3A_62] : memref<32x2048xf32, #tpu.memory_space<vmem>>, vector<1x2048xf32>
    %get3A_64 = vector.shape_cast %get3A_63 : vector<1x2048xf32> to vector<2048xf32>
    %min3A_65 = arith.minimumf %get3A_60, %get3A_64 : vector<2048xf32>
    %get3A_66 = arith.constant 10 : index
    %get3A_67 = arith.constant 0 : index
    %get3A_68 = vector.load %arg1[%get3A_66, %get3A_67] : memref<32x2048xf32, #tpu.memory_space<vmem>>, vector<1x2048xf32>
    %get3A_69 = vector.shape_cast %get3A_68 : vector<1x2048xf32> to vector<2048xf32>
    %get3A_70 = arith.constant 11 : index
    %get3A_71 = arith.constant 0 : index
    %get3A_72 = vector.load %arg1[%get3A_70, %get3A_71] : memref<32x2048xf32, #tpu.memory_space<vmem>>, vector<1x2048xf32>
    %get3A_73 = vector.shape_cast %get3A_72 : vector<1x2048xf32> to vector<2048xf32>
    %max3A_74 = arith.maximumf %get3A_69, %get3A_73 : vector<2048xf32>
    %get3A_75 = arith.constant 2 : index
    %get3A_76 = arith.constant 0 : index
    %get3A_77 = vector.load %arg2[%get3A_75, %get3A_76] : memref<8x2048xf32, #tpu.memory_space<vmem>>, vector<1x2048xf32>
    %get3A_78 = vector.shape_cast %get3A_77 : vector<1x2048xf32> to vector<2048xf32>
    %sub3A_79 = arith.subf %get3A_78, %min3A_65 : vector<2048xf32>
    %sub3A_80 = arith.subf %max3A_74, %get3A_78 : vector<2048xf32>
    %max3A_81 = arith.maximumf %sub3A_79, %sub3A_80 : vector<2048xf32>
    %get3A_82 = arith.constant 2 : index
    %get3A_83 = arith.constant 0 : index
    %get3A_84 = memref.load %arg3[%get3A_82, %get3A_83] : memref<8x1xf32, #tpu.memory_space<smem>>
    %mul3A_85 = vector.broadcast %get3A_84 : f32 to vector<2048xf32>
    %mul3A_86 = arith.mulf %max3A_81, %mul3A_85 : vector<2048xf32>
    %add3A_87 = arith.addf %add3A_56, %mul3A_86 : vector<2048xf32>
    %get3A_88 = arith.constant 12 : index
    %get3A_89 = arith.constant 0 : index
    %get3A_90 = vector.load %arg1[%get3A_88, %get3A_89] : memref<32x2048xf32, #tpu.memory_space<vmem>>, vector<1x2048xf32>
    %get3A_91 = vector.shape_cast %get3A_90 : vector<1x2048xf32> to vector<2048xf32>
    %get3A_92 = arith.constant 13 : index
    %get3A_93 = arith.constant 0 : index
    %get3A_94 = vector.load %arg1[%get3A_92, %get3A_93] : memref<32x2048xf32, #tpu.memory_space<vmem>>, vector<1x2048xf32>
    %get3A_95 = vector.shape_cast %get3A_94 : vector<1x2048xf32> to vector<2048xf32>
    %min3A_96 = arith.minimumf %get3A_91, %get3A_95 : vector<2048xf32>
    %get3A_97 = arith.constant 14 : index
    %get3A_98 = arith.constant 0 : index
    %get3A_99 = vector.load %arg1[%get3A_97, %get3A_98] : memref<32x2048xf32, #tpu.memory_space<vmem>>, vector<1x2048xf32>
    %get3A_100 = vector.shape_cast %get3A_99 : vector<1x2048xf32> to vector<2048xf32>
    %get3A_101 = arith.constant 15 : index
    %get3A_102 = arith.constant 0 : index
    %get3A_103 = vector.load %arg1[%get3A_101, %get3A_102] : memref<32x2048xf32, #tpu.memory_space<vmem>>, vector<1x2048xf32>
    %get3A_104 = vector.shape_cast %get3A_103 : vector<1x2048xf32> to vector<2048xf32>
    %max3A_105 = arith.maximumf %get3A_100, %get3A_104 : vector<2048xf32>
    %get3A_106 = arith.constant 3 : index
    %get3A_107 = arith.constant 0 : index
    %get3A_108 = vector.load %arg2[%get3A_106, %get3A_107] : memref<8x2048xf32, #tpu.memory_space<vmem>>, vector<1x2048xf32>
    %get3A_109 = vector.shape_cast %get3A_108 : vector<1x2048xf32> to vector<2048xf32>
    %sub3A_110 = arith.subf %get3A_109, %min3A_96 : vector<2048xf32>
    %sub3A_111 = arith.subf %max3A_105, %get3A_109 : vector<2048xf32>
    %max3A_112 = arith.maximumf %sub3A_110, %sub3A_111 : vector<2048xf32>
    %get3A_113 = arith.constant 3 : index
    %get3A_114 = arith.constant 0 : index
    %get3A_115 = memref.load %arg3[%get3A_113, %get3A_114] : memref<8x1xf32, #tpu.memory_space<smem>>
    %mul3A_116 = vector.broadcast %get3A_115 : f32 to vector<2048xf32>
    %mul3A_117 = arith.mulf %max3A_112, %mul3A_116 : vector<2048xf32>
    %add3A_118 = arith.addf %add3A_87, %mul3A_117 : vector<2048xf32>
    %get3A_119 = arith.constant 16 : index
    %get3A_120 = arith.constant 0 : index
    %get3A_121 = vector.load %arg1[%get3A_119, %get3A_120] : memref<32x2048xf32, #tpu.memory_space<vmem>>, vector<1x2048xf32>
    %get3A_122 = vector.shape_cast %get3A_121 : vector<1x2048xf32> to vector<2048xf32>
    %get3A_123 = arith.constant 17 : index
    %get3A_124 = arith.constant 0 : index
    %get3A_125 = vector.load %arg1[%get3A_123, %get3A_124] : memref<32x2048xf32, #tpu.memory_space<vmem>>, vector<1x2048xf32>
    %get3A_126 = vector.shape_cast %get3A_125 : vector<1x2048xf32> to vector<2048xf32>
    %min3A_127 = arith.minimumf %get3A_122, %get3A_126 : vector<2048xf32>
    %get3A_128 = arith.constant 18 : index
    %get3A_129 = arith.constant 0 : index
    %get3A_130 = vector.load %arg1[%get3A_128, %get3A_129] : memref<32x2048xf32, #tpu.memory_space<vmem>>, vector<1x2048xf32>
    %get3A_131 = vector.shape_cast %get3A_130 : vector<1x2048xf32> to vector<2048xf32>
    %get3A_132 = arith.constant 19 : index
    %get3A_133 = arith.constant 0 : index
    %get3A_134 = vector.load %arg1[%get3A_132, %get3A_133] : memref<32x2048xf32, #tpu.memory_space<vmem>>, vector<1x2048xf32>
    %get3A_135 = vector.shape_cast %get3A_134 : vector<1x2048xf32> to vector<2048xf32>
    %max3A_136 = arith.maximumf %get3A_131, %get3A_135 : vector<2048xf32>
    %get3A_137 = arith.constant 4 : index
    %get3A_138 = arith.constant 0 : index
    %get3A_139 = vector.load %arg2[%get3A_137, %get3A_138] : memref<8x2048xf32, #tpu.memory_space<vmem>>, vector<1x2048xf32>
    %get3A_140 = vector.shape_cast %get3A_139 : vector<1x2048xf32> to vector<2048xf32>
    %sub3A_141 = arith.subf %get3A_140, %min3A_127 : vector<2048xf32>
    %sub3A_142 = arith.subf %max3A_136, %get3A_140 : vector<2048xf32>
    %max3A_143 = arith.maximumf %sub3A_141, %sub3A_142 : vector<2048xf32>
    %get3A_144 = arith.constant 4 : index
    %get3A_145 = arith.constant 0 : index
    %get3A_146 = memref.load %arg3[%get3A_144, %get3A_145] : memref<8x1xf32, #tpu.memory_space<smem>>
    %mul3A_147 = vector.broadcast %get3A_146 : f32 to vector<2048xf32>
    %mul3A_148 = arith.mulf %max3A_143, %mul3A_147 : vector<2048xf32>
    %add3A_149 = arith.addf %add3A_118, %mul3A_148 : vector<2048xf32>
    %get3A_150 = arith.constant 20 : index
    %get3A_151 = arith.constant 0 : index
    %get3A_152 = vector.load %arg1[%get3A_150, %get3A_151] : memref<32x2048xf32, #tpu.memory_space<vmem>>, vector<1x2048xf32>
    %get3A_153 = vector.shape_cast %get3A_152 : vector<1x2048xf32> to vector<2048xf32>
    %get3A_154 = arith.constant 21 : index
    %get3A_155 = arith.constant 0 : index
    %get3A_156 = vector.load %arg1[%get3A_154, %get3A_155] : memref<32x2048xf32, #tpu.memory_space<vmem>>, vector<1x2048xf32>
    %get3A_157 = vector.shape_cast %get3A_156 : vector<1x2048xf32> to vector<2048xf32>
    %min3A_158 = arith.minimumf %get3A_153, %get3A_157 : vector<2048xf32>
    %get3A_159 = arith.constant 22 : index
    %get3A_160 = arith.constant 0 : index
    %get3A_161 = vector.load %arg1[%get3A_159, %get3A_160] : memref<32x2048xf32, #tpu.memory_space<vmem>>, vector<1x2048xf32>
    %get3A_162 = vector.shape_cast %get3A_161 : vector<1x2048xf32> to vector<2048xf32>
    %get3A_163 = arith.constant 23 : index
    %get3A_164 = arith.constant 0 : index
    %get3A_165 = vector.load %arg1[%get3A_163, %get3A_164] : memref<32x2048xf32, #tpu.memory_space<vmem>>, vector<1x2048xf32>
    %get3A_166 = vector.shape_cast %get3A_165 : vector<1x2048xf32> to vector<2048xf32>
    %max3A_167 = arith.maximumf %get3A_162, %get3A_166 : vector<2048xf32>
    %get3A_168 = arith.constant 5 : index
    %get3A_169 = arith.constant 0 : index
    %get3A_170 = vector.load %arg2[%get3A_168, %get3A_169] : memref<8x2048xf32, #tpu.memory_space<vmem>>, vector<1x2048xf32>
    %get3A_171 = vector.shape_cast %get3A_170 : vector<1x2048xf32> to vector<2048xf32>
    %sub3A_172 = arith.subf %get3A_171, %min3A_158 : vector<2048xf32>
    %sub3A_173 = arith.subf %max3A_167, %get3A_171 : vector<2048xf32>
    %max3A_174 = arith.maximumf %sub3A_172, %sub3A_173 : vector<2048xf32>
    %get3A_175 = arith.constant 5 : index
    %get3A_176 = arith.constant 0 : index
    %get3A_177 = memref.load %arg3[%get3A_175, %get3A_176] : memref<8x1xf32, #tpu.memory_space<smem>>
    %mul3A_178 = vector.broadcast %get3A_177 : f32 to vector<2048xf32>
    %mul3A_179 = arith.mulf %max3A_174, %mul3A_178 : vector<2048xf32>
    %add3A_180 = arith.addf %add3A_149, %mul3A_179 : vector<2048xf32>
    %get3A_181 = arith.constant 24 : index
    %get3A_182 = arith.constant 0 : index
    %get3A_183 = vector.load %arg1[%get3A_181, %get3A_182] : memref<32x2048xf32, #tpu.memory_space<vmem>>, vector<1x2048xf32>
    %get3A_184 = vector.shape_cast %get3A_183 : vector<1x2048xf32> to vector<2048xf32>
    %get3A_185 = arith.constant 25 : index
    %get3A_186 = arith.constant 0 : index
    %get3A_187 = vector.load %arg1[%get3A_185, %get3A_186] : memref<32x2048xf32, #tpu.memory_space<vmem>>, vector<1x2048xf32>
    %get3A_188 = vector.shape_cast %get3A_187 : vector<1x2048xf32> to vector<2048xf32>
    %min3A_189 = arith.minimumf %get3A_184, %get3A_188 : vector<2048xf32>
    %get3A_190 = arith.constant 26 : index
    %get3A_191 = arith.constant 0 : index
    %get3A_192 = vector.load %arg1[%get3A_190, %get3A_191] : memref<32x2048xf32, #tpu.memory_space<vmem>>, vector<1x2048xf32>
    %get3A_193 = vector.shape_cast %get3A_192 : vector<1x2048xf32> to vector<2048xf32>
    %get3A_194 = arith.constant 27 : index
    %get3A_195 = arith.constant 0 : index
    %get3A_196 = vector.load %arg1[%get3A_194, %get3A_195] : memref<32x2048xf32, #tpu.memory_space<vmem>>, vector<1x2048xf32>
    %get3A_197 = vector.shape_cast %get3A_196 : vector<1x2048xf32> to vector<2048xf32>
    %max3A_198 = arith.maximumf %get3A_193, %get3A_197 : vector<2048xf32>
    %get3A_199 = arith.constant 6 : index
    %get3A_200 = arith.constant 0 : index
    %get3A_201 = vector.load %arg2[%get3A_199, %get3A_200] : memref<8x2048xf32, #tpu.memory_space<vmem>>, vector<1x2048xf32>
    %get3A_202 = vector.shape_cast %get3A_201 : vector<1x2048xf32> to vector<2048xf32>
    %sub3A_203 = arith.subf %get3A_202, %min3A_189 : vector<2048xf32>
    %sub3A_204 = arith.subf %max3A_198, %get3A_202 : vector<2048xf32>
    %max3A_205 = arith.maximumf %sub3A_203, %sub3A_204 : vector<2048xf32>
    %get3A_206 = arith.constant 6 : index
    %get3A_207 = arith.constant 0 : index
    %get3A_208 = memref.load %arg3[%get3A_206, %get3A_207] : memref<8x1xf32, #tpu.memory_space<smem>>
    %mul3A_209 = vector.broadcast %get3A_208 : f32 to vector<2048xf32>
    %mul3A_210 = arith.mulf %max3A_205, %mul3A_209 : vector<2048xf32>
    %add3A_211 = arith.addf %add3A_180, %mul3A_210 : vector<2048xf32>
    %get3A_212 = arith.constant 28 : index
    %get3A_213 = arith.constant 0 : index
    %get3A_214 = vector.load %arg1[%get3A_212, %get3A_213] : memref<32x2048xf32, #tpu.memory_space<vmem>>, vector<1x2048xf32>
    %get3A_215 = vector.shape_cast %get3A_214 : vector<1x2048xf32> to vector<2048xf32>
    %get3A_216 = arith.constant 29 : index
    %get3A_217 = arith.constant 0 : index
    %get3A_218 = vector.load %arg1[%get3A_216, %get3A_217] : memref<32x2048xf32, #tpu.memory_space<vmem>>, vector<1x2048xf32>
    %get3A_219 = vector.shape_cast %get3A_218 : vector<1x2048xf32> to vector<2048xf32>
    %min3A_220 = arith.minimumf %get3A_215, %get3A_219 : vector<2048xf32>
    %get3A_221 = arith.constant 30 : index
    %get3A_222 = arith.constant 0 : index
    %get3A_223 = vector.load %arg1[%get3A_221, %get3A_222] : memref<32x2048xf32, #tpu.memory_space<vmem>>, vector<1x2048xf32>
    %get3A_224 = vector.shape_cast %get3A_223 : vector<1x2048xf32> to vector<2048xf32>
    %get3A_225 = arith.constant 31 : index
    %get3A_226 = arith.constant 0 : index
    %get3A_227 = vector.load %arg1[%get3A_225, %get3A_226] : memref<32x2048xf32, #tpu.memory_space<vmem>>, vector<1x2048xf32>
    %get3A_228 = vector.shape_cast %get3A_227 : vector<1x2048xf32> to vector<2048xf32>
    %max3A_229 = arith.maximumf %get3A_224, %get3A_228 : vector<2048xf32>
    %get3A_230 = arith.constant 7 : index
    %get3A_231 = arith.constant 0 : index
    %get3A_232 = vector.load %arg2[%get3A_230, %get3A_231] : memref<8x2048xf32, #tpu.memory_space<vmem>>, vector<1x2048xf32>
    %get3A_233 = vector.shape_cast %get3A_232 : vector<1x2048xf32> to vector<2048xf32>
    %sub3A_234 = arith.subf %get3A_233, %min3A_220 : vector<2048xf32>
    %sub3A_235 = arith.subf %max3A_229, %get3A_233 : vector<2048xf32>
    %max3A_236 = arith.maximumf %sub3A_234, %sub3A_235 : vector<2048xf32>
    %get3A_237 = arith.constant 7 : index
    %get3A_238 = arith.constant 0 : index
    %get3A_239 = memref.load %arg3[%get3A_237, %get3A_238] : memref<8x1xf32, #tpu.memory_space<smem>>
    %mul3A_240 = vector.broadcast %get3A_239 : f32 to vector<2048xf32>
    %mul3A_241 = arith.mulf %max3A_236, %mul3A_240 : vector<2048xf32>
    %add3A_242 = arith.addf %add3A_211, %mul3A_241 : vector<2048xf32>
    %get3A_243 = arith.constant 0 : index
    %get3A_244 = memref.load %arg4[%get3A_243] : memref<1xf32, #tpu.memory_space<smem>>
    %add3A_245 = vector.broadcast %get3A_244 : f32 to vector<2048xf32>
    %add3A_246 = arith.addf %add3A_242, %add3A_245 : vector<2048xf32>
    %max3A_247 = arith.constant 0.000000e+00 : f32
    %max3A_248 = vector.broadcast %max3A_247 : f32 to vector<2048xf32>
    %max3A_249 = arith.maximumf %add3A_246, %max3A_248 : vector<2048xf32>
    %swap3A = arith.constant 0 : index
    %swap3A_250 = vector.load %arg5[%swap3A] : memref<2048xf32, #tpu.memory_space<vmem>>, vector<2048xf32>
    tpu.vector_store %arg5[%swap3A], %max3A_249 {strides = array<i32>} : memref<2048xf32, #tpu.memory_space<vmem>>, vector<2048xf32>,
    return
  }
  func.func @transform_0(%arg0: i32) -> (i32, i32) {
    %c0_i32 = arith.constant 0 : i32
    %c0_i32_0 = arith.constant 0 : i32
    return %c0_i32, %arg0 : i32, i32
  }
  func.func @transform_1(%arg0: i32) -> (i32, i32) {
    %c0_i32 = arith.constant 0 : i32
    %c0_i32_0 = arith.constant 0 : i32
    return %c0_i32, %arg0 : i32, i32
  }
  func.func @transform_2(%arg0: i32) -> (i32, i32) {
    %c0_i32 = arith.constant 0 : i32
    %c0_i32_0 = arith.constant 0 : i32
    %c0_i32_1 = arith.constant 0 : i32
    return %c0_i32, %c0_i32_0 : i32, i32
  }
  func.func @transform_3(%arg0: i32) -> i32 {
    %c0_i32 = arith.constant 0 : i32
    %c0_i32_0 = arith.constant 0 : i32
    return %c0_i32 : i32
  }
  func.func @transform_4(%arg0: i32) -> i32 {
    %c0_i32 = arith.constant 0 : i32
    return %arg0 : i32
  }
}

module attributes {stable_mosaic.version = 14 : i64} {
  func.func @_t2_body(%arg0: i32, %arg1: memref<32x2048xf32, #tpu.memory_space<vmem>>, %arg2: memref<2048xf32, #tpu.memory_space<vmem>>, %arg3: memref<2048xf32, #tpu.memory_space<vmem>>) attributes {dimension_semantics = [#tpu.dimension_semantics<arbitrary>], iteration_bounds = array<i64: 25>, scalar_prefetch = 0 : i64, scratch_operands = 0 : i64, tpu.core_type = #tpu.core_type<tc>, window_params = [{transform_indices = @transform_0, window_bounds = array<i64: 32, 2048>}, {transform_indices = @transform_1, window_bounds = array<i64: 2048>}, {transform_indices = @transform_2, window_bounds = array<i64: 2048>}]} {
    %get3A = arith.constant 0 : index
    %get3A_0 = arith.constant 0 : index
    %get3A_1 = vector.load %arg1[%get3A, %get3A_0] : memref<32x2048xf32, #tpu.memory_space<vmem>>, vector<16x2048xf32>
    %reduce_min3A = arith.constant dense<0x7F800000> : vector<2048xf32>
    %reduce_min3A_2 = vector.multi_reduction <minimumf>, %get3A_1, %reduce_min3A [0] : vector<16x2048xf32> to vector<2048xf32>
    %get3A_3 = arith.constant 16 : index
    %get3A_4 = arith.constant 0 : index
    %get3A_5 = vector.load %arg1[%get3A_3, %get3A_4] : memref<32x2048xf32, #tpu.memory_space<vmem>>, vector<16x2048xf32>
    %reduce_max3A = arith.constant dense<0xFF800000> : vector<2048xf32>
    %reduce_max3A_6 = vector.multi_reduction <maximumf>, %get3A_5, %reduce_max3A [0] : vector<16x2048xf32> to vector<2048xf32>
    %get3A_7 = arith.constant 0 : index
    %get3A_8 = vector.load %arg2[%get3A_7] : memref<2048xf32, #tpu.memory_space<vmem>>, vector<2048xf32>
    %sub3A = arith.subf %get3A_8, %reduce_min3A_2 : vector<2048xf32>
    %sub3A_9 = arith.subf %reduce_max3A_6, %get3A_8 : vector<2048xf32>
    %max3A = arith.maximumf %sub3A, %sub3A_9 : vector<2048xf32>
    %swap3A = arith.constant 0 : index
    %swap3A_10 = vector.load %arg3[%swap3A] : memref<2048xf32, #tpu.memory_space<vmem>>, vector<2048xf32>
    tpu.vector_store %arg3[%swap3A], %max3A {strides = array<i32>} : memref<2048xf32, #tpu.memory_space<vmem>>, vector<2048xf32>,
    return
  }
  func.func @transform_0(%arg0: i32) -> (i32, i32) {
    %c0_i32 = arith.constant 0 : i32
    %c0_i32_0 = arith.constant 0 : i32
    return %c0_i32, %arg0 : i32, i32
  }
  func.func @transform_1(%arg0: i32) -> i32 {
    %c0_i32 = arith.constant 0 : i32
    return %arg0 : i32
  }
  func.func @transform_2(%arg0: i32) -> i32 {
    %c0_i32 = arith.constant 0 : i32
    return %arg0 : i32
  }
}

module attributes {stable_mosaic.version = 14 : i64} {
  func.func @_t3_body(%arg0: i32, %arg1: memref<32x1024xf32, #tpu.memory_space<vmem>>, %arg2: memref<1024xf32, #tpu.memory_space<vmem>>, %arg3: memref<1x64xf32, #tpu.memory_space<vmem>>, %arg4: memref<1x64xf32, #tpu.memory_space<vmem>>, %arg5: memref<1x64xf32, #tpu.memory_space<vmem>>, %arg6: memref<1xf32, #tpu.memory_space<smem>>, %arg7: memref<1024xf32, #tpu.memory_space<vmem>>) attributes {dimension_semantics = [#tpu.dimension_semantics<arbitrary>], iteration_bounds = array<i64: 49>, scalar_prefetch = 0 : i64, scratch_operands = 0 : i64, tpu.core_type = #tpu.core_type<tc>, window_params = [{transform_indices = @transform_0, window_bounds = array<i64: 32, 1024>}, {transform_indices = @transform_1, window_bounds = array<i64: 1024>}, {pipeline_mode = #tpu.pipeline_mode<synchronous>, transform_indices = @transform_2, window_bounds = array<i64: 1, 64>}, {pipeline_mode = #tpu.pipeline_mode<synchronous>, transform_indices = @transform_3, window_bounds = array<i64: 1, 64>}, {pipeline_mode = #tpu.pipeline_mode<synchronous>, transform_indices = @transform_4, window_bounds = array<i64: 1, 64>}, {transform_indices = @transform_5, window_bounds = array<i64: 1>}, {transform_indices = @transform_6, window_bounds = array<i64: 1024>}]} {
    %get3A = arith.constant 0 : index
    %get3A_0 = arith.constant 0 : index
    %get3A_1 = vector.load %arg1[%get3A, %get3A_0] : memref<32x1024xf32, #tpu.memory_space<vmem>>, vector<16x1024xf32>
    %reduce_min3A = arith.constant dense<0x7F800000> : vector<1024xf32>
    %reduce_min3A_2 = vector.multi_reduction <minimumf>, %get3A_1, %reduce_min3A [0] : vector<16x1024xf32> to vector<1024xf32>
    %get3A_3 = arith.constant 16 : index
    %get3A_4 = arith.constant 0 : index
    %get3A_5 = vector.load %arg1[%get3A_3, %get3A_4] : memref<32x1024xf32, #tpu.memory_space<vmem>>, vector<16x1024xf32>
    %reduce_max3A = arith.constant dense<0xFF800000> : vector<1024xf32>
    %reduce_max3A_6 = vector.multi_reduction <maximumf>, %get3A_5, %reduce_max3A [0] : vector<16x1024xf32> to vector<1024xf32>
    %get3A_7 = arith.constant 0 : index
    %get3A_8 = vector.load %arg2[%get3A_7] : memref<1024xf32, #tpu.memory_space<vmem>>, vector<1024xf32>
    %get3A_9 = arith.constant 0 : index
    %get3A_10 = arith.constant 0 : index
    %get3A_11 = vector.load %arg3[%get3A_9, %get3A_10] : memref<1x64xf32, #tpu.memory_space<vmem>>, vector<1x64xf32>
    %get3A_12 = vector.shape_cast %get3A_11 : vector<1x64xf32> to vector<64xf32>
    %get3A_13 = arith.constant 0 : index
    %get3A_14 = arith.constant 0 : index
    %get3A_15 = vector.load %arg4[%get3A_13, %get3A_14] : memref<1x64xf32, #tpu.memory_space<vmem>>, vector<1x64xf32>
    %get3A_16 = vector.shape_cast %get3A_15 : vector<1x64xf32> to vector<64xf32>
    %get3A_17 = arith.constant 0 : index
    %get3A_18 = arith.constant 0 : index
    %get3A_19 = vector.load %arg5[%get3A_17, %get3A_18] : memref<1x64xf32, #tpu.memory_space<vmem>>, vector<1x64xf32>
    %get3A_20 = vector.shape_cast %get3A_19 : vector<1x64xf32> to vector<64xf32>
    %broadcast_in_dim3A = vector.shape_cast %get3A_8 : vector<1024xf32> to vector<1024x1xf32>
    %broadcast_in_dim3A_21 = vector.shape_cast %get3A_12 : vector<64xf32> to vector<1x64xf32>
    %mul3A = vector.broadcast %broadcast_in_dim3A : vector<1024x1xf32> to vector<1024x64xf32>
    %mul3A_22 = vector.broadcast %broadcast_in_dim3A_21 : vector<1x64xf32> to vector<1024x64xf32>
    %mul3A_23 = arith.mulf %mul3A, %mul3A_22 : vector<1024x64xf32>
    %broadcast_in_dim3A_24 = vector.shape_cast %get3A_16 : vector<64xf32> to vector<1x64xf32>
    %add3A = vector.broadcast %broadcast_in_dim3A_24 : vector<1x64xf32> to vector<1024x64xf32>
    %add3A_25 = arith.addf %mul3A_23, %add3A : vector<1024x64xf32>
    %max3A = arith.constant 0.000000e+00 : f32
    %max3A_26 = vector.broadcast %max3A : f32 to vector<1024x64xf32>
    %max3A_27 = arith.maximumf %add3A_25, %max3A_26 : vector<1024x64xf32>
    %broadcast_in_dim3A_28 = vector.shape_cast %reduce_min3A_2 : vector<1024xf32> to vector<1024x1xf32>
    %broadcast_in_dim3A_29 = vector.shape_cast %get3A_12 : vector<64xf32> to vector<1x64xf32>
    %mul3A_30 = vector.broadcast %broadcast_in_dim3A_28 : vector<1024x1xf32> to vector<1024x64xf32>
    %mul3A_31 = vector.broadcast %broadcast_in_dim3A_29 : vector<1x64xf32> to vector<1024x64xf32>
    %mul3A_32 = arith.mulf %mul3A_30, %mul3A_31 : vector<1024x64xf32>
    %broadcast_in_dim3A_33 = vector.shape_cast %get3A_16 : vector<64xf32> to vector<1x64xf32>
    %add3A_34 = vector.broadcast %broadcast_in_dim3A_33 : vector<1x64xf32> to vector<1024x64xf32>
    %add3A_35 = arith.addf %mul3A_32, %add3A_34 : vector<1024x64xf32>
    %max3A_36 = arith.constant 0.000000e+00 : f32
    %max3A_37 = vector.broadcast %max3A_36 : f32 to vector<1024x64xf32>
    %max3A_38 = arith.maximumf %add3A_35, %max3A_37 : vector<1024x64xf32>
    %sub3A = arith.subf %max3A_27, %max3A_38 : vector<1024x64xf32>
    %abs3A = math.absf %sub3A : vector<1024x64xf32>
    %broadcast_in_dim3A_39 = vector.shape_cast %reduce_max3A_6 : vector<1024xf32> to vector<1024x1xf32>
    %broadcast_in_dim3A_40 = vector.shape_cast %get3A_12 : vector<64xf32> to vector<1x64xf32>
    %mul3A_41 = vector.broadcast %broadcast_in_dim3A_39 : vector<1024x1xf32> to vector<1024x64xf32>
    %mul3A_42 = vector.broadcast %broadcast_in_dim3A_40 : vector<1x64xf32> to vector<1024x64xf32>
    %mul3A_43 = arith.mulf %mul3A_41, %mul3A_42 : vector<1024x64xf32>
    %broadcast_in_dim3A_44 = vector.shape_cast %get3A_16 : vector<64xf32> to vector<1x64xf32>
    %add3A_45 = vector.broadcast %broadcast_in_dim3A_44 : vector<1x64xf32> to vector<1024x64xf32>
    %add3A_46 = arith.addf %mul3A_43, %add3A_45 : vector<1024x64xf32>
    %max3A_47 = arith.constant 0.000000e+00 : f32
    %max3A_48 = vector.broadcast %max3A_47 : f32 to vector<1024x64xf32>
    %max3A_49 = arith.maximumf %add3A_46, %max3A_48 : vector<1024x64xf32>
    %sub3A_50 = arith.subf %max3A_27, %max3A_49 : vector<1024x64xf32>
    %abs3A_51 = math.absf %sub3A_50 : vector<1024x64xf32>
    %max3A_52 = arith.maximumf %abs3A, %abs3A_51 : vector<1024x64xf32>
    %broadcast_in_dim3A_53 = vector.shape_cast %get3A_20 : vector<64xf32> to vector<1x64xf32>
    %mul3A_54 = vector.broadcast %broadcast_in_dim3A_53 : vector<1x64xf32> to vector<1024x64xf32>
    %mul3A_55 = arith.mulf %max3A_52, %mul3A_54 : vector<1024x64xf32>
    %reduce_sum3A = arith.constant dense<0.000000e+00> : vector<1024xf32>
    %reduce_sum3A_56 = vector.multi_reduction <add>, %mul3A_55, %reduce_sum3A [1] : vector<1024x64xf32> to vector<1024xf32>
    %get3A_57 = arith.constant 0 : index
    %get3A_58 = memref.load %arg6[%get3A_57] : memref<1xf32, #tpu.memory_space<smem>>
    %add3A_59 = vector.broadcast %get3A_58 : f32 to vector<1024xf32>
    %add3A_60 = arith.addf %reduce_sum3A_56, %add3A_59 : vector<1024xf32>
    %logistic3A = arith.negf %add3A_60 : vector<1024xf32>
    %logistic3A_61 = math.exp %logistic3A : vector<1024xf32>
    %logistic3A_62 = arith.constant 1.000000e+00 : f32
    %logistic3A_63 = vector.broadcast %logistic3A_62 : f32 to vector<1024xf32>
    %logistic3A_64 = arith.addf %logistic3A_63, %logistic3A_61 : vector<1024xf32>
    %logistic3A_65 = arith.divf %logistic3A_63, %logistic3A_64 : vector<1024xf32>
    %swap3A = arith.constant 0 : index
    %swap3A_66 = vector.load %arg7[%swap3A] : memref<1024xf32, #tpu.memory_space<vmem>>, vector<1024xf32>
    tpu.vector_store %arg7[%swap3A], %logistic3A_65 {strides = array<i32>} : memref<1024xf32, #tpu.memory_space<vmem>>, vector<1024xf32>,
    return
  }
  func.func @transform_0(%arg0: i32) -> (i32, i32) {
    %c0_i32 = arith.constant 0 : i32
    %c0_i32_0 = arith.constant 0 : i32
    return %c0_i32, %arg0 : i32, i32
  }
  func.func @transform_1(%arg0: i32) -> i32 {
    %c0_i32 = arith.constant 0 : i32
    return %arg0 : i32
  }
  func.func @transform_2(%arg0: i32) -> (i32, i32) {
    %c0_i32 = arith.constant 0 : i32
    %c0_i32_0 = arith.constant 0 : i32
    %c0_i32_1 = arith.constant 0 : i32
    return %c0_i32, %c0_i32_0 : i32, i32
  }
  func.func @transform_3(%arg0: i32) -> (i32, i32) {
    %c0_i32 = arith.constant 0 : i32
    %c0_i32_0 = arith.constant 0 : i32
    %c0_i32_1 = arith.constant 0 : i32
    return %c0_i32, %c0_i32_0 : i32, i32
  }
  func.func @transform_4(%arg0: i32) -> (i32, i32) {
    %c0_i32 = arith.constant 0 : i32
    %c0_i32_0 = arith.constant 0 : i32
    %c0_i32_1 = arith.constant 0 : i32
    return %c0_i32, %c0_i32_0 : i32, i32
  }
  func.func @transform_5(%arg0: i32) -> i32 {
    %c0_i32 = arith.constant 0 : i32
    %c0_i32_0 = arith.constant 0 : i32
    return %c0_i32 : i32
  }
  func.func @transform_6(%arg0: i32) -> i32 {
    %c0_i32 = arith.constant 0 : i32
    return %arg0 : i32
  }
}

module attributes {stable_mosaic.version = 14 : i64} {
  func.func @_t3z_body(%arg0: i32, %arg1: memref<32x1024xf32, #tpu.memory_space<vmem>>, %arg2: memref<1024xf32, #tpu.memory_space<vmem>>, %arg3: memref<1x64xf32, #tpu.memory_space<vmem>>, %arg4: memref<1x64xf32, #tpu.memory_space<vmem>>, %arg5: memref<1xf32, #tpu.memory_space<smem>>, %arg6: memref<1024xf32, #tpu.memory_space<vmem>>) attributes {dimension_semantics = [#tpu.dimension_semantics<arbitrary>], iteration_bounds = array<i64: 49>, scalar_prefetch = 0 : i64, scratch_operands = 0 : i64, tpu.core_type = #tpu.core_type<tc>, window_params = [{transform_indices = @transform_0, window_bounds = array<i64: 32, 1024>}, {transform_indices = @transform_1, window_bounds = array<i64: 1024>}, {pipeline_mode = #tpu.pipeline_mode<synchronous>, transform_indices = @transform_2, window_bounds = array<i64: 1, 64>}, {pipeline_mode = #tpu.pipeline_mode<synchronous>, transform_indices = @transform_3, window_bounds = array<i64: 1, 64>}, {transform_indices = @transform_4, window_bounds = array<i64: 1>}, {transform_indices = @transform_5, window_bounds = array<i64: 1024>}]} {
    %get3A = arith.constant 0 : index
    %get3A_0 = arith.constant 0 : index
    %get3A_1 = vector.load %arg1[%get3A, %get3A_0] : memref<32x1024xf32, #tpu.memory_space<vmem>>, vector<16x1024xf32>
    %reduce_min3A = arith.constant dense<0x7F800000> : vector<1024xf32>
    %reduce_min3A_2 = vector.multi_reduction <minimumf>, %get3A_1, %reduce_min3A [0] : vector<16x1024xf32> to vector<1024xf32>
    %get3A_3 = arith.constant 16 : index
    %get3A_4 = arith.constant 0 : index
    %get3A_5 = vector.load %arg1[%get3A_3, %get3A_4] : memref<32x1024xf32, #tpu.memory_space<vmem>>, vector<16x1024xf32>
    %reduce_max3A = arith.constant dense<0xFF800000> : vector<1024xf32>
    %reduce_max3A_6 = vector.multi_reduction <maximumf>, %get3A_5, %reduce_max3A [0] : vector<16x1024xf32> to vector<1024xf32>
    %get3A_7 = arith.constant 0 : index
    %get3A_8 = vector.load %arg2[%get3A_7] : memref<1024xf32, #tpu.memory_space<vmem>>, vector<1024xf32>
    %get3A_9 = arith.constant 0 : index
    %get3A_10 = arith.constant 0 : index
    %get3A_11 = vector.load %arg3[%get3A_9, %get3A_10] : memref<1x64xf32, #tpu.memory_space<vmem>>, vector<1x64xf32>
    %get3A_12 = vector.shape_cast %get3A_11 : vector<1x64xf32> to vector<64xf32>
    %get3A_13 = arith.constant 0 : index
    %get3A_14 = arith.constant 0 : index
    %get3A_15 = vector.load %arg4[%get3A_13, %get3A_14] : memref<1x64xf32, #tpu.memory_space<vmem>>, vector<1x64xf32>
    %get3A_16 = vector.shape_cast %get3A_15 : vector<1x64xf32> to vector<64xf32>
    %gt3A = arith.constant 0.000000e+00 : f32
    %gt3A_17 = vector.broadcast %gt3A : f32 to vector<64xf32>
    %gt3A_18 = arith.cmpf ogt, %get3A_12, %gt3A_17 : vector<64xf32>
    %mul3A = arith.mulf %get3A_12, %get3A_16 : vector<64xf32>
    %jit3A = arith.constant 0.000000e+00 : f32
    %broadcast_in_dim3A = vector.broadcast %jit3A : f32 to vector<64xf32>
    %select_n3A = arith.select %gt3A_18, %mul3A, %broadcast_in_dim3A : vector<64xi1>, vector<64xf32>
    %reduce_sum3A = vector.shape_cast %select_n3A : vector<64xf32> to vector<1x64xf32>
    %reduce_sum3A_19 = arith.constant dense<0.000000e+00> : vector<1xf32>
    %reduce_sum3A_20 = vector.multi_reduction <add>, %reduce_sum3A, %reduce_sum3A_19 [1] : vector<1x64xf32> to vector<1xf32>
    %reduce_sum3A_21 = vector.shape_cast %reduce_sum3A_20 : vector<1xf32> to vector<1x1xf32>
    %reduce_sum3A_22 = vector.extract %reduce_sum3A_21[0, 0] : f32 from vector<1x1xf32>
    %lt3A = arith.constant 0.000000e+00 : f32
    %lt3A_23 = vector.broadcast %lt3A : f32 to vector<64xf32>
    %lt3A_24 = arith.cmpf olt, %get3A_12, %lt3A_23 : vector<64xf32>
    %neg3A = arith.constant 0.000000e+00 : f32
    %neg3A_25 = vector.broadcast %neg3A : f32 to vector<64xf32>
    %neg3A_26 = arith.subf %neg3A_25, %get3A_12 : vector<64xf32>
    %mul3A_27 = arith.mulf %neg3A_26, %get3A_16 : vector<64xf32>
    %jit3A_28 = arith.constant 0.000000e+00 : f32
    %broadcast_in_dim3A_29 = vector.broadcast %jit3A_28 : f32 to vector<64xf32>
    %select_n3A_30 = arith.select %lt3A_24, %mul3A_27, %broadcast_in_dim3A_29 : vector<64xi1>, vector<64xf32>
    %reduce_sum3A_31 = vector.shape_cast %select_n3A_30 : vector<64xf32> to vector<1x64xf32>
    %reduce_sum3A_32 = arith.constant dense<0.000000e+00> : vector<1xf32>
    %reduce_sum3A_33 = vector.multi_reduction <add>, %reduce_sum3A_31, %reduce_sum3A_32 [1] : vector<1x64xf32> to vector<1xf32>
    %reduce_sum3A_34 = vector.shape_cast %reduce_sum3A_33 : vector<1xf32> to vector<1x1xf32>
    %reduce_sum3A_35 = vector.extract %reduce_sum3A_34[0, 0] : f32 from vector<1x1xf32>
    %max3A = arith.constant 0.000000e+00 : f32
    %max3A_36 = vector.broadcast %max3A : f32 to vector<1024xf32>
    %max3A_37 = arith.maximumf %get3A_8, %max3A_36 : vector<1024xf32>
    %max3A_38 = arith.constant 0.000000e+00 : f32
    %max3A_39 = vector.broadcast %max3A_38 : f32 to vector<1024xf32>
    %max3A_40 = arith.maximumf %reduce_min3A_2, %max3A_39 : vector<1024xf32>
    %sub3A = arith.subf %max3A_37, %max3A_40 : vector<1024xf32>
    %max3A_41 = arith.constant 0.000000e+00 : f32
    %max3A_42 = vector.broadcast %max3A_41 : f32 to vector<1024xf32>
    %max3A_43 = arith.maximumf %reduce_max3A_6, %max3A_42 : vector<1024xf32>
    %sub3A_44 = arith.subf %max3A_43, %max3A_37 : vector<1024xf32>
    %max3A_45 = arith.maximumf %sub3A, %sub3A_44 : vector<1024xf32>
    %neg3A_46 = arith.constant 0.000000e+00 : f32
    %neg3A_47 = vector.broadcast %neg3A_46 : f32 to vector<1024xf32>
    %neg3A_48 = arith.subf %neg3A_47, %get3A_8 : vector<1024xf32>
    %max3A_49 = arith.constant 0.000000e+00 : f32
    %max3A_50 = vector.broadcast %max3A_49 : f32 to vector<1024xf32>
    %max3A_51 = arith.maximumf %neg3A_48, %max3A_50 : vector<1024xf32>
    %neg3A_52 = arith.constant 0.000000e+00 : f32
    %neg3A_53 = vector.broadcast %neg3A_52 : f32 to vector<1024xf32>
    %neg3A_54 = arith.subf %neg3A_53, %reduce_min3A_2 : vector<1024xf32>
    %max3A_55 = arith.constant 0.000000e+00 : f32
    %max3A_56 = vector.broadcast %max3A_55 : f32 to vector<1024xf32>
    %max3A_57 = arith.maximumf %neg3A_54, %max3A_56 : vector<1024xf32>
    %sub3A_58 = arith.subf %max3A_57, %max3A_51 : vector<1024xf32>
    %neg3A_59 = arith.constant 0.000000e+00 : f32
    %neg3A_60 = vector.broadcast %neg3A_59 : f32 to vector<1024xf32>
    %neg3A_61 = arith.subf %neg3A_60, %reduce_max3A_6 : vector<1024xf32>
    %max3A_62 = arith.constant 0.000000e+00 : f32
    %max3A_63 = vector.broadcast %max3A_62 : f32 to vector<1024xf32>
    %max3A_64 = arith.maximumf %neg3A_61, %max3A_63 : vector<1024xf32>
    %sub3A_65 = arith.subf %max3A_51, %max3A_64 : vector<1024xf32>
    %max3A_66 = arith.maximumf %sub3A_58, %sub3A_65 : vector<1024xf32>
    %mul3A_67 = vector.broadcast %reduce_sum3A_22 : f32 to vector<1024xf32>
    %mul3A_68 = arith.mulf %max3A_45, %mul3A_67 : vector<1024xf32>
    %mul3A_69 = vector.broadcast %reduce_sum3A_35 : f32 to vector<1024xf32>
    %mul3A_70 = arith.mulf %max3A_66, %mul3A_69 : vector<1024xf32>
    %add3A = arith.addf %mul3A_68, %mul3A_70 : vector<1024xf32>
    %get3A_71 = arith.constant 0 : index
    %get3A_72 = memref.load %arg5[%get3A_71] : memref<1xf32, #tpu.memory_space<smem>>
    %add3A_73 = vector.broadcast %get3A_72 : f32 to vector<1024xf32>
    %add3A_74 = arith.addf %add3A, %add3A_73 : vector<1024xf32>
    %logistic3A = arith.negf %add3A_74 : vector<1024xf32>
    %logistic3A_75 = math.exp %logistic3A : vector<1024xf32>
    %logistic3A_76 = arith.constant 1.000000e+00 : f32
    %logistic3A_77 = vector.broadcast %logistic3A_76 : f32 to vector<1024xf32>
    %logistic3A_78 = arith.addf %logistic3A_77, %logistic3A_75 : vector<1024xf32>
    %logistic3A_79 = arith.divf %logistic3A_77, %logistic3A_78 : vector<1024xf32>
    %swap3A = arith.constant 0 : index
    %swap3A_80 = vector.load %arg6[%swap3A] : memref<1024xf32, #tpu.memory_space<vmem>>, vector<1024xf32>
    tpu.vector_store %arg6[%swap3A], %logistic3A_79 {strides = array<i32>} : memref<1024xf32, #tpu.memory_space<vmem>>, vector<1024xf32>,
    return
  }
  func.func @transform_0(%arg0: i32) -> (i32, i32) {
    %c0_i32 = arith.constant 0 : i32
    %c0_i32_0 = arith.constant 0 : i32
    return %c0_i32, %arg0 : i32, i32
  }
  func.func @transform_1(%arg0: i32) -> i32 {
    %c0_i32 = arith.constant 0 : i32
    return %arg0 : i32
  }
  func.func @transform_2(%arg0: i32) -> (i32, i32) {
    %c0_i32 = arith.constant 0 : i32
    %c0_i32_0 = arith.constant 0 : i32
    %c0_i32_1 = arith.constant 0 : i32
    return %c0_i32, %c0_i32_0 : i32, i32
  }
  func.func @transform_3(%arg0: i32) -> (i32, i32) {
    %c0_i32 = arith.constant 0 : i32
    %c0_i32_0 = arith.constant 0 : i32
    %c0_i32_1 = arith.constant 0 : i32
    return %c0_i32, %c0_i32_0 : i32, i32
  }
  func.func @transform_4(%arg0: i32) -> i32 {
    %c0_i32 = arith.constant 0 : i32
    %c0_i32_0 = arith.constant 0 : i32
    return %c0_i32 : i32
  }
  func.func @transform_5(%arg0: i32) -> i32 {
    %c0_i32 = arith.constant 0 : i32
    return %arg0 : i32
  }
}

</mosaic_0001>

<sc_bundles>
// kernel: kernel.10.cloned.1.call-start
scs
__scs_entry_jumppad:
0x0: {  	(pc) =	sbr.rel $0x88, $3  }
0x1: {  	(tag) =	ssettag $0x0;
	lr =	simm.s32 $0x1  }
0x2: {  	[smem:$0x3F99] =	sst lr;
	_ =	strace $0xD0000000  }
0x3: {  	_ = 	snop  }
0x4: {  	_ = 	snop  }
0x5: {  	_ = 	snop  }
0x6: {  	_ = 	snop  }
0x7: {  	_ = 	snop  }
__scs_overlays_trampoline_lowered:
0x8: {  	[smem:$0x3FA8] =	sst s0  }
0x9: {  	[smem:$0x3FA9] =	sst s1  }
0xa: {  	[smem:$0x3FAA] =	sst s2  }
0xb: {  	[smem:$0x3FAB] =	sst s3  }
0xc: {  	[smem:$0x3FAC] =	sst s4  }
0xd: {  	[smem:$0x3FAD] =	sst s5  }
0xe: {  	[smem:$0x3FAE] =	sst s6  }
0xf: {  	[smem:$0x3FAF] =	sst s7  }
0x10: {  	[smem:$0x3FB0] =	sst s8  }
0x11: {  	[smem:$0x3FB1] =	sst s9;
	s0 =	simm.s32 @!p0 $0x0  }
0x12: {  	s1 =	sld [smem:$0x3F97];
	s0 =	simm.s32 @p0 $0x1  }
0x13: {  	[smem:$0x3FB2] =	sst s0;
	s0 =	simm.s32 @!p1 $0x0  }
0x14: {  	s2 =	sld [smem:$0x3F96];
	s0 =	simm.s32 @p1 $0x1  }
0x15: {  	[smem:$0x3FB3] =	sst s0;
	s0 =	simm.s32 @!p2 $0x0  }
0x16: {  	s3 =	sld [smem:$0x3FDB];
	s0 =	simm.s32 @p2 $0x1  }
0x17: {  	s4 =	simm.s32 $0x1BF5;
	[smem:$0x3FB5] =	sst s0  }
0x18: {  	s0 =	sld [smem:$0x3F98];
	_ =	swait.ge [sflag:s4], $0x0  }
0x19: {  	s7 =	sld [smem:$0x3F99]  }
0x1a: {  	s8 =	sadd.s32 $0xFFFFE003, lr  }
0x1b: {  	s9 =	sadd.s32 $0xFFFFFEF7, lr;
	s5 =	simm.s32 $0xFFFFFFFF;
	p2 =	slt.u32 s8, $0xFFFFF086  }
0x1c: {  	p1 =	slt.u32 s9, $0xF7A;
	s5 =	simm.s32 @!p2 $0x0  }
0x1d: {  	s5 =	simm.s32 @p1 $0x1;
	p0 =	seq.s32 s7, s2  }
0x1e: {  	s7 =	smul.u32 @!p0 $0xF7A, s2;
	p2 =	seq.s32 @!p0 s5, $0x0  }
0x1f: {  	s9 =	smul.u32 $0xF7A, s1;
	s8 =	simm.s32 @!p0 $0x1BF5;
	p2 =	por !p2, p0  }
0x20: {  	[sflag:s8] =	ssyncset.s32 @!p0 $0xFFFFF086;
	s6 =	sadd.s32 @!p0 s3, s7;
	s7 =	simm.s32 @!p0 $0x108  }
0x21: {  	s3 =	sadd.s32 s3, s9;
	s6 =	sadd.s32 @!p0 $0x88, s6;
	s7 =	simm.s32 @p2 $0x1082  }
0x22: {  	[simem:s7], [sflag:s8] =	dma.local @!p0 [hbm:s6], $0xF7A  }
0x23: {  	s9 =	sor.u32 $0xD0000000, s2;
	s6 =	simm.s32 $0x108;
	_ =	swait.ge @!p0 [sflag:s8], $0x0  }
0x24: {  	s3 =	sadd.s32 $0x88, s3;
	s6 =	simm.s32 @!p1 $0x1082;
	[sflag:s4] =	ssyncset.s32 $0xFFFFF086  }
0x25: {  	[simem:s6], [sflag:s4] =	dma.local [hbm:s3], $0xF7A  }
0x26: {  	[smem:$0x3F99] =	sst s1;
	(tag) =	ssettag s2;
	_ =	strace s9  }
0x27: {  	s1 =	sld [smem:$0x3FA9]  }
0x28: {  	s2 =	sld [smem:$0x3FAA]  }
0x29: {  	s4 =	sld [smem:$0x3FAC]  }
0x2a: {  	p0 =	seq.s32 s5, $0x0;
	s5 =	sld [smem:$0x3FAD]  }
0x2b: {  	s6 =	sld [smem:$0x3FAE]  }
0x2c: {  	s7 =	sld [smem:$0x3FAF]  }
0x2d: {  	s3 =	simm.s32 $0x108;
	s8 =	sld [smem:$0x3FB0]  }
0x2e: {  	s3 =	simm.s32 @!p0 $0x1082;
	s9 =	sld [smem:$0x3FB1]  }
0x2f: {  	lr =	sadd.s32 s0, s3;
	s0 =	sld [smem:$0x3FA8]  }
0x30: {  	s3 =	sld [smem:$0x3FAB]  }
0x31: {  	[smem:$0x3FB4] =	sst s10  }
0x32: {  	s10 =	sld [smem:$0x3FB2];
	_ =	sdelay $0x3  }
0x33: {  	p0 =	seq.s32 s10, $0x1;
	s10 =	sld [smem:$0x3FB4];
	_ =	sdelay $0x3  }
0x34: {  	[smem:$0x3FB4] =	sst s10  }
0x35: {  	s10 =	sld [smem:$0x3FB3];
	_ =	sdelay $0x3  }
0x36: {  	p1 =	seq.s32 s10, $0x1;
	s10 =	sld [smem:$0x3FB4];
	_ =	sdelay $0x3  }
0x37: {  	[smem:$0x3FB4] =	sst s10  }
0x38: {  	s10 =	sld [smem:$0x3FB5]  }
0x39: {  	_ = 	snop;
	(pc) =	sbr.ind lr, $3  }
0x3a: {  	_ = 	snop  }
0x3b: {  	_ = 	snop  }
0x3c: {  	p2 =	seq.s32 s10, $0x1;
	s10 =	sld [smem:$0x3FB4]  }
0x3d: {  	_ =	shalt  }
0x3e: {  	_ =	shalt  }
0x3f: {  	_ =	shalt  }
0x40: {  	_ =	shalt  }
0x41: {  	_ =	shalt  }
0x42: {  	_ =	shalt  }
0x43: {  	_ =	shalt  }
0x44: {  	_ =	shalt  }
0x45: {  	_ =	shalt  }
0x46: {  	_ =	shalt  }
0x47: {  	_ =	shalt  }
0x48: {  	_ =	shalt  }
0x49: {  	_ =	shalt  }
0x4a: {  	_ =	shalt  }
0x4b: {  	_ =	shalt  }
0x4c: {  	_ =	shalt  }
0x4d: {  	_ =	shalt  }
0x4e: {  	_ =	shalt  }
0x4f: {  	_ =	shalt  }
0x50: {  	_ =	shalt  }
0x51: {  	_ =	shalt  }
0x52: {  	_ =	shalt  }
0x53: {  	_ =	shalt  }
0x54: {  	_ =	shalt  }
0x55: {  	_ =	shalt  }
0x56: {  	_ =	shalt  }
0x57: {  	_ =	shalt  }
0x58: {  	_ =	shalt  }
0x59: {  	_ =	shalt  }
0x5a: {  	_ =	shalt  }
0x5b: {  	_ =	shalt  }
0x5c: {  	_ =	shalt  }
0x5d: {  	_ =	shalt  }
0x5e: {  	_ =	shalt  }
0x5f: {  	_ =	shalt  }
0x60: {  	_ =	shalt  }
0x61: {  	_ =	shalt  }
0x62: {  	_ =	shalt  }
0x63: {  	_ =	shalt  }
0x64: {  	_ =	shalt  }
0x65: {  	_ =	shalt  }
0x66: {  	_ =	shalt  }
0x67: {  	_ =	shalt  }
0x68: {  	_ =	shalt  }
0x69: {  	_ =	shalt  }
0x6a: {  	_ =	shalt  }
0x6b: {  	_ =	shalt  }
0x6c: {  	_ =	shalt  }
0x6d: {  	_ =	shalt  }
0x6e: {  	_ =	shalt  }
0x6f: {  	_ =	shalt  }
0x70: {  	_ =	shalt  }
0x71: {  	_ =	shalt  }
0x72: {  	_ =	shalt  }
0x73: {  	_ =	shalt  }
0x74: {  	_ =	shalt  }
0x75: {  	_ =	shalt  }
0x76: {  	_ =	shalt  }
0x77: {  	_ =	shalt  }
0x78: {  	_ =	shalt  }
0x79: {  	_ =	shalt  }
0x7a: {  	_ =	shalt  }
0x7b: {  	_ =	shalt  }
0x7c: {  	_ =	shalt  }
0x7d: {  	_ =	shalt  }
0x7e: {  	_ =	shalt  }
0x7f: {  	_ =	shalt  }
0x80: {  	_ =	shalt  }
0x81: {  	_ =	shalt  }
0x82: {  	_ =	shalt  }
0x83: {  	_ =	shalt  }
0x84: {  	_ =	shalt  }
0x85: {  	_ =	shalt  }
0x86: {  	_ =	shalt  }
0x87: {  	_ =	shalt  }
.Lfunc_end0:
.L_simem_size_0:
called_computation.1_lowered:
.L_overlay_start_0:
0x88: {  	s2 =	sld [smem:$0x3FD9]  }
0x89: {  	s3 =	sld [smem:$0x3FFE];
	_ =	sdelay $0x1  }
0x8a: {  	s1 =	srdreg.scid  }
0x8b: {  	s0 =	sand.u32 $0x1, s1  }
0x8c: {  	s16 =	sshll.u32 s0, $0xA;
	s2 =	sadd.s32 s3, s2  }
0x8d: {  	s2 =	sadd.s32 s2, s16  }
0x8e: {  	[smem:$0x3FC0] =	sst s2  }
0x8f: {  	_ = 	snop  }
0x90: {  	(tm) =	ssettm $0x1  }
0x91: {  	s17 =	sld [smem:$0x3FFB];
	_ =	sdelay $0x3  }
0x92: {  	_ =	strace s17  }
0x93: {  	s2 =	sld [smem:$0x3FFC];
	_ =	sdelay $0x3  }
0x94: {  	_ =	strace s2  }
0x95: {  	s2 =	sld [smem:$0x3FFD];
	_ =	sdelay $0x3  }
0x96: {  	_ =	strace s2  }
0x97: {  	_ =	strace $0x8FFFFFFF  }
0x98: {  	s18 =	sld [smem:$0x3FDB];
	_ =	sdelay $0x1  }
0x99: {  	s19 =	simm.s32 $_scs_section_size  }
0x9a: {  	s4 =	simm.s32 $_size__tile_overlayer_lowered;
	s5 =	simm.s32 $_tile_overlayer_lowered  }
0x9b: {  	s22 =	simm.s32 $0x1BFF;
	s21 =	sshll.u32 s5, $0x1;
	s2 =	sadd.s32 s19, s18  }
0x9c: {  	s6 =	simm.s32 $0x0;
	s20 =	sshll.u32 s4, $0x1;
	s4 =	sadd.s32 s21, s2  }
0x9d: {  	[timem:s6], [sflag:s22] =	dma.local [hbm:s4], s20  }
0x9e: {  	_ =	swait.ge [sflag:s22], s20  }
0x9f: {  	s3 =	ssub.s32 $0x0, s20;
	[sflag:s22] =	ssyncset.done $0x0  }
0xa0: {  	[sflag:s22] =	ssyncadd.s32 s3;
	_ =	sdelay $0x1  }
0xa1: {  	s23 =	simm.s32 $0x1B8B  }
0xa2: {  	_ =	swait.ge [sflag:s23], $0x1  }
0xa3: {  	[sflag:s23] =	ssyncset.done $0x0  }
0xa4: {  	s25 =	simm.s32 $0x1B8E;
	s24 =	sld [smem:$0x3FFE];
	[sflag:s23] =	ssyncadd.s32 $0xFFFFFFFF  }
0xa5: {  	s26 =	simm.s32 $execute0_lowered;
	[smem:$0x3FD2] =	sst s25  }
0xa6: {  	s4 =	sshll.u32 s26, $0x1;
	_ =	strace $0x80000049;
	[dreg:$0x1] =	wrdreg $0xFFFFFFFF  }
0xa7: {  	s28 =	simm.s32 $_size_execute0_lowered;
	s2 =	sadd.s32 s2, s4;
	[dreg:$0x0] =	wrdreg $0x0  }
0xa8: {  	s4 =	sshll.u32 s28, $0x1;
	[dreg:$0x2] =	wrdreg s2  }
0xa9: {  	[dreg:$0x3] =	wrdreg s4  }
0xaa: {  	[dreg:$0x4] =	wrdreg $0xC0  }
0xab: {  	_ =	task [dreg:s6], $0x5FFFF  }
0xac: {  	[dreg:$0x1] =	wrdreg $0xFFFFFFFF  }
0xad: {  	[dreg:$0x0] =	wrdreg $0x60  }
0xae: {  	[dreg:$0x2] =	wrdreg s24  }
0xaf: {  	[dreg:$0x3] =	wrdreg $0x9  }
0xb0: {  	_ =	task.clear_ibuf [dreg:s6], $0x4FFFF;
	_ =	strace $0x90000049  }
0xb1: {  	s29 =	simm.s32 $0x9;
	_ =	strace $0x8000004B  }
0xb2: {  	_ =	swait.ge [sflag:s29], $0x1  }
0xb3: {  	[sflag:s29] =	ssyncadd.s32 $0xFFFFFFFF  }
0xb4: {  	_ =	strace $0x9000004B  }
0xb5: {  	_ =	sfence  }
0xb6: {  	s30 =	sld [smem:$0x0];
	_ =	sdelay $0x2  }
0xb7: {  	s31 =	sshll.u32 s1, $0xD;
	s1 =	sshrl.u32 s1, $0x2  }
0xb8: {  	s3 =	sand.u32 $0x4000, s31;
	s1 =	sadd.s32 s1, s30  }
0xb9: {  	s0 =	sor.u32 s3, s0;
	s1 =	sshll.u32 s1, $0x11  }
0xba: {  	s0 =	sor.u32 s1, s0  }
0xbb: {  	s0 =	sadd.s32 $0x8F2B, s0  }
0xbc: {  	[sflag:s0] =	ssyncadd.remote.s32 $0x1  }
0xbd: {  	_ =	sfence.sel $0xFFFF  }
0xbe: {  	[dreg:$0x0] =	wrdreg $0xFFFFFFFF;
	(pc) =	sbr.abs _section_cstart, $3  }
0xbf: {  	[dreg:$0x1] =	wrdreg $0xFFFFFFFF  }
0xc0: {  	_ =	task.clear_ibuf [dreg:s6], $0x2FFFF;
	_ =	strace $0x9FFFFFFF  }
0xc1: {  	(tm) =	ssettm $0x7FFFFFFF  }
tec
execute0_lowered:
.L_overlay_start_1:
0x0: {  	(tag) =	ssettag $0x1  }
0x1: {  	v0 =	vimm.s32 $0xEDCBA987;
	s1 =	srdreg.scid;
	v1 =	vimm.s32 $0x65432100  }
0x2: {  	s0 =	stileid.u32;
	v2 =	vimm.s32 $0xDCBA9876;
	s8 =	rddreg [dreg:$0x0];
	s3 =	simm.s32 $0x1;
	v3 =	vimm.s32 $0x54321000;
	v4 =	vimm.s32 $0xE40000  }
0x3: {  	s2 =	simm.s32 $0x0;
	v5 =	vimm.s32 $0xBA987654;
	v6 =	vimm.s32 $0xFFEDCBA9;
	s14 =	simm.s32 $0xC380;
	v0 =	vunpack.c.l.s4.s8 v0;
	s7 =	sand.u32 $0x1, s1  }
0x4: {  	v7 =	vimm.s32 $0x87654321;
	vm1 =	vcmask $0x3F30;
	s15 =	simm.s32 $0x18700;
	s16 =	simm.s32 $0x18F00;
	v1 =	vunpack.c.l.s4.s8 v1;
	s1 =	sor.u32 s7, s0  }
0x5: {  	vm0 =	vmxor vm0, vm0;
	s17 =	simm.s32 $0x19700;
	vm2 =	vcmask $0x3F08;
	p0 =	seq.s32 s7, $0x1;
	v0 =	vunpack.c.0.s8.s32 v0;
	p1 =	seq.s32 s1, $0x0  }
0x6: {  	vm3 =	vcmask $0x3F10;
	s18 =	simm.s32 $0x19F00;
	s19 =	simm.s32 $0x2;
	v4 =	vunpack.c.l.s2.s4 v4;
	v1 =	vunpack.c.0.s8.s32 v1;
	p0 =	por !p1, !p0  }
0x7: {  	s20 =	simm.s32 $0x0;
	v2 =	vunpack.c.l.s4.s8 v2;
	v3 =	vunpack.c.l.s4.s8 v3;
	[smem:$0x7FF] =	sst s2;
	v0 =	vand.u32 $0xF, v0;
	p0 =	por !p0, !p0  }
0x8: {  	s4 =	sadd.s32 $0x19E00, s8;
	v6 =	vunpack.c.l.s4.s8 v6;
	s30 =	sshll.u32 s7, $0x4;
	v4 =	vunpack.c.l.s4.s8 v4;
	s3 =	simm.s32 @!p0 $0x0;
	v0 =	vcombine.low v1, v0  }
0x9: {  	s10 =	ssub.s32 $0x2, s7;
	s1 =	rddreg [dreg:$0x1];
	v1 =	vunpack.c.0.s8.s32 v2;
	v2 =	vunpack.c.l.s4.s8 v5;
	v5 =	vimm.s32 $0x32100000;
	s6 =	ssub.s32 s0, s3  }
0xa: {  	v7 =	vunpack.c.l.s4.s8 v7;
	v3 =	vunpack.c.0.s8.s32 v3;
	s12 =	sshrl.u32 s10, $0x1;
	v5 =	vunpack.c.l.s4.s8 v5;
	s5 =	sadd.s32 s30, s6;
	s11 =	smul.u32 $0xC350, s6  }
0xb: {  	_ =	strace $0x8000004A;
	s12 =	ssub.s32 s10, s12;
	v4 =	vunpack.c.0.s8.s32 v4;
	v1 =	vand.u32 $0xF, v1;
	v2 =	vunpack.c.0.s8.s32 v2;
	s9 =	smul.u32 $0xC800, s5  }
.Ltmp0:
0xc: {  	s12 =	smax.u32 s12, $0x1;
	p0 =	seq.s32 s7, $0x0;
	v1 =	vcombine.low v3, v1;
	v3 =	vimm.s32 $0x7060504;
	v5 =	vunpack.c.0.s8.s32 v5;
	(pc) =	sbr.rel .LBB2_1-.Ltmp0, $4  }
0xd: {  	s3 =	sadd.s32 $0x32600, s8;
	v4 =	vand.u32 $0x3, v4;
	s6 =	simm.s32 $0x1;
	s5 =	sadd.s32 $0x1600, s8;
	v2 =	vand.u32 $0xF, v2;
	v3 =	vunpack.c.0.s8.s32 v3  }
0xe: {  	s31 =	sshrl.u32 s11, $0x3;
	s10 =	sadd.s32 $0xFA0, s11;
	s9 =	sshrl.u32 s9, $0x3;
	v2 =	vcombine.low v5, v2;
	v5 =	vunpack.c.0.s8.s32 v6;
	v6 =	vunpack.c.0.s8.s32 v7  }
0xf: {  	vm4 =	vcmask $0x3F20;
	vm5 =	vcmask $0x3F3C;
	s7 =	sadd.s32 s4, s31;
	s13 =	sadd.s32 s9, s8;
	s8 =	sadd.s32 s5, s31;
	v3 =	vsel vm1, v3, v4  }
0x10: {  	s9 =	sadd.s32 $0x7D0, s11;
	v4 =	vimm.f32 $0.0e+00;
	vm1 =	vcmask $0x3F04;
	s11 =	sadd.s32 $0x34000, s13;
	s13 =	simm.s32 $0x3;
	v5 =	vcombine.low v6, v5  }
.LBB2_21:
0x11: {  	s20 =	sadd.s32 $0x1, s20  }
0x12: {  	p1 =	sne.s32 s20, s12  }
.Ltmp1:
0x13: {  	_ = 	snop;
	(pc) =	sbr.rel @!p1 .LBB2_22-.Ltmp1, $4  }
0x14: {  	[hbm4b:s11+s2] =	stream.linear.scatter [tilespmem:s14], [sflag:$0x3], $0xC350, $0x38;
	[tilespmem:$0x1A700] =	vst v63  }
0x15: {  	_ =	swait.ge [sflag:s13], $0xC350  }
0x16: {  	[sflag:s13] =	ssyncset.done $0x0  }
0x17: {  	[sflag:s13] =	ssyncadd.s32 $0xFFFF3CB0  }
.LBB2_1:
0x18: {  	[tilespmem:s2], [sflag:$0x3] =	stream.linear.gather [hbm4b:s3+s2], $0xC350, $0x38;
	[tilespmem:$0x1A700] =	vst v63  }
0x19: {  	_ =	swait.ge [sflag:s13], $0xC350  }
0x1a: {  	[sflag:s13] =	ssyncset.done $0x0  }
0x1b: {  	[sflag:s13] =	ssyncadd.s32 $0xFFFF3CB0  }
0x1c: {  	[tilespmem:s14], [sflag:$0x3] =	stream.linear.gather [hbm4b:s3+s2], $0xC350, $0x38;
	[tilespmem:$0x1A700] =	vst v63  }
0x1d: {  	_ =	swait.ge [sflag:s13], $0xC350  }
.Ltmp2:
0x1e: {  	[sflag:s13] =	ssyncset.done $0x0;
	(pc) =	sbr.rel .LBB2_2-.Ltmp2, $4  }
0x1f: {  	[sflag:s13] =	ssyncadd.s32 $0xFFFF3CB0  }
0x20: {  	[tilespmem:s15], [sflag:$0x1] =	stream.linear.gather [hbm4b:s7+s2], $0x7D0, $0x38;
	[tilespmem:$0x1A700] =	vst v63  }
0x21: {  	s21 =	simm.s32 $0x0  }
0x22: {  	[tilespmem:s16], [sflag:$0x1] =	stream.linear.gather [hbm4b:s8+s2], $0x7D0, $0x38;
	[tilespmem:$0x1A700] =	vst v63  }
.LBB2_14:
0x23: {  	s21 =	sadd.s32 $0x1, s21  }
0x24: {  	p1 =	sne.s32 s21, $0xC  }
.Ltmp3:
0x25: {  	_ = 	snop;
	(pc) =	sbr.rel @!p1 .LBB2_15-.Ltmp3, $1  }
0x26: {  	_ =	sdelay $0x3  }
.LBB2_2:
0x27: {  	s22 =	smul.u32 $0xFA0, s21;
	_ =	sdelay $0x1  }
0x28: {  	s23 =	sadd.s32 s22, s9  }
0x29: {  	s23 =	sshrl.u32 s23, $0x3  }
0x2a: {  	s25 =	simm.s32 $0x0;
	s24 =	sadd.s32 s4, s23  }
0x2b: {  	[tilespmem:s17], [sflag:$0x2] =	stream.linear.gather [hbm4b:s24+s25], $0x7D0, $0x38;
	[tilespmem:$0x1A700] =	vst v63  }
0x2c: {  	s23 =	sadd.s32 s5, s23  }
0x2d: {  	[tilespmem:s18], [sflag:$0x2] =	stream.linear.gather [hbm4b:s23+s25], $0x7D0, $0x38;
	[tilespmem:$0x1A700] =	vst v63  }
0x2e: {  	_ =	swait.ge [sflag:s6], $0x7D0  }
0x2f: {  	[sflag:s6] =	ssyncset.done $0x0  }
0x30: {  	[sflag:s6] =	ssyncadd.s32 $0xFFFFF830  }
0x31: {  	_ =	swait.ge [sflag:s6], $0x7D0  }
0x32: {  	[sflag:s6] =	ssyncset.done $0x0  }
0x33: {  	s31 =	simm.s32 $0x0;
	[sflag:s6] =	ssyncadd.s32 $0xFFFFF830  }
0x34: {  	v12 =	vld [tilespmem:s31+$0x18F20]  }
0x35: {  	v6 =	vld [tilespmem:s31+$0x18710]  }
0x36: {  	v13 =	vld [tilespmem:s31+$0x18F10]  }
0x37: {  	v14 =	vld [tilespmem:s31+$0x18F00]  }
0x38: {  	v7 =	vld [tilespmem:s31+$0x18700]  }
0x39: {  	v9 =	vld [tilespmem:s31+$0x18730]  }
0x3a: {  	v15 =	vld [tilespmem:s31+$0x18720]  }
0x3b: {  	v18 =	vld [tilespmem:s31+$0x18F30]  }
0x3c: {  	v16 =	vld [tilespmem:s31+$0x18740]  }
0x3d: {  	v11 =	vld [tilespmem:s31+$0x18F40]  }
0x3e: {  	v8 =	vld.idx.msk [tilespmem:v6+s2+$0x0], $0xffff  }
0x3f: {  	v17 =	vld.idx.msk [tilespmem:v14+s14+$0x0], $0xffff  }
0x40: {  	v19 =	vld.idx.msk [tilespmem:v12+s14+$0x0], $0xffff  }
0x41: {  	v6 =	vld.idx.msk [tilespmem:v9+s2+$0x0], $0xffff  }
0x42: {  	v10 =	vld.idx.msk [tilespmem:v7+s2+$0x0], $0xffff  }
0x43: {  	v9 =	vld.idx.msk [tilespmem:v15+s2+$0x0], $0xffff  }
0x44: {  	v15 =	vld.idx.msk [tilespmem:v13+s14+$0x0], $0xffff;
	_ =	sdelay $0x1  }
0x45: {  	v20 =	vld.idx.msk [tilespmem:v18+s14+$0x0], $0xffff  }
0x46: {  	v7 =	vld.idx.msk [tilespmem:v16+s2+$0x0], $0xffff  }
0x47: {  	v16 =	vld.idx.msk [tilespmem:v11+s14+$0x0], $0xffff;
	v21 =	vmin.f32 v17, v10;
	v17 =	vmax.f32 v17, v10  }
0x48: {  	v22 =	vmin.f32 v19, v9;
	v62 =	vmin.f32 v15, v8;
	v15 =	vmax.f32 v15, v8  }
0x49: {  	v19 =	vmax.f32 v19, v9;
	v17 =	vpsel p0, v21, v17;
	v15 =	vpsel p0, v62, v15  }
0x4a: {  	[tilespmem:v14+s14+$0x0] =	vst.idx.msk $0xffff, v17;
	v17 =	vmin.f32 v20, v6;
	v20 =	vmax.f32 v20, v6  }
0x4b: {  	v19 =	vpsel p0, v22, v19;
	v17 =	vpsel p0, v17, v20;
	[tilespmem:v13+s14+$0x0] =	vst.idx.msk $0xffff, v15  }
0x4c: {  	v15 =	vmin.f32 v16, v7;
	v16 =	vmax.f32 v16, v7;
	[tilespmem:v12+s14+$0x0] =	vst.idx.msk $0xffff, v19  }
0x4d: {  	v15 =	vpsel p0, v15, v16;
	[tilespmem:v18+s14+$0x0] =	vst.idx.msk $0xffff, v17  }
0x4e: {  	[tilespmem:v11+s14+$0x0] =	vst.idx.msk $0xffff, v15  }
0x4f: {  	v15 =	vld.idx.msk [tilespmem:v14+s14+$0x0], $0xffff  }
0x50: {  	v16 =	vld.idx.msk [tilespmem:v13+s14+$0x0], $0xffff  }
0x51: {  	v17 =	vld.idx.msk [tilespmem:v12+s14+$0x0], $0xffff  }
0x52: {  	v19 =	vld.idx.msk [tilespmem:v18+s14+$0x0], $0xffff  }
0x53: {  	v63 =	vld.idx.msk [tilespmem:v11+s14+$0x0], $0xffff  }
0x54: {  	vm6 =	vgt.f32 v15, v10;
	vm7 =	vlt.f32 v15, v10  }
0x55: {  	vm8 =	vlt.f32 v16, v8;
	vm7 =	vmmov @p0 vm6;
	vm6 =	vgt.f32 v16, v8  }
0x56: {  	vm9 =	vlt.f32 v17, v9;
	vm8 =	vmmov @p0 vm6;
	vm6 =	vgt.f32 v17, v9  }
0x57: {  	vm10 =	vlt.f32 v19, v6;
	vm9 =	vmmov @p0 vm6;
	vm6 =	vgt.f32 v19, v6  }
0x58: {  	vm11 =	vlt.f32 v63, v7;
	vm10 =	vmmov @p0 vm6;
	vm6 =	vgt.f32 v63, v7  }
0x59: {  	vm11 =	vmmov @p0 vm6;
	_ =	sdelay $0x1  }
0x5a: {  	[tilespmem:v14+s14+$0x0] =	vst.idx.msk vm7, v10  }
0x5b: {  	[tilespmem:v13+s14+$0x0] =	vst.idx.msk vm8, v8  }
0x5c: {  	[tilespmem:v12+s14+$0x0] =	vst.idx.msk vm9, v9  }
0x5d: {  	[tilespmem:v18+s14+$0x0] =	vst.idx.msk vm10, v6  }
0x5e: {  	[tilespmem:v11+s14+$0x0] =	vst.idx.msk vm11, v7  }
0x5f: {  	v15 =	vld.idx.msk [tilespmem:v12+s14+$0x0], $0xffff  }
0x60: {  	v17 =	vld.idx.msk [tilespmem:v14+s14+$0x0], $0xffff  }
0x61: {  	v16 =	vld.idx.msk [tilespmem:v13+s14+$0x0], $0xffff  }
0x62: {  	s24 =	simm.s32 $0x280;
	s23 =	simm.s32 $0x140;
	vm6 =	vmmov vm0;
	v14 =	vld.idx.msk [tilespmem:v18+s14+$0x0], $0xffff  }
.LBB2_3:
0x63: {  	p1 =	sne.s32 s24, $0x1E00  }
0x64: {  	s25 =	sshra.s32 s23, $0x2;
	v11 =	vld.idx.msk [tilespmem:v11+s14+$0x0], $0xffff;
	s23 =	smov.u32 s24;
	s24 =	sadd.s32 $0x140, s24  }
0x65: {  	v12 =	vld [tilespmem:s25+$0x18F20]  }
0x66: {  	vm7 =	vgt.f32 v15, v9;
	vm8 =	vlt.f32 v15, v9;
	v18 =	vld [tilespmem:s25+$0x18710]  }
0x67: {  	vm9 =	vgt.f32 v17, v10;
	v13 =	vld [tilespmem:s25+$0x18F10]  }
0x68: {  	vm10 =	vlt.f32 v17, v10;
	vm11 =	vgt.f32 v16, v8;
	vm12 =	vlt.f32 v16, v8;
	v19 =	vld [tilespmem:s25+$0x18F00]  }
0x69: {  	vm9 =	vmor vm9, vm11;
	vm10 =	vmor vm10, vm12;
	vm11 =	vgt.f32 v14, v6;
	v10 =	vld [tilespmem:s25+$0x18700]  }
0x6a: {  	vm7 =	vmor vm9, vm7;
	vm8 =	vmor vm10, vm8;
	vm9 =	vgt.f32 v11, v7;
	v9 =	vld [tilespmem:s25+$0x18730]  }
0x6b: {  	vm10 =	vlt.f32 v14, v6;
	vm7 =	vmor vm7, vm11;
	vm11 =	vlt.f32 v11, v7;
	v15 =	vld [tilespmem:s25+$0x18720]  }
0x6c: {  	vm8 =	vmor vm8, vm10;
	vm7 =	vmor vm7, vm9;
	v14 =	vld [tilespmem:s25+$0x18F30]  }
0x6d: {  	vm8 =	vmor vm8, vm11;
	v7 =	vld [tilespmem:s25+$0x18740]  }
0x6e: {  	vm8 =	vmmov @p0 vm7;
	v11 =	vld [tilespmem:s25+$0x18F40]  }
0x6f: {  	vm6 =	vmor vm6, vm8;
	v8 =	vld.idx.msk [tilespmem:v18+s2+$0x0], $0xffff  }
0x70: {  	v16 =	vld.idx.msk [tilespmem:v19+s14+$0x0], $0xffff  }
0x71: {  	v17 =	vld.idx.msk [tilespmem:v12+s14+$0x0], $0xffff  }
0x72: {  	v6 =	vld.idx.msk [tilespmem:v9+s2+$0x0], $0xffff  }
0x73: {  	v9 =	vld.idx.msk [tilespmem:v15+s2+$0x0], $0xffff  }
0x74: {  	v15 =	vld.idx.msk [tilespmem:v14+s14+$0x0], $0xffff  }
0x75: {  	v10 =	vld.idx.msk [tilespmem:v10+s2+$0x0], $0xffff  }
0x76: {  	v18 =	vld.idx.msk [tilespmem:v13+s14+$0x0], $0xffff;
	_ =	sdelay $0x1  }
0x77: {  	v7 =	vld.idx.msk [tilespmem:v7+s2+$0x0], $0xffff  }
0x78: {  	v21 =	vmin.f32 v17, v9;
	v17 =	vmax.f32 v17, v9;
	v20 =	vld.idx.msk [tilespmem:v11+s14+$0x0], $0xffff  }
0x79: {  	v17 =	vpsel p0, v21, v17;
	v21 =	vmin.f32 v15, v6;
	v15 =	vmax.f32 v15, v6  }
0x7a: {  	v22 =	vmin.f32 v16, v10;
	v16 =	vmax.f32 v16, v10;
	v15 =	vpsel p0, v21, v15  }
0x7b: {  	v16 =	vpsel p0, v22, v16;
	v21 =	vmin.f32 v18, v8;
	v18 =	vmax.f32 v18, v8  }
0x7c: {  	[tilespmem:v19+s14+$0x0] =	vst.idx.msk $0xffff, v16;
	v16 =	vpsel p0, v21, v18  }
0x7d: {  	[tilespmem:v13+s14+$0x0] =	vst.idx.msk $0xffff, v16  }
0x7e: {  	v16 =	vmin.f32 v20, v7;
	[tilespmem:v12+s14+$0x0] =	vst.idx.msk $0xffff, v17;
	v17 =	vmax.f32 v20, v7  }
0x7f: {  	[tilespmem:v14+s14+$0x0] =	vst.idx.msk $0xffff, v15;
	v15 =	vpsel p0, v16, v17  }
0x80: {  	[tilespmem:v11+s14+$0x0] =	vst.idx.msk $0xffff, v15  }
0x81: {  	v15 =	vld.idx.msk [tilespmem:v19+s14+$0x0], $0xffff  }
0x82: {  	v16 =	vld.idx.msk [tilespmem:v13+s14+$0x0], $0xffff  }
0x83: {  	v17 =	vld.idx.msk [tilespmem:v12+s14+$0x0], $0xffff  }
0x84: {  	v18 =	vld.idx.msk [tilespmem:v14+s14+$0x0], $0xffff  }
0x85: {  	v20 =	vld.idx.msk [tilespmem:v11+s14+$0x0], $0xffff;
	_ =	sdelay $0x1  }
0x86: {  	vm7 =	vgt.f32 v15, v10;
	vm8 =	vlt.f32 v15, v10  }
0x87: {  	vm8 =	vmmov @p0 vm7;
	vm7 =	vgt.f32 v16, v8;
	vm9 =	vlt.f32 v16, v8  }
0x88: {  	vm9 =	vmmov @p0 vm7;
	vm7 =	vgt.f32 v17, v9;
	vm10 =	vlt.f32 v17, v9  }
0x89: {  	vm10 =	vmmov @p0 vm7;
	vm7 =	vgt.f32 v18, v6;
	vm11 =	vlt.f32 v18, v6  }
0x8a: {  	vm11 =	vmmov @p0 vm7;
	vm7 =	vgt.f32 v20, v7;
	vm12 =	vlt.f32 v20, v7  }
0x8b: {  	vm12 =	vmmov @p0 vm7;
	_ =	sdelay $0x1  }
0x8c: {  	[tilespmem:v19+s14+$0x0] =	vst.idx.msk vm8, v10  }
0x8d: {  	[tilespmem:v13+s14+$0x0] =	vst.idx.msk vm9, v8  }
0x8e: {  	[tilespmem:v12+s14+$0x0] =	vst.idx.msk vm10, v9  }
0x8f: {  	[tilespmem:v14+s14+$0x0] =	vst.idx.msk vm11, v6  }
.Ltmp4:
0x90: {  	[tilespmem:v11+s14+$0x0] =	vst.idx.msk vm12, v7;
	(pc) =	sbr.rel @p1 .LBB2_3-.Ltmp4, $4  }
0x91: {  	v15 =	vld.idx.msk [tilespmem:v12+s14+$0x0], $0xffff  }
0x92: {  	v17 =	vld.idx.msk [tilespmem:v19+s14+$0x0], $0xffff  }
0x93: {  	v16 =	vld.idx.msk [tilespmem:v13+s14+$0x0], $0xffff  }
0x94: {  	v14 =	vld.idx.msk [tilespmem:v14+s14+$0x0], $0xffff  }
0x95: {  	s23 =	sshra.s32 s23, $0x2  }
0x96: {  	v12 =	vld [tilespmem:s23+$0x18F20]  }
0x97: {  	v13 =	vld [tilespmem:s23+$0x18710]  }
0x98: {  	v18 =	vld [tilespmem:s23+$0x18F10]  }
0x99: {  	v19 =	vld [tilespmem:s23+$0x18F00]  }
0x9a: {  	v20 =	vld [tilespmem:s23+$0x18700]  }
0x9b: {  	v21 =	vld [tilespmem:s23+$0x18730]  }
0x9c: {  	v22 =	vld [tilespmem:s23+$0x18720]  }
0x9d: {  	v23 =	vld [tilespmem:s23+$0x18F30]  }
0x9e: {  	v24 =	vld [tilespmem:s23+$0x18740]  }
0x9f: {  	v25 =	vld [tilespmem:s23+$0x18F40]  }
0xa0: {  	v13 =	vld.idx.msk [tilespmem:v13+s2+$0x0], $0xffff  }
0xa1: {  	v26 =	vld.idx.msk [tilespmem:v19+s14+$0x0], $0xffff  }
0xa2: {  	v27 =	vld.idx.msk [tilespmem:v12+s14+$0x0], $0xffff  }
0xa3: {  	v21 =	vld.idx.msk [tilespmem:v21+s2+$0x0], $0xffff  }
0xa4: {  	v20 =	vld.idx.msk [tilespmem:v20+s2+$0x0], $0xffff  }
0xa5: {  	v22 =	vld.idx.msk [tilespmem:v22+s2+$0x0], $0xffff  }
0xa6: {  	v28 =	vld.idx.msk [tilespmem:v18+s14+$0x0], $0xffff  }
0xa7: {  	v29 =	vld.idx.msk [tilespmem:v23+s14+$0x0], $0xffff  }
0xa8: {  	v24 =	vld.idx.msk [tilespmem:v24+s2+$0x0], $0xffff  }
0xa9: {  	v30 =	vld.idx.msk [tilespmem:v25+s14+$0x0], $0xffff  }
0xaa: {  	v31 =	vmin.f32 v26, v20;
	v26 =	vmax.f32 v26, v20  }
0xab: {  	v53 =	vmin.f32 v27, v22;
	v27 =	vmax.f32 v27, v22;
	v54 =	vmin.f32 v28, v13  }
0xac: {  	v28 =	vmax.f32 v28, v13;
	v55 =	vmin.f32 v29, v21;
	v26 =	vpsel p0, v31, v26  }
0xad: {  	v11 =	vld.idx.msk [tilespmem:v11+s14+$0x0], $0xffff;
	v29 =	vmax.f32 v29, v21;
	[tilespmem:v19+s14+$0x0] =	vst.idx.msk $0xffff, v26;
	v26 =	vpsel p0, v54, v28  }
0xae: {  	v56 =	vmin.f32 v30, v24;
	v27 =	vpsel p0, v53, v27;
	[tilespmem:v18+s14+$0x0] =	vst.idx.msk $0xffff, v26  }
0xaf: {  	v57 =	vmax.f32 v30, v24;
	v28 =	vpsel p0, v55, v29;
	[tilespmem:v12+s14+$0x0] =	vst.idx.msk $0xffff, v27  }
0xb0: {  	v26 =	vpsel p0, v56, v57;
	[tilespmem:v23+s14+$0x0] =	vst.idx.msk $0xffff, v28  }
0xb1: {  	[tilespmem:v25+s14+$0x0] =	vst.idx.msk $0xffff, v26  }
0xb2: {  	v26 =	vld.idx.msk [tilespmem:v19+s14+$0x0], $0xffff  }
0xb3: {  	v58 =	vld.idx.msk [tilespmem:v18+s14+$0x0], $0xffff  }
0xb4: {  	v28 =	vld.idx.msk [tilespmem:v12+s14+$0x0], $0xffff  }
0xb5: {  	v59 =	vld.idx.msk [tilespmem:v23+s14+$0x0], $0xffff  }
0xb6: {  	v60 =	vld.idx.msk [tilespmem:v25+s14+$0x0], $0xffff  }
0xb7: {  	vm7 =	vgt.f32 v26, v20;
	vm8 =	vlt.f32 v26, v20  }
0xb8: {  	vm9 =	vgt.f32 v58, v13;
	vm10 =	vlt.f32 v58, v13;
	vm8 =	vmmov @p0 vm7  }
0xb9: {  	vm11 =	vlt.f32 v28, v22;
	vm7 =	vgt.f32 v28, v22;
	vm10 =	vmmov @p0 vm9  }
0xba: {  	vm12 =	vlt.f32 v59, v21;
	vm9 =	vgt.f32 v59, v21;
	vm11 =	vmmov @p0 vm7  }
0xbb: {  	vm12 =	vmmov @p0 vm9;
	vm7 =	vgt.f32 v60, v24;
	vm9 =	vlt.f32 v60, v24  }
0xbc: {  	vm9 =	vmmov @p0 vm7;
	_ =	sdelay $0x1  }
0xbd: {  	[tilespmem:v19+s14+$0x0] =	vst.idx.msk vm8, v20  }
0xbe: {  	[tilespmem:v18+s14+$0x0] =	vst.idx.msk vm10, v13  }
0xbf: {  	[tilespmem:v12+s14+$0x0] =	vst.idx.msk vm11, v22  }
0xc0: {  	[tilespmem:v23+s14+$0x0] =	vst.idx.msk vm12, v21  }
0xc1: {  	vm13 =	vlt.f32 v14, v6;
	[tilespmem:v25+s14+$0x0] =	vst.idx.msk vm9, v24  }
0xc2: {  	vm14 =	vgt.f32 v11, v7;
	vm7 =	vgt.f32 v17, v10;
	vm8 =	vlt.f32 v17, v10;
	v61 =	vld.idx.msk [tilespmem:v19+s14+$0x0], $0xffff  }
0xc3: {  	vm10 =	vlt.f32 v16, v8;
	vm11 =	vgt.f32 v15, v9;
	vm9 =	vgt.f32 v16, v8;
	v62 =	vld.idx.msk [tilespmem:v18+s14+$0x0], $0xffff  }
0xc4: {  	vm8 =	vmor vm8, vm10;
	vm12 =	vlt.f32 v15, v9;
	vm7 =	vmor vm7, vm9;
	v63 =	vld.idx.msk [tilespmem:v12+s14+$0x0], $0xffff  }
0xc5: {  	vm8 =	vmor vm8, vm12;
	vm12 =	vgt.f32 v14, v6;
	v6 =	vld.idx.msk [tilespmem:v23+s14+$0x0], $0xffff;
	vm7 =	vmor vm7, vm11  }
0xc6: {  	vm15 =	vlt.f32 v11, v7;
	vm8 =	vmor vm8, vm13;
	vm7 =	vmor vm7, vm12  }
0xc7: {  	v7 =	vld.idx.msk [tilespmem:v25+s14+$0x0], $0xffff;
	vm8 =	vmor vm8, vm15;
	vm7 =	vmor vm7, vm14;
	vm9 =	vgt.f32 v61, v20  }
0xc8: {  	vm10 =	vlt.f32 v61, v20;
	vm11 =	vgt.f32 v62, v13;
	vm12 =	vlt.f32 v62, v13  }
0xc9: {  	vm9 =	vmor vm9, vm11;
	vm11 =	vgt.f32 v63, v22;
	vm10 =	vmor vm10, vm12  }
0xca: {  	vm12 =	vlt.f32 v63, v22;
	vm9 =	vmor vm9, vm11;
	vm11 =	vgt.f32 v6, v21  }
0xcb: {  	vm10 =	vmor vm10, vm12;
	vm12 =	vlt.f32 v6, v21;
	vm9 =	vmor vm9, vm11  }
0xcc: {  	vm11 =	vgt.f32 v7, v24;
	vm10 =	vmor vm10, vm12;
	vm12 =	vlt.f32 v7, v24  }
0xcd: {  	vm8 =	vmmov @p0 vm7;
	vm7 =	vmor vm9, vm11;
	vm9 =	vmor vm10, vm12  }
0xce: {  	vm6 =	vmor vm6, vm8;
	vm9 =	vmmov @p0 vm7  }
0xcf: {  	vm6 =	vmor vm6, vm9  }
0xd0: {  	v6 =	vsel vm6, $0x3F800000, v4  }
0xd1: {  	(xrf0) =	vmax.scan.msk.f32 $0xffff, v6;
	_ =	sdelay $0x5  }
0xd2: {  	v6, _, _ =	vpop (xrf0)  }
0xd3: {  	(v2sf) =	vpush v6, $0xF;
	_ =	sdelay $0xe  }
0xd4: {  	s31 =	spop (v2sf)  }
0xd5: {  	p1 =	sgt.f32 s31, $0.0e+00  }
.Ltmp5:
0xd6: {  	_ = 	snop;
	(pc) =	sbr.rel @!p1 .LBB2_8-.Ltmp5, $2  }
0xd7: {  	_ =	sdelay $0x2  }
0xd8: {  	s23 =	simm.s32 $0x0  }
0xd9: {  	s24 =	sshra.s32 s23, $0x2;
	s23 =	sadd.s32 $0x40, s23  }
.LBB2_6:
0xda: {  	p1 =	sne.s32 s23, $0x1F00;
	v6 =	vld [tilespmem:s24+$0x18700];
	_ =	sdelay $0x6  }
0xdb: {  	v7 =	vld [tilespmem:s24+$0x18F00]  }
0xdc: {  	v6 =	vld.idx.msk [tilespmem:v6+s2+$0x0], $0xffff;
	_ =	sdelay $0x4  }
0xdd: {  	v7 =	vxor.u32 $0x80000000, v7  }
0xde: {  	(xrf1) =	vsort.ascd.msk.u32 $0xffff, v7, v6;
	_ =	sdelay $0xd  }
0xdf: {  	v6, v7, _ =	vpop (xrf1)  }
0xe0: {  	v6 =	vxor.u32 $0x80000000, v6  }
0xe1: {  	v9 =	vperm.xlane v7, v0;
	v8 =	vperm.xlane v6, v0;
	_ =	sdelay $0x1  }
0xe2: {  	vm6 =	veq.s32 v8, v6;
	v8 =	vmin.f32 v7, v9;
	v9 =	vmax.f32 v7, v9  }
0xe3: {  	vm6 =	vmand vm6, vm1;
	v8 =	vpsel p0, v8, v9  }
0xe4: {  	v7 =	vsel vm6, v8, v7  }
0xe5: {  	v8 =	vperm.xlane v6, v1;
	v9 =	vperm.xlane v7, v1;
	_ =	sdelay $0x1  }
0xe6: {  	vm6 =	veq.s32 v8, v6;
	v8 =	vmin.f32 v7, v9;
	v9 =	vmax.f32 v7, v9  }
0xe7: {  	vm6 =	vmand vm6, vm2;
	v8 =	vpsel p0, v8, v9  }
0xe8: {  	v7 =	vsel vm6, v8, v7  }
0xe9: {  	v8 =	vperm.xlane v6, v2;
	v9 =	vperm.xlane v7, v2;
	_ =	sdelay $0x1  }
0xea: {  	vm6 =	veq.s32 v8, v6;
	v8 =	vmin.f32 v7, v9;
	v9 =	vmax.f32 v7, v9  }
0xeb: {  	vm6 =	vmand vm6, vm3;
	v8 =	vpsel p0, v8, v9;
	v9 =	vperm.xlane v6, v5  }
0xec: {  	v7 =	vsel vm6, v8, v7;
	v8 =	vld.idx.msk [tilespmem:v6+s14+$0x0], $0xffff  }
0xed: {  	v10 =	vperm.xlane v6, v3;
	v11 =	vperm.xlane v7, v3;
	vm6 =	vne.s32 v6, v9  }
0xee: {  	vm6 =	vmor vm6, vm5  }
0xef: {  	vm7 =	veq.s32 v10, v6;
	v9 =	vmin.f32 v7, v11;
	v10 =	vmax.f32 v7, v11  }
.Ltmp6:
0xf0: {  	vm7 =	vmand vm7, vm4;
	v9 =	vpsel p0, v9, v10;
	(pc) =	sbr.rel @p1 .LBB2_6-.Ltmp6, $4  }
0xf1: {  	v7 =	vsel vm7, v9, v7  }
0xf2: {  	v9 =	vmin.f32 v8, v7;
	v7 =	vmax.f32 v8, v7  }
0xf3: {  	v7 =	vpsel p0, v9, v7  }
0xf4: {  	s24 =	sshra.s32 s23, $0x2;
	s23 =	sadd.s32 $0x40, s23;
	[tilespmem:v6+s14+$0x0] =	vst.idx.msk vm6, v7  }
0xf5: {  	v6 =	vld [tilespmem:s24+$0x18700];
	_ =	sdelay $0x6  }
0xf6: {  	v7 =	vld [tilespmem:s24+$0x18F00]  }
0xf7: {  	v6 =	vld.idx.msk [tilespmem:v6+s2+$0x0], $0xffff;
	_ =	sdelay $0x3  }
0xf8: {  	v7 =	vxor.u32 $0x80000000, v7  }
0xf9: {  	(xrf1) =	vsort.ascd.msk.u32 $0xffff, v7, v6;
	_ =	sdelay $0xd  }
0xfa: {  	v6, v7, _ =	vpop (xrf1)  }
0xfb: {  	v6 =	vxor.u32 $0x80000000, v6  }
0xfc: {  	v9 =	vperm.xlane v7, v0;
	v8 =	vperm.xlane v6, v0;
	_ =	sdelay $0x1  }
0xfd: {  	v53 =	vmin.f32 v7, v9;
	v9 =	vmax.f32 v7, v9;
	vm6 =	veq.s32 v8, v6  }
0xfe: {  	v8 =	vpsel p0, v53, v9;
	vm6 =	vmand vm6, vm1  }
0xff: {  	v7 =	vsel vm6, v8, v7  }
0x100: {  	v54 =	vperm.xlane v6, v1;
	v55 =	vperm.xlane v7, v1;
	_ =	sdelay $0x1  }
0x101: {  	vm6 =	veq.s32 v54, v6;
	v56 =	vmin.f32 v7, v55;
	v9 =	vmax.f32 v7, v55  }
0x102: {  	vm6 =	vmand vm6, vm2;
	v8 =	vpsel p0, v56, v9  }
0x103: {  	v7 =	vsel vm6, v8, v7  }
0x104: {  	v57 =	vperm.xlane v6, v2;
	v58 =	vperm.xlane v7, v2;
	_ =	sdelay $0x1  }
0x105: {  	vm6 =	veq.s32 v57, v6;
	v59 =	vmin.f32 v7, v58;
	v9 =	vmax.f32 v7, v58  }
0x106: {  	v60 =	vperm.xlane v6, v5;
	vm6 =	vmand vm6, vm3;
	v8 =	vpsel p0, v59, v9  }
0x107: {  	v7 =	vsel vm6, v8, v7  }
0x108: {  	v10 =	vperm.xlane v6, v3;
	v61 =	vld.idx.msk [tilespmem:v6+s14+$0x0], $0xffff;
	vm6 =	vne.s32 v6, v60;
	v11 =	vperm.xlane v7, v3  }
0x109: {  	vm6 =	vmor vm6, vm5  }
0x10a: {  	vm7 =	veq.s32 v10, v6;
	v62 =	vmin.f32 v7, v11;
	v63 =	vmax.f32 v7, v11  }
0x10b: {  	vm7 =	vmand vm7, vm4;
	v9 =	vpsel p0, v62, v63  }
0x10c: {  	v7 =	vsel vm7, v9, v7  }
0x10d: {  	v9 =	vmin.f32 v61, v7;
	v7 =	vmax.f32 v61, v7  }
0x10e: {  	v7 =	vpsel p0, v9, v7  }
0x10f: {  	[tilespmem:v6+s14+$0x0] =	vst.idx.msk vm6, v7  }
.LBB2_8:
0x110: {  	s22 =	sadd.s32 s22, s10  }
0x111: {  	s22 =	sshrl.u32 s22, $0x3  }
0x112: {  	s24 =	simm.s32 $0x0;
	s23 =	sadd.s32 s4, s22  }
0x113: {  	[tilespmem:s15], [sflag:$0x1] =	stream.linear.gather [hbm4b:s23+s24], $0x7D0, $0x38;
	[tilespmem:$0x1A700] =	vst v63  }
0x114: {  	s22 =	sadd.s32 s5, s22  }
0x115: {  	[tilespmem:s16], [sflag:$0x1] =	stream.linear.gather [hbm4b:s22+s24], $0x7D0, $0x38;
	[tilespmem:$0x1A700] =	vst v63  }
0x116: {  	_ =	swait.ge [sflag:s19], $0x7D0  }
0x117: {  	[sflag:s19] =	ssyncset.done $0x0  }
0x118: {  	[sflag:s19] =	ssyncadd.s32 $0xFFFFF830  }
0x119: {  	_ =	swait.ge [sflag:s19], $0x7D0  }
0x11a: {  	[sflag:s19] =	ssyncset.done $0x0  }
0x11b: {  	s31 =	simm.s32 $0x0;
	[sflag:s19] =	ssyncadd.s32 $0xFFFFF830  }
0x11c: {  	v12 =	vld [tilespmem:s31+$0x19F20]  }
0x11d: {  	v6 =	vld [tilespmem:s31+$0x19710]  }
0x11e: {  	v13 =	vld [tilespmem:s31+$0x19F10]  }
0x11f: {  	v14 =	vld [tilespmem:s31+$0x19F00]  }
0x120: {  	v7 =	vld [tilespmem:s31+$0x19700]  }
0x121: {  	v9 =	vld [tilespmem:s31+$0x19730]  }
0x122: {  	v15 =	vld [tilespmem:s31+$0x19720]  }
0x123: {  	v18 =	vld [tilespmem:s31+$0x19F30]  }
0x124: {  	v16 =	vld [tilespmem:s31+$0x19740]  }
0x125: {  	v11 =	vld [tilespmem:s31+$0x19F40]  }
0x126: {  	v8 =	vld.idx.msk [tilespmem:v6+s2+$0x0], $0xffff  }
0x127: {  	v17 =	vld.idx.msk [tilespmem:v14+s14+$0x0], $0xffff  }
0x128: {  	v19 =	vld.idx.msk [tilespmem:v12+s14+$0x0], $0xffff  }
0x129: {  	v6 =	vld.idx.msk [tilespmem:v9+s2+$0x0], $0xffff  }
0x12a: {  	v10 =	vld.idx.msk [tilespmem:v7+s2+$0x0], $0xffff  }
0x12b: {  	v9 =	vld.idx.msk [tilespmem:v15+s2+$0x0], $0xffff  }
0x12c: {  	v15 =	vld.idx.msk [tilespmem:v13+s14+$0x0], $0xffff;
	_ =	sdelay $0x1  }
0x12d: {  	v20 =	vld.idx.msk [tilespmem:v18+s14+$0x0], $0xffff  }
0x12e: {  	v7 =	vld.idx.msk [tilespmem:v16+s2+$0x0], $0xffff  }
0x12f: {  	v16 =	vld.idx.msk [tilespmem:v11+s14+$0x0], $0xffff;
	v21 =	vmin.f32 v17, v10;
	v17 =	vmax.f32 v17, v10  }
0x130: {  	v22 =	vmin.f32 v19, v9;
	v62 =	vmin.f32 v15, v8;
	v15 =	vmax.f32 v15, v8  }
0x131: {  	v19 =	vmax.f32 v19, v9;
	v17 =	vpsel p0, v21, v17;
	v15 =	vpsel p0, v62, v15  }
0x132: {  	[tilespmem:v14+s14+$0x0] =	vst.idx.msk $0xffff, v17;
	v17 =	vmin.f32 v20, v6;
	v20 =	vmax.f32 v20, v6  }
0x133: {  	v19 =	vpsel p0, v22, v19;
	v17 =	vpsel p0, v17, v20;
	[tilespmem:v13+s14+$0x0] =	vst.idx.msk $0xffff, v15  }
0x134: {  	v15 =	vmin.f32 v16, v7;
	v16 =	vmax.f32 v16, v7;
	[tilespmem:v12+s14+$0x0] =	vst.idx.msk $0xffff, v19  }
0x135: {  	v15 =	vpsel p0, v15, v16;
	[tilespmem:v18+s14+$0x0] =	vst.idx.msk $0xffff, v17  }
0x136: {  	[tilespmem:v11+s14+$0x0] =	vst.idx.msk $0xffff, v15  }
0x137: {  	v15 =	vld.idx.msk [tilespmem:v14+s14+$0x0], $0xffff  }
0x138: {  	v16 =	vld.idx.msk [tilespmem:v13+s14+$0x0], $0xffff  }
0x139: {  	v17 =	vld.idx.msk [tilespmem:v12+s14+$0x0], $0xffff  }
0x13a: {  	v19 =	vld.idx.msk [tilespmem:v18+s14+$0x0], $0xffff  }
0x13b: {  	v63 =	vld.idx.msk [tilespmem:v11+s14+$0x0], $0xffff  }
0x13c: {  	vm6 =	vgt.f32 v15, v10;
	vm7 =	vlt.f32 v15, v10  }
0x13d: {  	vm8 =	vlt.f32 v16, v8;
	vm7 =	vmmov @p0 vm6;
	vm6 =	vgt.f32 v16, v8  }
0x13e: {  	vm9 =	vlt.f32 v17, v9;
	vm8 =	vmmov @p0 vm6;
	vm6 =	vgt.f32 v17, v9  }
0x13f: {  	vm10 =	vlt.f32 v19, v6;
	vm9 =	vmmov @p0 vm6;
	vm6 =	vgt.f32 v19, v6  }
0x140: {  	vm11 =	vlt.f32 v63, v7;
	vm10 =	vmmov @p0 vm6;
	vm6 =	vgt.f32 v63, v7  }
0x141: {  	vm11 =	vmmov @p0 vm6;
	_ =	sdelay $0x1  }
0x142: {  	[tilespmem:v14+s14+$0x0] =	vst.idx.msk vm7, v10  }
0x143: {  	[tilespmem:v13+s14+$0x0] =	vst.idx.msk vm8, v8  }
0x144: {  	[tilespmem:v12+s14+$0x0] =	vst.idx.msk vm9, v9  }
0x145: {  	[tilespmem:v18+s14+$0x0] =	vst.idx.msk vm10, v6  }
0x146: {  	[tilespmem:v11+s14+$0x0] =	vst.idx.msk vm11, v7  }
0x147: {  	v15 =	vld.idx.msk [tilespmem:v12+s14+$0x0], $0xffff  }
0x148: {  	v17 =	vld.idx.msk [tilespmem:v14+s14+$0x0], $0xffff  }
0x149: {  	v16 =	vld.idx.msk [tilespmem:v13+s14+$0x0], $0xffff  }
0x14a: {  	s23 =	simm.s32 $0x280;
	s22 =	simm.s32 $0x140;
	vm6 =	vmmov vm0;
	v14 =	vld.idx.msk [tilespmem:v18+s14+$0x0], $0xffff  }
.LBB2_9:
0x14b: {  	p1 =	sne.s32 s23, $0x1E00  }
0x14c: {  	s24 =	sshra.s32 s22, $0x2;
	v11 =	vld.idx.msk [tilespmem:v11+s14+$0x0], $0xffff;
	s22 =	smov.u32 s23;
	s23 =	sadd.s32 $0x140, s23  }
0x14d: {  	v12 =	vld [tilespmem:s24+$0x19F20]  }
0x14e: {  	vm7 =	vgt.f32 v15, v9;
	vm8 =	vlt.f32 v15, v9;
	v18 =	vld [tilespmem:s24+$0x19710]  }
0x14f: {  	vm9 =	vgt.f32 v17, v10;
	v13 =	vld [tilespmem:s24+$0x19F10]  }
0x150: {  	vm10 =	vlt.f32 v17, v10;
	vm11 =	vgt.f32 v16, v8;
	vm12 =	vlt.f32 v16, v8;
	v19 =	vld [tilespmem:s24+$0x19F00]  }
0x151: {  	vm9 =	vmor vm9, vm11;
	vm10 =	vmor vm10, vm12;
	vm11 =	vgt.f32 v14, v6;
	v10 =	vld [tilespmem:s24+$0x19700]  }
0x152: {  	vm7 =	vmor vm9, vm7;
	vm8 =	vmor vm10, vm8;
	vm9 =	vgt.f32 v11, v7;
	v9 =	vld [tilespmem:s24+$0x19730]  }
0x153: {  	vm10 =	vlt.f32 v14, v6;
	vm7 =	vmor vm7, vm11;
	vm11 =	vlt.f32 v11, v7;
	v15 =	vld [tilespmem:s24+$0x19720]  }
0x154: {  	vm8 =	vmor vm8, vm10;
	vm7 =	vmor vm7, vm9;
	v14 =	vld [tilespmem:s24+$0x19F30]  }
0x155: {  	vm8 =	vmor vm8, vm11;
	v7 =	vld [tilespmem:s24+$0x19740]  }
0x156: {  	vm8 =	vmmov @p0 vm7;
	v11 =	vld [tilespmem:s24+$0x19F40]  }
0x157: {  	vm6 =	vmor vm6, vm8;
	v8 =	vld.idx.msk [tilespmem:v18+s2+$0x0], $0xffff  }
0x158: {  	v16 =	vld.idx.msk [tilespmem:v19+s14+$0x0], $0xffff  }
0x159: {  	v17 =	vld.idx.msk [tilespmem:v12+s14+$0x0], $0xffff  }
0x15a: {  	v6 =	vld.idx.msk [tilespmem:v9+s2+$0x0], $0xffff  }
0x15b: {  	v9 =	vld.idx.msk [tilespmem:v15+s2+$0x0], $0xffff  }
0x15c: {  	v15 =	vld.idx.msk [tilespmem:v14+s14+$0x0], $0xffff  }
0x15d: {  	v10 =	vld.idx.msk [tilespmem:v10+s2+$0x0], $0xffff  }
0x15e: {  	v18 =	vld.idx.msk [tilespmem:v13+s14+$0x0], $0xffff;
	_ =	sdelay $0x1  }
0x15f: {  	v7 =	vld.idx.msk [tilespmem:v7+s2+$0x0], $0xffff  }
0x160: {  	v21 =	vmin.f32 v17, v9;
	v17 =	vmax.f32 v17, v9;
	v20 =	vld.idx.msk [tilespmem:v11+s14+$0x0], $0xffff  }
0x161: {  	v17 =	vpsel p0, v21, v17;
	v21 =	vmin.f32 v15, v6;
	v15 =	vmax.f32 v15, v6  }
0x162: {  	v22 =	vmin.f32 v16, v10;
	v16 =	vmax.f32 v16, v10;
	v15 =	vpsel p0, v21, v15  }
0x163: {  	v16 =	vpsel p0, v22, v16;
	v21 =	vmin.f32 v18, v8;
	v18 =	vmax.f32 v18, v8  }
0x164: {  	[tilespmem:v19+s14+$0x0] =	vst.idx.msk $0xffff, v16;
	v16 =	vpsel p0, v21, v18  }
0x165: {  	[tilespmem:v13+s14+$0x0] =	vst.idx.msk $0xffff, v16  }
0x166: {  	v16 =	vmin.f32 v20, v7;
	[tilespmem:v12+s14+$0x0] =	vst.idx.msk $0xffff, v17;
	v17 =	vmax.f32 v20, v7  }
0x167: {  	[tilespmem:v14+s14+$0x0] =	vst.idx.msk $0xffff, v15;
	v15 =	vpsel p0, v16, v17  }
0x168: {  	[tilespmem:v11+s14+$0x0] =	vst.idx.msk $0xffff, v15  }
0x169: {  	v15 =	vld.idx.msk [tilespmem:v19+s14+$0x0], $0xffff  }
0x16a: {  	v16 =	vld.idx.msk [tilespmem:v13+s14+$0x0], $0xffff  }
0x16b: {  	v17 =	vld.idx.msk [tilespmem:v12+s14+$0x0], $0xffff  }
0x16c: {  	v18 =	vld.idx.msk [tilespmem:v14+s14+$0x0], $0xffff  }
0x16d: {  	v20 =	vld.idx.msk [tilespmem:v11+s14+$0x0], $0xffff;
	_ =	sdelay $0x1  }
0x16e: {  	vm7 =	vgt.f32 v15, v10;
	vm8 =	vlt.f32 v15, v10  }
0x16f: {  	vm8 =	vmmov @p0 vm7;
	vm7 =	vgt.f32 v16, v8;
	vm9 =	vlt.f32 v16, v8  }
0x170: {  	vm9 =	vmmov @p0 vm7;
	vm7 =	vgt.f32 v17, v9;
	vm10 =	vlt.f32 v17, v9  }
0x171: {  	vm10 =	vmmov @p0 vm7;
	vm7 =	vgt.f32 v18, v6;
	vm11 =	vlt.f32 v18, v6  }
0x172: {  	vm11 =	vmmov @p0 vm7;
	vm7 =	vgt.f32 v20, v7;
	vm12 =	vlt.f32 v20, v7  }
0x173: {  	vm12 =	vmmov @p0 vm7;
	_ =	sdelay $0x1  }
0x174: {  	[tilespmem:v19+s14+$0x0] =	vst.idx.msk vm8, v10  }
0x175: {  	[tilespmem:v13+s14+$0x0] =	vst.idx.msk vm9, v8  }
0x176: {  	[tilespmem:v12+s14+$0x0] =	vst.idx.msk vm10, v9  }
0x177: {  	[tilespmem:v14+s14+$0x0] =	vst.idx.msk vm11, v6  }
.Ltmp7:
0x178: {  	[tilespmem:v11+s14+$0x0] =	vst.idx.msk vm12, v7;
	(pc) =	sbr.rel @p1 .LBB2_9-.Ltmp7, $4  }
0x179: {  	v15 =	vld.idx.msk [tilespmem:v12+s14+$0x0], $0xffff  }
0x17a: {  	v17 =	vld.idx.msk [tilespmem:v19+s14+$0x0], $0xffff  }
0x17b: {  	v16 =	vld.idx.msk [tilespmem:v13+s14+$0x0], $0xffff  }
0x17c: {  	v14 =	vld.idx.msk [tilespmem:v14+s14+$0x0], $0xffff  }
0x17d: {  	s22 =	sshra.s32 s22, $0x2  }
0x17e: {  	v12 =	vld [tilespmem:s22+$0x19F20]  }
0x17f: {  	v13 =	vld [tilespmem:s22+$0x19710]  }
0x180: {  	v18 =	vld [tilespmem:s22+$0x19F10]  }
0x181: {  	v19 =	vld [tilespmem:s22+$0x19F00]  }
0x182: {  	v20 =	vld [tilespmem:s22+$0x19700]  }
0x183: {  	v21 =	vld [tilespmem:s22+$0x19730]  }
0x184: {  	v22 =	vld [tilespmem:s22+$0x19720]  }
0x185: {  	v23 =	vld [tilespmem:s22+$0x19F30]  }
0x186: {  	v24 =	vld [tilespmem:s22+$0x19740]  }
0x187: {  	v25 =	vld [tilespmem:s22+$0x19F40]  }
0x188: {  	v13 =	vld.idx.msk [tilespmem:v13+s2+$0x0], $0xffff  }
0x189: {  	v26 =	vld.idx.msk [tilespmem:v19+s14+$0x0], $0xffff  }
0x18a: {  	v27 =	vld.idx.msk [tilespmem:v12+s14+$0x0], $0xffff  }
0x18b: {  	v21 =	vld.idx.msk [tilespmem:v21+s2+$0x0], $0xffff  }
0x18c: {  	v20 =	vld.idx.msk [tilespmem:v20+s2+$0x0], $0xffff  }
0x18d: {  	v22 =	vld.idx.msk [tilespmem:v22+s2+$0x0], $0xffff  }
0x18e: {  	v28 =	vld.idx.msk [tilespmem:v18+s14+$0x0], $0xffff  }
0x18f: {  	v29 =	vld.idx.msk [tilespmem:v23+s14+$0x0], $0xffff  }
0x190: {  	v24 =	vld.idx.msk [tilespmem:v24+s2+$0x0], $0xffff  }
0x191: {  	v30 =	vld.idx.msk [tilespmem:v25+s14+$0x0], $0xffff  }
0x192: {  	v31 =	vmin.f32 v26, v20;
	v26 =	vmax.f32 v26, v20  }
0x193: {  	v53 =	vmin.f32 v27, v22;
	v27 =	vmax.f32 v27, v22;
	v54 =	vmin.f32 v28, v13  }
0x194: {  	v28 =	vmax.f32 v28, v13;
	v55 =	vmin.f32 v29, v21;
	v26 =	vpsel p0, v31, v26  }
0x195: {  	v11 =	vld.idx.msk [tilespmem:v11+s14+$0x0], $0xffff;
	v29 =	vmax.f32 v29, v21;
	[tilespmem:v19+s14+$0x0] =	vst.idx.msk $0xffff, v26;
	v26 =	vpsel p0, v54, v28  }
0x196: {  	v56 =	vmin.f32 v30, v24;
	v27 =	vpsel p0, v53, v27;
	[tilespmem:v18+s14+$0x0] =	vst.idx.msk $0xffff, v26  }
0x197: {  	v57 =	vmax.f32 v30, v24;
	v28 =	vpsel p0, v55, v29;
	[tilespmem:v12+s14+$0x0] =	vst.idx.msk $0xffff, v27  }
0x198: {  	v26 =	vpsel p0, v56, v57;
	[tilespmem:v23+s14+$0x0] =	vst.idx.msk $0xffff, v28  }
0x199: {  	[tilespmem:v25+s14+$0x0] =	vst.idx.msk $0xffff, v26  }
0x19a: {  	v26 =	vld.idx.msk [tilespmem:v19+s14+$0x0], $0xffff  }
0x19b: {  	v58 =	vld.idx.msk [tilespmem:v18+s14+$0x0], $0xffff  }
0x19c: {  	v28 =	vld.idx.msk [tilespmem:v12+s14+$0x0], $0xffff  }
0x19d: {  	v59 =	vld.idx.msk [tilespmem:v23+s14+$0x0], $0xffff  }
0x19e: {  	v60 =	vld.idx.msk [tilespmem:v25+s14+$0x0], $0xffff  }
0x19f: {  	vm7 =	vgt.f32 v26, v20;
	vm8 =	vlt.f32 v26, v20  }
0x1a0: {  	vm9 =	vgt.f32 v58, v13;
	vm10 =	vlt.f32 v58, v13;
	vm8 =	vmmov @p0 vm7  }
0x1a1: {  	vm11 =	vlt.f32 v28, v22;
	vm7 =	vgt.f32 v28, v22;
	vm10 =	vmmov @p0 vm9  }
0x1a2: {  	vm12 =	vlt.f32 v59, v21;
	vm9 =	vgt.f32 v59, v21;
	vm11 =	vmmov @p0 vm7  }
0x1a3: {  	vm12 =	vmmov @p0 vm9;
	vm7 =	vgt.f32 v60, v24;
	vm9 =	vlt.f32 v60, v24  }
0x1a4: {  	vm9 =	vmmov @p0 vm7;
	_ =	sdelay $0x1  }
0x1a5: {  	[tilespmem:v19+s14+$0x0] =	vst.idx.msk vm8, v20  }
0x1a6: {  	[tilespmem:v18+s14+$0x0] =	vst.idx.msk vm10, v13  }
0x1a7: {  	[tilespmem:v12+s14+$0x0] =	vst.idx.msk vm11, v22  }
0x1a8: {  	[tilespmem:v23+s14+$0x0] =	vst.idx.msk vm12, v21  }
0x1a9: {  	vm13 =	vlt.f32 v14, v6;
	[tilespmem:v25+s14+$0x0] =	vst.idx.msk vm9, v24  }
0x1aa: {  	vm14 =	vgt.f32 v11, v7;
	vm7 =	vgt.f32 v17, v10;
	vm8 =	vlt.f32 v17, v10;
	v61 =	vld.idx.msk [tilespmem:v19+s14+$0x0], $0xffff  }
0x1ab: {  	vm10 =	vlt.f32 v16, v8;
	vm11 =	vgt.f32 v15, v9;
	vm9 =	vgt.f32 v16, v8;
	v62 =	vld.idx.msk [tilespmem:v18+s14+$0x0], $0xffff  }
0x1ac: {  	vm8 =	vmor vm8, vm10;
	vm12 =	vlt.f32 v15, v9;
	vm7 =	vmor vm7, vm9;
	v63 =	vld.idx.msk [tilespmem:v12+s14+$0x0], $0xffff  }
0x1ad: {  	vm8 =	vmor vm8, vm12;
	vm12 =	vgt.f32 v14, v6;
	v6 =	vld.idx.msk [tilespmem:v23+s14+$0x0], $0xffff;
	vm7 =	vmor vm7, vm11  }
0x1ae: {  	vm15 =	vlt.f32 v11, v7;
	vm8 =	vmor vm8, vm13;
	vm7 =	vmor vm7, vm12  }
0x1af: {  	v7 =	vld.idx.msk [tilespmem:v25+s14+$0x0], $0xffff;
	vm8 =	vmor vm8, vm15;
	vm7 =	vmor vm7, vm14;
	vm9 =	vgt.f32 v61, v20  }
0x1b0: {  	vm10 =	vlt.f32 v61, v20;
	vm11 =	vgt.f32 v62, v13;
	vm12 =	vlt.f32 v62, v13  }
0x1b1: {  	vm9 =	vmor vm9, vm11;
	vm11 =	vgt.f32 v63, v22;
	vm10 =	vmor vm10, vm12  }
0x1b2: {  	vm12 =	vlt.f32 v63, v22;
	vm9 =	vmor vm9, vm11;
	vm11 =	vgt.f32 v6, v21  }
0x1b3: {  	vm10 =	vmor vm10, vm12;
	vm12 =	vlt.f32 v6, v21;
	vm9 =	vmor vm9, vm11  }
0x1b4: {  	vm11 =	vgt.f32 v7, v24;
	vm10 =	vmor vm10, vm12;
	vm12 =	vlt.f32 v7, v24  }
0x1b5: {  	vm8 =	vmmov @p0 vm7;
	vm7 =	vmor vm9, vm11;
	vm9 =	vmor vm10, vm12  }
0x1b6: {  	vm6 =	vmor vm6, vm8;
	vm9 =	vmmov @p0 vm7  }
0x1b7: {  	vm6 =	vmor vm6, vm9  }
0x1b8: {  	v6 =	vsel vm6, $0x3F800000, v4  }
0x1b9: {  	(xrf0) =	vmax.scan.msk.f32 $0xffff, v6;
	_ =	sdelay $0x5  }
0x1ba: {  	v6, _, _ =	vpop (xrf0)  }
0x1bb: {  	(v2sf) =	vpush v6, $0xF;
	_ =	sdelay $0xe  }
0x1bc: {  	s31 =	spop (v2sf)  }
0x1bd: {  	p1 =	sgt.f32 s31, $0.0e+00  }
.Ltmp8:
0x1be: {  	_ = 	snop;
	(pc) =	sbr.rel @!p1 .LBB2_14-.Ltmp8, $2  }
0x1bf: {  	_ =	sdelay $0x2  }
0x1c0: {  	s22 =	simm.s32 $0x0  }
0x1c1: {  	s23 =	sshra.s32 s22, $0x2;
	s22 =	sadd.s32 $0x40, s22  }
.LBB2_12:
0x1c2: {  	p1 =	sne.s32 s22, $0x1F00;
	v6 =	vld [tilespmem:s23+$0x19700];
	_ =	sdelay $0x6  }
0x1c3: {  	v7 =	vld [tilespmem:s23+$0x19F00]  }
0x1c4: {  	v6 =	vld.idx.msk [tilespmem:v6+s2+$0x0], $0xffff;
	_ =	sdelay $0x4  }
0x1c5: {  	v7 =	vxor.u32 $0x80000000, v7  }
0x1c6: {  	(xrf1) =	vsort.ascd.msk.u32 $0xffff, v7, v6;
	_ =	sdelay $0xd  }
0x1c7: {  	v6, v7, _ =	vpop (xrf1)  }
0x1c8: {  	v6 =	vxor.u32 $0x80000000, v6  }
0x1c9: {  	v9 =	vperm.xlane v7, v0;
	v8 =	vperm.xlane v6, v0;
	_ =	sdelay $0x1  }
0x1ca: {  	vm6 =	veq.s32 v8, v6;
	v8 =	vmin.f32 v7, v9;
	v9 =	vmax.f32 v7, v9  }
0x1cb: {  	vm6 =	vmand vm6, vm1;
	v8 =	vpsel p0, v8, v9  }
0x1cc: {  	v7 =	vsel vm6, v8, v7  }
0x1cd: {  	v8 =	vperm.xlane v6, v1;
	v9 =	vperm.xlane v7, v1;
	_ =	sdelay $0x1  }
0x1ce: {  	vm6 =	veq.s32 v8, v6;
	v8 =	vmin.f32 v7, v9;
	v9 =	vmax.f32 v7, v9  }
0x1cf: {  	vm6 =	vmand vm6, vm2;
	v8 =	vpsel p0, v8, v9  }
0x1d0: {  	v7 =	vsel vm6, v8, v7  }
0x1d1: {  	v8 =	vperm.xlane v6, v2;
	v9 =	vperm.xlane v7, v2;
	_ =	sdelay $0x1  }
0x1d2: {  	vm6 =	veq.s32 v8, v6;
	v8 =	vmin.f32 v7, v9;
	v9 =	vmax.f32 v7, v9  }
0x1d3: {  	vm6 =	vmand vm6, vm3;
	v8 =	vpsel p0, v8, v9;
	v9 =	vperm.xlane v6, v5  }
0x1d4: {  	v7 =	vsel vm6, v8, v7;
	v8 =	vld.idx.msk [tilespmem:v6+s14+$0x0], $0xffff  }
0x1d5: {  	v10 =	vperm.xlane v6, v3;
	v11 =	vperm.xlane v7, v3;
	vm6 =	vne.s32 v6, v9  }
0x1d6: {  	vm6 =	vmor vm6, vm5  }
0x1d7: {  	vm7 =	veq.s32 v10, v6;
	v9 =	vmin.f32 v7, v11;
	v10 =	vmax.f32 v7, v11  }
.Ltmp9:
0x1d8: {  	vm7 =	vmand vm7, vm4;
	v9 =	vpsel p0, v9, v10;
	(pc) =	sbr.rel @p1 .LBB2_12-.Ltmp9, $4  }
0x1d9: {  	v7 =	vsel vm7, v9, v7  }
0x1da: {  	v9 =	vmin.f32 v8, v7;
	v7 =	vmax.f32 v8, v7  }
0x1db: {  	v7 =	vpsel p0, v9, v7  }
0x1dc: {  	s23 =	sshra.s32 s22, $0x2;
	s22 =	sadd.s32 $0x40, s22;
	[tilespmem:v6+s14+$0x0] =	vst.idx.msk vm6, v7  }
0x1dd: {  	v6 =	vld [tilespmem:s23+$0x19700];
	_ =	sdelay $0x6  }
0x1de: {  	v7 =	vld [tilespmem:s23+$0x19F00]  }
0x1df: {  	v6 =	vld.idx.msk [tilespmem:v6+s2+$0x0], $0xffff;
	_ =	sdelay $0x3  }
0x1e0: {  	v7 =	vxor.u32 $0x80000000, v7  }
0x1e1: {  	(xrf1) =	vsort.ascd.msk.u32 $0xffff, v7, v6;
	_ =	sdelay $0xd  }
0x1e2: {  	v6, v7, _ =	vpop (xrf1)  }
0x1e3: {  	v6 =	vxor.u32 $0x80000000, v6  }
0x1e4: {  	v9 =	vperm.xlane v7, v0;
	v8 =	vperm.xlane v6, v0;
	_ =	sdelay $0x1  }
0x1e5: {  	v53 =	vmin.f32 v7, v9;
	v9 =	vmax.f32 v7, v9;
	vm6 =	veq.s32 v8, v6  }
0x1e6: {  	v8 =	vpsel p0, v53, v9;
	vm6 =	vmand vm6, vm1  }
0x1e7: {  	v7 =	vsel vm6, v8, v7  }
0x1e8: {  	v54 =	vperm.xlane v6, v1;
	v55 =	vperm.xlane v7, v1;
	_ =	sdelay $0x1  }
0x1e9: {  	vm6 =	veq.s32 v54, v6;
	v56 =	vmin.f32 v7, v55;
	v9 =	vmax.f32 v7, v55  }
0x1ea: {  	vm6 =	vmand vm6, vm2;
	v8 =	vpsel p0, v56, v9  }
0x1eb: {  	v7 =	vsel vm6, v8, v7  }
0x1ec: {  	v57 =	vperm.xlane v6, v2;
	v58 =	vperm.xlane v7, v2;
	_ =	sdelay $0x1  }
0x1ed: {  	vm6 =	veq.s32 v57, v6;
	v59 =	vmin.f32 v7, v58;
	v9 =	vmax.f32 v7, v58  }
0x1ee: {  	v60 =	vperm.xlane v6, v5;
	vm6 =	vmand vm6, vm3;
	v8 =	vpsel p0, v59, v9  }
0x1ef: {  	v7 =	vsel vm6, v8, v7  }
0x1f0: {  	v10 =	vperm.xlane v6, v3;
	v61 =	vld.idx.msk [tilespmem:v6+s14+$0x0], $0xffff;
	vm6 =	vne.s32 v6, v60;
	v11 =	vperm.xlane v7, v3  }
0x1f1: {  	vm6 =	vmor vm6, vm5  }
0x1f2: {  	vm7 =	veq.s32 v10, v6;
	v62 =	vmin.f32 v7, v11;
	v63 =	vmax.f32 v7, v11  }
.Ltmp10:
0x1f3: {  	vm7 =	vmand vm7, vm4;
	v9 =	vpsel p0, v62, v63;
	(pc) =	sbr.rel .LBB2_14-.Ltmp10, $4  }
0x1f4: {  	v7 =	vsel vm7, v9, v7  }
0x1f5: {  	v9 =	vmin.f32 v61, v7;
	v7 =	vmax.f32 v61, v7  }
0x1f6: {  	v7 =	vpsel p0, v9, v7  }
0x1f7: {  	[tilespmem:v6+s14+$0x0] =	vst.idx.msk vm6, v7  }
.LBB2_15:
0x1f8: {  	_ =	swait.ge [sflag:s6], $0x7D0  }
0x1f9: {  	[sflag:s6] =	ssyncset.done $0x0  }
0x1fa: {  	[sflag:s6] =	ssyncadd.s32 $0xFFFFF830  }
0x1fb: {  	_ =	swait.ge [sflag:s6], $0x7D0  }
0x1fc: {  	[sflag:s6] =	ssyncset.done $0x0  }
0x1fd: {  	s21 =	simm.s32 $0x0;
	[sflag:s6] =	ssyncadd.s32 $0xFFFFF830  }
0x1fe: {  	v12 =	vld [tilespmem:s21+$0x18F20]  }
0x1ff: {  	v6 =	vld [tilespmem:s21+$0x18710]  }
0x200: {  	v13 =	vld [tilespmem:s21+$0x18F10]  }
0x201: {  	v14 =	vld [tilespmem:s21+$0x18F00]  }
0x202: {  	v7 =	vld [tilespmem:s21+$0x18700]  }
0x203: {  	v9 =	vld [tilespmem:s21+$0x18730]  }
0x204: {  	v15 =	vld [tilespmem:s21+$0x18720]  }
0x205: {  	v18 =	vld [tilespmem:s21+$0x18F30]  }
0x206: {  	v16 =	vld [tilespmem:s21+$0x18740]  }
0x207: {  	v11 =	vld [tilespmem:s21+$0x18F40]  }
0x208: {  	v8 =	vld.idx.msk [tilespmem:v6+s2+$0x0], $0xffff  }
0x209: {  	v17 =	vld.idx.msk [tilespmem:v14+s14+$0x0], $0xffff  }
0x20a: {  	v19 =	vld.idx.msk [tilespmem:v12+s14+$0x0], $0xffff  }
0x20b: {  	v6 =	vld.idx.msk [tilespmem:v9+s2+$0x0], $0xffff  }
0x20c: {  	v10 =	vld.idx.msk [tilespmem:v7+s2+$0x0], $0xffff  }
0x20d: {  	v9 =	vld.idx.msk [tilespmem:v15+s2+$0x0], $0xffff  }
0x20e: {  	v15 =	vld.idx.msk [tilespmem:v13+s14+$0x0], $0xffff;
	_ =	sdelay $0x1  }
0x20f: {  	v20 =	vld.idx.msk [tilespmem:v18+s14+$0x0], $0xffff  }
0x210: {  	v7 =	vld.idx.msk [tilespmem:v16+s2+$0x0], $0xffff  }
0x211: {  	v16 =	vld.idx.msk [tilespmem:v11+s14+$0x0], $0xffff;
	v21 =	vmin.f32 v17, v10;
	v17 =	vmax.f32 v17, v10  }
0x212: {  	v22 =	vmin.f32 v19, v9;
	v62 =	vmin.f32 v15, v8;
	v15 =	vmax.f32 v15, v8  }
0x213: {  	v19 =	vmax.f32 v19, v9;
	v17 =	vpsel p0, v21, v17;
	v15 =	vpsel p0, v62, v15  }
0x214: {  	[tilespmem:v14+s14+$0x0] =	vst.idx.msk $0xffff, v17;
	v17 =	vmin.f32 v20, v6;
	v20 =	vmax.f32 v20, v6  }
0x215: {  	v19 =	vpsel p0, v22, v19;
	v17 =	vpsel p0, v17, v20;
	[tilespmem:v13+s14+$0x0] =	vst.idx.msk $0xffff, v15  }
0x216: {  	v15 =	vmin.f32 v16, v7;
	v16 =	vmax.f32 v16, v7;
	[tilespmem:v12+s14+$0x0] =	vst.idx.msk $0xffff, v19  }
0x217: {  	v15 =	vpsel p0, v15, v16;
	[tilespmem:v18+s14+$0x0] =	vst.idx.msk $0xffff, v17  }
0x218: {  	[tilespmem:v11+s14+$0x0] =	vst.idx.msk $0xffff, v15  }
0x219: {  	v15 =	vld.idx.msk [tilespmem:v14+s14+$0x0], $0xffff  }
0x21a: {  	v16 =	vld.idx.msk [tilespmem:v13+s14+$0x0], $0xffff  }
0x21b: {  	v17 =	vld.idx.msk [tilespmem:v12+s14+$0x0], $0xffff  }
0x21c: {  	v19 =	vld.idx.msk [tilespmem:v18+s14+$0x0], $0xffff  }
0x21d: {  	v63 =	vld.idx.msk [tilespmem:v11+s14+$0x0], $0xffff  }
0x21e: {  	vm6 =	vgt.f32 v15, v10;
	vm7 =	vlt.f32 v15, v10  }
0x21f: {  	vm8 =	vlt.f32 v16, v8;
	vm7 =	vmmov @p0 vm6;
	vm6 =	vgt.f32 v16, v8  }
0x220: {  	vm9 =	vlt.f32 v17, v9;
	vm8 =	vmmov @p0 vm6;
	vm6 =	vgt.f32 v17, v9  }
0x221: {  	vm10 =	vlt.f32 v19, v6;
	vm9 =	vmmov @p0 vm6;
	vm6 =	vgt.f32 v19, v6  }
0x222: {  	vm11 =	vlt.f32 v63, v7;
	vm10 =	vmmov @p0 vm6;
	vm6 =	vgt.f32 v63, v7  }
0x223: {  	vm11 =	vmmov @p0 vm6;
	_ =	sdelay $0x1  }
0x224: {  	[tilespmem:v14+s14+$0x0] =	vst.idx.msk vm7, v10  }
0x225: {  	[tilespmem:v13+s14+$0x0] =	vst.idx.msk vm8, v8  }
0x226: {  	[tilespmem:v12+s14+$0x0] =	vst.idx.msk vm9, v9  }
0x227: {  	[tilespmem:v18+s14+$0x0] =	vst.idx.msk vm10, v6  }
0x228: {  	[tilespmem:v11+s14+$0x0] =	vst.idx.msk vm11, v7  }
0x229: {  	v15 =	vld.idx.msk [tilespmem:v12+s14+$0x0], $0xffff  }
0x22a: {  	v17 =	vld.idx.msk [tilespmem:v14+s14+$0x0], $0xffff  }
0x22b: {  	v16 =	vld.idx.msk [tilespmem:v13+s14+$0x0], $0xffff  }
0x22c: {  	s22 =	simm.s32 $0x280;
	s21 =	simm.s32 $0x140;
	vm6 =	vmmov vm0;
	v14 =	vld.idx.msk [tilespmem:v18+s14+$0x0], $0xffff  }
.LBB2_16:
0x22d: {  	p1 =	sne.s32 s22, $0x1E00  }
0x22e: {  	s23 =	sshra.s32 s21, $0x2;
	v11 =	vld.idx.msk [tilespmem:v11+s14+$0x0], $0xffff;
	s21 =	smov.u32 s22;
	s22 =	sadd.s32 $0x140, s22  }
0x22f: {  	v12 =	vld [tilespmem:s23+$0x18F20]  }
0x230: {  	vm7 =	vgt.f32 v15, v9;
	vm8 =	vlt.f32 v15, v9;
	v18 =	vld [tilespmem:s23+$0x18710]  }
0x231: {  	vm9 =	vgt.f32 v17, v10;
	v13 =	vld [tilespmem:s23+$0x18F10]  }
0x232: {  	vm10 =	vlt.f32 v17, v10;
	vm11 =	vgt.f32 v16, v8;
	vm12 =	vlt.f32 v16, v8;
	v19 =	vld [tilespmem:s23+$0x18F00]  }
0x233: {  	vm9 =	vmor vm9, vm11;
	vm10 =	vmor vm10, vm12;
	vm11 =	vgt.f32 v14, v6;
	v10 =	vld [tilespmem:s23+$0x18700]  }
0x234: {  	vm7 =	vmor vm9, vm7;
	vm8 =	vmor vm10, vm8;
	vm9 =	vgt.f32 v11, v7;
	v9 =	vld [tilespmem:s23+$0x18730]  }
0x235: {  	vm10 =	vlt.f32 v14, v6;
	vm7 =	vmor vm7, vm11;
	vm11 =	vlt.f32 v11, v7;
	v15 =	vld [tilespmem:s23+$0x18720]  }
0x236: {  	vm8 =	vmor vm8, vm10;
	vm7 =	vmor vm7, vm9;
	v14 =	vld [tilespmem:s23+$0x18F30]  }
0x237: {  	vm8 =	vmor vm8, vm11;
	v7 =	vld [tilespmem:s23+$0x18740]  }
0x238: {  	vm8 =	vmmov @p0 vm7;
	v11 =	vld [tilespmem:s23+$0x18F40]  }
0x239: {  	vm6 =	vmor vm6, vm8;
	v8 =	vld.idx.msk [tilespmem:v18+s2+$0x0], $0xffff  }
0x23a: {  	v16 =	vld.idx.msk [tilespmem:v19+s14+$0x0], $0xffff  }
0x23b: {  	v17 =	vld.idx.msk [tilespmem:v12+s14+$0x0], $0xffff  }
0x23c: {  	v6 =	vld.idx.msk [tilespmem:v9+s2+$0x0], $0xffff  }
0x23d: {  	v9 =	vld.idx.msk [tilespmem:v15+s2+$0x0], $0xffff  }
0x23e: {  	v15 =	vld.idx.msk [tilespmem:v14+s14+$0x0], $0xffff  }
0x23f: {  	v10 =	vld.idx.msk [tilespmem:v10+s2+$0x0], $0xffff  }
0x240: {  	v18 =	vld.idx.msk [tilespmem:v13+s14+$0x0], $0xffff;
	_ =	sdelay $0x1  }
0x241: {  	v7 =	vld.idx.msk [tilespmem:v7+s2+$0x0], $0xffff  }
0x242: {  	v21 =	vmin.f32 v17, v9;
	v17 =	vmax.f32 v17, v9;
	v20 =	vld.idx.msk [tilespmem:v11+s14+$0x0], $0xffff  }
0x243: {  	v17 =	vpsel p0, v21, v17;
	v21 =	vmin.f32 v15, v6;
	v15 =	vmax.f32 v15, v6  }
0x244: {  	v22 =	vmin.f32 v16, v10;
	v16 =	vmax.f32 v16, v10;
	v15 =	vpsel p0, v21, v15  }
0x245: {  	v16 =	vpsel p0, v22, v16;
	v21 =	vmin.f32 v18, v8;
	v18 =	vmax.f32 v18, v8  }
0x246: {  	[tilespmem:v19+s14+$0x0] =	vst.idx.msk $0xffff, v16;
	v16 =	vpsel p0, v21, v18  }
0x247: {  	[tilespmem:v13+s14+$0x0] =	vst.idx.msk $0xffff, v16  }
0x248: {  	v16 =	vmin.f32 v20, v7;
	[tilespmem:v12+s14+$0x0] =	vst.idx.msk $0xffff, v17;
	v17 =	vmax.f32 v20, v7  }
0x249: {  	[tilespmem:v14+s14+$0x0] =	vst.idx.msk $0xffff, v15;
	v15 =	vpsel p0, v16, v17  }
0x24a: {  	[tilespmem:v11+s14+$0x0] =	vst.idx.msk $0xffff, v15  }
0x24b: {  	v15 =	vld.idx.msk [tilespmem:v19+s14+$0x0], $0xffff  }
0x24c: {  	v16 =	vld.idx.msk [tilespmem:v13+s14+$0x0], $0xffff  }
0x24d: {  	v17 =	vld.idx.msk [tilespmem:v12+s14+$0x0], $0xffff  }
0x24e: {  	v18 =	vld.idx.msk [tilespmem:v14+s14+$0x0], $0xffff  }
0x24f: {  	v20 =	vld.idx.msk [tilespmem:v11+s14+$0x0], $0xffff;
	_ =	sdelay $0x1  }
0x250: {  	vm7 =	vgt.f32 v15, v10;
	vm8 =	vlt.f32 v15, v10  }
0x251: {  	vm8 =	vmmov @p0 vm7;
	vm7 =	vgt.f32 v16, v8;
	vm9 =	vlt.f32 v16, v8  }
0x252: {  	vm9 =	vmmov @p0 vm7;
	vm7 =	vgt.f32 v17, v9;
	vm10 =	vlt.f32 v17, v9  }
0x253: {  	vm10 =	vmmov @p0 vm7;
	vm7 =	vgt.f32 v18, v6;
	vm11 =	vlt.f32 v18, v6  }
0x254: {  	vm11 =	vmmov @p0 vm7;
	vm7 =	vgt.f32 v20, v7;
	vm12 =	vlt.f32 v20, v7  }
0x255: {  	vm12 =	vmmov @p0 vm7;
	_ =	sdelay $0x1  }
0x256: {  	[tilespmem:v19+s14+$0x0] =	vst.idx.msk vm8, v10  }
0x257: {  	[tilespmem:v13+s14+$0x0] =	vst.idx.msk vm9, v8  }
0x258: {  	[tilespmem:v12+s14+$0x0] =	vst.idx.msk vm10, v9  }
0x259: {  	[tilespmem:v14+s14+$0x0] =	vst.idx.msk vm11, v6  }
.Ltmp11:
0x25a: {  	[tilespmem:v11+s14+$0x0] =	vst.idx.msk vm12, v7;
	(pc) =	sbr.rel @p1 .LBB2_16-.Ltmp11, $4  }
0x25b: {  	v15 =	vld.idx.msk [tilespmem:v12+s14+$0x0], $0xffff  }
0x25c: {  	v17 =	vld.idx.msk [tilespmem:v19+s14+$0x0], $0xffff  }
0x25d: {  	v16 =	vld.idx.msk [tilespmem:v13+s14+$0x0], $0xffff  }
0x25e: {  	v14 =	vld.idx.msk [tilespmem:v14+s14+$0x0], $0xffff  }
0x25f: {  	s21 =	sshra.s32 s21, $0x2  }
0x260: {  	v12 =	vld [tilespmem:s21+$0x18F20]  }
0x261: {  	v13 =	vld [tilespmem:s21+$0x18710]  }
0x262: {  	v18 =	vld [tilespmem:s21+$0x18F10]  }
0x263: {  	v19 =	vld [tilespmem:s21+$0x18F00]  }
0x264: {  	v20 =	vld [tilespmem:s21+$0x18700]  }
0x265: {  	v21 =	vld [tilespmem:s21+$0x18730]  }
0x266: {  	v22 =	vld [tilespmem:s21+$0x18720]  }
0x267: {  	v23 =	vld [tilespmem:s21+$0x18F30]  }
0x268: {  	v24 =	vld [tilespmem:s21+$0x18740]  }
0x269: {  	v25 =	vld [tilespmem:s21+$0x18F40]  }
0x26a: {  	v13 =	vld.idx.msk [tilespmem:v13+s2+$0x0], $0xffff  }
0x26b: {  	v26 =	vld.idx.msk [tilespmem:v19+s14+$0x0], $0xffff  }
0x26c: {  	v27 =	vld.idx.msk [tilespmem:v12+s14+$0x0], $0xffff  }
0x26d: {  	v21 =	vld.idx.msk [tilespmem:v21+s2+$0x0], $0xffff  }
0x26e: {  	v20 =	vld.idx.msk [tilespmem:v20+s2+$0x0], $0xffff  }
0x26f: {  	v22 =	vld.idx.msk [tilespmem:v22+s2+$0x0], $0xffff  }
0x270: {  	v28 =	vld.idx.msk [tilespmem:v18+s14+$0x0], $0xffff  }
0x271: {  	v29 =	vld.idx.msk [tilespmem:v23+s14+$0x0], $0xffff  }
0x272: {  	v24 =	vld.idx.msk [tilespmem:v24+s2+$0x0], $0xffff  }
0x273: {  	v30 =	vld.idx.msk [tilespmem:v25+s14+$0x0], $0xffff  }
0x274: {  	v31 =	vmin.f32 v26, v20;
	v26 =	vmax.f32 v26, v20  }
0x275: {  	v53 =	vmin.f32 v27, v22;
	v27 =	vmax.f32 v27, v22;
	v54 =	vmin.f32 v28, v13  }
0x276: {  	v28 =	vmax.f32 v28, v13;
	v55 =	vmin.f32 v29, v21;
	v26 =	vpsel p0, v31, v26  }
0x277: {  	v11 =	vld.idx.msk [tilespmem:v11+s14+$0x0], $0xffff;
	v29 =	vmax.f32 v29, v21;
	[tilespmem:v19+s14+$0x0] =	vst.idx.msk $0xffff, v26;
	v26 =	vpsel p0, v54, v28  }
0x278: {  	v56 =	vmin.f32 v30, v24;
	v27 =	vpsel p0, v53, v27;
	[tilespmem:v18+s14+$0x0] =	vst.idx.msk $0xffff, v26  }
0x279: {  	v57 =	vmax.f32 v30, v24;
	v28 =	vpsel p0, v55, v29;
	[tilespmem:v12+s14+$0x0] =	vst.idx.msk $0xffff, v27  }
0x27a: {  	v26 =	vpsel p0, v56, v57;
	[tilespmem:v23+s14+$0x0] =	vst.idx.msk $0xffff, v28  }
0x27b: {  	[tilespmem:v25+s14+$0x0] =	vst.idx.msk $0xffff, v26  }
0x27c: {  	v26 =	vld.idx.msk [tilespmem:v19+s14+$0x0], $0xffff  }
0x27d: {  	v58 =	vld.idx.msk [tilespmem:v18+s14+$0x0], $0xffff  }
0x27e: {  	v28 =	vld.idx.msk [tilespmem:v12+s14+$0x0], $0xffff  }
0x27f: {  	v59 =	vld.idx.msk [tilespmem:v23+s14+$0x0], $0xffff  }
0x280: {  	v60 =	vld.idx.msk [tilespmem:v25+s14+$0x0], $0xffff  }
0x281: {  	vm7 =	vgt.f32 v26, v20;
	vm8 =	vlt.f32 v26, v20  }
0x282: {  	vm9 =	vgt.f32 v58, v13;
	vm10 =	vlt.f32 v58, v13;
	vm8 =	vmmov @p0 vm7  }
0x283: {  	vm11 =	vlt.f32 v28, v22;
	vm7 =	vgt.f32 v28, v22;
	vm10 =	vmmov @p0 vm9  }
0x284: {  	vm12 =	vlt.f32 v59, v21;
	vm9 =	vgt.f32 v59, v21;
	vm11 =	vmmov @p0 vm7  }
0x285: {  	vm12 =	vmmov @p0 vm9;
	vm7 =	vgt.f32 v60, v24;
	vm9 =	vlt.f32 v60, v24  }
0x286: {  	vm9 =	vmmov @p0 vm7;
	_ =	sdelay $0x1  }
0x287: {  	[tilespmem:v19+s14+$0x0] =	vst.idx.msk vm8, v20  }
0x288: {  	[tilespmem:v18+s14+$0x0] =	vst.idx.msk vm10, v13  }
0x289: {  	[tilespmem:v12+s14+$0x0] =	vst.idx.msk vm11, v22  }
0x28a: {  	[tilespmem:v23+s14+$0x0] =	vst.idx.msk vm12, v21  }
0x28b: {  	vm13 =	vlt.f32 v14, v6;
	[tilespmem:v25+s14+$0x0] =	vst.idx.msk vm9, v24  }
0x28c: {  	vm14 =	vgt.f32 v11, v7;
	vm7 =	vgt.f32 v17, v10;
	vm8 =	vlt.f32 v17, v10;
	v61 =	vld.idx.msk [tilespmem:v19+s14+$0x0], $0xffff  }
0x28d: {  	vm10 =	vlt.f32 v16, v8;
	vm11 =	vgt.f32 v15, v9;
	vm9 =	vgt.f32 v16, v8;
	v62 =	vld.idx.msk [tilespmem:v18+s14+$0x0], $0xffff  }
0x28e: {  	vm8 =	vmor vm8, vm10;
	vm12 =	vlt.f32 v15, v9;
	vm7 =	vmor vm7, vm9;
	v63 =	vld.idx.msk [tilespmem:v12+s14+$0x0], $0xffff  }
0x28f: {  	vm8 =	vmor vm8, vm12;
	vm12 =	vgt.f32 v14, v6;
	v6 =	vld.idx.msk [tilespmem:v23+s14+$0x0], $0xffff;
	vm7 =	vmor vm7, vm11  }
0x290: {  	vm15 =	vlt.f32 v11, v7;
	vm8 =	vmor vm8, vm13;
	vm7 =	vmor vm7, vm12  }
0x291: {  	v7 =	vld.idx.msk [tilespmem:v25+s14+$0x0], $0xffff;
	vm8 =	vmor vm8, vm15;
	vm7 =	vmor vm7, vm14;
	vm9 =	vgt.f32 v61, v20  }
0x292: {  	vm10 =	vlt.f32 v61, v20;
	vm11 =	vgt.f32 v62, v13;
	vm12 =	vlt.f32 v62, v13  }
0x293: {  	vm9 =	vmor vm9, vm11;
	vm11 =	vgt.f32 v63, v22;
	vm10 =	vmor vm10, vm12  }
0x294: {  	vm12 =	vlt.f32 v63, v22;
	vm9 =	vmor vm9, vm11;
	vm11 =	vgt.f32 v6, v21  }
0x295: {  	vm10 =	vmor vm10, vm12;
	vm12 =	vlt.f32 v6, v21;
	vm9 =	vmor vm9, vm11  }
0x296: {  	vm11 =	vgt.f32 v7, v24;
	vm10 =	vmor vm10, vm12;
	vm12 =	vlt.f32 v7, v24  }
0x297: {  	vm8 =	vmmov @p0 vm7;
	vm7 =	vmor vm9, vm11;
	vm9 =	vmor vm10, vm12  }
0x298: {  	vm6 =	vmor vm6, vm8;
	vm9 =	vmmov @p0 vm7  }
0x299: {  	vm6 =	vmor vm6, vm9  }
0x29a: {  	v6 =	vsel vm6, $0x3F800000, v4  }
0x29b: {  	(xrf0) =	vmax.scan.msk.f32 $0xffff, v6;
	_ =	sdelay $0x5  }
0x29c: {  	v6, _, _ =	vpop (xrf0)  }
0x29d: {  	(v2sf) =	vpush v6, $0xF;
	_ =	sdelay $0xe  }
0x29e: {  	s31 =	spop (v2sf)  }
0x29f: {  	p1 =	sgt.f32 s31, $0.0e+00  }
.Ltmp12:
0x2a0: {  	_ = 	snop;
	(pc) =	sbr.rel @!p1 .LBB2_21-.Ltmp12, $2  }
0x2a1: {  	_ =	sdelay $0x2  }
0x2a2: {  	s21 =	simm.s32 $0x0  }
0x2a3: {  	s22 =	sshra.s32 s21, $0x2;
	s21 =	sadd.s32 $0x40, s21  }
.LBB2_19:
0x2a4: {  	p1 =	sne.s32 s21, $0x1F00;
	v6 =	vld [tilespmem:s22+$0x18700];
	_ =	sdelay $0x6  }
0x2a5: {  	v7 =	vld [tilespmem:s22+$0x18F00]  }
0x2a6: {  	v6 =	vld.idx.msk [tilespmem:v6+s2+$0x0], $0xffff;
	_ =	sdelay $0x4  }
0x2a7: {  	v7 =	vxor.u32 $0x80000000, v7  }
0x2a8: {  	(xrf1) =	vsort.ascd.msk.u32 $0xffff, v7, v6;
	_ =	sdelay $0xd  }
0x2a9: {  	v6, v7, _ =	vpop (xrf1)  }
0x2aa: {  	v6 =	vxor.u32 $0x80000000, v6  }
0x2ab: {  	v9 =	vperm.xlane v7, v0;
	v8 =	vperm.xlane v6, v0;
	_ =	sdelay $0x1  }
0x2ac: {  	vm6 =	veq.s32 v8, v6;
	v8 =	vmin.f32 v7, v9;
	v9 =	vmax.f32 v7, v9  }
0x2ad: {  	vm6 =	vmand vm6, vm1;
	v8 =	vpsel p0, v8, v9  }
0x2ae: {  	v7 =	vsel vm6, v8, v7  }
0x2af: {  	v8 =	vperm.xlane v6, v1;
	v9 =	vperm.xlane v7, v1;
	_ =	sdelay $0x1  }
0x2b0: {  	vm6 =	veq.s32 v8, v6;
	v8 =	vmin.f32 v7, v9;
	v9 =	vmax.f32 v7, v9  }
0x2b1: {  	vm6 =	vmand vm6, vm2;
	v8 =	vpsel p0, v8, v9  }
0x2b2: {  	v7 =	vsel vm6, v8, v7  }
0x2b3: {  	v8 =	vperm.xlane v6, v2;
	v9 =	vperm.xlane v7, v2;
	_ =	sdelay $0x1  }
0x2b4: {  	vm6 =	veq.s32 v8, v6;
	v8 =	vmin.f32 v7, v9;
	v9 =	vmax.f32 v7, v9  }
0x2b5: {  	vm6 =	vmand vm6, vm3;
	v8 =	vpsel p0, v8, v9;
	v9 =	vperm.xlane v6, v5  }
0x2b6: {  	v7 =	vsel vm6, v8, v7;
	v8 =	vld.idx.msk [tilespmem:v6+s14+$0x0], $0xffff  }
0x2b7: {  	v10 =	vperm.xlane v6, v3;
	v11 =	vperm.xlane v7, v3;
	vm6 =	vne.s32 v6, v9  }
0x2b8: {  	vm6 =	vmor vm6, vm5  }
0x2b9: {  	vm7 =	veq.s32 v10, v6;
	v9 =	vmin.f32 v7, v11;
	v10 =	vmax.f32 v7, v11  }
.Ltmp13:
0x2ba: {  	vm7 =	vmand vm7, vm4;
	v9 =	vpsel p0, v9, v10;
	(pc) =	sbr.rel @p1 .LBB2_19-.Ltmp13, $4  }
0x2bb: {  	v7 =	vsel vm7, v9, v7  }
0x2bc: {  	v9 =	vmin.f32 v8, v7;
	v7 =	vmax.f32 v8, v7  }
0x2bd: {  	v7 =	vpsel p0, v9, v7  }
0x2be: {  	s22 =	sshra.s32 s21, $0x2;
	s21 =	sadd.s32 $0x40, s21;
	[tilespmem:v6+s14+$0x0] =	vst.idx.msk vm6, v7  }
0x2bf: {  	v6 =	vld [tilespmem:s22+$0x18700];
	_ =	sdelay $0x6  }
0x2c0: {  	v7 =	vld [tilespmem:s22+$0x18F00]  }
0x2c1: {  	v6 =	vld.idx.msk [tilespmem:v6+s2+$0x0], $0xffff;
	_ =	sdelay $0x3  }
0x2c2: {  	v7 =	vxor.u32 $0x80000000, v7  }
0x2c3: {  	(xrf1) =	vsort.ascd.msk.u32 $0xffff, v7, v6;
	_ =	sdelay $0xd  }
0x2c4: {  	v6, v7, _ =	vpop (xrf1)  }
0x2c5: {  	v6 =	vxor.u32 $0x80000000, v6  }
0x2c6: {  	v9 =	vperm.xlane v7, v0;
	v8 =	vperm.xlane v6, v0;
	_ =	sdelay $0x1  }
0x2c7: {  	v53 =	vmin.f32 v7, v9;
	v9 =	vmax.f32 v7, v9;
	vm6 =	veq.s32 v8, v6  }
0x2c8: {  	v8 =	vpsel p0, v53, v9;
	vm6 =	vmand vm6, vm1  }
0x2c9: {  	v7 =	vsel vm6, v8, v7  }
0x2ca: {  	v54 =	vperm.xlane v6, v1;
	v55 =	vperm.xlane v7, v1;
	_ =	sdelay $0x1  }
0x2cb: {  	vm6 =	veq.s32 v54, v6;
	v56 =	vmin.f32 v7, v55;
	v9 =	vmax.f32 v7, v55  }
0x2cc: {  	vm6 =	vmand vm6, vm2;
	v8 =	vpsel p0, v56, v9  }
0x2cd: {  	v7 =	vsel vm6, v8, v7  }
0x2ce: {  	v57 =	vperm.xlane v6, v2;
	v58 =	vperm.xlane v7, v2;
	_ =	sdelay $0x1  }
0x2cf: {  	vm6 =	veq.s32 v57, v6;
	v59 =	vmin.f32 v7, v58;
	v9 =	vmax.f32 v7, v58  }
0x2d0: {  	v60 =	vperm.xlane v6, v5;
	vm6 =	vmand vm6, vm3;
	v8 =	vpsel p0, v59, v9  }
0x2d1: {  	v7 =	vsel vm6, v8, v7  }
0x2d2: {  	v10 =	vperm.xlane v6, v3;
	v61 =	vld.idx.msk [tilespmem:v6+s14+$0x0], $0xffff;
	vm6 =	vne.s32 v6, v60;
	v11 =	vperm.xlane v7, v3  }
0x2d3: {  	vm6 =	vmor vm6, vm5  }
0x2d4: {  	vm7 =	veq.s32 v10, v6;
	v62 =	vmin.f32 v7, v11;
	v63 =	vmax.f32 v7, v11  }
.Ltmp14:
0x2d5: {  	vm7 =	vmand vm7, vm4;
	v9 =	vpsel p0, v62, v63;
	(pc) =	sbr.rel .LBB2_21-.Ltmp14, $4  }
0x2d6: {  	v7 =	vsel vm7, v9, v7  }
0x2d7: {  	v9 =	vmin.f32 v61, v7;
	v7 =	vmax.f32 v61, v7  }
0x2d8: {  	v7 =	vpsel p0, v9, v7  }
0x2d9: {  	[tilespmem:v6+s14+$0x0] =	vst.idx.msk vm6, v7  }
.LBB2_22:
0x2da: {  	_ =	sfence.sel $0x180000  }
0x2db: {  	[bflag:$0x0] =	sbarrier.arrive $0xFFFF  }
0x2dc: {  	p0 =	sne.s32 s0, $0x0;
	_ =	strace $0x9000004A  }
0x2dd: {  	s0 =	sadd.s32 @!p0 $0x100000, s1;
	[bflag:$0x2] =	sbarrier.arrive $0xFFFF  }
0x2de: {  	[sflag:s0] =	ssyncadd.tile.s32 @!p0 $0x1;
	_ =	shalt  }
.Lfunc_end2:
_tile_overlayer_lowered:
.L_overlay_start_2:
0x2df: {  	(tag) =	ssettag $0x2  }
0x2e0: {  	s0 =	rddreg [dreg:$0x0];
	s2 =	stileid.u32  }
0x2e1: {  	s1 =	rddreg [dreg:$0x1];
	p0 =	sne.s32 s2, $0x0  }
0x2e2: {  	s3 =	rddreg [dreg:$0x2];
	[bflag:$0x3] =	sbarrier.arrive $0xFFFF;
	s2 =	simm.s32 @!p0 $0x1C03  }
0x2e3: {  	[timem:s3], [sflag:s2] =	dma.local @!p0 [hbm:s0], s1  }
0x2e4: {  	s0 =	simm.s32 @!p0 $0x3  }
0x2e5: {  	_ =	swait.ge @!p0 [sflag:s0], s1  }
0x2e6: {  	s1 =	ssub.s32 @!p0 $0x0, s1;
	[sflag:s0] =	ssyncset.done @!p0 $0x0  }
0x2e7: {  	[sflag:s0] =	ssyncadd.s32 @!p0 s1  }
0x2e8: {  	[bflag:$0x3] =	sbarrier.arrive $0xFFFF  }
0x2e9: {  	_ =	shalt  }

// kernel: kernel.13.cloned.1.call-start
scs
__scs_entry_jumppad:
0x0: {  	(pc) =	sbr.rel $0x88, $3  }
0x1: {  	(tag) =	ssettag $0x0;
	lr =	simm.s32 $0x1  }
0x2: {  	[smem:$0x3F99] =	sst lr;
	_ =	strace $0xD0000000  }
0x3: {  	_ = 	snop  }
0x4: {  	_ = 	snop  }
0x5: {  	_ = 	snop  }
0x6: {  	_ = 	snop  }
0x7: {  	_ = 	snop  }
__scs_overlays_trampoline_lowered:
0x8: {  	[smem:$0x3FA8] =	sst s0  }
0x9: {  	[smem:$0x3FA9] =	sst s1  }
0xa: {  	[smem:$0x3FAA] =	sst s2  }
0xb: {  	[smem:$0x3FAB] =	sst s3  }
0xc: {  	[smem:$0x3FAC] =	sst s4  }
0xd: {  	[smem:$0x3FAD] =	sst s5  }
0xe: {  	[smem:$0x3FAE] =	sst s6  }
0xf: {  	[smem:$0x3FAF] =	sst s7  }
0x10: {  	[smem:$0x3FB0] =	sst s8  }
0x11: {  	[smem:$0x3FB1] =	sst s9;
	s0 =	simm.s32 @!p0 $0x0  }
0x12: {  	s1 =	sld [smem:$0x3F97];
	s0 =	simm.s32 @p0 $0x1  }
0x13: {  	[smem:$0x3FB2] =	sst s0;
	s0 =	simm.s32 @!p1 $0x0  }
0x14: {  	s2 =	sld [smem:$0x3F96];
	s0 =	simm.s32 @p1 $0x1  }
0x15: {  	[smem:$0x3FB3] =	sst s0;
	s0 =	simm.s32 @!p2 $0x0  }
0x16: {  	s3 =	sld [smem:$0x3FDB];
	s0 =	simm.s32 @p2 $0x1  }
0x17: {  	s4 =	simm.s32 $0x1BF5;
	[smem:$0x3FB5] =	sst s0  }
0x18: {  	s0 =	sld [smem:$0x3F98];
	_ =	swait.ge [sflag:s4], $0x0  }
0x19: {  	s7 =	sld [smem:$0x3F99]  }
0x1a: {  	s8 =	sadd.s32 $0xFFFFE003, lr  }
0x1b: {  	s9 =	sadd.s32 $0xFFFFFEF7, lr;
	s5 =	simm.s32 $0xFFFFFFFF;
	p2 =	slt.u32 s8, $0xFFFFF086  }
0x1c: {  	p1 =	slt.u32 s9, $0xF7A;
	s5 =	simm.s32 @!p2 $0x0  }
0x1d: {  	s5 =	simm.s32 @p1 $0x1;
	p0 =	seq.s32 s7, s2  }
0x1e: {  	s7 =	smul.u32 @!p0 $0xF7A, s2;
	p2 =	seq.s32 @!p0 s5, $0x0  }
0x1f: {  	s9 =	smul.u32 $0xF7A, s1;
	s8 =	simm.s32 @!p0 $0x1BF5;
	p2 =	por !p2, p0  }
0x20: {  	[sflag:s8] =	ssyncset.s32 @!p0 $0xFFFFF086;
	s6 =	sadd.s32 @!p0 s3, s7;
	s7 =	simm.s32 @!p0 $0x108  }
0x21: {  	s3 =	sadd.s32 s3, s9;
	s6 =	sadd.s32 @!p0 $0x88, s6;
	s7 =	simm.s32 @p2 $0x1082  }
0x22: {  	[simem:s7], [sflag:s8] =	dma.local @!p0 [hbm:s6], $0xF7A  }
0x23: {  	s9 =	sor.u32 $0xD0000000, s2;
	s6 =	simm.s32 $0x108;
	_ =	swait.ge @!p0 [sflag:s8], $0x0  }
0x24: {  	s3 =	sadd.s32 $0x88, s3;
	s6 =	simm.s32 @!p1 $0x1082;
	[sflag:s4] =	ssyncset.s32 $0xFFFFF086  }
0x25: {  	[simem:s6], [sflag:s4] =	dma.local [hbm:s3], $0xF7A  }
0x26: {  	[smem:$0x3F99] =	sst s1;
	(tag) =	ssettag s2;
	_ =	strace s9  }
0x27: {  	s1 =	sld [smem:$0x3FA9]  }
0x28: {  	s2 =	sld [smem:$0x3FAA]  }
0x29: {  	s4 =	sld [smem:$0x3FAC]  }
0x2a: {  	p0 =	seq.s32 s5, $0x0;
	s5 =	sld [smem:$0x3FAD]  }
0x2b: {  	s6 =	sld [smem:$0x3FAE]  }
0x2c: {  	s7 =	sld [smem:$0x3FAF]  }
0x2d: {  	s3 =	simm.s32 $0x108;
	s8 =	sld [smem:$0x3FB0]  }
0x2e: {  	s3 =	simm.s32 @!p0 $0x1082;
	s9 =	sld [smem:$0x3FB1]  }
0x2f: {  	lr =	sadd.s32 s0, s3;
	s0 =	sld [smem:$0x3FA8]  }
0x30: {  	s3 =	sld [smem:$0x3FAB]  }
0x31: {  	[smem:$0x3FB4] =	sst s10  }
0x32: {  	s10 =	sld [smem:$0x3FB2];
	_ =	sdelay $0x3  }
0x33: {  	p0 =	seq.s32 s10, $0x1;
	s10 =	sld [smem:$0x3FB4];
	_ =	sdelay $0x3  }
0x34: {  	[smem:$0x3FB4] =	sst s10  }
0x35: {  	s10 =	sld [smem:$0x3FB3];
	_ =	sdelay $0x3  }
0x36: {  	p1 =	seq.s32 s10, $0x1;
	s10 =	sld [smem:$0x3FB4];
	_ =	sdelay $0x3  }
0x37: {  	[smem:$0x3FB4] =	sst s10  }
0x38: {  	s10 =	sld [smem:$0x3FB5]  }
0x39: {  	_ = 	snop;
	(pc) =	sbr.ind lr, $3  }
0x3a: {  	_ = 	snop  }
0x3b: {  	_ = 	snop  }
0x3c: {  	p2 =	seq.s32 s10, $0x1;
	s10 =	sld [smem:$0x3FB4]  }
0x3d: {  	_ =	shalt  }
0x3e: {  	_ =	shalt  }
0x3f: {  	_ =	shalt  }
0x40: {  	_ =	shalt  }
0x41: {  	_ =	shalt  }
0x42: {  	_ =	shalt  }
0x43: {  	_ =	shalt  }
0x44: {  	_ =	shalt  }
0x45: {  	_ =	shalt  }
0x46: {  	_ =	shalt  }
0x47: {  	_ =	shalt  }
0x48: {  	_ =	shalt  }
0x49: {  	_ =	shalt  }
0x4a: {  	_ =	shalt  }
0x4b: {  	_ =	shalt  }
0x4c: {  	_ =	shalt  }
0x4d: {  	_ =	shalt  }
0x4e: {  	_ =	shalt  }
0x4f: {  	_ =	shalt  }
0x50: {  	_ =	shalt  }
0x51: {  	_ =	shalt  }
0x52: {  	_ =	shalt  }
0x53: {  	_ =	shalt  }
0x54: {  	_ =	shalt  }
0x55: {  	_ =	shalt  }
0x56: {  	_ =	shalt  }
0x57: {  	_ =	shalt  }
0x58: {  	_ =	shalt  }
0x59: {  	_ =	shalt  }
0x5a: {  	_ =	shalt  }
0x5b: {  	_ =	shalt  }
0x5c: {  	_ =	shalt  }
0x5d: {  	_ =	shalt  }
0x5e: {  	_ =	shalt  }
0x5f: {  	_ =	shalt  }
0x60: {  	_ =	shalt  }
0x61: {  	_ =	shalt  }
0x62: {  	_ =	shalt  }
0x63: {  	_ =	shalt  }
0x64: {  	_ =	shalt  }
0x65: {  	_ =	shalt  }
0x66: {  	_ =	shalt  }
0x67: {  	_ =	shalt  }
0x68: {  	_ =	shalt  }
0x69: {  	_ =	shalt  }
0x6a: {  	_ =	shalt  }
0x6b: {  	_ =	shalt  }
0x6c: {  	_ =	shalt  }
0x6d: {  	_ =	shalt  }
0x6e: {  	_ =	shalt  }
0x6f: {  	_ =	shalt  }
0x70: {  	_ =	shalt  }
0x71: {  	_ =	shalt  }
0x72: {  	_ =	shalt  }
0x73: {  	_ =	shalt  }
0x74: {  	_ =	shalt  }
0x75: {  	_ =	shalt  }
0x76: {  	_ =	shalt  }
0x77: {  	_ =	shalt  }
0x78: {  	_ =	shalt  }
0x79: {  	_ =	shalt  }
0x7a: {  	_ =	shalt  }
0x7b: {  	_ =	shalt  }
0x7c: {  	_ =	shalt  }
0x7d: {  	_ =	shalt  }
0x7e: {  	_ =	shalt  }
0x7f: {  	_ =	shalt  }
0x80: {  	_ =	shalt  }
0x81: {  	_ =	shalt  }
0x82: {  	_ =	shalt  }
0x83: {  	_ =	shalt  }
0x84: {  	_ =	shalt  }
0x85: {  	_ =	shalt  }
0x86: {  	_ =	shalt  }
0x87: {  	_ =	shalt  }
.Lfunc_end0:
.L_simem_size_0:
called_computation.2_lowered:
.L_overlay_start_0:
0x88: {  	s2 =	sld [smem:$0x3FD9]  }
0x89: {  	s3 =	sld [smem:$0x3FFE];
	_ =	sdelay $0x1  }
0x8a: {  	s1 =	srdreg.scid  }
0x8b: {  	s0 =	sand.u32 $0x1, s1  }
0x8c: {  	s16 =	sshll.u32 s0, $0xA;
	s2 =	sadd.s32 s3, s2  }
0x8d: {  	s2 =	sadd.s32 s2, s16  }
0x8e: {  	[smem:$0x3FC0] =	sst s2  }
0x8f: {  	_ = 	snop  }
0x90: {  	(tm) =	ssettm $0x1  }
0x91: {  	s17 =	sld [smem:$0x3FFB];
	_ =	sdelay $0x3  }
0x92: {  	_ =	strace s17  }
0x93: {  	s2 =	sld [smem:$0x3FFC];
	_ =	sdelay $0x3  }
0x94: {  	_ =	strace s2  }
0x95: {  	s2 =	sld [smem:$0x3FFD];
	_ =	sdelay $0x3  }
0x96: {  	_ =	strace s2  }
0x97: {  	_ =	strace $0x8FFFFFFF  }
0x98: {  	s18 =	sld [smem:$0x3FDB];
	_ =	sdelay $0x1  }
0x99: {  	s19 =	simm.s32 $_scs_section_size  }
0x9a: {  	s4 =	simm.s32 $_size__tile_overlayer_lowered;
	s5 =	simm.s32 $_tile_overlayer_lowered  }
0x9b: {  	s22 =	simm.s32 $0x1BFF;
	s21 =	sshll.u32 s5, $0x1;
	s2 =	sadd.s32 s19, s18  }
0x9c: {  	s6 =	simm.s32 $0x0;
	s20 =	sshll.u32 s4, $0x1;
	s4 =	sadd.s32 s21, s2  }
0x9d: {  	[timem:s6], [sflag:s22] =	dma.local [hbm:s4], s20  }
0x9e: {  	_ =	swait.ge [sflag:s22], s20  }
0x9f: {  	s3 =	ssub.s32 $0x0, s20;
	[sflag:s22] =	ssyncset.done $0x0  }
0xa0: {  	[sflag:s22] =	ssyncadd.s32 s3;
	_ =	sdelay $0x1  }
0xa1: {  	s23 =	simm.s32 $0x1B8B  }
0xa2: {  	_ =	swait.ge [sflag:s23], $0x1  }
0xa3: {  	[sflag:s23] =	ssyncset.done $0x0  }
0xa4: {  	s25 =	simm.s32 $0x1B8E;
	s24 =	sld [smem:$0x3FFE];
	[sflag:s23] =	ssyncadd.s32 $0xFFFFFFFF  }
0xa5: {  	s26 =	simm.s32 $execute0_lowered;
	[smem:$0x3FD2] =	sst s25  }
0xa6: {  	s4 =	sshll.u32 s26, $0x1;
	_ =	strace $0x8000004C;
	[dreg:$0x1] =	wrdreg $0xFFFFFFFF  }
0xa7: {  	s28 =	simm.s32 $_size_execute0_lowered;
	s2 =	sadd.s32 s2, s4;
	[dreg:$0x0] =	wrdreg $0x0  }
0xa8: {  	s4 =	sshll.u32 s28, $0x1;
	[dreg:$0x2] =	wrdreg s2  }
0xa9: {  	[dreg:$0x3] =	wrdreg s4  }
0xaa: {  	[dreg:$0x4] =	wrdreg $0xC0  }
0xab: {  	_ =	task [dreg:s6], $0x5FFFF  }
0xac: {  	[dreg:$0x1] =	wrdreg $0xFFFFFFFF  }
0xad: {  	[dreg:$0x0] =	wrdreg $0x60  }
0xae: {  	[dreg:$0x2] =	wrdreg s24  }
0xaf: {  	[dreg:$0x3] =	wrdreg $0x9  }
0xb0: {  	_ =	task.clear_ibuf [dreg:s6], $0x4FFFF;
	_ =	strace $0x9000004C  }
0xb1: {  	s29 =	simm.s32 $0x9;
	_ =	strace $0x8000004E  }
0xb2: {  	_ =	swait.ge [sflag:s29], $0x1  }
0xb3: {  	[sflag:s29] =	ssyncadd.s32 $0xFFFFFFFF  }
0xb4: {  	_ =	strace $0x9000004E  }
0xb5: {  	_ =	sfence  }
0xb6: {  	s30 =	sld [smem:$0x0];
	_ =	sdelay $0x2  }
0xb7: {  	s31 =	sshll.u32 s1, $0xD;
	s1 =	sshrl.u32 s1, $0x2  }
0xb8: {  	s3 =	sand.u32 $0x4000, s31;
	s1 =	sadd.s32 s1, s30  }
0xb9: {  	s0 =	sor.u32 s3, s0;
	s1 =	sshll.u32 s1, $0x11  }
0xba: {  	s0 =	sor.u32 s1, s0  }
0xbb: {  	s0 =	sadd.s32 $0x8F2B, s0  }
0xbc: {  	[sflag:s0] =	ssyncadd.remote.s32 $0x1  }
0xbd: {  	_ =	sfence.sel $0xFFFF  }
0xbe: {  	[dreg:$0x0] =	wrdreg $0xFFFFFFFF;
	(pc) =	sbr.abs _section_cstart, $3  }
0xbf: {  	[dreg:$0x1] =	wrdreg $0xFFFFFFFF  }
0xc0: {  	_ =	task.clear_ibuf [dreg:s6], $0x2FFFF;
	_ =	strace $0x9FFFFFFF  }
0xc1: {  	(tm) =	ssettm $0x7FFFFFFF  }
tec
execute0_lowered:
.L_overlay_start_1:
0x0: {  	(tag) =	ssettag $0x1  }
0x1: {  	v0 =	vimm.s32 $0xEDCBA987;
	s1 =	srdreg.scid;
	v1 =	vimm.s32 $0x65432100  }
0x2: {  	s0 =	stileid.u32;
	v2 =	vimm.s32 $0xDCBA9876;
	s8 =	rddreg [dreg:$0x0];
	s3 =	simm.s32 $0x1;
	v3 =	vimm.s32 $0x54321000;
	v4 =	vimm.s32 $0xE40000  }
0x3: {  	s2 =	simm.s32 $0x0;
	v5 =	vimm.s32 $0xBA987654;
	v6 =	vimm.s32 $0xFFEDCBA9;
	s14 =	simm.s32 $0xC380;
	v0 =	vunpack.c.l.s4.s8 v0;
	s7 =	sand.u32 $0x1, s1  }
0x4: {  	v7 =	vimm.s32 $0x87654321;
	vm1 =	vcmask $0x3F30;
	s15 =	simm.s32 $0x18700;
	s16 =	simm.s32 $0x18F00;
	v1 =	vunpack.c.l.s4.s8 v1;
	s1 =	sor.u32 s7, s0  }
0x5: {  	vm0 =	vmxor vm0, vm0;
	s17 =	simm.s32 $0x19700;
	vm2 =	vcmask $0x3F08;
	p0 =	seq.s32 s7, $0x1;
	v0 =	vunpack.c.0.s8.s32 v0;
	p1 =	seq.s32 s1, $0x0  }
0x6: {  	vm3 =	vcmask $0x3F10;
	s18 =	simm.s32 $0x19F00;
	s19 =	simm.s32 $0x2;
	v4 =	vunpack.c.l.s2.s4 v4;
	v1 =	vunpack.c.0.s8.s32 v1;
	p0 =	por !p1, !p0  }
0x7: {  	s20 =	simm.s32 $0x0;
	v2 =	vunpack.c.l.s4.s8 v2;
	v3 =	vunpack.c.l.s4.s8 v3;
	[smem:$0x7FF] =	sst s2;
	v0 =	vand.u32 $0xF, v0;
	p0 =	por !p0, !p0  }
0x8: {  	s4 =	sadd.s32 $0x19E00, s8;
	v6 =	vunpack.c.l.s4.s8 v6;
	s30 =	sshll.u32 s7, $0x4;
	v4 =	vunpack.c.l.s4.s8 v4;
	s3 =	simm.s32 @!p0 $0x0;
	v0 =	vcombine.low v1, v0  }
0x9: {  	s10 =	ssub.s32 $0x2, s7;
	s1 =	rddreg [dreg:$0x1];
	v1 =	vunpack.c.0.s8.s32 v2;
	v2 =	vunpack.c.l.s4.s8 v5;
	v5 =	vimm.s32 $0x32100000;
	s6 =	ssub.s32 s0, s3  }
0xa: {  	v7 =	vunpack.c.l.s4.s8 v7;
	v3 =	vunpack.c.0.s8.s32 v3;
	s12 =	sshrl.u32 s10, $0x1;
	v5 =	vunpack.c.l.s4.s8 v5;
	s5 =	sadd.s32 s30, s6;
	s11 =	smul.u32 $0xC350, s6  }
0xb: {  	_ =	strace $0x8000004D;
	s12 =	ssub.s32 s10, s12;
	v4 =	vunpack.c.0.s8.s32 v4;
	v1 =	vand.u32 $0xF, v1;
	v2 =	vunpack.c.0.s8.s32 v2;
	s9 =	smul.u32 $0xC800, s5  }
.Ltmp0:
0xc: {  	s12 =	smax.u32 s12, $0x1;
	p0 =	seq.s32 s7, $0x0;
	v1 =	vcombine.low v3, v1;
	v3 =	vimm.s32 $0x7060504;
	v5 =	vunpack.c.0.s8.s32 v5;
	(pc) =	sbr.rel .LBB2_1-.Ltmp0, $4  }
0xd: {  	s3 =	sadd.s32 $0x32600, s8;
	v4 =	vand.u32 $0x3, v4;
	s6 =	simm.s32 $0x1;
	s5 =	sadd.s32 $0x1600, s8;
	v2 =	vand.u32 $0xF, v2;
	v3 =	vunpack.c.0.s8.s32 v3  }
0xe: {  	s31 =	sshrl.u32 s11, $0x3;
	s10 =	sadd.s32 $0xFA0, s11;
	s9 =	sshrl.u32 s9, $0x3;
	v2 =	vcombine.low v5, v2;
	v5 =	vunpack.c.0.s8.s32 v6;
	v6 =	vunpack.c.0.s8.s32 v7  }
0xf: {  	vm4 =	vcmask $0x3F20;
	vm5 =	vcmask $0x3F3C;
	s7 =	sadd.s32 s4, s31;
	s13 =	sadd.s32 s9, s8;
	s8 =	sadd.s32 s5, s31;
	v3 =	vsel vm1, v3, v4  }
0x10: {  	s9 =	sadd.s32 $0x7D0, s11;
	v4 =	vimm.f32 $0.0e+00;
	vm1 =	vcmask $0x3F04;
	s11 =	sadd.s32 $0x34000, s13;
	s13 =	simm.s32 $0x3;
	v5 =	vcombine.low v6, v5  }
.LBB2_21:
0x11: {  	s20 =	sadd.s32 $0x1, s20  }
0x12: {  	p1 =	sne.s32 s20, s12  }
.Ltmp1:
0x13: {  	_ = 	snop;
	(pc) =	sbr.rel @!p1 .LBB2_22-.Ltmp1, $4  }
0x14: {  	[hbm4b:s11+s2] =	stream.linear.scatter [tilespmem:s14], [sflag:$0x3], $0xC350, $0x38;
	[tilespmem:$0x1A700] =	vst v63  }
0x15: {  	_ =	swait.ge [sflag:s13], $0xC350  }
0x16: {  	[sflag:s13] =	ssyncset.done $0x0  }
0x17: {  	[sflag:s13] =	ssyncadd.s32 $0xFFFF3CB0  }
.LBB2_1:
0x18: {  	[tilespmem:s2], [sflag:$0x3] =	stream.linear.gather [hbm4b:s3+s2], $0xC350, $0x38;
	[tilespmem:$0x1A700] =	vst v63  }
0x19: {  	_ =	swait.ge [sflag:s13], $0xC350  }
0x1a: {  	[sflag:s13] =	ssyncset.done $0x0  }
0x1b: {  	[sflag:s13] =	ssyncadd.s32 $0xFFFF3CB0  }
0x1c: {  	[tilespmem:s14], [sflag:$0x3] =	stream.linear.gather [hbm4b:s3+s2], $0xC350, $0x38;
	[tilespmem:$0x1A700] =	vst v63  }
0x1d: {  	_ =	swait.ge [sflag:s13], $0xC350  }
.Ltmp2:
0x1e: {  	[sflag:s13] =	ssyncset.done $0x0;
	(pc) =	sbr.rel .LBB2_2-.Ltmp2, $4  }
0x1f: {  	[sflag:s13] =	ssyncadd.s32 $0xFFFF3CB0  }
0x20: {  	[tilespmem:s15], [sflag:$0x1] =	stream.linear.gather [hbm4b:s7+s2], $0x7D0, $0x38;
	[tilespmem:$0x1A700] =	vst v63  }
0x21: {  	s21 =	simm.s32 $0x0  }
0x22: {  	[tilespmem:s16], [sflag:$0x1] =	stream.linear.gather [hbm4b:s8+s2], $0x7D0, $0x38;
	[tilespmem:$0x1A700] =	vst v63  }
.LBB2_14:
0x23: {  	s21 =	sadd.s32 $0x1, s21  }
0x24: {  	p1 =	sne.s32 s21, $0xC  }
.Ltmp3:
0x25: {  	_ = 	snop;
	(pc) =	sbr.rel @!p1 .LBB2_15-.Ltmp3, $1  }
0x26: {  	_ =	sdelay $0x3  }
.LBB2_2:
0x27: {  	s22 =	smul.u32 $0xFA0, s21;
	_ =	sdelay $0x1  }
0x28: {  	s23 =	sadd.s32 s22, s9  }
0x29: {  	s23 =	sshrl.u32 s23, $0x3  }
0x2a: {  	s25 =	simm.s32 $0x0;
	s24 =	sadd.s32 s4, s23  }
0x2b: {  	[tilespmem:s17], [sflag:$0x2] =	stream.linear.gather [hbm4b:s24+s25], $0x7D0, $0x38;
	[tilespmem:$0x1A700] =	vst v63  }
0x2c: {  	s23 =	sadd.s32 s5, s23  }
0x2d: {  	[tilespmem:s18], [sflag:$0x2] =	stream.linear.gather [hbm4b:s23+s25], $0x7D0, $0x38;
	[tilespmem:$0x1A700] =	vst v63  }
0x2e: {  	_ =	swait.ge [sflag:s6], $0x7D0  }
0x2f: {  	[sflag:s6] =	ssyncset.done $0x0  }
0x30: {  	[sflag:s6] =	ssyncadd.s32 $0xFFFFF830  }
0x31: {  	_ =	swait.ge [sflag:s6], $0x7D0  }
0x32: {  	[sflag:s6] =	ssyncset.done $0x0  }
0x33: {  	s31 =	simm.s32 $0x0;
	[sflag:s6] =	ssyncadd.s32 $0xFFFFF830  }
0x34: {  	v12 =	vld [tilespmem:s31+$0x18F20]  }
0x35: {  	v6 =	vld [tilespmem:s31+$0x18710]  }
0x36: {  	v13 =	vld [tilespmem:s31+$0x18F10]  }
0x37: {  	v14 =	vld [tilespmem:s31+$0x18F00]  }
0x38: {  	v7 =	vld [tilespmem:s31+$0x18700]  }
0x39: {  	v9 =	vld [tilespmem:s31+$0x18730]  }
0x3a: {  	v15 =	vld [tilespmem:s31+$0x18720]  }
0x3b: {  	v18 =	vld [tilespmem:s31+$0x18F30]  }
0x3c: {  	v16 =	vld [tilespmem:s31+$0x18740]  }
0x3d: {  	v11 =	vld [tilespmem:s31+$0x18F40]  }
0x3e: {  	v8 =	vld.idx.msk [tilespmem:v6+s2+$0x0], $0xffff  }
0x3f: {  	v17 =	vld.idx.msk [tilespmem:v14+s14+$0x0], $0xffff  }
0x40: {  	v19 =	vld.idx.msk [tilespmem:v12+s14+$0x0], $0xffff  }
0x41: {  	v6 =	vld.idx.msk [tilespmem:v9+s2+$0x0], $0xffff  }
0x42: {  	v10 =	vld.idx.msk [tilespmem:v7+s2+$0x0], $0xffff  }
0x43: {  	v9 =	vld.idx.msk [tilespmem:v15+s2+$0x0], $0xffff  }
0x44: {  	v15 =	vld.idx.msk [tilespmem:v13+s14+$0x0], $0xffff;
	_ =	sdelay $0x1  }
0x45: {  	v20 =	vld.idx.msk [tilespmem:v18+s14+$0x0], $0xffff  }
0x46: {  	v7 =	vld.idx.msk [tilespmem:v16+s2+$0x0], $0xffff  }
0x47: {  	v16 =	vld.idx.msk [tilespmem:v11+s14+$0x0], $0xffff;
	v21 =	vmin.f32 v17, v10;
	v17 =	vmax.f32 v17, v10  }
0x48: {  	v22 =	vmin.f32 v19, v9;
	v62 =	vmin.f32 v15, v8;
	v15 =	vmax.f32 v15, v8  }
0x49: {  	v19 =	vmax.f32 v19, v9;
	v17 =	vpsel p0, v21, v17;
	v15 =	vpsel p0, v62, v15  }
0x4a: {  	[tilespmem:v14+s14+$0x0] =	vst.idx.msk $0xffff, v17;
	v17 =	vmin.f32 v20, v6;
	v20 =	vmax.f32 v20, v6  }
0x4b: {  	v19 =	vpsel p0, v22, v19;
	v17 =	vpsel p0, v17, v20;
	[tilespmem:v13+s14+$0x0] =	vst.idx.msk $0xffff, v15  }
0x4c: {  	v15 =	vmin.f32 v16, v7;
	v16 =	vmax.f32 v16, v7;
	[tilespmem:v12+s14+$0x0] =	vst.idx.msk $0xffff, v19  }
0x4d: {  	v15 =	vpsel p0, v15, v16;
	[tilespmem:v18+s14+$0x0] =	vst.idx.msk $0xffff, v17  }
0x4e: {  	[tilespmem:v11+s14+$0x0] =	vst.idx.msk $0xffff, v15  }
0x4f: {  	v15 =	vld.idx.msk [tilespmem:v14+s14+$0x0], $0xffff  }
0x50: {  	v16 =	vld.idx.msk [tilespmem:v13+s14+$0x0], $0xffff  }
0x51: {  	v17 =	vld.idx.msk [tilespmem:v12+s14+$0x0], $0xffff  }
0x52: {  	v19 =	vld.idx.msk [tilespmem:v18+s14+$0x0], $0xffff  }
0x53: {  	v63 =	vld.idx.msk [tilespmem:v11+s14+$0x0], $0xffff  }
0x54: {  	vm6 =	vgt.f32 v15, v10;
	vm7 =	vlt.f32 v15, v10  }
0x55: {  	vm8 =	vlt.f32 v16, v8;
	vm7 =	vmmov @p0 vm6;
	vm6 =	vgt.f32 v16, v8  }
0x56: {  	vm9 =	vlt.f32 v17, v9;
	vm8 =	vmmov @p0 vm6;
	vm6 =	vgt.f32 v17, v9  }
0x57: {  	vm10 =	vlt.f32 v19, v6;
	vm9 =	vmmov @p0 vm6;
	vm6 =	vgt.f32 v19, v6  }
0x58: {  	vm11 =	vlt.f32 v63, v7;
	vm10 =	vmmov @p0 vm6;
	vm6 =	vgt.f32 v63, v7  }
0x59: {  	vm11 =	vmmov @p0 vm6;
	_ =	sdelay $0x1  }
0x5a: {  	[tilespmem:v14+s14+$0x0] =	vst.idx.msk vm7, v10  }
0x5b: {  	[tilespmem:v13+s14+$0x0] =	vst.idx.msk vm8, v8  }
0x5c: {  	[tilespmem:v12+s14+$0x0] =	vst.idx.msk vm9, v9  }
0x5d: {  	[tilespmem:v18+s14+$0x0] =	vst.idx.msk vm10, v6  }
0x5e: {  	[tilespmem:v11+s14+$0x0] =	vst.idx.msk vm11, v7  }
0x5f: {  	v15 =	vld.idx.msk [tilespmem:v12+s14+$0x0], $0xffff  }
0x60: {  	v17 =	vld.idx.msk [tilespmem:v14+s14+$0x0], $0xffff  }
0x61: {  	v16 =	vld.idx.msk [tilespmem:v13+s14+$0x0], $0xffff  }
0x62: {  	s24 =	simm.s32 $0x280;
	s23 =	simm.s32 $0x140;
	vm6 =	vmmov vm0;
	v14 =	vld.idx.msk [tilespmem:v18+s14+$0x0], $0xffff  }
.LBB2_3:
0x63: {  	p1 =	sne.s32 s24, $0x1E00  }
0x64: {  	s25 =	sshra.s32 s23, $0x2;
	v11 =	vld.idx.msk [tilespmem:v11+s14+$0x0], $0xffff;
	s23 =	smov.u32 s24;
	s24 =	sadd.s32 $0x140, s24  }
0x65: {  	v12 =	vld [tilespmem:s25+$0x18F20]  }
0x66: {  	vm7 =	vgt.f32 v15, v9;
	vm8 =	vlt.f32 v15, v9;
	v18 =	vld [tilespmem:s25+$0x18710]  }
0x67: {  	vm9 =	vgt.f32 v17, v10;
	v13 =	vld [tilespmem:s25+$0x18F10]  }
0x68: {  	vm10 =	vlt.f32 v17, v10;
	vm11 =	vgt.f32 v16, v8;
	vm12 =	vlt.f32 v16, v8;
	v19 =	vld [tilespmem:s25+$0x18F00]  }
0x69: {  	vm9 =	vmor vm9, vm11;
	vm10 =	vmor vm10, vm12;
	vm11 =	vgt.f32 v14, v6;
	v10 =	vld [tilespmem:s25+$0x18700]  }
0x6a: {  	vm7 =	vmor vm9, vm7;
	vm8 =	vmor vm10, vm8;
	vm9 =	vgt.f32 v11, v7;
	v9 =	vld [tilespmem:s25+$0x18730]  }
0x6b: {  	vm10 =	vlt.f32 v14, v6;
	vm7 =	vmor vm7, vm11;
	vm11 =	vlt.f32 v11, v7;
	v15 =	vld [tilespmem:s25+$0x18720]  }
0x6c: {  	vm8 =	vmor vm8, vm10;
	vm7 =	vmor vm7, vm9;
	v14 =	vld [tilespmem:s25+$0x18F30]  }
0x6d: {  	vm8 =	vmor vm8, vm11;
	v7 =	vld [tilespmem:s25+$0x18740]  }
0x6e: {  	vm8 =	vmmov @p0 vm7;
	v11 =	vld [tilespmem:s25+$0x18F40]  }
0x6f: {  	vm6 =	vmor vm6, vm8;
	v8 =	vld.idx.msk [tilespmem:v18+s2+$0x0], $0xffff  }
0x70: {  	v16 =	vld.idx.msk [tilespmem:v19+s14+$0x0], $0xffff  }
0x71: {  	v17 =	vld.idx.msk [tilespmem:v12+s14+$0x0], $0xffff  }
0x72: {  	v6 =	vld.idx.msk [tilespmem:v9+s2+$0x0], $0xffff  }
0x73: {  	v9 =	vld.idx.msk [tilespmem:v15+s2+$0x0], $0xffff  }
0x74: {  	v15 =	vld.idx.msk [tilespmem:v14+s14+$0x0], $0xffff  }
0x75: {  	v10 =	vld.idx.msk [tilespmem:v10+s2+$0x0], $0xffff  }
0x76: {  	v18 =	vld.idx.msk [tilespmem:v13+s14+$0x0], $0xffff;
	_ =	sdelay $0x1  }
0x77: {  	v7 =	vld.idx.msk [tilespmem:v7+s2+$0x0], $0xffff  }
0x78: {  	v21 =	vmin.f32 v17, v9;
	v17 =	vmax.f32 v17, v9;
	v20 =	vld.idx.msk [tilespmem:v11+s14+$0x0], $0xffff  }
0x79: {  	v17 =	vpsel p0, v21, v17;
	v21 =	vmin.f32 v15, v6;
	v15 =	vmax.f32 v15, v6  }
0x7a: {  	v22 =	vmin.f32 v16, v10;
	v16 =	vmax.f32 v16, v10;
	v15 =	vpsel p0, v21, v15  }
0x7b: {  	v16 =	vpsel p0, v22, v16;
	v21 =	vmin.f32 v18, v8;
	v18 =	vmax.f32 v18, v8  }
0x7c: {  	[tilespmem:v19+s14+$0x0] =	vst.idx.msk $0xffff, v16;
	v16 =	vpsel p0, v21, v18  }
0x7d: {  	[tilespmem:v13+s14+$0x0] =	vst.idx.msk $0xffff, v16  }
0x7e: {  	v16 =	vmin.f32 v20, v7;
	[tilespmem:v12+s14+$0x0] =	vst.idx.msk $0xffff, v17;
	v17 =	vmax.f32 v20, v7  }
0x7f: {  	[tilespmem:v14+s14+$0x0] =	vst.idx.msk $0xffff, v15;
	v15 =	vpsel p0, v16, v17  }
0x80: {  	[tilespmem:v11+s14+$0x0] =	vst.idx.msk $0xffff, v15  }
0x81: {  	v15 =	vld.idx.msk [tilespmem:v19+s14+$0x0], $0xffff  }
0x82: {  	v16 =	vld.idx.msk [tilespmem:v13+s14+$0x0], $0xffff  }
0x83: {  	v17 =	vld.idx.msk [tilespmem:v12+s14+$0x0], $0xffff  }
0x84: {  	v18 =	vld.idx.msk [tilespmem:v14+s14+$0x0], $0xffff  }
0x85: {  	v20 =	vld.idx.msk [tilespmem:v11+s14+$0x0], $0xffff;
	_ =	sdelay $0x1  }
0x86: {  	vm7 =	vgt.f32 v15, v10;
	vm8 =	vlt.f32 v15, v10  }
0x87: {  	vm8 =	vmmov @p0 vm7;
	vm7 =	vgt.f32 v16, v8;
	vm9 =	vlt.f32 v16, v8  }
0x88: {  	vm9 =	vmmov @p0 vm7;
	vm7 =	vgt.f32 v17, v9;
	vm10 =	vlt.f32 v17, v9  }
0x89: {  	vm10 =	vmmov @p0 vm7;
	vm7 =	vgt.f32 v18, v6;
	vm11 =	vlt.f32 v18, v6  }
0x8a: {  	vm11 =	vmmov @p0 vm7;
	vm7 =	vgt.f32 v20, v7;
	vm12 =	vlt.f32 v20, v7  }
0x8b: {  	vm12 =	vmmov @p0 vm7;
	_ =	sdelay $0x1  }
0x8c: {  	[tilespmem:v19+s14+$0x0] =	vst.idx.msk vm8, v10  }
0x8d: {  	[tilespmem:v13+s14+$0x0] =	vst.idx.msk vm9, v8  }
0x8e: {  	[tilespmem:v12+s14+$0x0] =	vst.idx.msk vm10, v9  }
0x8f: {  	[tilespmem:v14+s14+$0x0] =	vst.idx.msk vm11, v6  }
.Ltmp4:
0x90: {  	[tilespmem:v11+s14+$0x0] =	vst.idx.msk vm12, v7;
	(pc) =	sbr.rel @p1 .LBB2_3-.Ltmp4, $4  }
0x91: {  	v15 =	vld.idx.msk [tilespmem:v12+s14+$0x0], $0xffff  }
0x92: {  	v17 =	vld.idx.msk [tilespmem:v19+s14+$0x0], $0xffff  }
0x93: {  	v16 =	vld.idx.msk [tilespmem:v13+s14+$0x0], $0xffff  }
0x94: {  	v14 =	vld.idx.msk [tilespmem:v14+s14+$0x0], $0xffff  }
0x95: {  	s23 =	sshra.s32 s23, $0x2  }
0x96: {  	v12 =	vld [tilespmem:s23+$0x18F20]  }
0x97: {  	v13 =	vld [tilespmem:s23+$0x18710]  }
0x98: {  	v18 =	vld [tilespmem:s23+$0x18F10]  }
0x99: {  	v19 =	vld [tilespmem:s23+$0x18F00]  }
0x9a: {  	v20 =	vld [tilespmem:s23+$0x18700]  }
0x9b: {  	v21 =	vld [tilespmem:s23+$0x18730]  }
0x9c: {  	v22 =	vld [tilespmem:s23+$0x18720]  }
0x9d: {  	v23 =	vld [tilespmem:s23+$0x18F30]  }
0x9e: {  	v24 =	vld [tilespmem:s23+$0x18740]  }
0x9f: {  	v25 =	vld [tilespmem:s23+$0x18F40]  }
0xa0: {  	v13 =	vld.idx.msk [tilespmem:v13+s2+$0x0], $0xffff  }
0xa1: {  	v26 =	vld.idx.msk [tilespmem:v19+s14+$0x0], $0xffff  }
0xa2: {  	v27 =	vld.idx.msk [tilespmem:v12+s14+$0x0], $0xffff  }
0xa3: {  	v21 =	vld.idx.msk [tilespmem:v21+s2+$0x0], $0xffff  }
0xa4: {  	v20 =	vld.idx.msk [tilespmem:v20+s2+$0x0], $0xffff  }
0xa5: {  	v22 =	vld.idx.msk [tilespmem:v22+s2+$0x0], $0xffff  }
0xa6: {  	v28 =	vld.idx.msk [tilespmem:v18+s14+$0x0], $0xffff  }
0xa7: {  	v29 =	vld.idx.msk [tilespmem:v23+s14+$0x0], $0xffff  }
0xa8: {  	v24 =	vld.idx.msk [tilespmem:v24+s2+$0x0], $0xffff  }
0xa9: {  	v30 =	vld.idx.msk [tilespmem:v25+s14+$0x0], $0xffff  }
0xaa: {  	v31 =	vmin.f32 v26, v20;
	v26 =	vmax.f32 v26, v20  }
0xab: {  	v53 =	vmin.f32 v27, v22;
	v27 =	vmax.f32 v27, v22;
	v54 =	vmin.f32 v28, v13  }
0xac: {  	v28 =	vmax.f32 v28, v13;
	v55 =	vmin.f32 v29, v21;
	v26 =	vpsel p0, v31, v26  }
0xad: {  	v11 =	vld.idx.msk [tilespmem:v11+s14+$0x0], $0xffff;
	v29 =	vmax.f32 v29, v21;
	[tilespmem:v19+s14+$0x0] =	vst.idx.msk $0xffff, v26;
	v26 =	vpsel p0, v54, v28  }
0xae: {  	v56 =	vmin.f32 v30, v24;
	v27 =	vpsel p0, v53, v27;
	[tilespmem:v18+s14+$0x0] =	vst.idx.msk $0xffff, v26  }
0xaf: {  	v57 =	vmax.f32 v30, v24;
	v28 =	vpsel p0, v55, v29;
	[tilespmem:v12+s14+$0x0] =	vst.idx.msk $0xffff, v27  }
0xb0: {  	v26 =	vpsel p0, v56, v57;
	[tilespmem:v23+s14+$0x0] =	vst.idx.msk $0xffff, v28  }
0xb1: {  	[tilespmem:v25+s14+$0x0] =	vst.idx.msk $0xffff, v26  }
0xb2: {  	v26 =	vld.idx.msk [tilespmem:v19+s14+$0x0], $0xffff  }
0xb3: {  	v58 =	vld.idx.msk [tilespmem:v18+s14+$0x0], $0xffff  }
0xb4: {  	v28 =	vld.idx.msk [tilespmem:v12+s14+$0x0], $0xffff  }
0xb5: {  	v59 =	vld.idx.msk [tilespmem:v23+s14+$0x0], $0xffff  }
0xb6: {  	v60 =	vld.idx.msk [tilespmem:v25+s14+$0x0], $0xffff  }
0xb7: {  	vm7 =	vgt.f32 v26, v20;
	vm8 =	vlt.f32 v26, v20  }
0xb8: {  	vm9 =	vgt.f32 v58, v13;
	vm10 =	vlt.f32 v58, v13;
	vm8 =	vmmov @p0 vm7  }
0xb9: {  	vm11 =	vlt.f32 v28, v22;
	vm7 =	vgt.f32 v28, v22;
	vm10 =	vmmov @p0 vm9  }
0xba: {  	vm12 =	vlt.f32 v59, v21;
	vm9 =	vgt.f32 v59, v21;
	vm11 =	vmmov @p0 vm7  }
0xbb: {  	vm12 =	vmmov @p0 vm9;
	vm7 =	vgt.f32 v60, v24;
	vm9 =	vlt.f32 v60, v24  }
0xbc: {  	vm9 =	vmmov @p0 vm7;
	_ =	sdelay $0x1  }
0xbd: {  	[tilespmem:v19+s14+$0x0] =	vst.idx.msk vm8, v20  }
0xbe: {  	[tilespmem:v18+s14+$0x0] =	vst.idx.msk vm10, v13  }
0xbf: {  	[tilespmem:v12+s14+$0x0] =	vst.idx.msk vm11, v22  }
0xc0: {  	[tilespmem:v23+s14+$0x0] =	vst.idx.msk vm12, v21  }
0xc1: {  	vm13 =	vlt.f32 v14, v6;
	[tilespmem:v25+s14+$0x0] =	vst.idx.msk vm9, v24  }
0xc2: {  	vm14 =	vgt.f32 v11, v7;
	vm7 =	vgt.f32 v17, v10;
	vm8 =	vlt.f32 v17, v10;
	v61 =	vld.idx.msk [tilespmem:v19+s14+$0x0], $0xffff  }
0xc3: {  	vm10 =	vlt.f32 v16, v8;
	vm11 =	vgt.f32 v15, v9;
	vm9 =	vgt.f32 v16, v8;
	v62 =	vld.idx.msk [tilespmem:v18+s14+$0x0], $0xffff  }
0xc4: {  	vm8 =	vmor vm8, vm10;
	vm12 =	vlt.f32 v15, v9;
	vm7 =	vmor vm7, vm9;
	v63 =	vld.idx.msk [tilespmem:v12+s14+$0x0], $0xffff  }
0xc5: {  	vm8 =	vmor vm8, vm12;
	vm12 =	vgt.f32 v14, v6;
	v6 =	vld.idx.msk [tilespmem:v23+s14+$0x0], $0xffff;
	vm7 =	vmor vm7, vm11  }
0xc6: {  	vm15 =	vlt.f32 v11, v7;
	vm8 =	vmor vm8, vm13;
	vm7 =	vmor vm7, vm12  }
0xc7: {  	v7 =	vld.idx.msk [tilespmem:v25+s14+$0x0], $0xffff;
	vm8 =	vmor vm8, vm15;
	vm7 =	vmor vm7, vm14;
	vm9 =	vgt.f32 v61, v20  }
0xc8: {  	vm10 =	vlt.f32 v61, v20;
	vm11 =	vgt.f32 v62, v13;
	vm12 =	vlt.f32 v62, v13  }
0xc9: {  	vm9 =	vmor vm9, vm11;
	vm11 =	vgt.f32 v63, v22;
	vm10 =	vmor vm10, vm12  }
0xca: {  	vm12 =	vlt.f32 v63, v22;
	vm9 =	vmor vm9, vm11;
	vm11 =	vgt.f32 v6, v21  }
0xcb: {  	vm10 =	vmor vm10, vm12;
	vm12 =	vlt.f32 v6, v21;
	vm9 =	vmor vm9, vm11  }
0xcc: {  	vm11 =	vgt.f32 v7, v24;
	vm10 =	vmor vm10, vm12;
	vm12 =	vlt.f32 v7, v24  }
0xcd: {  	vm8 =	vmmov @p0 vm7;
	vm7 =	vmor vm9, vm11;
	vm9 =	vmor vm10, vm12  }
0xce: {  	vm6 =	vmor vm6, vm8;
	vm9 =	vmmov @p0 vm7  }
0xcf: {  	vm6 =	vmor vm6, vm9  }
0xd0: {  	v6 =	vsel vm6, $0x3F800000, v4  }
0xd1: {  	(xrf0) =	vmax.scan.msk.f32 $0xffff, v6;
	_ =	sdelay $0x5  }
0xd2: {  	v6, _, _ =	vpop (xrf0)  }
0xd3: {  	(v2sf) =	vpush v6, $0xF;
	_ =	sdelay $0xe  }
0xd4: {  	s31 =	spop (v2sf)  }
0xd5: {  	p1 =	sgt.f32 s31, $0.0e+00  }
.Ltmp5:
0xd6: {  	_ = 	snop;
	(pc) =	sbr.rel @!p1 .LBB2_8-.Ltmp5, $2  }
0xd7: {  	_ =	sdelay $0x2  }
0xd8: {  	s23 =	simm.s32 $0x0  }
0xd9: {  	s24 =	sshra.s32 s23, $0x2;
	s23 =	sadd.s32 $0x40, s23  }
.LBB2_6:
0xda: {  	p1 =	sne.s32 s23, $0x1F00;
	v6 =	vld [tilespmem:s24+$0x18700];
	_ =	sdelay $0x6  }
0xdb: {  	v7 =	vld [tilespmem:s24+$0x18F00]  }
0xdc: {  	v6 =	vld.idx.msk [tilespmem:v6+s2+$0x0], $0xffff;
	_ =	sdelay $0x4  }
0xdd: {  	v7 =	vxor.u32 $0x80000000, v7  }
0xde: {  	(xrf1) =	vsort.ascd.msk.u32 $0xffff, v7, v6;
	_ =	sdelay $0xd  }
0xdf: {  	v6, v7, _ =	vpop (xrf1)  }
0xe0: {  	v6 =	vxor.u32 $0x80000000, v6  }
0xe1: {  	v9 =	vperm.xlane v7, v0;
	v8 =	vperm.xlane v6, v0;
	_ =	sdelay $0x1  }
0xe2: {  	vm6 =	veq.s32 v8, v6;
	v8 =	vmin.f32 v7, v9;
	v9 =	vmax.f32 v7, v9  }
0xe3: {  	vm6 =	vmand vm6, vm1;
	v8 =	vpsel p0, v8, v9  }
0xe4: {  	v7 =	vsel vm6, v8, v7  }
0xe5: {  	v8 =	vperm.xlane v6, v1;
	v9 =	vperm.xlane v7, v1;
	_ =	sdelay $0x1  }
0xe6: {  	vm6 =	veq.s32 v8, v6;
	v8 =	vmin.f32 v7, v9;
	v9 =	vmax.f32 v7, v9  }
0xe7: {  	vm6 =	vmand vm6, vm2;
	v8 =	vpsel p0, v8, v9  }
0xe8: {  	v7 =	vsel vm6, v8, v7  }
0xe9: {  	v8 =	vperm.xlane v6, v2;
	v9 =	vperm.xlane v7, v2;
	_ =	sdelay $0x1  }
0xea: {  	vm6 =	veq.s32 v8, v6;
	v8 =	vmin.f32 v7, v9;
	v9 =	vmax.f32 v7, v9  }
0xeb: {  	vm6 =	vmand vm6, vm3;
	v8 =	vpsel p0, v8, v9;
	v9 =	vperm.xlane v6, v5  }
0xec: {  	v7 =	vsel vm6, v8, v7;
	v8 =	vld.idx.msk [tilespmem:v6+s14+$0x0], $0xffff  }
0xed: {  	v10 =	vperm.xlane v6, v3;
	v11 =	vperm.xlane v7, v3;
	vm6 =	vne.s32 v6, v9  }
0xee: {  	vm6 =	vmor vm6, vm5  }
0xef: {  	vm7 =	veq.s32 v10, v6;
	v9 =	vmin.f32 v7, v11;
	v10 =	vmax.f32 v7, v11  }
.Ltmp6:
0xf0: {  	vm7 =	vmand vm7, vm4;
	v9 =	vpsel p0, v9, v10;
	(pc) =	sbr.rel @p1 .LBB2_6-.Ltmp6, $4  }
0xf1: {  	v7 =	vsel vm7, v9, v7  }
0xf2: {  	v9 =	vmin.f32 v8, v7;
	v7 =	vmax.f32 v8, v7  }
0xf3: {  	v7 =	vpsel p0, v9, v7  }
0xf4: {  	s24 =	sshra.s32 s23, $0x2;
	s23 =	sadd.s32 $0x40, s23;
	[tilespmem:v6+s14+$0x0] =	vst.idx.msk vm6, v7  }
0xf5: {  	v6 =	vld [tilespmem:s24+$0x18700];
	_ =	sdelay $0x6  }
0xf6: {  	v7 =	vld [tilespmem:s24+$0x18F00]  }
0xf7: {  	v6 =	vld.idx.msk [tilespmem:v6+s2+$0x0], $0xffff;
	_ =	sdelay $0x3  }
0xf8: {  	v7 =	vxor.u32 $0x80000000, v7  }
0xf9: {  	(xrf1) =	vsort.ascd.msk.u32 $0xffff, v7, v6;
	_ =	sdelay $0xd  }
0xfa: {  	v6, v7, _ =	vpop (xrf1)  }
0xfb: {  	v6 =	vxor.u32 $0x80000000, v6  }
0xfc: {  	v9 =	vperm.xlane v7, v0;
	v8 =	vperm.xlane v6, v0;
	_ =	sdelay $0x1  }
0xfd: {  	v53 =	vmin.f32 v7, v9;
	v9 =	vmax.f32 v7, v9;
	vm6 =	veq.s32 v8, v6  }
0xfe: {  	v8 =	vpsel p0, v53, v9;
	vm6 =	vmand vm6, vm1  }
0xff: {  	v7 =	vsel vm6, v8, v7  }
0x100: {  	v54 =	vperm.xlane v6, v1;
	v55 =	vperm.xlane v7, v1;
	_ =	sdelay $0x1  }
0x101: {  	vm6 =	veq.s32 v54, v6;
	v56 =	vmin.f32 v7, v55;
	v9 =	vmax.f32 v7, v55  }
0x102: {  	vm6 =	vmand vm6, vm2;
	v8 =	vpsel p0, v56, v9  }
0x103: {  	v7 =	vsel vm6, v8, v7  }
0x104: {  	v57 =	vperm.xlane v6, v2;
	v58 =	vperm.xlane v7, v2;
	_ =	sdelay $0x1  }
0x105: {  	vm6 =	veq.s32 v57, v6;
	v59 =	vmin.f32 v7, v58;
	v9 =	vmax.f32 v7, v58  }
0x106: {  	v60 =	vperm.xlane v6, v5;
	vm6 =	vmand vm6, vm3;
	v8 =	vpsel p0, v59, v9  }
0x107: {  	v7 =	vsel vm6, v8, v7  }
0x108: {  	v10 =	vperm.xlane v6, v3;
	v61 =	vld.idx.msk [tilespmem:v6+s14+$0x0], $0xffff;
	vm6 =	vne.s32 v6, v60;
	v11 =	vperm.xlane v7, v3  }
0x109: {  	vm6 =	vmor vm6, vm5  }
0x10a: {  	vm7 =	veq.s32 v10, v6;
	v62 =	vmin.f32 v7, v11;
	v63 =	vmax.f32 v7, v11  }
0x10b: {  	vm7 =	vmand vm7, vm4;
	v9 =	vpsel p0, v62, v63  }
0x10c: {  	v7 =	vsel vm7, v9, v7  }
0x10d: {  	v9 =	vmin.f32 v61, v7;
	v7 =	vmax.f32 v61, v7  }
0x10e: {  	v7 =	vpsel p0, v9, v7  }
0x10f: {  	[tilespmem:v6+s14+$0x0] =	vst.idx.msk vm6, v7  }
.LBB2_8:
0x110: {  	s22 =	sadd.s32 s22, s10  }
0x111: {  	s22 =	sshrl.u32 s22, $0x3  }
0x112: {  	s24 =	simm.s32 $0x0;
	s23 =	sadd.s32 s4, s22  }
0x113: {  	[tilespmem:s15], [sflag:$0x1] =	stream.linear.gather [hbm4b:s23+s24], $0x7D0, $0x38;
	[tilespmem:$0x1A700] =	vst v63  }
0x114: {  	s22 =	sadd.s32 s5, s22  }
0x115: {  	[tilespmem:s16], [sflag:$0x1] =	stream.linear.gather [hbm4b:s22+s24], $0x7D0, $0x38;
	[tilespmem:$0x1A700] =	vst v63  }
0x116: {  	_ =	swait.ge [sflag:s19], $0x7D0  }
0x117: {  	[sflag:s19] =	ssyncset.done $0x0  }
0x118: {  	[sflag:s19] =	ssyncadd.s32 $0xFFFFF830  }
0x119: {  	_ =	swait.ge [sflag:s19], $0x7D0  }
0x11a: {  	[sflag:s19] =	ssyncset.done $0x0  }
0x11b: {  	s31 =	simm.s32 $0x0;
	[sflag:s19] =	ssyncadd.s32 $0xFFFFF830  }
0x11c: {  	v12 =	vld [tilespmem:s31+$0x19F20]  }
0x11d: {  	v6 =	vld [tilespmem:s31+$0x19710]  }
0x11e: {  	v13 =	vld [tilespmem:s31+$0x19F10]  }
0x11f: {  	v14 =	vld [tilespmem:s31+$0x19F00]  }
0x120: {  	v7 =	vld [tilespmem:s31+$0x19700]  }
0x121: {  	v9 =	vld [tilespmem:s31+$0x19730]  }
0x122: {  	v15 =	vld [tilespmem:s31+$0x19720]  }
0x123: {  	v18 =	vld [tilespmem:s31+$0x19F30]  }
0x124: {  	v16 =	vld [tilespmem:s31+$0x19740]  }
0x125: {  	v11 =	vld [tilespmem:s31+$0x19F40]  }
0x126: {  	v8 =	vld.idx.msk [tilespmem:v6+s2+$0x0], $0xffff  }
0x127: {  	v17 =	vld.idx.msk [tilespmem:v14+s14+$0x0], $0xffff  }
0x128: {  	v19 =	vld.idx.msk [tilespmem:v12+s14+$0x0], $0xffff  }
0x129: {  	v6 =	vld.idx.msk [tilespmem:v9+s2+$0x0], $0xffff  }
0x12a: {  	v10 =	vld.idx.msk [tilespmem:v7+s2+$0x0], $0xffff  }
0x12b: {  	v9 =	vld.idx.msk [tilespmem:v15+s2+$0x0], $0xffff  }
0x12c: {  	v15 =	vld.idx.msk [tilespmem:v13+s14+$0x0], $0xffff;
	_ =	sdelay $0x1  }
0x12d: {  	v20 =	vld.idx.msk [tilespmem:v18+s14+$0x0], $0xffff  }
0x12e: {  	v7 =	vld.idx.msk [tilespmem:v16+s2+$0x0], $0xffff  }
0x12f: {  	v16 =	vld.idx.msk [tilespmem:v11+s14+$0x0], $0xffff;
	v21 =	vmin.f32 v17, v10;
	v17 =	vmax.f32 v17, v10  }
0x130: {  	v22 =	vmin.f32 v19, v9;
	v62 =	vmin.f32 v15, v8;
	v15 =	vmax.f32 v15, v8  }
0x131: {  	v19 =	vmax.f32 v19, v9;
	v17 =	vpsel p0, v21, v17;
	v15 =	vpsel p0, v62, v15  }
0x132: {  	[tilespmem:v14+s14+$0x0] =	vst.idx.msk $0xffff, v17;
	v17 =	vmin.f32 v20, v6;
	v20 =	vmax.f32 v20, v6  }
0x133: {  	v19 =	vpsel p0, v22, v19;
	v17 =	vpsel p0, v17, v20;
	[tilespmem:v13+s14+$0x0] =	vst.idx.msk $0xffff, v15  }
0x134: {  	v15 =	vmin.f32 v16, v7;
	v16 =	vmax.f32 v16, v7;
	[tilespmem:v12+s14+$0x0] =	vst.idx.msk $0xffff, v19  }
0x135: {  	v15 =	vpsel p0, v15, v16;
	[tilespmem:v18+s14+$0x0] =	vst.idx.msk $0xffff, v17  }
0x136: {  	[tilespmem:v11+s14+$0x0] =	vst.idx.msk $0xffff, v15  }
0x137: {  	v15 =	vld.idx.msk [tilespmem:v14+s14+$0x0], $0xffff  }
0x138: {  	v16 =	vld.idx.msk [tilespmem:v13+s14+$0x0], $0xffff  }
0x139: {  	v17 =	vld.idx.msk [tilespmem:v12+s14+$0x0], $0xffff  }
0x13a: {  	v19 =	vld.idx.msk [tilespmem:v18+s14+$0x0], $0xffff  }
0x13b: {  	v63 =	vld.idx.msk [tilespmem:v11+s14+$0x0], $0xffff  }
0x13c: {  	vm6 =	vgt.f32 v15, v10;
	vm7 =	vlt.f32 v15, v10  }
0x13d: {  	vm8 =	vlt.f32 v16, v8;
	vm7 =	vmmov @p0 vm6;
	vm6 =	vgt.f32 v16, v8  }
0x13e: {  	vm9 =	vlt.f32 v17, v9;
	vm8 =	vmmov @p0 vm6;
	vm6 =	vgt.f32 v17, v9  }
0x13f: {  	vm10 =	vlt.f32 v19, v6;
	vm9 =	vmmov @p0 vm6;
	vm6 =	vgt.f32 v19, v6  }
0x140: {  	vm11 =	vlt.f32 v63, v7;
	vm10 =	vmmov @p0 vm6;
	vm6 =	vgt.f32 v63, v7  }
0x141: {  	vm11 =	vmmov @p0 vm6;
	_ =	sdelay $0x1  }
0x142: {  	[tilespmem:v14+s14+$0x0] =	vst.idx.msk vm7, v10  }
0x143: {  	[tilespmem:v13+s14+$0x0] =	vst.idx.msk vm8, v8  }
0x144: {  	[tilespmem:v12+s14+$0x0] =	vst.idx.msk vm9, v9  }
0x145: {  	[tilespmem:v18+s14+$0x0] =	vst.idx.msk vm10, v6  }
0x146: {  	[tilespmem:v11+s14+$0x0] =	vst.idx.msk vm11, v7  }
0x147: {  	v15 =	vld.idx.msk [tilespmem:v12+s14+$0x0], $0xffff  }
0x148: {  	v17 =	vld.idx.msk [tilespmem:v14+s14+$0x0], $0xffff  }
0x149: {  	v16 =	vld.idx.msk [tilespmem:v13+s14+$0x0], $0xffff  }
0x14a: {  	s23 =	simm.s32 $0x280;
	s22 =	simm.s32 $0x140;
	vm6 =	vmmov vm0;
	v14 =	vld.idx.msk [tilespmem:v18+s14+$0x0], $0xffff  }
.LBB2_9:
0x14b: {  	p1 =	sne.s32 s23, $0x1E00  }
0x14c: {  	s24 =	sshra.s32 s22, $0x2;
	v11 =	vld.idx.msk [tilespmem:v11+s14+$0x0], $0xffff;
	s22 =	smov.u32 s23;
	s23 =	sadd.s32 $0x140, s23  }
0x14d: {  	v12 =	vld [tilespmem:s24+$0x19F20]  }
0x14e: {  	vm7 =	vgt.f32 v15, v9;
	vm8 =	vlt.f32 v15, v9;
	v18 =	vld [tilespmem:s24+$0x19710]  }
0x14f: {  	vm9 =	vgt.f32 v17, v10;
	v13 =	vld [tilespmem:s24+$0x19F10]  }
0x150: {  	vm10 =	vlt.f32 v17, v10;
	vm11 =	vgt.f32 v16, v8;
	vm12 =	vlt.f32 v16, v8;
	v19 =	vld [tilespmem:s24+$0x19F00]  }
0x151: {  	vm9 =	vmor vm9, vm11;
	vm10 =	vmor vm10, vm12;
	vm11 =	vgt.f32 v14, v6;
	v10 =	vld [tilespmem:s24+$0x19700]  }
0x152: {  	vm7 =	vmor vm9, vm7;
	vm8 =	vmor vm10, vm8;
	vm9 =	vgt.f32 v11, v7;
	v9 =	vld [tilespmem:s24+$0x19730]  }
0x153: {  	vm10 =	vlt.f32 v14, v6;
	vm7 =	vmor vm7, vm11;
	vm11 =	vlt.f32 v11, v7;
	v15 =	vld [tilespmem:s24+$0x19720]  }
0x154: {  	vm8 =	vmor vm8, vm10;
	vm7 =	vmor vm7, vm9;
	v14 =	vld [tilespmem:s24+$0x19F30]  }
0x155: {  	vm8 =	vmor vm8, vm11;
	v7 =	vld [tilespmem:s24+$0x19740]  }
0x156: {  	vm8 =	vmmov @p0 vm7;
	v11 =	vld [tilespmem:s24+$0x19F40]  }
0x157: {  	vm6 =	vmor vm6, vm8;
	v8 =	vld.idx.msk [tilespmem:v18+s2+$0x0], $0xffff  }
0x158: {  	v16 =	vld.idx.msk [tilespmem:v19+s14+$0x0], $0xffff  }
0x159: {  	v17 =	vld.idx.msk [tilespmem:v12+s14+$0x0], $0xffff  }
0x15a: {  	v6 =	vld.idx.msk [tilespmem:v9+s2+$0x0], $0xffff  }
0x15b: {  	v9 =	vld.idx.msk [tilespmem:v15+s2+$0x0], $0xffff  }
0x15c: {  	v15 =	vld.idx.msk [tilespmem:v14+s14+$0x0], $0xffff  }
0x15d: {  	v10 =	vld.idx.msk [tilespmem:v10+s2+$0x0], $0xffff  }
0x15e: {  	v18 =	vld.idx.msk [tilespmem:v13+s14+$0x0], $0xffff;
	_ =	sdelay $0x1  }
0x15f: {  	v7 =	vld.idx.msk [tilespmem:v7+s2+$0x0], $0xffff  }
0x160: {  	v21 =	vmin.f32 v17, v9;
	v17 =	vmax.f32 v17, v9;
	v20 =	vld.idx.msk [tilespmem:v11+s14+$0x0], $0xffff  }
0x161: {  	v17 =	vpsel p0, v21, v17;
	v21 =	vmin.f32 v15, v6;
	v15 =	vmax.f32 v15, v6  }
0x162: {  	v22 =	vmin.f32 v16, v10;
	v16 =	vmax.f32 v16, v10;
	v15 =	vpsel p0, v21, v15  }
0x163: {  	v16 =	vpsel p0, v22, v16;
	v21 =	vmin.f32 v18, v8;
	v18 =	vmax.f32 v18, v8  }
0x164: {  	[tilespmem:v19+s14+$0x0] =	vst.idx.msk $0xffff, v16;
	v16 =	vpsel p0, v21, v18  }
0x165: {  	[tilespmem:v13+s14+$0x0] =	vst.idx.msk $0xffff, v16  }
0x166: {  	v16 =	vmin.f32 v20, v7;
	[tilespmem:v12+s14+$0x0] =	vst.idx.msk $0xffff, v17;
	v17 =	vmax.f32 v20, v7  }
0x167: {  	[tilespmem:v14+s14+$0x0] =	vst.idx.msk $0xffff, v15;
	v15 =	vpsel p0, v16, v17  }
0x168: {  	[tilespmem:v11+s14+$0x0] =	vst.idx.msk $0xffff, v15  }
0x169: {  	v15 =	vld.idx.msk [tilespmem:v19+s14+$0x0], $0xffff  }
0x16a: {  	v16 =	vld.idx.msk [tilespmem:v13+s14+$0x0], $0xffff  }
0x16b: {  	v17 =	vld.idx.msk [tilespmem:v12+s14+$0x0], $0xffff  }
0x16c: {  	v18 =	vld.idx.msk [tilespmem:v14+s14+$0x0], $0xffff  }
0x16d: {  	v20 =	vld.idx.msk [tilespmem:v11+s14+$0x0], $0xffff;
	_ =	sdelay $0x1  }
0x16e: {  	vm7 =	vgt.f32 v15, v10;
	vm8 =	vlt.f32 v15, v10  }
0x16f: {  	vm8 =	vmmov @p0 vm7;
	vm7 =	vgt.f32 v16, v8;
	vm9 =	vlt.f32 v16, v8  }
0x170: {  	vm9 =	vmmov @p0 vm7;
	vm7 =	vgt.f32 v17, v9;
	vm10 =	vlt.f32 v17, v9  }
0x171: {  	vm10 =	vmmov @p0 vm7;
	vm7 =	vgt.f32 v18, v6;
	vm11 =	vlt.f32 v18, v6  }
0x172: {  	vm11 =	vmmov @p0 vm7;
	vm7 =	vgt.f32 v20, v7;
	vm12 =	vlt.f32 v20, v7  }
0x173: {  	vm12 =	vmmov @p0 vm7;
	_ =	sdelay $0x1  }
0x174: {  	[tilespmem:v19+s14+$0x0] =	vst.idx.msk vm8, v10  }
0x175: {  	[tilespmem:v13+s14+$0x0] =	vst.idx.msk vm9, v8  }
0x176: {  	[tilespmem:v12+s14+$0x0] =	vst.idx.msk vm10, v9  }
0x177: {  	[tilespmem:v14+s14+$0x0] =	vst.idx.msk vm11, v6  }
.Ltmp7:
0x178: {  	[tilespmem:v11+s14+$0x0] =	vst.idx.msk vm12, v7;
	(pc) =	sbr.rel @p1 .LBB2_9-.Ltmp7, $4  }
0x179: {  	v15 =	vld.idx.msk [tilespmem:v12+s14+$0x0], $0xffff  }
0x17a: {  	v17 =	vld.idx.msk [tilespmem:v19+s14+$0x0], $0xffff  }
0x17b: {  	v16 =	vld.idx.msk [tilespmem:v13+s14+$0x0], $0xffff  }
0x17c: {  	v14 =	vld.idx.msk [tilespmem:v14+s14+$0x0], $0xffff  }
0x17d: {  	s22 =	sshra.s32 s22, $0x2  }
0x17e: {  	v12 =	vld [tilespmem:s22+$0x19F20]  }
0x17f: {  	v13 =	vld [tilespmem:s22+$0x19710]  }
0x180: {  	v18 =	vld [tilespmem:s22+$0x19F10]  }
0x181: {  	v19 =	vld [tilespmem:s22+$0x19F00]  }
0x182: {  	v20 =	vld [tilespmem:s22+$0x19700]  }
0x183: {  	v21 =	vld [tilespmem:s22+$0x19730]  }
0x184: {  	v22 =	vld [tilespmem:s22+$0x19720]  }
0x185: {  	v23 =	vld [tilespmem:s22+$0x19F30]  }
0x186: {  	v24 =	vld [tilespmem:s22+$0x19740]  }
0x187: {  	v25 =	vld [tilespmem:s22+$0x19F40]  }
0x188: {  	v13 =	vld.idx.msk [tilespmem:v13+s2+$0x0], $0xffff  }
0x189: {  	v26 =	vld.idx.msk [tilespmem:v19+s14+$0x0], $0xffff  }
0x18a: {  	v27 =	vld.idx.msk [tilespmem:v12+s14+$0x0], $0xffff  }
0x18b: {  	v21 =	vld.idx.msk [tilespmem:v21+s2+$0x0], $0xffff  }
0x18c: {  	v20 =	vld.idx.msk [tilespmem:v20+s2+$0x0], $0xffff  }
0x18d: {  	v22 =	vld.idx.msk [tilespmem:v22+s2+$0x0], $0xffff  }
0x18e: {  	v28 =	vld.idx.msk [tilespmem:v18+s14+$0x0], $0xffff  }
0x18f: {  	v29 =	vld.idx.msk [tilespmem:v23+s14+$0x0], $0xffff  }
0x190: {  	v24 =	vld.idx.msk [tilespmem:v24+s2+$0x0], $0xffff  }
0x191: {  	v30 =	vld.idx.msk [tilespmem:v25+s14+$0x0], $0xffff  }
0x192: {  	v31 =	vmin.f32 v26, v20;
	v26 =	vmax.f32 v26, v20  }
0x193: {  	v53 =	vmin.f32 v27, v22;
	v27 =	vmax.f32 v27, v22;
	v54 =	vmin.f32 v28, v13  }
0x194: {  	v28 =	vmax.f32 v28, v13;
	v55 =	vmin.f32 v29, v21;
	v26 =	vpsel p0, v31, v26  }
0x195: {  	v11 =	vld.idx.msk [tilespmem:v11+s14+$0x0], $0xffff;
	v29 =	vmax.f32 v29, v21;
	[tilespmem:v19+s14+$0x0] =	vst.idx.msk $0xffff, v26;
	v26 =	vpsel p0, v54, v28  }
0x196: {  	v56 =	vmin.f32 v30, v24;
	v27 =	vpsel p0, v53, v27;
	[tilespmem:v18+s14+$0x0] =	vst.idx.msk $0xffff, v26  }
0x197: {  	v57 =	vmax.f32 v30, v24;
	v28 =	vpsel p0, v55, v29;
	[tilespmem:v12+s14+$0x0] =	vst.idx.msk $0xffff, v27  }
0x198: {  	v26 =	vpsel p0, v56, v57;
	[tilespmem:v23+s14+$0x0] =	vst.idx.msk $0xffff, v28  }
0x199: {  	[tilespmem:v25+s14+$0x0] =	vst.idx.msk $0xffff, v26  }
0x19a: {  	v26 =	vld.idx.msk [tilespmem:v19+s14+$0x0], $0xffff  }
0x19b: {  	v58 =	vld.idx.msk [tilespmem:v18+s14+$0x0], $0xffff  }
0x19c: {  	v28 =	vld.idx.msk [tilespmem:v12+s14+$0x0], $0xffff  }
0x19d: {  	v59 =	vld.idx.msk [tilespmem:v23+s14+$0x0], $0xffff  }
0x19e: {  	v60 =	vld.idx.msk [tilespmem:v25+s14+$0x0], $0xffff  }
0x19f: {  	vm7 =	vgt.f32 v26, v20;
	vm8 =	vlt.f32 v26, v20  }
0x1a0: {  	vm9 =	vgt.f32 v58, v13;
	vm10 =	vlt.f32 v58, v13;
	vm8 =	vmmov @p0 vm7  }
0x1a1: {  	vm11 =	vlt.f32 v28, v22;
	vm7 =	vgt.f32 v28, v22;
	vm10 =	vmmov @p0 vm9  }
0x1a2: {  	vm12 =	vlt.f32 v59, v21;
	vm9 =	vgt.f32 v59, v21;
	vm11 =	vmmov @p0 vm7  }
0x1a3: {  	vm12 =	vmmov @p0 vm9;
	vm7 =	vgt.f32 v60, v24;
	vm9 =	vlt.f32 v60, v24  }
0x1a4: {  	vm9 =	vmmov @p0 vm7;
	_ =	sdelay $0x1  }
0x1a5: {  	[tilespmem:v19+s14+$0x0] =	vst.idx.msk vm8, v20  }
0x1a6: {  	[tilespmem:v18+s14+$0x0] =	vst.idx.msk vm10, v13  }
0x1a7: {  	[tilespmem:v12+s14+$0x0] =	vst.idx.msk vm11, v22  }
0x1a8: {  	[tilespmem:v23+s14+$0x0] =	vst.idx.msk vm12, v21  }
0x1a9: {  	vm13 =	vlt.f32 v14, v6;
	[tilespmem:v25+s14+$0x0] =	vst.idx.msk vm9, v24  }
0x1aa: {  	vm14 =	vgt.f32 v11, v7;
	vm7 =	vgt.f32 v17, v10;
	vm8 =	vlt.f32 v17, v10;
	v61 =	vld.idx.msk [tilespmem:v19+s14+$0x0], $0xffff  }
0x1ab: {  	vm10 =	vlt.f32 v16, v8;
	vm11 =	vgt.f32 v15, v9;
	vm9 =	vgt.f32 v16, v8;
	v62 =	vld.idx.msk [tilespmem:v18+s14+$0x0], $0xffff  }
0x1ac: {  	vm8 =	vmor vm8, vm10;
	vm12 =	vlt.f32 v15, v9;
	vm7 =	vmor vm7, vm9;
	v63 =	vld.idx.msk [tilespmem:v12+s14+$0x0], $0xffff  }
0x1ad: {  	vm8 =	vmor vm8, vm12;
	vm12 =	vgt.f32 v14, v6;
	v6 =	vld.idx.msk [tilespmem:v23+s14+$0x0], $0xffff;
	vm7 =	vmor vm7, vm11  }
0x1ae: {  	vm15 =	vlt.f32 v11, v7;
	vm8 =	vmor vm8, vm13;
	vm7 =	vmor vm7, vm12  }
0x1af: {  	v7 =	vld.idx.msk [tilespmem:v25+s14+$0x0], $0xffff;
	vm8 =	vmor vm8, vm15;
	vm7 =	vmor vm7, vm14;
	vm9 =	vgt.f32 v61, v20  }
0x1b0: {  	vm10 =	vlt.f32 v61, v20;
	vm11 =	vgt.f32 v62, v13;
	vm12 =	vlt.f32 v62, v13  }
0x1b1: {  	vm9 =	vmor vm9, vm11;
	vm11 =	vgt.f32 v63, v22;
	vm10 =	vmor vm10, vm12  }
0x1b2: {  	vm12 =	vlt.f32 v63, v22;
	vm9 =	vmor vm9, vm11;
	vm11 =	vgt.f32 v6, v21  }
0x1b3: {  	vm10 =	vmor vm10, vm12;
	vm12 =	vlt.f32 v6, v21;
	vm9 =	vmor vm9, vm11  }
0x1b4: {  	vm11 =	vgt.f32 v7, v24;
	vm10 =	vmor vm10, vm12;
	vm12 =	vlt.f32 v7, v24  }
0x1b5: {  	vm8 =	vmmov @p0 vm7;
	vm7 =	vmor vm9, vm11;
	vm9 =	vmor vm10, vm12  }
0x1b6: {  	vm6 =	vmor vm6, vm8;
	vm9 =	vmmov @p0 vm7  }
0x1b7: {  	vm6 =	vmor vm6, vm9  }
0x1b8: {  	v6 =	vsel vm6, $0x3F800000, v4  }
0x1b9: {  	(xrf0) =	vmax.scan.msk.f32 $0xffff, v6;
	_ =	sdelay $0x5  }
0x1ba: {  	v6, _, _ =	vpop (xrf0)  }
0x1bb: {  	(v2sf) =	vpush v6, $0xF;
	_ =	sdelay $0xe  }
0x1bc: {  	s31 =	spop (v2sf)  }
0x1bd: {  	p1 =	sgt.f32 s31, $0.0e+00  }
.Ltmp8:
0x1be: {  	_ = 	snop;
	(pc) =	sbr.rel @!p1 .LBB2_14-.Ltmp8, $2  }
0x1bf: {  	_ =	sdelay $0x2  }
0x1c0: {  	s22 =	simm.s32 $0x0  }
0x1c1: {  	s23 =	sshra.s32 s22, $0x2;
	s22 =	sadd.s32 $0x40, s22  }
.LBB2_12:
0x1c2: {  	p1 =	sne.s32 s22, $0x1F00;
	v6 =	vld [tilespmem:s23+$0x19700];
	_ =	sdelay $0x6  }
0x1c3: {  	v7 =	vld [tilespmem:s23+$0x19F00]  }
0x1c4: {  	v6 =	vld.idx.msk [tilespmem:v6+s2+$0x0], $0xffff;
	_ =	sdelay $0x4  }
0x1c5: {  	v7 =	vxor.u32 $0x80000000, v7  }
0x1c6: {  	(xrf1) =	vsort.ascd.msk.u32 $0xffff, v7, v6;
	_ =	sdelay $0xd  }
0x1c7: {  	v6, v7, _ =	vpop (xrf1)  }
0x1c8: {  	v6 =	vxor.u32 $0x80000000, v6  }
0x1c9: {  	v9 =	vperm.xlane v7, v0;
	v8 =	vperm.xlane v6, v0;
	_ =	sdelay $0x1  }
0x1ca: {  	vm6 =	veq.s32 v8, v6;
	v8 =	vmin.f32 v7, v9;
	v9 =	vmax.f32 v7, v9  }
0x1cb: {  	vm6 =	vmand vm6, vm1;
	v8 =	vpsel p0, v8, v9  }
0x1cc: {  	v7 =	vsel vm6, v8, v7  }
0x1cd: {  	v8 =	vperm.xlane v6, v1;
	v9 =	vperm.xlane v7, v1;
	_ =	sdelay $0x1  }
0x1ce: {  	vm6 =	veq.s32 v8, v6;
	v8 =	vmin.f32 v7, v9;
	v9 =	vmax.f32 v7, v9  }
0x1cf: {  	vm6 =	vmand vm6, vm2;
	v8 =	vpsel p0, v8, v9  }
0x1d0: {  	v7 =	vsel vm6, v8, v7  }
0x1d1: {  	v8 =	vperm.xlane v6, v2;
	v9 =	vperm.xlane v7, v2;
	_ =	sdelay $0x1  }
0x1d2: {  	vm6 =	veq.s32 v8, v6;
	v8 =	vmin.f32 v7, v9;
	v9 =	vmax.f32 v7, v9  }
0x1d3: {  	vm6 =	vmand vm6, vm3;
	v8 =	vpsel p0, v8, v9;
	v9 =	vperm.xlane v6, v5  }
0x1d4: {  	v7 =	vsel vm6, v8, v7;
	v8 =	vld.idx.msk [tilespmem:v6+s14+$0x0], $0xffff  }
0x1d5: {  	v10 =	vperm.xlane v6, v3;
	v11 =	vperm.xlane v7, v3;
	vm6 =	vne.s32 v6, v9  }
0x1d6: {  	vm6 =	vmor vm6, vm5  }
0x1d7: {  	vm7 =	veq.s32 v10, v6;
	v9 =	vmin.f32 v7, v11;
	v10 =	vmax.f32 v7, v11  }
.Ltmp9:
0x1d8: {  	vm7 =	vmand vm7, vm4;
	v9 =	vpsel p0, v9, v10;
	(pc) =	sbr.rel @p1 .LBB2_12-.Ltmp9, $4  }
0x1d9: {  	v7 =	vsel vm7, v9, v7  }
0x1da: {  	v9 =	vmin.f32 v8, v7;
	v7 =	vmax.f32 v8, v7  }
0x1db: {  	v7 =	vpsel p0, v9, v7  }
0x1dc: {  	s23 =	sshra.s32 s22, $0x2;
	s22 =	sadd.s32 $0x40, s22;
	[tilespmem:v6+s14+$0x0] =	vst.idx.msk vm6, v7  }
0x1dd: {  	v6 =	vld [tilespmem:s23+$0x19700];
	_ =	sdelay $0x6  }
0x1de: {  	v7 =	vld [tilespmem:s23+$0x19F00]  }
0x1df: {  	v6 =	vld.idx.msk [tilespmem:v6+s2+$0x0], $0xffff;
	_ =	sdelay $0x3  }
0x1e0: {  	v7 =	vxor.u32 $0x80000000, v7  }
0x1e1: {  	(xrf1) =	vsort.ascd.msk.u32 $0xffff, v7, v6;
	_ =	sdelay $0xd  }
0x1e2: {  	v6, v7, _ =	vpop (xrf1)  }
0x1e3: {  	v6 =	vxor.u32 $0x80000000, v6  }
0x1e4: {  	v9 =	vperm.xlane v7, v0;
	v8 =	vperm.xlane v6, v0;
	_ =	sdelay $0x1  }
0x1e5: {  	v53 =	vmin.f32 v7, v9;
	v9 =	vmax.f32 v7, v9;
	vm6 =	veq.s32 v8, v6  }
0x1e6: {  	v8 =	vpsel p0, v53, v9;
	vm6 =	vmand vm6, vm1  }
0x1e7: {  	v7 =	vsel vm6, v8, v7  }
0x1e8: {  	v54 =	vperm.xlane v6, v1;
	v55 =	vperm.xlane v7, v1;
	_ =	sdelay $0x1  }
0x1e9: {  	vm6 =	veq.s32 v54, v6;
	v56 =	vmin.f32 v7, v55;
	v9 =	vmax.f32 v7, v55  }
0x1ea: {  	vm6 =	vmand vm6, vm2;
	v8 =	vpsel p0, v56, v9  }
0x1eb: {  	v7 =	vsel vm6, v8, v7  }
0x1ec: {  	v57 =	vperm.xlane v6, v2;
	v58 =	vperm.xlane v7, v2;
	_ =	sdelay $0x1  }
0x1ed: {  	vm6 =	veq.s32 v57, v6;
	v59 =	vmin.f32 v7, v58;
	v9 =	vmax.f32 v7, v58  }
0x1ee: {  	v60 =	vperm.xlane v6, v5;
	vm6 =	vmand vm6, vm3;
	v8 =	vpsel p0, v59, v9  }
0x1ef: {  	v7 =	vsel vm6, v8, v7  }
0x1f0: {  	v10 =	vperm.xlane v6, v3;
	v61 =	vld.idx.msk [tilespmem:v6+s14+$0x0], $0xffff;
	vm6 =	vne.s32 v6, v60;
	v11 =	vperm.xlane v7, v3  }
0x1f1: {  	vm6 =	vmor vm6, vm5  }
0x1f2: {  	vm7 =	veq.s32 v10, v6;
	v62 =	vmin.f32 v7, v11;
	v63 =	vmax.f32 v7, v11  }
.Ltmp10:
0x1f3: {  	vm7 =	vmand vm7, vm4;
	v9 =	vpsel p0, v62, v63;
	(pc) =	sbr.rel .LBB2_14-.Ltmp10, $4  }
0x1f4: {  	v7 =	vsel vm7, v9, v7  }
0x1f5: {  	v9 =	vmin.f32 v61, v7;
	v7 =	vmax.f32 v61, v7  }
0x1f6: {  	v7 =	vpsel p0, v9, v7  }
0x1f7: {  	[tilespmem:v6+s14+$0x0] =	vst.idx.msk vm6, v7  }
.LBB2_15:
0x1f8: {  	_ =	swait.ge [sflag:s6], $0x7D0  }
0x1f9: {  	[sflag:s6] =	ssyncset.done $0x0  }
0x1fa: {  	[sflag:s6] =	ssyncadd.s32 $0xFFFFF830  }
0x1fb: {  	_ =	swait.ge [sflag:s6], $0x7D0  }
0x1fc: {  	[sflag:s6] =	ssyncset.done $0x0  }
0x1fd: {  	s21 =	simm.s32 $0x0;
	[sflag:s6] =	ssyncadd.s32 $0xFFFFF830  }
0x1fe: {  	v12 =	vld [tilespmem:s21+$0x18F20]  }
0x1ff: {  	v6 =	vld [tilespmem:s21+$0x18710]  }
0x200: {  	v13 =	vld [tilespmem:s21+$0x18F10]  }
0x201: {  	v14 =	vld [tilespmem:s21+$0x18F00]  }
0x202: {  	v7 =	vld [tilespmem:s21+$0x18700]  }
0x203: {  	v9 =	vld [tilespmem:s21+$0x18730]  }
0x204: {  	v15 =	vld [tilespmem:s21+$0x18720]  }
0x205: {  	v18 =	vld [tilespmem:s21+$0x18F30]  }
0x206: {  	v16 =	vld [tilespmem:s21+$0x18740]  }
0x207: {  	v11 =	vld [tilespmem:s21+$0x18F40]  }
0x208: {  	v8 =	vld.idx.msk [tilespmem:v6+s2+$0x0], $0xffff  }
0x209: {  	v17 =	vld.idx.msk [tilespmem:v14+s14+$0x0], $0xffff  }
0x20a: {  	v19 =	vld.idx.msk [tilespmem:v12+s14+$0x0], $0xffff  }
0x20b: {  	v6 =	vld.idx.msk [tilespmem:v9+s2+$0x0], $0xffff  }
0x20c: {  	v10 =	vld.idx.msk [tilespmem:v7+s2+$0x0], $0xffff  }
0x20d: {  	v9 =	vld.idx.msk [tilespmem:v15+s2+$0x0], $0xffff  }
0x20e: {  	v15 =	vld.idx.msk [tilespmem:v13+s14+$0x0], $0xffff;
	_ =	sdelay $0x1  }
0x20f: {  	v20 =	vld.idx.msk [tilespmem:v18+s14+$0x0], $0xffff  }
0x210: {  	v7 =	vld.idx.msk [tilespmem:v16+s2+$0x0], $0xffff  }
0x211: {  	v16 =	vld.idx.msk [tilespmem:v11+s14+$0x0], $0xffff;
	v21 =	vmin.f32 v17, v10;
	v17 =	vmax.f32 v17, v10  }
0x212: {  	v22 =	vmin.f32 v19, v9;
	v62 =	vmin.f32 v15, v8;
	v15 =	vmax.f32 v15, v8  }
0x213: {  	v19 =	vmax.f32 v19, v9;
	v17 =	vpsel p0, v21, v17;
	v15 =	vpsel p0, v62, v15  }
0x214: {  	[tilespmem:v14+s14+$0x0] =	vst.idx.msk $0xffff, v17;
	v17 =	vmin.f32 v20, v6;
	v20 =	vmax.f32 v20, v6  }
0x215: {  	v19 =	vpsel p0, v22, v19;
	v17 =	vpsel p0, v17, v20;
	[tilespmem:v13+s14+$0x0] =	vst.idx.msk $0xffff, v15  }
0x216: {  	v15 =	vmin.f32 v16, v7;
	v16 =	vmax.f32 v16, v7;
	[tilespmem:v12+s14+$0x0] =	vst.idx.msk $0xffff, v19  }
0x217: {  	v15 =	vpsel p0, v15, v16;
	[tilespmem:v18+s14+$0x0] =	vst.idx.msk $0xffff, v17  }
0x218: {  	[tilespmem:v11+s14+$0x0] =	vst.idx.msk $0xffff, v15  }
0x219: {  	v15 =	vld.idx.msk [tilespmem:v14+s14+$0x0], $0xffff  }
0x21a: {  	v16 =	vld.idx.msk [tilespmem:v13+s14+$0x0], $0xffff  }
0x21b: {  	v17 =	vld.idx.msk [tilespmem:v12+s14+$0x0], $0xffff  }
0x21c: {  	v19 =	vld.idx.msk [tilespmem:v18+s14+$0x0], $0xffff  }
0x21d: {  	v63 =	vld.idx.msk [tilespmem:v11+s14+$0x0], $0xffff  }
0x21e: {  	vm6 =	vgt.f32 v15, v10;
	vm7 =	vlt.f32 v15, v10  }
0x21f: {  	vm8 =	vlt.f32 v16, v8;
	vm7 =	vmmov @p0 vm6;
	vm6 =	vgt.f32 v16, v8  }
0x220: {  	vm9 =	vlt.f32 v17, v9;
	vm8 =	vmmov @p0 vm6;
	vm6 =	vgt.f32 v17, v9  }
0x221: {  	vm10 =	vlt.f32 v19, v6;
	vm9 =	vmmov @p0 vm6;
	vm6 =	vgt.f32 v19, v6  }
0x222: {  	vm11 =	vlt.f32 v63, v7;
	vm10 =	vmmov @p0 vm6;
	vm6 =	vgt.f32 v63, v7  }
0x223: {  	vm11 =	vmmov @p0 vm6;
	_ =	sdelay $0x1  }
0x224: {  	[tilespmem:v14+s14+$0x0] =	vst.idx.msk vm7, v10  }
0x225: {  	[tilespmem:v13+s14+$0x0] =	vst.idx.msk vm8, v8  }
0x226: {  	[tilespmem:v12+s14+$0x0] =	vst.idx.msk vm9, v9  }
0x227: {  	[tilespmem:v18+s14+$0x0] =	vst.idx.msk vm10, v6  }
0x228: {  	[tilespmem:v11+s14+$0x0] =	vst.idx.msk vm11, v7  }
0x229: {  	v15 =	vld.idx.msk [tilespmem:v12+s14+$0x0], $0xffff  }
0x22a: {  	v17 =	vld.idx.msk [tilespmem:v14+s14+$0x0], $0xffff  }
0x22b: {  	v16 =	vld.idx.msk [tilespmem:v13+s14+$0x0], $0xffff  }
0x22c: {  	s22 =	simm.s32 $0x280;
	s21 =	simm.s32 $0x140;
	vm6 =	vmmov vm0;
	v14 =	vld.idx.msk [tilespmem:v18+s14+$0x0], $0xffff  }
.LBB2_16:
0x22d: {  	p1 =	sne.s32 s22, $0x1E00  }
0x22e: {  	s23 =	sshra.s32 s21, $0x2;
	v11 =	vld.idx.msk [tilespmem:v11+s14+$0x0], $0xffff;
	s21 =	smov.u32 s22;
	s22 =	sadd.s32 $0x140, s22  }
0x22f: {  	v12 =	vld [tilespmem:s23+$0x18F20]  }
0x230: {  	vm7 =	vgt.f32 v15, v9;
	vm8 =	vlt.f32 v15, v9;
	v18 =	vld [tilespmem:s23+$0x18710]  }
0x231: {  	vm9 =	vgt.f32 v17, v10;
	v13 =	vld [tilespmem:s23+$0x18F10]  }
0x232: {  	vm10 =	vlt.f32 v17, v10;
	vm11 =	vgt.f32 v16, v8;
	vm12 =	vlt.f32 v16, v8;
	v19 =	vld [tilespmem:s23+$0x18F00]  }
0x233: {  	vm9 =	vmor vm9, vm11;
	vm10 =	vmor vm10, vm12;
	vm11 =	vgt.f32 v14, v6;
	v10 =	vld [tilespmem:s23+$0x18700]  }
0x234: {  	vm7 =	vmor vm9, vm7;
	vm8 =	vmor vm10, vm8;
	vm9 =	vgt.f32 v11, v7;
	v9 =	vld [tilespmem:s23+$0x18730]  }
0x235: {  	vm10 =	vlt.f32 v14, v6;
	vm7 =	vmor vm7, vm11;
	vm11 =	vlt.f32 v11, v7;
	v15 =	vld [tilespmem:s23+$0x18720]  }
0x236: {  	vm8 =	vmor vm8, vm10;
	vm7 =	vmor vm7, vm9;
	v14 =	vld [tilespmem:s23+$0x18F30]  }
0x237: {  	vm8 =	vmor vm8, vm11;
	v7 =	vld [tilespmem:s23+$0x18740]  }
0x238: {  	vm8 =	vmmov @p0 vm7;
	v11 =	vld [tilespmem:s23+$0x18F40]  }
0x239: {  	vm6 =	vmor vm6, vm8;
	v8 =	vld.idx.msk [tilespmem:v18+s2+$0x0], $0xffff  }
0x23a: {  	v16 =	vld.idx.msk [tilespmem:v19+s14+$0x0], $0xffff  }
0x23b: {  	v17 =	vld.idx.msk [tilespmem:v12+s14+$0x0], $0xffff  }
0x23c: {  	v6 =	vld.idx.msk [tilespmem:v9+s2+$0x0], $0xffff  }
0x23d: {  	v9 =	vld.idx.msk [tilespmem:v15+s2+$0x0], $0xffff  }
0x23e: {  	v15 =	vld.idx.msk [tilespmem:v14+s14+$0x0], $0xffff  }
0x23f: {  	v10 =	vld.idx.msk [tilespmem:v10+s2+$0x0], $0xffff  }
0x240: {  	v18 =	vld.idx.msk [tilespmem:v13+s14+$0x0], $0xffff;
	_ =	sdelay $0x1  }
0x241: {  	v7 =	vld.idx.msk [tilespmem:v7+s2+$0x0], $0xffff  }
0x242: {  	v21 =	vmin.f32 v17, v9;
	v17 =	vmax.f32 v17, v9;
	v20 =	vld.idx.msk [tilespmem:v11+s14+$0x0], $0xffff  }
0x243: {  	v17 =	vpsel p0, v21, v17;
	v21 =	vmin.f32 v15, v6;
	v15 =	vmax.f32 v15, v6  }
0x244: {  	v22 =	vmin.f32 v16, v10;
	v16 =	vmax.f32 v16, v10;
	v15 =	vpsel p0, v21, v15  }
0x245: {  	v16 =	vpsel p0, v22, v16;
	v21 =	vmin.f32 v18, v8;
	v18 =	vmax.f32 v18, v8  }
0x246: {  	[tilespmem:v19+s14+$0x0] =	vst.idx.msk $0xffff, v16;
	v16 =	vpsel p0, v21, v18  }
0x247: {  	[tilespmem:v13+s14+$0x0] =	vst.idx.msk $0xffff, v16  }
0x248: {  	v16 =	vmin.f32 v20, v7;
	[tilespmem:v12+s14+$0x0] =	vst.idx.msk $0xffff, v17;
	v17 =	vmax.f32 v20, v7  }
0x249: {  	[tilespmem:v14+s14+$0x0] =	vst.idx.msk $0xffff, v15;
	v15 =	vpsel p0, v16, v17  }
0x24a: {  	[tilespmem:v11+s14+$0x0] =	vst.idx.msk $0xffff, v15  }
0x24b: {  	v15 =	vld.idx.msk [tilespmem:v19+s14+$0x0], $0xffff  }
0x24c: {  	v16 =	vld.idx.msk [tilespmem:v13+s14+$0x0], $0xffff  }
0x24d: {  	v17 =	vld.idx.msk [tilespmem:v12+s14+$0x0], $0xffff  }
0x24e: {  	v18 =	vld.idx.msk [tilespmem:v14+s14+$0x0], $0xffff  }
0x24f: {  	v20 =	vld.idx.msk [tilespmem:v11+s14+$0x0], $0xffff;
	_ =	sdelay $0x1  }
0x250: {  	vm7 =	vgt.f32 v15, v10;
	vm8 =	vlt.f32 v15, v10  }
0x251: {  	vm8 =	vmmov @p0 vm7;
	vm7 =	vgt.f32 v16, v8;
	vm9 =	vlt.f32 v16, v8  }
0x252: {  	vm9 =	vmmov @p0 vm7;
	vm7 =	vgt.f32 v17, v9;
	vm10 =	vlt.f32 v17, v9  }
0x253: {  	vm10 =	vmmov @p0 vm7;
	vm7 =	vgt.f32 v18, v6;
	vm11 =	vlt.f32 v18, v6  }
0x254: {  	vm11 =	vmmov @p0 vm7;
	vm7 =	vgt.f32 v20, v7;
	vm12 =	vlt.f32 v20, v7  }
0x255: {  	vm12 =	vmmov @p0 vm7;
	_ =	sdelay $0x1  }
0x256: {  	[tilespmem:v19+s14+$0x0] =	vst.idx.msk vm8, v10  }
0x257: {  	[tilespmem:v13+s14+$0x0] =	vst.idx.msk vm9, v8  }
0x258: {  	[tilespmem:v12+s14+$0x0] =	vst.idx.msk vm10, v9  }
0x259: {  	[tilespmem:v14+s14+$0x0] =	vst.idx.msk vm11, v6  }
.Ltmp11:
0x25a: {  	[tilespmem:v11+s14+$0x0] =	vst.idx.msk vm12, v7;
	(pc) =	sbr.rel @p1 .LBB2_16-.Ltmp11, $4  }
0x25b: {  	v15 =	vld.idx.msk [tilespmem:v12+s14+$0x0], $0xffff  }
0x25c: {  	v17 =	vld.idx.msk [tilespmem:v19+s14+$0x0], $0xffff  }
0x25d: {  	v16 =	vld.idx.msk [tilespmem:v13+s14+$0x0], $0xffff  }
0x25e: {  	v14 =	vld.idx.msk [tilespmem:v14+s14+$0x0], $0xffff  }
0x25f: {  	s21 =	sshra.s32 s21, $0x2  }
0x260: {  	v12 =	vld [tilespmem:s21+$0x18F20]  }
0x261: {  	v13 =	vld [tilespmem:s21+$0x18710]  }
0x262: {  	v18 =	vld [tilespmem:s21+$0x18F10]  }
0x263: {  	v19 =	vld [tilespmem:s21+$0x18F00]  }
0x264: {  	v20 =	vld [tilespmem:s21+$0x18700]  }
0x265: {  	v21 =	vld [tilespmem:s21+$0x18730]  }
0x266: {  	v22 =	vld [tilespmem:s21+$0x18720]  }
0x267: {  	v23 =	vld [tilespmem:s21+$0x18F30]  }
0x268: {  	v24 =	vld [tilespmem:s21+$0x18740]  }
0x269: {  	v25 =	vld [tilespmem:s21+$0x18F40]  }
0x26a: {  	v13 =	vld.idx.msk [tilespmem:v13+s2+$0x0], $0xffff  }
0x26b: {  	v26 =	vld.idx.msk [tilespmem:v19+s14+$0x0], $0xffff  }
0x26c: {  	v27 =	vld.idx.msk [tilespmem:v12+s14+$0x0], $0xffff  }
0x26d: {  	v21 =	vld.idx.msk [tilespmem:v21+s2+$0x0], $0xffff  }
0x26e: {  	v20 =	vld.idx.msk [tilespmem:v20+s2+$0x0], $0xffff  }
0x26f: {  	v22 =	vld.idx.msk [tilespmem:v22+s2+$0x0], $0xffff  }
0x270: {  	v28 =	vld.idx.msk [tilespmem:v18+s14+$0x0], $0xffff  }
0x271: {  	v29 =	vld.idx.msk [tilespmem:v23+s14+$0x0], $0xffff  }
0x272: {  	v24 =	vld.idx.msk [tilespmem:v24+s2+$0x0], $0xffff  }
0x273: {  	v30 =	vld.idx.msk [tilespmem:v25+s14+$0x0], $0xffff  }
0x274: {  	v31 =	vmin.f32 v26, v20;
	v26 =	vmax.f32 v26, v20  }
0x275: {  	v53 =	vmin.f32 v27, v22;
	v27 =	vmax.f32 v27, v22;
	v54 =	vmin.f32 v28, v13  }
0x276: {  	v28 =	vmax.f32 v28, v13;
	v55 =	vmin.f32 v29, v21;
	v26 =	vpsel p0, v31, v26  }
0x277: {  	v11 =	vld.idx.msk [tilespmem:v11+s14+$0x0], $0xffff;
	v29 =	vmax.f32 v29, v21;
	[tilespmem:v19+s14+$0x0] =	vst.idx.msk $0xffff, v26;
	v26 =	vpsel p0, v54, v28  }
0x278: {  	v56 =	vmin.f32 v30, v24;
	v27 =	vpsel p0, v53, v27;
	[tilespmem:v18+s14+$0x0] =	vst.idx.msk $0xffff, v26  }
0x279: {  	v57 =	vmax.f32 v30, v24;
	v28 =	vpsel p0, v55, v29;
	[tilespmem:v12+s14+$0x0] =	vst.idx.msk $0xffff, v27  }
0x27a: {  	v26 =	vpsel p0, v56, v57;
	[tilespmem:v23+s14+$0x0] =	vst.idx.msk $0xffff, v28  }
0x27b: {  	[tilespmem:v25+s14+$0x0] =	vst.idx.msk $0xffff, v26  }
0x27c: {  	v26 =	vld.idx.msk [tilespmem:v19+s14+$0x0], $0xffff  }
0x27d: {  	v58 =	vld.idx.msk [tilespmem:v18+s14+$0x0], $0xffff  }
0x27e: {  	v28 =	vld.idx.msk [tilespmem:v12+s14+$0x0], $0xffff  }
0x27f: {  	v59 =	vld.idx.msk [tilespmem:v23+s14+$0x0], $0xffff  }
0x280: {  	v60 =	vld.idx.msk [tilespmem:v25+s14+$0x0], $0xffff  }
0x281: {  	vm7 =	vgt.f32 v26, v20;
	vm8 =	vlt.f32 v26, v20  }
0x282: {  	vm9 =	vgt.f32 v58, v13;
	vm10 =	vlt.f32 v58, v13;
	vm8 =	vmmov @p0 vm7  }
0x283: {  	vm11 =	vlt.f32 v28, v22;
	vm7 =	vgt.f32 v28, v22;
	vm10 =	vmmov @p0 vm9  }
0x284: {  	vm12 =	vlt.f32 v59, v21;
	vm9 =	vgt.f32 v59, v21;
	vm11 =	vmmov @p0 vm7  }
0x285: {  	vm12 =	vmmov @p0 vm9;
	vm7 =	vgt.f32 v60, v24;
	vm9 =	vlt.f32 v60, v24  }
0x286: {  	vm9 =	vmmov @p0 vm7;
	_ =	sdelay $0x1  }
0x287: {  	[tilespmem:v19+s14+$0x0] =	vst.idx.msk vm8, v20  }
0x288: {  	[tilespmem:v18+s14+$0x0] =	vst.idx.msk vm10, v13  }
0x289: {  	[tilespmem:v12+s14+$0x0] =	vst.idx.msk vm11, v22  }
0x28a: {  	[tilespmem:v23+s14+$0x0] =	vst.idx.msk vm12, v21  }
0x28b: {  	vm13 =	vlt.f32 v14, v6;
	[tilespmem:v25+s14+$0x0] =	vst.idx.msk vm9, v24  }
0x28c: {  	vm14 =	vgt.f32 v11, v7;
	vm7 =	vgt.f32 v17, v10;
	vm8 =	vlt.f32 v17, v10;
	v61 =	vld.idx.msk [tilespmem:v19+s14+$0x0], $0xffff  }
0x28d: {  	vm10 =	vlt.f32 v16, v8;
	vm11 =	vgt.f32 v15, v9;
	vm9 =	vgt.f32 v16, v8;
	v62 =	vld.idx.msk [tilespmem:v18+s14+$0x0], $0xffff  }
0x28e: {  	vm8 =	vmor vm8, vm10;
	vm12 =	vlt.f32 v15, v9;
	vm7 =	vmor vm7, vm9;
	v63 =	vld.idx.msk [tilespmem:v12+s14+$0x0], $0xffff  }
0x28f: {  	vm8 =	vmor vm8, vm12;
	vm12 =	vgt.f32 v14, v6;
	v6 =	vld.idx.msk [tilespmem:v23+s14+$0x0], $0xffff;
	vm7 =	vmor vm7, vm11  }
0x290: {  	vm15 =	vlt.f32 v11, v7;
	vm8 =	vmor vm8, vm13;
	vm7 =	vmor vm7, vm12  }
0x291: {  	v7 =	vld.idx.msk [tilespmem:v25+s14+$0x0], $0xffff;
	vm8 =	vmor vm8, vm15;
	vm7 =	vmor vm7, vm14;
	vm9 =	vgt.f32 v61, v20  }
0x292: {  	vm10 =	vlt.f32 v61, v20;
	vm11 =	vgt.f32 v62, v13;
	vm12 =	vlt.f32 v62, v13  }
0x293: {  	vm9 =	vmor vm9, vm11;
	vm11 =	vgt.f32 v63, v22;
	vm10 =	vmor vm10, vm12  }
0x294: {  	vm12 =	vlt.f32 v63, v22;
	vm9 =	vmor vm9, vm11;
	vm11 =	vgt.f32 v6, v21  }
0x295: {  	vm10 =	vmor vm10, vm12;
	vm12 =	vlt.f32 v6, v21;
	vm9 =	vmor vm9, vm11  }
0x296: {  	vm11 =	vgt.f32 v7, v24;
	vm10 =	vmor vm10, vm12;
	vm12 =	vlt.f32 v7, v24  }
0x297: {  	vm8 =	vmmov @p0 vm7;
	vm7 =	vmor vm9, vm11;
	vm9 =	vmor vm10, vm12  }
0x298: {  	vm6 =	vmor vm6, vm8;
	vm9 =	vmmov @p0 vm7  }
0x299: {  	vm6 =	vmor vm6, vm9  }
0x29a: {  	v6 =	vsel vm6, $0x3F800000, v4  }
0x29b: {  	(xrf0) =	vmax.scan.msk.f32 $0xffff, v6;
	_ =	sdelay $0x5  }
0x29c: {  	v6, _, _ =	vpop (xrf0)  }
0x29d: {  	(v2sf) =	vpush v6, $0xF;
	_ =	sdelay $0xe  }
0x29e: {  	s31 =	spop (v2sf)  }
0x29f: {  	p1 =	sgt.f32 s31, $0.0e+00  }
.Ltmp12:
0x2a0: {  	_ = 	snop;
	(pc) =	sbr.rel @!p1 .LBB2_21-.Ltmp12, $2  }
0x2a1: {  	_ =	sdelay $0x2  }
0x2a2: {  	s21 =	simm.s32 $0x0  }
0x2a3: {  	s22 =	sshra.s32 s21, $0x2;
	s21 =	sadd.s32 $0x40, s21  }
.LBB2_19:
0x2a4: {  	p1 =	sne.s32 s21, $0x1F00;
	v6 =	vld [tilespmem:s22+$0x18700];
	_ =	sdelay $0x6  }
0x2a5: {  	v7 =	vld [tilespmem:s22+$0x18F00]  }
0x2a6: {  	v6 =	vld.idx.msk [tilespmem:v6+s2+$0x0], $0xffff;
	_ =	sdelay $0x4  }
0x2a7: {  	v7 =	vxor.u32 $0x80000000, v7  }
0x2a8: {  	(xrf1) =	vsort.ascd.msk.u32 $0xffff, v7, v6;
	_ =	sdelay $0xd  }
0x2a9: {  	v6, v7, _ =	vpop (xrf1)  }
0x2aa: {  	v6 =	vxor.u32 $0x80000000, v6  }
0x2ab: {  	v9 =	vperm.xlane v7, v0;
	v8 =	vperm.xlane v6, v0;
	_ =	sdelay $0x1  }
0x2ac: {  	vm6 =	veq.s32 v8, v6;
	v8 =	vmin.f32 v7, v9;
	v9 =	vmax.f32 v7, v9  }
0x2ad: {  	vm6 =	vmand vm6, vm1;
	v8 =	vpsel p0, v8, v9  }
0x2ae: {  	v7 =	vsel vm6, v8, v7  }
0x2af: {  	v8 =	vperm.xlane v6, v1;
	v9 =	vperm.xlane v7, v1;
	_ =	sdelay $0x1  }
0x2b0: {  	vm6 =	veq.s32 v8, v6;
	v8 =	vmin.f32 v7, v9;
	v9 =	vmax.f32 v7, v9  }
0x2b1: {  	vm6 =	vmand vm6, vm2;
	v8 =	vpsel p0, v8, v9  }
0x2b2: {  	v7 =	vsel vm6, v8, v7  }
0x2b3: {  	v8 =	vperm.xlane v6, v2;
	v9 =	vperm.xlane v7, v2;
	_ =	sdelay $0x1  }
0x2b4: {  	vm6 =	veq.s32 v8, v6;
	v8 =	vmin.f32 v7, v9;
	v9 =	vmax.f32 v7, v9  }
0x2b5: {  	vm6 =	vmand vm6, vm3;
	v8 =	vpsel p0, v8, v9;
	v9 =	vperm.xlane v6, v5  }
0x2b6: {  	v7 =	vsel vm6, v8, v7;
	v8 =	vld.idx.msk [tilespmem:v6+s14+$0x0], $0xffff  }
0x2b7: {  	v10 =	vperm.xlane v6, v3;
	v11 =	vperm.xlane v7, v3;
	vm6 =	vne.s32 v6, v9  }
0x2b8: {  	vm6 =	vmor vm6, vm5  }
0x2b9: {  	vm7 =	veq.s32 v10, v6;
	v9 =	vmin.f32 v7, v11;
	v10 =	vmax.f32 v7, v11  }
.Ltmp13:
0x2ba: {  	vm7 =	vmand vm7, vm4;
	v9 =	vpsel p0, v9, v10;
	(pc) =	sbr.rel @p1 .LBB2_19-.Ltmp13, $4  }
0x2bb: {  	v7 =	vsel vm7, v9, v7  }
0x2bc: {  	v9 =	vmin.f32 v8, v7;
	v7 =	vmax.f32 v8, v7  }
0x2bd: {  	v7 =	vpsel p0, v9, v7  }
0x2be: {  	s22 =	sshra.s32 s21, $0x2;
	s21 =	sadd.s32 $0x40, s21;
	[tilespmem:v6+s14+$0x0] =	vst.idx.msk vm6, v7  }
0x2bf: {  	v6 =	vld [tilespmem:s22+$0x18700];
	_ =	sdelay $0x6  }
0x2c0: {  	v7 =	vld [tilespmem:s22+$0x18F00]  }
0x2c1: {  	v6 =	vld.idx.msk [tilespmem:v6+s2+$0x0], $0xffff;
	_ =	sdelay $0x3  }
0x2c2: {  	v7 =	vxor.u32 $0x80000000, v7  }
0x2c3: {  	(xrf1) =	vsort.ascd.msk.u32 $0xffff, v7, v6;
	_ =	sdelay $0xd  }
0x2c4: {  	v6, v7, _ =	vpop (xrf1)  }
0x2c5: {  	v6 =	vxor.u32 $0x80000000, v6  }
0x2c6: {  	v9 =	vperm.xlane v7, v0;
	v8 =	vperm.xlane v6, v0;
	_ =	sdelay $0x1  }
0x2c7: {  	v53 =	vmin.f32 v7, v9;
	v9 =	vmax.f32 v7, v9;
	vm6 =	veq.s32 v8, v6  }
0x2c8: {  	v8 =	vpsel p0, v53, v9;
	vm6 =	vmand vm6, vm1  }
0x2c9: {  	v7 =	vsel vm6, v8, v7  }
0x2ca: {  	v54 =	vperm.xlane v6, v1;
	v55 =	vperm.xlane v7, v1;
	_ =	sdelay $0x1  }
0x2cb: {  	vm6 =	veq.s32 v54, v6;
	v56 =	vmin.f32 v7, v55;
	v9 =	vmax.f32 v7, v55  }
0x2cc: {  	vm6 =	vmand vm6, vm2;
	v8 =	vpsel p0, v56, v9  }
0x2cd: {  	v7 =	vsel vm6, v8, v7  }
0x2ce: {  	v57 =	vperm.xlane v6, v2;
	v58 =	vperm.xlane v7, v2;
	_ =	sdelay $0x1  }
0x2cf: {  	vm6 =	veq.s32 v57, v6;
	v59 =	vmin.f32 v7, v58;
	v9 =	vmax.f32 v7, v58  }
0x2d0: {  	v60 =	vperm.xlane v6, v5;
	vm6 =	vmand vm6, vm3;
	v8 =	vpsel p0, v59, v9  }
0x2d1: {  	v7 =	vsel vm6, v8, v7  }
0x2d2: {  	v10 =	vperm.xlane v6, v3;
	v61 =	vld.idx.msk [tilespmem:v6+s14+$0x0], $0xffff;
	vm6 =	vne.s32 v6, v60;
	v11 =	vperm.xlane v7, v3  }
0x2d3: {  	vm6 =	vmor vm6, vm5  }
0x2d4: {  	vm7 =	veq.s32 v10, v6;
	v62 =	vmin.f32 v7, v11;
	v63 =	vmax.f32 v7, v11  }
.Ltmp14:
0x2d5: {  	vm7 =	vmand vm7, vm4;
	v9 =	vpsel p0, v62, v63;
	(pc) =	sbr.rel .LBB2_21-.Ltmp14, $4  }
0x2d6: {  	v7 =	vsel vm7, v9, v7  }
0x2d7: {  	v9 =	vmin.f32 v61, v7;
	v7 =	vmax.f32 v61, v7  }
0x2d8: {  	v7 =	vpsel p0, v9, v7  }
0x2d9: {  	[tilespmem:v6+s14+$0x0] =	vst.idx.msk vm6, v7  }
.LBB2_22:
0x2da: {  	_ =	sfence.sel $0x180000  }
0x2db: {  	[bflag:$0x0] =	sbarrier.arrive $0xFFFF  }
0x2dc: {  	p0 =	sne.s32 s0, $0x0;
	_ =	strace $0x9000004D  }
0x2dd: {  	s0 =	sadd.s32 @!p0 $0x100000, s1;
	[bflag:$0x2] =	sbarrier.arrive $0xFFFF  }
0x2de: {  	[sflag:s0] =	ssyncadd.tile.s32 @!p0 $0x1;
	_ =	shalt  }
.Lfunc_end2:
_tile_overlayer_lowered:
.L_overlay_start_2:
0x2df: {  	(tag) =	ssettag $0x2  }
0x2e0: {  	s0 =	rddreg [dreg:$0x0];
	s2 =	stileid.u32  }
0x2e1: {  	s1 =	rddreg [dreg:$0x1];
	p0 =	sne.s32 s2, $0x0  }
0x2e2: {  	s3 =	rddreg [dreg:$0x2];
	[bflag:$0x3] =	sbarrier.arrive $0xFFFF;
	s2 =	simm.s32 @!p0 $0x1C03  }
0x2e3: {  	[timem:s3], [sflag:s2] =	dma.local @!p0 [hbm:s0], s1  }
0x2e4: {  	s0 =	simm.s32 @!p0 $0x3  }
0x2e5: {  	_ =	swait.ge @!p0 [sflag:s0], s1  }
0x2e6: {  	s1 =	ssub.s32 @!p0 $0x0, s1;
	[sflag:s0] =	ssyncset.done @!p0 $0x0  }
0x2e7: {  	[sflag:s0] =	ssyncadd.s32 @!p0 s1  }
0x2e8: {  	[bflag:$0x3] =	sbarrier.arrive $0xFFFF  }
0x2e9: {  	_ =	shalt  }

// kernel: kernel.7.cloned.1.call-start
scs
__scs_entry_jumppad:
0x0: {  	(pc) =	sbr.rel $0x88, $3  }
0x1: {  	(tag) =	ssettag $0x0;
	lr =	simm.s32 $0x1  }
0x2: {  	[smem:$0x3F99] =	sst lr;
	_ =	strace $0xD0000000  }
0x3: {  	_ = 	snop  }
0x4: {  	_ = 	snop  }
0x5: {  	_ = 	snop  }
0x6: {  	_ = 	snop  }
0x7: {  	_ = 	snop  }
__scs_overlays_trampoline_lowered:
0x8: {  	[smem:$0x3FA8] =	sst s0  }
0x9: {  	[smem:$0x3FA9] =	sst s1  }
0xa: {  	[smem:$0x3FAA] =	sst s2  }
0xb: {  	[smem:$0x3FAB] =	sst s3  }
0xc: {  	[smem:$0x3FAC] =	sst s4  }
0xd: {  	[smem:$0x3FAD] =	sst s5  }
0xe: {  	[smem:$0x3FAE] =	sst s6  }
0xf: {  	[smem:$0x3FAF] =	sst s7  }
0x10: {  	[smem:$0x3FB0] =	sst s8  }
0x11: {  	[smem:$0x3FB1] =	sst s9;
	s0 =	simm.s32 @!p0 $0x0  }
0x12: {  	s1 =	sld [smem:$0x3F97];
	s0 =	simm.s32 @p0 $0x1  }
0x13: {  	[smem:$0x3FB2] =	sst s0;
	s0 =	simm.s32 @!p1 $0x0  }
0x14: {  	s2 =	sld [smem:$0x3F96];
	s0 =	simm.s32 @p1 $0x1  }
0x15: {  	[smem:$0x3FB3] =	sst s0;
	s0 =	simm.s32 @!p2 $0x0  }
0x16: {  	s3 =	sld [smem:$0x3FDB];
	s0 =	simm.s32 @p2 $0x1  }
0x17: {  	s4 =	simm.s32 $0x1BF5;
	[smem:$0x3FB5] =	sst s0  }
0x18: {  	s0 =	sld [smem:$0x3F98];
	_ =	swait.ge [sflag:s4], $0x0  }
0x19: {  	s7 =	sld [smem:$0x3F99]  }
0x1a: {  	s8 =	sadd.s32 $0xFFFFE003, lr  }
0x1b: {  	s9 =	sadd.s32 $0xFFFFFEF7, lr;
	s5 =	simm.s32 $0xFFFFFFFF;
	p2 =	slt.u32 s8, $0xFFFFF086  }
0x1c: {  	p1 =	slt.u32 s9, $0xF7A;
	s5 =	simm.s32 @!p2 $0x0  }
0x1d: {  	s5 =	simm.s32 @p1 $0x1;
	p0 =	seq.s32 s7, s2  }
0x1e: {  	s7 =	smul.u32 @!p0 $0xF7A, s2;
	p2 =	seq.s32 @!p0 s5, $0x0  }
0x1f: {  	s9 =	smul.u32 $0xF7A, s1;
	s8 =	simm.s32 @!p0 $0x1BF5;
	p2 =	por !p2, p0  }
0x20: {  	[sflag:s8] =	ssyncset.s32 @!p0 $0xFFFFF086;
	s6 =	sadd.s32 @!p0 s3, s7;
	s7 =	simm.s32 @!p0 $0x108  }
0x21: {  	s3 =	sadd.s32 s3, s9;
	s6 =	sadd.s32 @!p0 $0x88, s6;
	s7 =	simm.s32 @p2 $0x1082  }
0x22: {  	[simem:s7], [sflag:s8] =	dma.local @!p0 [hbm:s6], $0xF7A  }
0x23: {  	s9 =	sor.u32 $0xD0000000, s2;
	s6 =	simm.s32 $0x108;
	_ =	swait.ge @!p0 [sflag:s8], $0x0  }
0x24: {  	s3 =	sadd.s32 $0x88, s3;
	s6 =	simm.s32 @!p1 $0x1082;
	[sflag:s4] =	ssyncset.s32 $0xFFFFF086  }
0x25: {  	[simem:s6], [sflag:s4] =	dma.local [hbm:s3], $0xF7A  }
0x26: {  	[smem:$0x3F99] =	sst s1;
	(tag) =	ssettag s2;
	_ =	strace s9  }
0x27: {  	s1 =	sld [smem:$0x3FA9]  }
0x28: {  	s2 =	sld [smem:$0x3FAA]  }
0x29: {  	s4 =	sld [smem:$0x3FAC]  }
0x2a: {  	p0 =	seq.s32 s5, $0x0;
	s5 =	sld [smem:$0x3FAD]  }
0x2b: {  	s6 =	sld [smem:$0x3FAE]  }
0x2c: {  	s7 =	sld [smem:$0x3FAF]  }
0x2d: {  	s3 =	simm.s32 $0x108;
	s8 =	sld [smem:$0x3FB0]  }
0x2e: {  	s3 =	simm.s32 @!p0 $0x1082;
	s9 =	sld [smem:$0x3FB1]  }
0x2f: {  	lr =	sadd.s32 s0, s3;
	s0 =	sld [smem:$0x3FA8]  }
0x30: {  	s3 =	sld [smem:$0x3FAB]  }
0x31: {  	[smem:$0x3FB4] =	sst s10  }
0x32: {  	s10 =	sld [smem:$0x3FB2];
	_ =	sdelay $0x3  }
0x33: {  	p0 =	seq.s32 s10, $0x1;
	s10 =	sld [smem:$0x3FB4];
	_ =	sdelay $0x3  }
0x34: {  	[smem:$0x3FB4] =	sst s10  }
0x35: {  	s10 =	sld [smem:$0x3FB3];
	_ =	sdelay $0x3  }
0x36: {  	p1 =	seq.s32 s10, $0x1;
	s10 =	sld [smem:$0x3FB4];
	_ =	sdelay $0x3  }
0x37: {  	[smem:$0x3FB4] =	sst s10  }
0x38: {  	s10 =	sld [smem:$0x3FB5]  }
0x39: {  	_ = 	snop;
	(pc) =	sbr.ind lr, $3  }
0x3a: {  	_ = 	snop  }
0x3b: {  	_ = 	snop  }
0x3c: {  	p2 =	seq.s32 s10, $0x1;
	s10 =	sld [smem:$0x3FB4]  }
0x3d: {  	_ =	shalt  }
0x3e: {  	_ =	shalt  }
0x3f: {  	_ =	shalt  }
0x40: {  	_ =	shalt  }
0x41: {  	_ =	shalt  }
0x42: {  	_ =	shalt  }
0x43: {  	_ =	shalt  }
0x44: {  	_ =	shalt  }
0x45: {  	_ =	shalt  }
0x46: {  	_ =	shalt  }
0x47: {  	_ =	shalt  }
0x48: {  	_ =	shalt  }
0x49: {  	_ =	shalt  }
0x4a: {  	_ =	shalt  }
0x4b: {  	_ =	shalt  }
0x4c: {  	_ =	shalt  }
0x4d: {  	_ =	shalt  }
0x4e: {  	_ =	shalt  }
0x4f: {  	_ =	shalt  }
0x50: {  	_ =	shalt  }
0x51: {  	_ =	shalt  }
0x52: {  	_ =	shalt  }
0x53: {  	_ =	shalt  }
0x54: {  	_ =	shalt  }
0x55: {  	_ =	shalt  }
0x56: {  	_ =	shalt  }
0x57: {  	_ =	shalt  }
0x58: {  	_ =	shalt  }
0x59: {  	_ =	shalt  }
0x5a: {  	_ =	shalt  }
0x5b: {  	_ =	shalt  }
0x5c: {  	_ =	shalt  }
0x5d: {  	_ =	shalt  }
0x5e: {  	_ =	shalt  }
0x5f: {  	_ =	shalt  }
0x60: {  	_ =	shalt  }
0x61: {  	_ =	shalt  }
0x62: {  	_ =	shalt  }
0x63: {  	_ =	shalt  }
0x64: {  	_ =	shalt  }
0x65: {  	_ =	shalt  }
0x66: {  	_ =	shalt  }
0x67: {  	_ =	shalt  }
0x68: {  	_ =	shalt  }
0x69: {  	_ =	shalt  }
0x6a: {  	_ =	shalt  }
0x6b: {  	_ =	shalt  }
0x6c: {  	_ =	shalt  }
0x6d: {  	_ =	shalt  }
0x6e: {  	_ =	shalt  }
0x6f: {  	_ =	shalt  }
0x70: {  	_ =	shalt  }
0x71: {  	_ =	shalt  }
0x72: {  	_ =	shalt  }
0x73: {  	_ =	shalt  }
0x74: {  	_ =	shalt  }
0x75: {  	_ =	shalt  }
0x76: {  	_ =	shalt  }
0x77: {  	_ =	shalt  }
0x78: {  	_ =	shalt  }
0x79: {  	_ =	shalt  }
0x7a: {  	_ =	shalt  }
0x7b: {  	_ =	shalt  }
0x7c: {  	_ =	shalt  }
0x7d: {  	_ =	shalt  }
0x7e: {  	_ =	shalt  }
0x7f: {  	_ =	shalt  }
0x80: {  	_ =	shalt  }
0x81: {  	_ =	shalt  }
0x82: {  	_ =	shalt  }
0x83: {  	_ =	shalt  }
0x84: {  	_ =	shalt  }
0x85: {  	_ =	shalt  }
0x86: {  	_ =	shalt  }
0x87: {  	_ =	shalt  }
.Lfunc_end0:
.L_simem_size_0:
called_computation_lowered:
.L_overlay_start_0:
0x88: {  	s2 =	sld [smem:$0x3FD9]  }
0x89: {  	s3 =	sld [smem:$0x3FFE];
	_ =	sdelay $0x1  }
0x8a: {  	s1 =	srdreg.scid  }
0x8b: {  	s0 =	sand.u32 $0x1, s1  }
0x8c: {  	s16 =	sshll.u32 s0, $0xA;
	s2 =	sadd.s32 s3, s2  }
0x8d: {  	s2 =	sadd.s32 s2, s16  }
0x8e: {  	[smem:$0x3FC0] =	sst s2  }
0x8f: {  	_ = 	snop  }
0x90: {  	(tm) =	ssettm $0x1  }
0x91: {  	s17 =	sld [smem:$0x3FFB];
	_ =	sdelay $0x3  }
0x92: {  	_ =	strace s17  }
0x93: {  	s2 =	sld [smem:$0x3FFC];
	_ =	sdelay $0x3  }
0x94: {  	_ =	strace s2  }
0x95: {  	s2 =	sld [smem:$0x3FFD];
	_ =	sdelay $0x3  }
0x96: {  	_ =	strace s2  }
0x97: {  	_ =	strace $0x8FFFFFFF  }
0x98: {  	s18 =	sld [smem:$0x3FDB];
	_ =	sdelay $0x1  }
0x99: {  	s19 =	simm.s32 $_scs_section_size  }
0x9a: {  	s4 =	simm.s32 $_size__tile_overlayer_lowered;
	s5 =	simm.s32 $_tile_overlayer_lowered  }
0x9b: {  	s22 =	simm.s32 $0x1BFF;
	s21 =	sshll.u32 s5, $0x1;
	s2 =	sadd.s32 s19, s18  }
0x9c: {  	s6 =	simm.s32 $0x0;
	s20 =	sshll.u32 s4, $0x1;
	s4 =	sadd.s32 s21, s2  }
0x9d: {  	[timem:s6], [sflag:s22] =	dma.local [hbm:s4], s20  }
0x9e: {  	_ =	swait.ge [sflag:s22], s20  }
0x9f: {  	s3 =	ssub.s32 $0x0, s20;
	[sflag:s22] =	ssyncset.done $0x0  }
0xa0: {  	[sflag:s22] =	ssyncadd.s32 s3;
	_ =	sdelay $0x1  }
0xa1: {  	s23 =	simm.s32 $0x1B8B  }
0xa2: {  	_ =	swait.ge [sflag:s23], $0x1  }
0xa3: {  	[sflag:s23] =	ssyncset.done $0x0  }
0xa4: {  	s25 =	simm.s32 $0x1B8E;
	s24 =	sld [smem:$0x3FFE];
	[sflag:s23] =	ssyncadd.s32 $0xFFFFFFFF  }
0xa5: {  	s26 =	simm.s32 $execute0_lowered;
	[smem:$0x3FD2] =	sst s25  }
0xa6: {  	s4 =	sshll.u32 s26, $0x1;
	_ =	strace $0x80000046;
	[dreg:$0x1] =	wrdreg $0xFFFFFFFF  }
0xa7: {  	s28 =	simm.s32 $_size_execute0_lowered;
	s2 =	sadd.s32 s2, s4;
	[dreg:$0x0] =	wrdreg $0x0  }
0xa8: {  	s4 =	sshll.u32 s28, $0x1;
	[dreg:$0x2] =	wrdreg s2  }
0xa9: {  	[dreg:$0x3] =	wrdreg s4  }
0xaa: {  	[dreg:$0x4] =	wrdreg $0xC0  }
0xab: {  	_ =	task [dreg:s6], $0x5FFFF  }
0xac: {  	[dreg:$0x1] =	wrdreg $0xFFFFFFFF  }
0xad: {  	[dreg:$0x0] =	wrdreg $0x60  }
0xae: {  	[dreg:$0x2] =	wrdreg s24  }
0xaf: {  	[dreg:$0x3] =	wrdreg $0x9  }
0xb0: {  	_ =	task.clear_ibuf [dreg:s6], $0x4FFFF;
	_ =	strace $0x90000046  }
0xb1: {  	s29 =	simm.s32 $0x9;
	_ =	strace $0x80000048  }
0xb2: {  	_ =	swait.ge [sflag:s29], $0x1  }
0xb3: {  	[sflag:s29] =	ssyncadd.s32 $0xFFFFFFFF  }
0xb4: {  	_ =	strace $0x90000048  }
0xb5: {  	_ =	sfence  }
0xb6: {  	s30 =	sld [smem:$0x0];
	_ =	sdelay $0x2  }
0xb7: {  	s31 =	sshll.u32 s1, $0xD;
	s1 =	sshrl.u32 s1, $0x2  }
0xb8: {  	s3 =	sand.u32 $0x4000, s31;
	s1 =	sadd.s32 s1, s30  }
0xb9: {  	s0 =	sor.u32 s3, s0;
	s1 =	sshll.u32 s1, $0x11  }
0xba: {  	s0 =	sor.u32 s1, s0  }
0xbb: {  	s0 =	sadd.s32 $0x8F2B, s0  }
0xbc: {  	[sflag:s0] =	ssyncadd.remote.s32 $0x1  }
0xbd: {  	_ =	sfence.sel $0xFFFF  }
0xbe: {  	[dreg:$0x0] =	wrdreg $0xFFFFFFFF;
	(pc) =	sbr.abs _section_cstart, $3  }
0xbf: {  	[dreg:$0x1] =	wrdreg $0xFFFFFFFF  }
0xc0: {  	_ =	task.clear_ibuf [dreg:s6], $0x2FFFF;
	_ =	strace $0x9FFFFFFF  }
0xc1: {  	(tm) =	ssettm $0x7FFFFFFF  }
tec
execute0_lowered:
.L_overlay_start_1:
0x0: {  	(tag) =	ssettag $0x1  }
0x1: {  	v0 =	vimm.s32 $0xEDCBA987;
	v1 =	vimm.s32 $0x65432100;
	s0 =	stileid.u32;
	s5 =	rddreg [dreg:$0x0]  }
0x2: {  	s2 =	srdreg.scid;
	s1 =	rddreg [dreg:$0x1];
	v2 =	vimm.s32 $0xDCBA9876;
	v3 =	vimm.s32 $0x54321000;
	v5 =	vimm.s32 $0xBA987654;
	s13 =	simm.s32 $0xC380  }
0x3: {  	v4 =	vimm.s32 $0xE40000;
	v6 =	vimm.s32 $0xFFEDCBA9;
	s14 =	simm.s32 $0x18700;
	s15 =	simm.s32 $0x19700;
	s16 =	simm.s32 $0x1A700;
	v0 =	vunpack.c.l.s4.s8 v0  }
0x4: {  	v7 =	vimm.s32 $0x87654321;
	vm1 =	vcmask $0x3F30;
	s17 =	simm.s32 $0x1B700;
	s18 =	simm.s32 $0x1;
	s19 =	simm.s32 $0x2;
	v1 =	vunpack.c.l.s4.s8 v1  }
0x5: {  	vm0 =	vmxor vm0, vm0;
	vm2 =	vcmask $0x3F08;
	s20 =	simm.s32 $0x0;
	s3 =	sshll.u32 s0, $0x1;
	s4 =	sand.u32 $0x1, s2;
	v0 =	vunpack.c.0.s8.s32 v0  }
0x6: {  	vm3 =	vcmask $0x3F10;
	s2 =	simm.s32 $0x0;
	s6 =	sand.u32 $0x4, s0;
	v4 =	vunpack.c.l.s2.s4 v4;
	s3 =	sand.u32 $0x6, s3;
	v1 =	vunpack.c.0.s8.s32 v1  }
0x7: {  	v2 =	vunpack.c.l.s4.s8 v2;
	v3 =	vunpack.c.l.s4.s8 v3;
	s9 =	sshrl.u32 s0, $0x3;
	s8 =	sshrl.u32 s6, $0x1;
	s3 =	sor.u32 s4, s3;
	v0 =	vand.u32 $0xF, v0  }
0x8: {  	v6 =	vunpack.c.l.s4.s8 v6;
	[smem:$0x7FF] =	sst s2;
	v4 =	vunpack.c.l.s4.s8 v4;
	s7 =	smul.u32 $0x186A, s3;
	s3 =	sshll.u32 s3, $0x2;
	v0 =	vcombine.low v1, v0  }
0x9: {  	s10 =	ssub.s32 $0x2, s4;
	s30 =	sshrl.u32 s6, $0x2;
	s3 =	sor.u32 s8, s3;
	v1 =	vunpack.c.0.s8.s32 v2;
	v2 =	vunpack.c.l.s4.s8 v5;
	v5 =	vimm.s32 $0x32100000  }
0xa: {  	v7 =	vunpack.c.l.s4.s8 v7;
	_ =	strace $0x80000047;
	v3 =	vunpack.c.0.s8.s32 v3;
	s8 =	sor.u32 s9, s3;
	s9 =	smul.u32 $0x61A80, s9;
	v5 =	vunpack.c.l.s4.s8 v5  }
0xb: {  	s4 =	sadd.s32 $0x1600, s5;
	s11 =	sshrl.u32 s10, $0x1;
	v4 =	vunpack.c.0.s8.s32 v4;
	s8 =	smul.u32 $0x1900, s8;
	v1 =	vand.u32 $0xF, v1;
	v2 =	vunpack.c.0.s8.s32 v2  }
.Ltmp0:
0xc: {  	p0 =	seq.s32 s30, $0x0;
	s11 =	ssub.s32 s10, s11;
	v1 =	vcombine.low v3, v1;
	v3 =	vimm.s32 $0x7060504;
	v5 =	vunpack.c.0.s8.s32 v5;
	(pc) =	sbr.rel .LBB2_1-.Ltmp0, $4  }
0xd: {  	s11 =	smax.u32 s11, $0x1;
	s7 =	sadd.s32 s7, s5;
	s3 =	sadd.s32 $0x19E00, s5;
	v4 =	vand.u32 $0x3, v4;
	v2 =	vand.u32 $0xF, v2;
	v3 =	vunpack.c.0.s8.s32 v3  }
0xe: {  	s31 =	sshrl.u32 s9, $0x3;
	s12 =	sadd.s32 s8, s5;
	s5 =	sadd.s32 $0x32600, s7;
	v2 =	vcombine.low v5, v2;
	v5 =	vunpack.c.0.s8.s32 v6;
	v6 =	vunpack.c.0.s8.s32 v7  }
0xf: {  	vm4 =	vcmask $0x3F20;
	vm5 =	vcmask $0x3F3C;
	s6 =	sadd.s32 s3, s31;
	s7 =	sadd.s32 s4, s31;
	s8 =	sadd.s32 $0xFA0, s9;
	v3 =	vsel vm1, v3, v4  }
0x10: {  	s9 =	sadd.s32 $0x1F40, s9;
	s10 =	sadd.s32 $0x3EA00, s12;
	s12 =	simm.s32 $0x3;
	v4 =	vimm.f32 $0.0e+00;
	vm1 =	vcmask $0x3F04;
	v5 =	vcombine.low v6, v5  }
.LBB2_15:
0x11: {  	_ =	swait.ge [sflag:s18], $0xFA0  }
0x12: {  	[sflag:s18] =	ssyncset.done $0x0  }
0x13: {  	[sflag:s18] =	ssyncadd.s32 $0xFFFFF060  }
0x14: {  	s20 =	sadd.s32 $0x1, s20;
	_ =	swait.ge [sflag:s18], $0xFA0  }
0x15: {  	p1 =	sne.s32 s20, s11;
	[sflag:s18] =	ssyncset.done $0x0  }
.Ltmp1:
0x16: {  	[sflag:s18] =	ssyncadd.s32 $0xFFFFF060;
	(pc) =	sbr.rel @!p1 .LBB2_16-.Ltmp1, $4  }
0x17: {  	[hbm4b:s10+s2] =	stream.linear.scatter [tilespmem:s13], [sflag:$0x3], $0xC350, $0x38;
	[tilespmem:$0x1C700] =	vst v63  }
0x18: {  	_ =	swait.ge [sflag:s12], $0xC350  }
0x19: {  	[sflag:s12] =	ssyncset.done $0x0  }
0x1a: {  	[sflag:s12] =	ssyncadd.s32 $0xFFFF3CB0  }
.LBB2_1:
0x1b: {  	[tilespmem:s2], [sflag:$0x3] =	stream.linear.gather [hbm4b:s5+s2], $0xC350, $0x38;
	[tilespmem:$0x1C700] =	vst v63  }
0x1c: {  	_ =	swait.ge [sflag:s12], $0xC350  }
0x1d: {  	[sflag:s12] =	ssyncset.done $0x0  }
0x1e: {  	[sflag:s12] =	ssyncadd.s32 $0xFFFF3CB0  }
0x1f: {  	[tilespmem:s13], [sflag:$0x3] =	stream.linear.gather [hbm4b:s5+s2], $0xC350, $0x38;
	[tilespmem:$0x1C700] =	vst v63  }
0x20: {  	_ =	swait.ge [sflag:s12], $0xC350  }
.Ltmp2:
0x21: {  	[sflag:s12] =	ssyncset.done $0x0;
	(pc) =	sbr.rel .LBB2_2-.Ltmp2, $4  }
0x22: {  	[sflag:s12] =	ssyncadd.s32 $0xFFFF3CB0  }
0x23: {  	[tilespmem:s14], [sflag:$0x1] =	stream.linear.gather [hbm4b:s6+s2], $0xFA0, $0x38;
	[tilespmem:$0x1C700] =	vst v63  }
0x24: {  	s21 =	simm.s32 $0x0  }
0x25: {  	[tilespmem:s15], [sflag:$0x1] =	stream.linear.gather [hbm4b:s7+s2], $0xFA0, $0x38;
	[tilespmem:$0x1C700] =	vst v63  }
.LBB2_14:
0x26: {  	s21 =	sadd.s32 $0x1, s21  }
0x27: {  	p1 =	sne.s32 s21, $0x32  }
.Ltmp3:
0x28: {  	_ = 	snop;
	(pc) =	sbr.rel @!p1 .LBB2_15-.Ltmp3, $1  }
0x29: {  	_ =	sdelay $0x3  }
.LBB2_2:
0x2a: {  	s22 =	smul.u32 $0x1F40, s21;
	_ =	sdelay $0x1  }
0x2b: {  	s22 =	sadd.s32 s22, s8  }
0x2c: {  	s22 =	sshrl.u32 s22, $0x3  }
0x2d: {  	s24 =	simm.s32 $0x0;
	s23 =	sadd.s32 s3, s22  }
0x2e: {  	[tilespmem:s16], [sflag:$0x2] =	stream.linear.gather [hbm4b:s23+s24], $0xFA0, $0x38;
	[tilespmem:$0x1C700] =	vst v63  }
0x2f: {  	s22 =	sadd.s32 s4, s22  }
0x30: {  	[tilespmem:s17], [sflag:$0x2] =	stream.linear.gather [hbm4b:s22+s24], $0xFA0, $0x38;
	[tilespmem:$0x1C700] =	vst v63  }
0x31: {  	_ =	swait.ge [sflag:s18], $0xFA0  }
0x32: {  	[sflag:s18] =	ssyncset.done $0x0  }
0x33: {  	[sflag:s18] =	ssyncadd.s32 $0xFFFFF060  }
0x34: {  	_ =	swait.ge [sflag:s18], $0xFA0  }
0x35: {  	[sflag:s18] =	ssyncset.done $0x0  }
0x36: {  	s31 =	simm.s32 $0x0;
	[sflag:s18] =	ssyncadd.s32 $0xFFFFF060  }
0x37: {  	v12 =	vld [tilespmem:s31+$0x19720]  }
0x38: {  	v6 =	vld [tilespmem:s31+$0x18710]  }
0x39: {  	v13 =	vld [tilespmem:s31+$0x19710]  }
0x3a: {  	v14 =	vld [tilespmem:s31+$0x19700]  }
0x3b: {  	v7 =	vld [tilespmem:s31+$0x18700]  }
0x3c: {  	v9 =	vld [tilespmem:s31+$0x18730]  }
0x3d: {  	v15 =	vld [tilespmem:s31+$0x18720]  }
0x3e: {  	v18 =	vld [tilespmem:s31+$0x19730]  }
0x3f: {  	v16 =	vld [tilespmem:s31+$0x18740]  }
0x40: {  	v11 =	vld [tilespmem:s31+$0x19740]  }
0x41: {  	v8 =	vld.idx.msk [tilespmem:v6+s2+$0x0], $0xffff  }
0x42: {  	v17 =	vld.idx.msk [tilespmem:v14+s13+$0x0], $0xffff  }
0x43: {  	v19 =	vld.idx.msk [tilespmem:v12+s13+$0x0], $0xffff  }
0x44: {  	v6 =	vld.idx.msk [tilespmem:v9+s2+$0x0], $0xffff  }
0x45: {  	v10 =	vld.idx.msk [tilespmem:v7+s2+$0x0], $0xffff  }
0x46: {  	v9 =	vld.idx.msk [tilespmem:v15+s2+$0x0], $0xffff  }
0x47: {  	v15 =	vld.idx.msk [tilespmem:v13+s13+$0x0], $0xffff;
	_ =	sdelay $0x1  }
0x48: {  	v20 =	vld.idx.msk [tilespmem:v18+s13+$0x0], $0xffff  }
0x49: {  	v7 =	vld.idx.msk [tilespmem:v16+s2+$0x0], $0xffff  }
0x4a: {  	v16 =	vld.idx.msk [tilespmem:v11+s13+$0x0], $0xffff;
	v21 =	vmin.f32 v17, v10;
	v17 =	vmax.f32 v17, v10  }
0x4b: {  	v22 =	vmin.f32 v19, v9;
	v62 =	vmin.f32 v15, v8;
	v15 =	vmax.f32 v15, v8  }
0x4c: {  	v19 =	vmax.f32 v19, v9;
	v17 =	vpsel p0, v21, v17;
	v15 =	vpsel p0, v62, v15  }
0x4d: {  	[tilespmem:v14+s13+$0x0] =	vst.idx.msk $0xffff, v17;
	v17 =	vmin.f32 v20, v6;
	v20 =	vmax.f32 v20, v6  }
0x4e: {  	v19 =	vpsel p0, v22, v19;
	v17 =	vpsel p0, v17, v20;
	[tilespmem:v13+s13+$0x0] =	vst.idx.msk $0xffff, v15  }
0x4f: {  	v15 =	vmin.f32 v16, v7;
	v16 =	vmax.f32 v16, v7;
	[tilespmem:v12+s13+$0x0] =	vst.idx.msk $0xffff, v19  }
0x50: {  	v15 =	vpsel p0, v15, v16;
	[tilespmem:v18+s13+$0x0] =	vst.idx.msk $0xffff, v17  }
0x51: {  	[tilespmem:v11+s13+$0x0] =	vst.idx.msk $0xffff, v15  }
0x52: {  	v15 =	vld.idx.msk [tilespmem:v14+s13+$0x0], $0xffff  }
0x53: {  	v16 =	vld.idx.msk [tilespmem:v13+s13+$0x0], $0xffff  }
0x54: {  	v17 =	vld.idx.msk [tilespmem:v12+s13+$0x0], $0xffff  }
0x55: {  	v19 =	vld.idx.msk [tilespmem:v18+s13+$0x0], $0xffff  }
0x56: {  	v63 =	vld.idx.msk [tilespmem:v11+s13+$0x0], $0xffff  }
0x57: {  	vm6 =	vgt.f32 v15, v10;
	vm7 =	vlt.f32 v15, v10  }
0x58: {  	vm8 =	vlt.f32 v16, v8;
	vm7 =	vmmov @p0 vm6;
	vm6 =	vgt.f32 v16, v8  }
0x59: {  	vm9 =	vlt.f32 v17, v9;
	vm8 =	vmmov @p0 vm6;
	vm6 =	vgt.f32 v17, v9  }
0x5a: {  	vm10 =	vlt.f32 v19, v6;
	vm9 =	vmmov @p0 vm6;
	vm6 =	vgt.f32 v19, v6  }
0x5b: {  	vm11 =	vlt.f32 v63, v7;
	vm10 =	vmmov @p0 vm6;
	vm6 =	vgt.f32 v63, v7  }
0x5c: {  	vm11 =	vmmov @p0 vm6;
	_ =	sdelay $0x1  }
0x5d: {  	[tilespmem:v14+s13+$0x0] =	vst.idx.msk vm7, v10  }
0x5e: {  	[tilespmem:v13+s13+$0x0] =	vst.idx.msk vm8, v8  }
0x5f: {  	[tilespmem:v12+s13+$0x0] =	vst.idx.msk vm9, v9  }
0x60: {  	[tilespmem:v18+s13+$0x0] =	vst.idx.msk vm10, v6  }
0x61: {  	[tilespmem:v11+s13+$0x0] =	vst.idx.msk vm11, v7  }
0x62: {  	v15 =	vld.idx.msk [tilespmem:v12+s13+$0x0], $0xffff  }
0x63: {  	v17 =	vld.idx.msk [tilespmem:v14+s13+$0x0], $0xffff  }
0x64: {  	v16 =	vld.idx.msk [tilespmem:v13+s13+$0x0], $0xffff  }
0x65: {  	s23 =	simm.s32 $0x280;
	s22 =	simm.s32 $0x140;
	vm6 =	vmmov vm0;
	v14 =	vld.idx.msk [tilespmem:v18+s13+$0x0], $0xffff  }
.LBB2_3:
0x66: {  	p1 =	sne.s32 s23, $0x3D40  }
0x67: {  	s24 =	sshra.s32 s22, $0x2;
	v11 =	vld.idx.msk [tilespmem:v11+s13+$0x0], $0xffff;
	s22 =	smov.u32 s23;
	s23 =	sadd.s32 $0x140, s23  }
0x68: {  	v12 =	vld [tilespmem:s24+$0x19720]  }
0x69: {  	vm7 =	vgt.f32 v15, v9;
	vm8 =	vlt.f32 v15, v9;
	v18 =	vld [tilespmem:s24+$0x18710]  }
0x6a: {  	vm9 =	vgt.f32 v17, v10;
	v13 =	vld [tilespmem:s24+$0x19710]  }
0x6b: {  	vm10 =	vlt.f32 v17, v10;
	vm11 =	vgt.f32 v16, v8;
	vm12 =	vlt.f32 v16, v8;
	v19 =	vld [tilespmem:s24+$0x19700]  }
0x6c: {  	vm9 =	vmor vm9, vm11;
	vm10 =	vmor vm10, vm12;
	vm11 =	vgt.f32 v14, v6;
	v10 =	vld [tilespmem:s24+$0x18700]  }
0x6d: {  	vm7 =	vmor vm9, vm7;
	vm8 =	vmor vm10, vm8;
	vm9 =	vgt.f32 v11, v7;
	v9 =	vld [tilespmem:s24+$0x18730]  }
0x6e: {  	vm10 =	vlt.f32 v14, v6;
	vm7 =	vmor vm7, vm11;
	vm11 =	vlt.f32 v11, v7;
	v15 =	vld [tilespmem:s24+$0x18720]  }
0x6f: {  	vm8 =	vmor vm8, vm10;
	vm7 =	vmor vm7, vm9;
	v14 =	vld [tilespmem:s24+$0x19730]  }
0x70: {  	vm8 =	vmor vm8, vm11;
	v7 =	vld [tilespmem:s24+$0x18740]  }
0x71: {  	vm8 =	vmmov @p0 vm7;
	v11 =	vld [tilespmem:s24+$0x19740]  }
0x72: {  	vm6 =	vmor vm6, vm8;
	v8 =	vld.idx.msk [tilespmem:v18+s2+$0x0], $0xffff  }
0x73: {  	v16 =	vld.idx.msk [tilespmem:v19+s13+$0x0], $0xffff  }
0x74: {  	v17 =	vld.idx.msk [tilespmem:v12+s13+$0x0], $0xffff  }
0x75: {  	v6 =	vld.idx.msk [tilespmem:v9+s2+$0x0], $0xffff  }
0x76: {  	v9 =	vld.idx.msk [tilespmem:v15+s2+$0x0], $0xffff  }
0x77: {  	v15 =	vld.idx.msk [tilespmem:v14+s13+$0x0], $0xffff  }
0x78: {  	v10 =	vld.idx.msk [tilespmem:v10+s2+$0x0], $0xffff  }
0x79: {  	v18 =	vld.idx.msk [tilespmem:v13+s13+$0x0], $0xffff;
	_ =	sdelay $0x1  }
0x7a: {  	v7 =	vld.idx.msk [tilespmem:v7+s2+$0x0], $0xffff  }
0x7b: {  	v21 =	vmin.f32 v17, v9;
	v17 =	vmax.f32 v17, v9;
	v20 =	vld.idx.msk [tilespmem:v11+s13+$0x0], $0xffff  }
0x7c: {  	v17 =	vpsel p0, v21, v17;
	v21 =	vmin.f32 v15, v6;
	v15 =	vmax.f32 v15, v6  }
0x7d: {  	v22 =	vmin.f32 v16, v10;
	v16 =	vmax.f32 v16, v10;
	v15 =	vpsel p0, v21, v15  }
0x7e: {  	v16 =	vpsel p0, v22, v16;
	v21 =	vmin.f32 v18, v8;
	v18 =	vmax.f32 v18, v8  }
0x7f: {  	[tilespmem:v19+s13+$0x0] =	vst.idx.msk $0xffff, v16;
	v16 =	vpsel p0, v21, v18  }
0x80: {  	[tilespmem:v13+s13+$0x0] =	vst.idx.msk $0xffff, v16  }
0x81: {  	v16 =	vmin.f32 v20, v7;
	[tilespmem:v12+s13+$0x0] =	vst.idx.msk $0xffff, v17;
	v17 =	vmax.f32 v20, v7  }
0x82: {  	[tilespmem:v14+s13+$0x0] =	vst.idx.msk $0xffff, v15;
	v15 =	vpsel p0, v16, v17  }
0x83: {  	[tilespmem:v11+s13+$0x0] =	vst.idx.msk $0xffff, v15  }
0x84: {  	v15 =	vld.idx.msk [tilespmem:v19+s13+$0x0], $0xffff  }
0x85: {  	v16 =	vld.idx.msk [tilespmem:v13+s13+$0x0], $0xffff  }
0x86: {  	v17 =	vld.idx.msk [tilespmem:v12+s13+$0x0], $0xffff  }
0x87: {  	v18 =	vld.idx.msk [tilespmem:v14+s13+$0x0], $0xffff  }
0x88: {  	v20 =	vld.idx.msk [tilespmem:v11+s13+$0x0], $0xffff;
	_ =	sdelay $0x1  }
0x89: {  	vm7 =	vgt.f32 v15, v10;
	vm8 =	vlt.f32 v15, v10  }
0x8a: {  	vm8 =	vmmov @p0 vm7;
	vm7 =	vgt.f32 v16, v8;
	vm9 =	vlt.f32 v16, v8  }
0x8b: {  	vm9 =	vmmov @p0 vm7;
	vm7 =	vgt.f32 v17, v9;
	vm10 =	vlt.f32 v17, v9  }
0x8c: {  	vm10 =	vmmov @p0 vm7;
	vm7 =	vgt.f32 v18, v6;
	vm11 =	vlt.f32 v18, v6  }
0x8d: {  	vm11 =	vmmov @p0 vm7;
	vm7 =	vgt.f32 v20, v7;
	vm12 =	vlt.f32 v20, v7  }
0x8e: {  	vm12 =	vmmov @p0 vm7;
	_ =	sdelay $0x1  }
0x8f: {  	[tilespmem:v19+s13+$0x0] =	vst.idx.msk vm8, v10  }
0x90: {  	[tilespmem:v13+s13+$0x0] =	vst.idx.msk vm9, v8  }
0x91: {  	[tilespmem:v12+s13+$0x0] =	vst.idx.msk vm10, v9  }
0x92: {  	[tilespmem:v14+s13+$0x0] =	vst.idx.msk vm11, v6  }
.Ltmp4:
0x93: {  	[tilespmem:v11+s13+$0x0] =	vst.idx.msk vm12, v7;
	(pc) =	sbr.rel @p1 .LBB2_3-.Ltmp4, $4  }
0x94: {  	v15 =	vld.idx.msk [tilespmem:v12+s13+$0x0], $0xffff  }
0x95: {  	v17 =	vld.idx.msk [tilespmem:v19+s13+$0x0], $0xffff  }
0x96: {  	v16 =	vld.idx.msk [tilespmem:v13+s13+$0x0], $0xffff  }
0x97: {  	v14 =	vld.idx.msk [tilespmem:v14+s13+$0x0], $0xffff  }
0x98: {  	s22 =	sshra.s32 s22, $0x2  }
0x99: {  	v12 =	vld [tilespmem:s22+$0x19720]  }
0x9a: {  	v13 =	vld [tilespmem:s22+$0x18710]  }
0x9b: {  	v18 =	vld [tilespmem:s22+$0x19710]  }
0x9c: {  	v19 =	vld [tilespmem:s22+$0x19700]  }
0x9d: {  	v20 =	vld [tilespmem:s22+$0x18700]  }
0x9e: {  	v21 =	vld [tilespmem:s22+$0x18730]  }
0x9f: {  	v22 =	vld [tilespmem:s22+$0x18720]  }
0xa0: {  	v23 =	vld [tilespmem:s22+$0x19730]  }
0xa1: {  	v24 =	vld [tilespmem:s22+$0x18740]  }
0xa2: {  	v25 =	vld [tilespmem:s22+$0x19740]  }
0xa3: {  	v13 =	vld.idx.msk [tilespmem:v13+s2+$0x0], $0xffff  }
0xa4: {  	v26 =	vld.idx.msk [tilespmem:v19+s13+$0x0], $0xffff  }
0xa5: {  	v27 =	vld.idx.msk [tilespmem:v12+s13+$0x0], $0xffff  }
0xa6: {  	v21 =	vld.idx.msk [tilespmem:v21+s2+$0x0], $0xffff  }
0xa7: {  	v20 =	vld.idx.msk [tilespmem:v20+s2+$0x0], $0xffff  }
0xa8: {  	v22 =	vld.idx.msk [tilespmem:v22+s2+$0x0], $0xffff  }
0xa9: {  	v28 =	vld.idx.msk [tilespmem:v18+s13+$0x0], $0xffff  }
0xaa: {  	v29 =	vld.idx.msk [tilespmem:v23+s13+$0x0], $0xffff  }
0xab: {  	v24 =	vld.idx.msk [tilespmem:v24+s2+$0x0], $0xffff  }
0xac: {  	v30 =	vld.idx.msk [tilespmem:v25+s13+$0x0], $0xffff  }
0xad: {  	v31 =	vmin.f32 v26, v20;
	v26 =	vmax.f32 v26, v20  }
0xae: {  	v53 =	vmin.f32 v27, v22;
	v27 =	vmax.f32 v27, v22;
	v54 =	vmin.f32 v28, v13  }
0xaf: {  	v28 =	vmax.f32 v28, v13;
	v55 =	vmin.f32 v29, v21;
	v26 =	vpsel p0, v31, v26  }
0xb0: {  	v11 =	vld.idx.msk [tilespmem:v11+s13+$0x0], $0xffff;
	v29 =	vmax.f32 v29, v21;
	[tilespmem:v19+s13+$0x0] =	vst.idx.msk $0xffff, v26;
	v26 =	vpsel p0, v54, v28  }
0xb1: {  	v56 =	vmin.f32 v30, v24;
	v27 =	vpsel p0, v53, v27;
	[tilespmem:v18+s13+$0x0] =	vst.idx.msk $0xffff, v26  }
0xb2: {  	v57 =	vmax.f32 v30, v24;
	v28 =	vpsel p0, v55, v29;
	[tilespmem:v12+s13+$0x0] =	vst.idx.msk $0xffff, v27  }
0xb3: {  	v26 =	vpsel p0, v56, v57;
	[tilespmem:v23+s13+$0x0] =	vst.idx.msk $0xffff, v28  }
0xb4: {  	[tilespmem:v25+s13+$0x0] =	vst.idx.msk $0xffff, v26  }
0xb5: {  	v26 =	vld.idx.msk [tilespmem:v19+s13+$0x0], $0xffff  }
0xb6: {  	v58 =	vld.idx.msk [tilespmem:v18+s13+$0x0], $0xffff  }
0xb7: {  	v28 =	vld.idx.msk [tilespmem:v12+s13+$0x0], $0xffff  }
0xb8: {  	v59 =	vld.idx.msk [tilespmem:v23+s13+$0x0], $0xffff  }
0xb9: {  	v60 =	vld.idx.msk [tilespmem:v25+s13+$0x0], $0xffff  }
0xba: {  	vm7 =	vgt.f32 v26, v20;
	vm8 =	vlt.f32 v26, v20  }
0xbb: {  	vm9 =	vgt.f32 v58, v13;
	vm10 =	vlt.f32 v58, v13;
	vm8 =	vmmov @p0 vm7  }
0xbc: {  	vm11 =	vlt.f32 v28, v22;
	vm7 =	vgt.f32 v28, v22;
	vm10 =	vmmov @p0 vm9  }
0xbd: {  	vm12 =	vlt.f32 v59, v21;
	vm9 =	vgt.f32 v59, v21;
	vm11 =	vmmov @p0 vm7  }
0xbe: {  	vm12 =	vmmov @p0 vm9;
	vm7 =	vgt.f32 v60, v24;
	vm9 =	vlt.f32 v60, v24  }
0xbf: {  	vm9 =	vmmov @p0 vm7;
	_ =	sdelay $0x1  }
0xc0: {  	[tilespmem:v19+s13+$0x0] =	vst.idx.msk vm8, v20  }
0xc1: {  	[tilespmem:v18+s13+$0x0] =	vst.idx.msk vm10, v13  }
0xc2: {  	[tilespmem:v12+s13+$0x0] =	vst.idx.msk vm11, v22  }
0xc3: {  	[tilespmem:v23+s13+$0x0] =	vst.idx.msk vm12, v21  }
0xc4: {  	vm13 =	vlt.f32 v14, v6;
	[tilespmem:v25+s13+$0x0] =	vst.idx.msk vm9, v24  }
0xc5: {  	vm14 =	vgt.f32 v11, v7;
	vm7 =	vgt.f32 v17, v10;
	vm8 =	vlt.f32 v17, v10;
	v61 =	vld.idx.msk [tilespmem:v19+s13+$0x0], $0xffff  }
0xc6: {  	vm10 =	vlt.f32 v16, v8;
	vm11 =	vgt.f32 v15, v9;
	vm9 =	vgt.f32 v16, v8;
	v62 =	vld.idx.msk [tilespmem:v18+s13+$0x0], $0xffff  }
0xc7: {  	vm8 =	vmor vm8, vm10;
	vm12 =	vlt.f32 v15, v9;
	vm7 =	vmor vm7, vm9;
	v63 =	vld.idx.msk [tilespmem:v12+s13+$0x0], $0xffff  }
0xc8: {  	vm8 =	vmor vm8, vm12;
	vm12 =	vgt.f32 v14, v6;
	v6 =	vld.idx.msk [tilespmem:v23+s13+$0x0], $0xffff;
	vm7 =	vmor vm7, vm11  }
0xc9: {  	vm15 =	vlt.f32 v11, v7;
	vm8 =	vmor vm8, vm13;
	vm7 =	vmor vm7, vm12  }
0xca: {  	v7 =	vld.idx.msk [tilespmem:v25+s13+$0x0], $0xffff;
	vm8 =	vmor vm8, vm15;
	vm7 =	vmor vm7, vm14;
	vm9 =	vgt.f32 v61, v20  }
0xcb: {  	vm10 =	vlt.f32 v61, v20;
	vm11 =	vgt.f32 v62, v13;
	vm12 =	vlt.f32 v62, v13  }
0xcc: {  	vm9 =	vmor vm9, vm11;
	vm11 =	vgt.f32 v63, v22;
	vm10 =	vmor vm10, vm12  }
0xcd: {  	vm12 =	vlt.f32 v63, v22;
	vm9 =	vmor vm9, vm11;
	vm11 =	vgt.f32 v6, v21  }
0xce: {  	vm10 =	vmor vm10, vm12;
	vm12 =	vlt.f32 v6, v21;
	vm9 =	vmor vm9, vm11  }
0xcf: {  	vm11 =	vgt.f32 v7, v24;
	vm10 =	vmor vm10, vm12;
	vm12 =	vlt.f32 v7, v24  }
0xd0: {  	vm8 =	vmmov @p0 vm7;
	vm7 =	vmor vm9, vm11;
	vm9 =	vmor vm10, vm12  }
0xd1: {  	vm6 =	vmor vm6, vm8;
	vm9 =	vmmov @p0 vm7  }
0xd2: {  	vm6 =	vmor vm6, vm9  }
0xd3: {  	v6 =	vsel vm6, $0x3F800000, v4  }
0xd4: {  	(xrf0) =	vmax.scan.msk.f32 $0xffff, v6;
	_ =	sdelay $0x5  }
0xd5: {  	v6, _, _ =	vpop (xrf0)  }
0xd6: {  	(v2sf) =	vpush v6, $0xF;
	_ =	sdelay $0xe  }
0xd7: {  	s31 =	spop (v2sf)  }
0xd8: {  	p1 =	sgt.f32 s31, $0.0e+00  }
.Ltmp5:
0xd9: {  	_ = 	snop;
	(pc) =	sbr.rel @!p1 .LBB2_8-.Ltmp5, $2  }
0xda: {  	_ =	sdelay $0x2  }
0xdb: {  	s22 =	simm.s32 $0x0  }
0xdc: {  	s23 =	sshra.s32 s22, $0x2;
	s22 =	sadd.s32 $0x40, s22  }
.LBB2_6:
0xdd: {  	p1 =	sne.s32 s22, $0x3E40;
	v6 =	vld [tilespmem:s23+$0x18700];
	_ =	sdelay $0x6  }
0xde: {  	v7 =	vld [tilespmem:s23+$0x19700]  }
0xdf: {  	v6 =	vld.idx.msk [tilespmem:v6+s2+$0x0], $0xffff;
	_ =	sdelay $0x4  }
0xe0: {  	v7 =	vxor.u32 $0x80000000, v7  }
0xe1: {  	(xrf1) =	vsort.ascd.msk.u32 $0xffff, v7, v6;
	_ =	sdelay $0xd  }
0xe2: {  	v6, v7, _ =	vpop (xrf1)  }
0xe3: {  	v6 =	vxor.u32 $0x80000000, v6  }
0xe4: {  	v9 =	vperm.xlane v7, v0;
	v8 =	vperm.xlane v6, v0;
	_ =	sdelay $0x1  }
0xe5: {  	vm6 =	veq.s32 v8, v6;
	v8 =	vmin.f32 v7, v9;
	v9 =	vmax.f32 v7, v9  }
0xe6: {  	vm6 =	vmand vm6, vm1;
	v8 =	vpsel p0, v8, v9  }
0xe7: {  	v7 =	vsel vm6, v8, v7  }
0xe8: {  	v8 =	vperm.xlane v6, v1;
	v9 =	vperm.xlane v7, v1;
	_ =	sdelay $0x1  }
0xe9: {  	vm6 =	veq.s32 v8, v6;
	v8 =	vmin.f32 v7, v9;
	v9 =	vmax.f32 v7, v9  }
0xea: {  	vm6 =	vmand vm6, vm2;
	v8 =	vpsel p0, v8, v9  }
0xeb: {  	v7 =	vsel vm6, v8, v7  }
0xec: {  	v8 =	vperm.xlane v6, v2;
	v9 =	vperm.xlane v7, v2;
	_ =	sdelay $0x1  }
0xed: {  	vm6 =	veq.s32 v8, v6;
	v8 =	vmin.f32 v7, v9;
	v9 =	vmax.f32 v7, v9  }
0xee: {  	vm6 =	vmand vm6, vm3;
	v8 =	vpsel p0, v8, v9;
	v9 =	vperm.xlane v6, v5  }
0xef: {  	v7 =	vsel vm6, v8, v7;
	v8 =	vld.idx.msk [tilespmem:v6+s13+$0x0], $0xffff  }
0xf0: {  	v10 =	vperm.xlane v6, v3;
	v11 =	vperm.xlane v7, v3;
	vm6 =	vne.s32 v6, v9  }
0xf1: {  	vm6 =	vmor vm6, vm5  }
0xf2: {  	vm7 =	veq.s32 v10, v6;
	v9 =	vmin.f32 v7, v11;
	v10 =	vmax.f32 v7, v11  }
.Ltmp6:
0xf3: {  	vm7 =	vmand vm7, vm4;
	v9 =	vpsel p0, v9, v10;
	(pc) =	sbr.rel @p1 .LBB2_6-.Ltmp6, $4  }
0xf4: {  	v7 =	vsel vm7, v9, v7  }
0xf5: {  	v9 =	vmin.f32 v8, v7;
	v7 =	vmax.f32 v8, v7  }
0xf6: {  	v7 =	vpsel p0, v9, v7  }
0xf7: {  	s23 =	sshra.s32 s22, $0x2;
	s22 =	sadd.s32 $0x40, s22;
	[tilespmem:v6+s13+$0x0] =	vst.idx.msk vm6, v7  }
0xf8: {  	v6 =	vld [tilespmem:s23+$0x18700];
	_ =	sdelay $0x6  }
0xf9: {  	v7 =	vld [tilespmem:s23+$0x19700]  }
0xfa: {  	v6 =	vld.idx.msk [tilespmem:v6+s2+$0x0], $0xffff;
	_ =	sdelay $0x3  }
0xfb: {  	v7 =	vxor.u32 $0x80000000, v7  }
0xfc: {  	(xrf1) =	vsort.ascd.msk.u32 $0xffff, v7, v6;
	_ =	sdelay $0xd  }
0xfd: {  	v6, v7, _ =	vpop (xrf1)  }
0xfe: {  	v6 =	vxor.u32 $0x80000000, v6  }
0xff: {  	v9 =	vperm.xlane v7, v0;
	v8 =	vperm.xlane v6, v0;
	_ =	sdelay $0x1  }
0x100: {  	v53 =	vmin.f32 v7, v9;
	v9 =	vmax.f32 v7, v9;
	vm6 =	veq.s32 v8, v6  }
0x101: {  	v8 =	vpsel p0, v53, v9;
	vm6 =	vmand vm6, vm1  }
0x102: {  	v7 =	vsel vm6, v8, v7  }
0x103: {  	v54 =	vperm.xlane v6, v1;
	v55 =	vperm.xlane v7, v1;
	_ =	sdelay $0x1  }
0x104: {  	vm6 =	veq.s32 v54, v6;
	v56 =	vmin.f32 v7, v55;
	v9 =	vmax.f32 v7, v55  }
0x105: {  	vm6 =	vmand vm6, vm2;
	v8 =	vpsel p0, v56, v9  }
0x106: {  	v7 =	vsel vm6, v8, v7  }
0x107: {  	v57 =	vperm.xlane v6, v2;
	v58 =	vperm.xlane v7, v2;
	_ =	sdelay $0x1  }
0x108: {  	vm6 =	veq.s32 v57, v6;
	v59 =	vmin.f32 v7, v58;
	v9 =	vmax.f32 v7, v58  }
0x109: {  	v60 =	vperm.xlane v6, v5;
	vm6 =	vmand vm6, vm3;
	v8 =	vpsel p0, v59, v9  }
0x10a: {  	v7 =	vsel vm6, v8, v7  }
0x10b: {  	v10 =	vperm.xlane v6, v3;
	v61 =	vld.idx.msk [tilespmem:v6+s13+$0x0], $0xffff;
	vm6 =	vne.s32 v6, v60;
	v11 =	vperm.xlane v7, v3  }
0x10c: {  	vm6 =	vmor vm6, vm5  }
0x10d: {  	vm7 =	veq.s32 v10, v6;
	v62 =	vmin.f32 v7, v11;
	v63 =	vmax.f32 v7, v11  }
0x10e: {  	vm7 =	vmand vm7, vm4;
	v9 =	vpsel p0, v62, v63  }
0x10f: {  	v7 =	vsel vm7, v9, v7  }
0x110: {  	v9 =	vmin.f32 v61, v7;
	v7 =	vmax.f32 v61, v7  }
0x111: {  	v7 =	vpsel p0, v9, v7  }
0x112: {  	[tilespmem:v6+s13+$0x0] =	vst.idx.msk vm6, v7  }
.LBB2_8:
0x113: {  	s22 =	sshll.u32 s21, $0x1  }
0x114: {  	s22 =	smin.u32 s22, $0x61  }
0x115: {  	s22 =	smul.u32 $0xFA0, s22;
	_ =	sdelay $0x1  }
0x116: {  	s22 =	sadd.s32 s22, s9  }
0x117: {  	s22 =	sshrl.u32 s22, $0x3  }
0x118: {  	s24 =	simm.s32 $0x0;
	s23 =	sadd.s32 s3, s22  }
0x119: {  	[tilespmem:s14], [sflag:$0x1] =	stream.linear.gather [hbm4b:s23+s24], $0xFA0, $0x38;
	[tilespmem:$0x1C700] =	vst v63  }
0x11a: {  	s22 =	sadd.s32 s4, s22  }
0x11b: {  	[tilespmem:s15], [sflag:$0x1] =	stream.linear.gather [hbm4b:s22+s24], $0xFA0, $0x38;
	[tilespmem:$0x1C700] =	vst v63  }
0x11c: {  	_ =	swait.ge [sflag:s19], $0xFA0  }
0x11d: {  	[sflag:s19] =	ssyncset.done $0x0  }
0x11e: {  	[sflag:s19] =	ssyncadd.s32 $0xFFFFF060  }
0x11f: {  	_ =	swait.ge [sflag:s19], $0xFA0  }
0x120: {  	[sflag:s19] =	ssyncset.done $0x0  }
0x121: {  	s31 =	simm.s32 $0x0;
	[sflag:s19] =	ssyncadd.s32 $0xFFFFF060  }
0x122: {  	v12 =	vld [tilespmem:s31+$0x1B720]  }
0x123: {  	v6 =	vld [tilespmem:s31+$0x1A710]  }
0x124: {  	v13 =	vld [tilespmem:s31+$0x1B710]  }
0x125: {  	v14 =	vld [tilespmem:s31+$0x1B700]  }
0x126: {  	v7 =	vld [tilespmem:s31+$0x1A700]  }
0x127: {  	v9 =	vld [tilespmem:s31+$0x1A730]  }
0x128: {  	v15 =	vld [tilespmem:s31+$0x1A720]  }
0x129: {  	v18 =	vld [tilespmem:s31+$0x1B730]  }
0x12a: {  	v16 =	vld [tilespmem:s31+$0x1A740]  }
0x12b: {  	v11 =	vld [tilespmem:s31+$0x1B740]  }
0x12c: {  	v8 =	vld.idx.msk [tilespmem:v6+s2+$0x0], $0xffff  }
0x12d: {  	v17 =	vld.idx.msk [tilespmem:v14+s13+$0x0], $0xffff  }
0x12e: {  	v19 =	vld.idx.msk [tilespmem:v12+s13+$0x0], $0xffff  }
0x12f: {  	v6 =	vld.idx.msk [tilespmem:v9+s2+$0x0], $0xffff  }
0x130: {  	v10 =	vld.idx.msk [tilespmem:v7+s2+$0x0], $0xffff  }
0x131: {  	v9 =	vld.idx.msk [tilespmem:v15+s2+$0x0], $0xffff  }
0x132: {  	v15 =	vld.idx.msk [tilespmem:v13+s13+$0x0], $0xffff;
	_ =	sdelay $0x1  }
0x133: {  	v20 =	vld.idx.msk [tilespmem:v18+s13+$0x0], $0xffff  }
0x134: {  	v7 =	vld.idx.msk [tilespmem:v16+s2+$0x0], $0xffff  }
0x135: {  	v16 =	vld.idx.msk [tilespmem:v11+s13+$0x0], $0xffff;
	v21 =	vmin.f32 v17, v10;
	v17 =	vmax.f32 v17, v10  }
0x136: {  	v22 =	vmin.f32 v19, v9;
	v62 =	vmin.f32 v15, v8;
	v15 =	vmax.f32 v15, v8  }
0x137: {  	v19 =	vmax.f32 v19, v9;
	v17 =	vpsel p0, v21, v17;
	v15 =	vpsel p0, v62, v15  }
0x138: {  	[tilespmem:v14+s13+$0x0] =	vst.idx.msk $0xffff, v17;
	v17 =	vmin.f32 v20, v6;
	v20 =	vmax.f32 v20, v6  }
0x139: {  	v19 =	vpsel p0, v22, v19;
	v17 =	vpsel p0, v17, v20;
	[tilespmem:v13+s13+$0x0] =	vst.idx.msk $0xffff, v15  }
0x13a: {  	v15 =	vmin.f32 v16, v7;
	v16 =	vmax.f32 v16, v7;
	[tilespmem:v12+s13+$0x0] =	vst.idx.msk $0xffff, v19  }
0x13b: {  	v15 =	vpsel p0, v15, v16;
	[tilespmem:v18+s13+$0x0] =	vst.idx.msk $0xffff, v17  }
0x13c: {  	[tilespmem:v11+s13+$0x0] =	vst.idx.msk $0xffff, v15  }
0x13d: {  	v15 =	vld.idx.msk [tilespmem:v14+s13+$0x0], $0xffff  }
0x13e: {  	v16 =	vld.idx.msk [tilespmem:v13+s13+$0x0], $0xffff  }
0x13f: {  	v17 =	vld.idx.msk [tilespmem:v12+s13+$0x0], $0xffff  }
0x140: {  	v19 =	vld.idx.msk [tilespmem:v18+s13+$0x0], $0xffff  }
0x141: {  	v63 =	vld.idx.msk [tilespmem:v11+s13+$0x0], $0xffff  }
0x142: {  	vm6 =	vgt.f32 v15, v10;
	vm7 =	vlt.f32 v15, v10  }
0x143: {  	vm8 =	vlt.f32 v16, v8;
	vm7 =	vmmov @p0 vm6;
	vm6 =	vgt.f32 v16, v8  }
0x144: {  	vm9 =	vlt.f32 v17, v9;
	vm8 =	vmmov @p0 vm6;
	vm6 =	vgt.f32 v17, v9  }
0x145: {  	vm10 =	vlt.f32 v19, v6;
	vm9 =	vmmov @p0 vm6;
	vm6 =	vgt.f32 v19, v6  }
0x146: {  	vm11 =	vlt.f32 v63, v7;
	vm10 =	vmmov @p0 vm6;
	vm6 =	vgt.f32 v63, v7  }
0x147: {  	vm11 =	vmmov @p0 vm6;
	_ =	sdelay $0x1  }
0x148: {  	[tilespmem:v14+s13+$0x0] =	vst.idx.msk vm7, v10  }
0x149: {  	[tilespmem:v13+s13+$0x0] =	vst.idx.msk vm8, v8  }
0x14a: {  	[tilespmem:v12+s13+$0x0] =	vst.idx.msk vm9, v9  }
0x14b: {  	[tilespmem:v18+s13+$0x0] =	vst.idx.msk vm10, v6  }
0x14c: {  	[tilespmem:v11+s13+$0x0] =	vst.idx.msk vm11, v7  }
0x14d: {  	v15 =	vld.idx.msk [tilespmem:v12+s13+$0x0], $0xffff  }
0x14e: {  	v17 =	vld.idx.msk [tilespmem:v14+s13+$0x0], $0xffff  }
0x14f: {  	v16 =	vld.idx.msk [tilespmem:v13+s13+$0x0], $0xffff  }
0x150: {  	s23 =	simm.s32 $0x280;
	s22 =	simm.s32 $0x140;
	vm6 =	vmmov vm0;
	v14 =	vld.idx.msk [tilespmem:v18+s13+$0x0], $0xffff  }
.LBB2_9:
0x151: {  	p1 =	sne.s32 s23, $0x3D40  }
0x152: {  	s24 =	sshra.s32 s22, $0x2;
	v11 =	vld.idx.msk [tilespmem:v11+s13+$0x0], $0xffff;
	s22 =	smov.u32 s23;
	s23 =	sadd.s32 $0x140, s23  }
0x153: {  	v12 =	vld [tilespmem:s24+$0x1B720]  }
0x154: {  	vm7 =	vgt.f32 v15, v9;
	vm8 =	vlt.f32 v15, v9;
	v18 =	vld [tilespmem:s24+$0x1A710]  }
0x155: {  	vm9 =	vgt.f32 v17, v10;
	v13 =	vld [tilespmem:s24+$0x1B710]  }
0x156: {  	vm10 =	vlt.f32 v17, v10;
	vm11 =	vgt.f32 v16, v8;
	vm12 =	vlt.f32 v16, v8;
	v19 =	vld [tilespmem:s24+$0x1B700]  }
0x157: {  	vm9 =	vmor vm9, vm11;
	vm10 =	vmor vm10, vm12;
	vm11 =	vgt.f32 v14, v6;
	v10 =	vld [tilespmem:s24+$0x1A700]  }
0x158: {  	vm7 =	vmor vm9, vm7;
	vm8 =	vmor vm10, vm8;
	vm9 =	vgt.f32 v11, v7;
	v9 =	vld [tilespmem:s24+$0x1A730]  }
0x159: {  	vm10 =	vlt.f32 v14, v6;
	vm7 =	vmor vm7, vm11;
	vm11 =	vlt.f32 v11, v7;
	v15 =	vld [tilespmem:s24+$0x1A720]  }
0x15a: {  	vm8 =	vmor vm8, vm10;
	vm7 =	vmor vm7, vm9;
	v14 =	vld [tilespmem:s24+$0x1B730]  }
0x15b: {  	vm8 =	vmor vm8, vm11;
	v7 =	vld [tilespmem:s24+$0x1A740]  }
0x15c: {  	vm8 =	vmmov @p0 vm7;
	v11 =	vld [tilespmem:s24+$0x1B740]  }
0x15d: {  	vm6 =	vmor vm6, vm8;
	v8 =	vld.idx.msk [tilespmem:v18+s2+$0x0], $0xffff  }
0x15e: {  	v16 =	vld.idx.msk [tilespmem:v19+s13+$0x0], $0xffff  }
0x15f: {  	v17 =	vld.idx.msk [tilespmem:v12+s13+$0x0], $0xffff  }
0x160: {  	v6 =	vld.idx.msk [tilespmem:v9+s2+$0x0], $0xffff  }
0x161: {  	v9 =	vld.idx.msk [tilespmem:v15+s2+$0x0], $0xffff  }
0x162: {  	v15 =	vld.idx.msk [tilespmem:v14+s13+$0x0], $0xffff  }
0x163: {  	v10 =	vld.idx.msk [tilespmem:v10+s2+$0x0], $0xffff  }
0x164: {  	v18 =	vld.idx.msk [tilespmem:v13+s13+$0x0], $0xffff;
	_ =	sdelay $0x1  }
0x165: {  	v7 =	vld.idx.msk [tilespmem:v7+s2+$0x0], $0xffff  }
0x166: {  	v21 =	vmin.f32 v17, v9;
	v17 =	vmax.f32 v17, v9;
	v20 =	vld.idx.msk [tilespmem:v11+s13+$0x0], $0xffff  }
0x167: {  	v17 =	vpsel p0, v21, v17;
	v21 =	vmin.f32 v15, v6;
	v15 =	vmax.f32 v15, v6  }
0x168: {  	v22 =	vmin.f32 v16, v10;
	v16 =	vmax.f32 v16, v10;
	v15 =	vpsel p0, v21, v15  }
0x169: {  	v16 =	vpsel p0, v22, v16;
	v21 =	vmin.f32 v18, v8;
	v18 =	vmax.f32 v18, v8  }
0x16a: {  	[tilespmem:v19+s13+$0x0] =	vst.idx.msk $0xffff, v16;
	v16 =	vpsel p0, v21, v18  }
0x16b: {  	[tilespmem:v13+s13+$0x0] =	vst.idx.msk $0xffff, v16  }
0x16c: {  	v16 =	vmin.f32 v20, v7;
	[tilespmem:v12+s13+$0x0] =	vst.idx.msk $0xffff, v17;
	v17 =	vmax.f32 v20, v7  }
0x16d: {  	[tilespmem:v14+s13+$0x0] =	vst.idx.msk $0xffff, v15;
	v15 =	vpsel p0, v16, v17  }
0x16e: {  	[tilespmem:v11+s13+$0x0] =	vst.idx.msk $0xffff, v15  }
0x16f: {  	v15 =	vld.idx.msk [tilespmem:v19+s13+$0x0], $0xffff  }
0x170: {  	v16 =	vld.idx.msk [tilespmem:v13+s13+$0x0], $0xffff  }
0x171: {  	v17 =	vld.idx.msk [tilespmem:v12+s13+$0x0], $0xffff  }
0x172: {  	v18 =	vld.idx.msk [tilespmem:v14+s13+$0x0], $0xffff  }
0x173: {  	v20 =	vld.idx.msk [tilespmem:v11+s13+$0x0], $0xffff;
	_ =	sdelay $0x1  }
0x174: {  	vm7 =	vgt.f32 v15, v10;
	vm8 =	vlt.f32 v15, v10  }
0x175: {  	vm8 =	vmmov @p0 vm7;
	vm7 =	vgt.f32 v16, v8;
	vm9 =	vlt.f32 v16, v8  }
0x176: {  	vm9 =	vmmov @p0 vm7;
	vm7 =	vgt.f32 v17, v9;
	vm10 =	vlt.f32 v17, v9  }
0x177: {  	vm10 =	vmmov @p0 vm7;
	vm7 =	vgt.f32 v18, v6;
	vm11 =	vlt.f32 v18, v6  }
0x178: {  	vm11 =	vmmov @p0 vm7;
	vm7 =	vgt.f32 v20, v7;
	vm12 =	vlt.f32 v20, v7  }
0x179: {  	vm12 =	vmmov @p0 vm7;
	_ =	sdelay $0x1  }
0x17a: {  	[tilespmem:v19+s13+$0x0] =	vst.idx.msk vm8, v10  }
0x17b: {  	[tilespmem:v13+s13+$0x0] =	vst.idx.msk vm9, v8  }
0x17c: {  	[tilespmem:v12+s13+$0x0] =	vst.idx.msk vm10, v9  }
0x17d: {  	[tilespmem:v14+s13+$0x0] =	vst.idx.msk vm11, v6  }
.Ltmp7:
0x17e: {  	[tilespmem:v11+s13+$0x0] =	vst.idx.msk vm12, v7;
	(pc) =	sbr.rel @p1 .LBB2_9-.Ltmp7, $4  }
0x17f: {  	v15 =	vld.idx.msk [tilespmem:v12+s13+$0x0], $0xffff  }
0x180: {  	v17 =	vld.idx.msk [tilespmem:v19+s13+$0x0], $0xffff  }
0x181: {  	v16 =	vld.idx.msk [tilespmem:v13+s13+$0x0], $0xffff  }
0x182: {  	v14 =	vld.idx.msk [tilespmem:v14+s13+$0x0], $0xffff  }
0x183: {  	s22 =	sshra.s32 s22, $0x2  }
0x184: {  	v12 =	vld [tilespmem:s22+$0x1B720]  }
0x185: {  	v13 =	vld [tilespmem:s22+$0x1A710]  }
0x186: {  	v18 =	vld [tilespmem:s22+$0x1B710]  }
0x187: {  	v19 =	vld [tilespmem:s22+$0x1B700]  }
0x188: {  	v20 =	vld [tilespmem:s22+$0x1A700]  }
0x189: {  	v21 =	vld [tilespmem:s22+$0x1A730]  }
0x18a: {  	v22 =	vld [tilespmem:s22+$0x1A720]  }
0x18b: {  	v23 =	vld [tilespmem:s22+$0x1B730]  }
0x18c: {  	v24 =	vld [tilespmem:s22+$0x1A740]  }
0x18d: {  	v25 =	vld [tilespmem:s22+$0x1B740]  }
0x18e: {  	v13 =	vld.idx.msk [tilespmem:v13+s2+$0x0], $0xffff  }
0x18f: {  	v26 =	vld.idx.msk [tilespmem:v19+s13+$0x0], $0xffff  }
0x190: {  	v27 =	vld.idx.msk [tilespmem:v12+s13+$0x0], $0xffff  }
0x191: {  	v21 =	vld.idx.msk [tilespmem:v21+s2+$0x0], $0xffff  }
0x192: {  	v20 =	vld.idx.msk [tilespmem:v20+s2+$0x0], $0xffff  }
0x193: {  	v22 =	vld.idx.msk [tilespmem:v22+s2+$0x0], $0xffff  }
0x194: {  	v28 =	vld.idx.msk [tilespmem:v18+s13+$0x0], $0xffff  }
0x195: {  	v29 =	vld.idx.msk [tilespmem:v23+s13+$0x0], $0xffff  }
0x196: {  	v24 =	vld.idx.msk [tilespmem:v24+s2+$0x0], $0xffff  }
0x197: {  	v30 =	vld.idx.msk [tilespmem:v25+s13+$0x0], $0xffff  }
0x198: {  	v31 =	vmin.f32 v26, v20;
	v26 =	vmax.f32 v26, v20  }
0x199: {  	v53 =	vmin.f32 v27, v22;
	v27 =	vmax.f32 v27, v22;
	v54 =	vmin.f32 v28, v13  }
0x19a: {  	v28 =	vmax.f32 v28, v13;
	v55 =	vmin.f32 v29, v21;
	v26 =	vpsel p0, v31, v26  }
0x19b: {  	v11 =	vld.idx.msk [tilespmem:v11+s13+$0x0], $0xffff;
	v29 =	vmax.f32 v29, v21;
	[tilespmem:v19+s13+$0x0] =	vst.idx.msk $0xffff, v26;
	v26 =	vpsel p0, v54, v28  }
0x19c: {  	v56 =	vmin.f32 v30, v24;
	v27 =	vpsel p0, v53, v27;
	[tilespmem:v18+s13+$0x0] =	vst.idx.msk $0xffff, v26  }
0x19d: {  	v57 =	vmax.f32 v30, v24;
	v28 =	vpsel p0, v55, v29;
	[tilespmem:v12+s13+$0x0] =	vst.idx.msk $0xffff, v27  }
0x19e: {  	v26 =	vpsel p0, v56, v57;
	[tilespmem:v23+s13+$0x0] =	vst.idx.msk $0xffff, v28  }
0x19f: {  	[tilespmem:v25+s13+$0x0] =	vst.idx.msk $0xffff, v26  }
0x1a0: {  	v26 =	vld.idx.msk [tilespmem:v19+s13+$0x0], $0xffff  }
0x1a1: {  	v58 =	vld.idx.msk [tilespmem:v18+s13+$0x0], $0xffff  }
0x1a2: {  	v28 =	vld.idx.msk [tilespmem:v12+s13+$0x0], $0xffff  }
0x1a3: {  	v59 =	vld.idx.msk [tilespmem:v23+s13+$0x0], $0xffff  }
0x1a4: {  	v60 =	vld.idx.msk [tilespmem:v25+s13+$0x0], $0xffff  }
0x1a5: {  	vm7 =	vgt.f32 v26, v20;
	vm8 =	vlt.f32 v26, v20  }
0x1a6: {  	vm9 =	vgt.f32 v58, v13;
	vm10 =	vlt.f32 v58, v13;
	vm8 =	vmmov @p0 vm7  }
0x1a7: {  	vm11 =	vlt.f32 v28, v22;
	vm7 =	vgt.f32 v28, v22;
	vm10 =	vmmov @p0 vm9  }
0x1a8: {  	vm12 =	vlt.f32 v59, v21;
	vm9 =	vgt.f32 v59, v21;
	vm11 =	vmmov @p0 vm7  }
0x1a9: {  	vm12 =	vmmov @p0 vm9;
	vm7 =	vgt.f32 v60, v24;
	vm9 =	vlt.f32 v60, v24  }
0x1aa: {  	vm9 =	vmmov @p0 vm7;
	_ =	sdelay $0x1  }
0x1ab: {  	[tilespmem:v19+s13+$0x0] =	vst.idx.msk vm8, v20  }
0x1ac: {  	[tilespmem:v18+s13+$0x0] =	vst.idx.msk vm10, v13  }
0x1ad: {  	[tilespmem:v12+s13+$0x0] =	vst.idx.msk vm11, v22  }
0x1ae: {  	[tilespmem:v23+s13+$0x0] =	vst.idx.msk vm12, v21  }
0x1af: {  	vm13 =	vlt.f32 v14, v6;
	[tilespmem:v25+s13+$0x0] =	vst.idx.msk vm9, v24  }
0x1b0: {  	vm14 =	vgt.f32 v11, v7;
	vm7 =	vgt.f32 v17, v10;
	vm8 =	vlt.f32 v17, v10;
	v61 =	vld.idx.msk [tilespmem:v19+s13+$0x0], $0xffff  }
0x1b1: {  	vm10 =	vlt.f32 v16, v8;
	vm11 =	vgt.f32 v15, v9;
	vm9 =	vgt.f32 v16, v8;
	v62 =	vld.idx.msk [tilespmem:v18+s13+$0x0], $0xffff  }
0x1b2: {  	vm8 =	vmor vm8, vm10;
	vm12 =	vlt.f32 v15, v9;
	vm7 =	vmor vm7, vm9;
	v63 =	vld.idx.msk [tilespmem:v12+s13+$0x0], $0xffff  }
0x1b3: {  	vm8 =	vmor vm8, vm12;
	vm12 =	vgt.f32 v14, v6;
	v6 =	vld.idx.msk [tilespmem:v23+s13+$0x0], $0xffff;
	vm7 =	vmor vm7, vm11  }
0x1b4: {  	vm15 =	vlt.f32 v11, v7;
	vm8 =	vmor vm8, vm13;
	vm7 =	vmor vm7, vm12  }
0x1b5: {  	v7 =	vld.idx.msk [tilespmem:v25+s13+$0x0], $0xffff;
	vm8 =	vmor vm8, vm15;
	vm7 =	vmor vm7, vm14;
	vm9 =	vgt.f32 v61, v20  }
0x1b6: {  	vm10 =	vlt.f32 v61, v20;
	vm11 =	vgt.f32 v62, v13;
	vm12 =	vlt.f32 v62, v13  }
0x1b7: {  	vm9 =	vmor vm9, vm11;
	vm11 =	vgt.f32 v63, v22;
	vm10 =	vmor vm10, vm12  }
0x1b8: {  	vm12 =	vlt.f32 v63, v22;
	vm9 =	vmor vm9, vm11;
	vm11 =	vgt.f32 v6, v21  }
0x1b9: {  	vm10 =	vmor vm10, vm12;
	vm12 =	vlt.f32 v6, v21;
	vm9 =	vmor vm9, vm11  }
0x1ba: {  	vm11 =	vgt.f32 v7, v24;
	vm10 =	vmor vm10, vm12;
	vm12 =	vlt.f32 v7, v24  }
0x1bb: {  	vm8 =	vmmov @p0 vm7;
	vm7 =	vmor vm9, vm11;
	vm9 =	vmor vm10, vm12  }
0x1bc: {  	vm6 =	vmor vm6, vm8;
	vm9 =	vmmov @p0 vm7  }
0x1bd: {  	vm6 =	vmor vm6, vm9  }
0x1be: {  	v6 =	vsel vm6, $0x3F800000, v4  }
0x1bf: {  	(xrf0) =	vmax.scan.msk.f32 $0xffff, v6;
	_ =	sdelay $0x5  }
0x1c0: {  	v6, _, _ =	vpop (xrf0)  }
0x1c1: {  	(v2sf) =	vpush v6, $0xF;
	_ =	sdelay $0xe  }
0x1c2: {  	s31 =	spop (v2sf)  }
0x1c3: {  	p1 =	sgt.f32 s31, $0.0e+00  }
.Ltmp8:
0x1c4: {  	_ = 	snop;
	(pc) =	sbr.rel @!p1 .LBB2_14-.Ltmp8, $2  }
0x1c5: {  	_ =	sdelay $0x2  }
0x1c6: {  	s22 =	simm.s32 $0x0  }
0x1c7: {  	s23 =	sshra.s32 s22, $0x2;
	s22 =	sadd.s32 $0x40, s22  }
.LBB2_12:
0x1c8: {  	p1 =	sne.s32 s22, $0x3E40;
	v6 =	vld [tilespmem:s23+$0x1A700];
	_ =	sdelay $0x6  }
0x1c9: {  	v7 =	vld [tilespmem:s23+$0x1B700]  }
0x1ca: {  	v6 =	vld.idx.msk [tilespmem:v6+s2+$0x0], $0xffff;
	_ =	sdelay $0x4  }
0x1cb: {  	v7 =	vxor.u32 $0x80000000, v7  }
0x1cc: {  	(xrf1) =	vsort.ascd.msk.u32 $0xffff, v7, v6;
	_ =	sdelay $0xd  }
0x1cd: {  	v6, v7, _ =	vpop (xrf1)  }
0x1ce: {  	v6 =	vxor.u32 $0x80000000, v6  }
0x1cf: {  	v9 =	vperm.xlane v7, v0;
	v8 =	vperm.xlane v6, v0;
	_ =	sdelay $0x1  }
0x1d0: {  	vm6 =	veq.s32 v8, v6;
	v8 =	vmin.f32 v7, v9;
	v9 =	vmax.f32 v7, v9  }
0x1d1: {  	vm6 =	vmand vm6, vm1;
	v8 =	vpsel p0, v8, v9  }
0x1d2: {  	v7 =	vsel vm6, v8, v7  }
0x1d3: {  	v8 =	vperm.xlane v6, v1;
	v9 =	vperm.xlane v7, v1;
	_ =	sdelay $0x1  }
0x1d4: {  	vm6 =	veq.s32 v8, v6;
	v8 =	vmin.f32 v7, v9;
	v9 =	vmax.f32 v7, v9  }
0x1d5: {  	vm6 =	vmand vm6, vm2;
	v8 =	vpsel p0, v8, v9  }
0x1d6: {  	v7 =	vsel vm6, v8, v7  }
0x1d7: {  	v8 =	vperm.xlane v6, v2;
	v9 =	vperm.xlane v7, v2;
	_ =	sdelay $0x1  }
0x1d8: {  	vm6 =	veq.s32 v8, v6;
	v8 =	vmin.f32 v7, v9;
	v9 =	vmax.f32 v7, v9  }
0x1d9: {  	vm6 =	vmand vm6, vm3;
	v8 =	vpsel p0, v8, v9;
	v9 =	vperm.xlane v6, v5  }
0x1da: {  	v7 =	vsel vm6, v8, v7;
	v8 =	vld.idx.msk [tilespmem:v6+s13+$0x0], $0xffff  }
0x1db: {  	v10 =	vperm.xlane v6, v3;
	v11 =	vperm.xlane v7, v3;
	vm6 =	vne.s32 v6, v9  }
0x1dc: {  	vm6 =	vmor vm6, vm5  }
0x1dd: {  	vm7 =	veq.s32 v10, v6;
	v9 =	vmin.f32 v7, v11;
	v10 =	vmax.f32 v7, v11  }
.Ltmp9:
0x1de: {  	vm7 =	vmand vm7, vm4;
	v9 =	vpsel p0, v9, v10;
	(pc) =	sbr.rel @p1 .LBB2_12-.Ltmp9, $4  }
0x1df: {  	v7 =	vsel vm7, v9, v7  }
0x1e0: {  	v9 =	vmin.f32 v8, v7;
	v7 =	vmax.f32 v8, v7  }
0x1e1: {  	v7 =	vpsel p0, v9, v7  }
0x1e2: {  	s23 =	sshra.s32 s22, $0x2;
	s22 =	sadd.s32 $0x40, s22;
	[tilespmem:v6+s13+$0x0] =	vst.idx.msk vm6, v7  }
0x1e3: {  	v6 =	vld [tilespmem:s23+$0x1A700];
	_ =	sdelay $0x6  }
0x1e4: {  	v7 =	vld [tilespmem:s23+$0x1B700]  }
0x1e5: {  	v6 =	vld.idx.msk [tilespmem:v6+s2+$0x0], $0xffff;
	_ =	sdelay $0x3  }
0x1e6: {  	v7 =	vxor.u32 $0x80000000, v7  }
0x1e7: {  	(xrf1) =	vsort.ascd.msk.u32 $0xffff, v7, v6;
	_ =	sdelay $0xd  }
0x1e8: {  	v6, v7, _ =	vpop (xrf1)  }
0x1e9: {  	v6 =	vxor.u32 $0x80000000, v6  }
0x1ea: {  	v9 =	vperm.xlane v7, v0;
	v8 =	vperm.xlane v6, v0;
	_ =	sdelay $0x1  }
0x1eb: {  	v53 =	vmin.f32 v7, v9;
	v9 =	vmax.f32 v7, v9;
	vm6 =	veq.s32 v8, v6  }
0x1ec: {  	v8 =	vpsel p0, v53, v9;
	vm6 =	vmand vm6, vm1  }
0x1ed: {  	v7 =	vsel vm6, v8, v7  }
0x1ee: {  	v54 =	vperm.xlane v6, v1;
	v55 =	vperm.xlane v7, v1;
	_ =	sdelay $0x1  }
0x1ef: {  	vm6 =	veq.s32 v54, v6;
	v56 =	vmin.f32 v7, v55;
	v9 =	vmax.f32 v7, v55  }
0x1f0: {  	vm6 =	vmand vm6, vm2;
	v8 =	vpsel p0, v56, v9  }
0x1f1: {  	v7 =	vsel vm6, v8, v7  }
0x1f2: {  	v57 =	vperm.xlane v6, v2;
	v58 =	vperm.xlane v7, v2;
	_ =	sdelay $0x1  }
0x1f3: {  	vm6 =	veq.s32 v57, v6;
	v59 =	vmin.f32 v7, v58;
	v9 =	vmax.f32 v7, v58  }
0x1f4: {  	v60 =	vperm.xlane v6, v5;
	vm6 =	vmand vm6, vm3;
	v8 =	vpsel p0, v59, v9  }
0x1f5: {  	v7 =	vsel vm6, v8, v7  }
0x1f6: {  	v10 =	vperm.xlane v6, v3;
	v61 =	vld.idx.msk [tilespmem:v6+s13+$0x0], $0xffff;
	vm6 =	vne.s32 v6, v60;
	v11 =	vperm.xlane v7, v3  }
0x1f7: {  	vm6 =	vmor vm6, vm5  }
0x1f8: {  	vm7 =	veq.s32 v10, v6;
	v62 =	vmin.f32 v7, v11;
	v63 =	vmax.f32 v7, v11  }
.Ltmp10:
0x1f9: {  	vm7 =	vmand vm7, vm4;
	v9 =	vpsel p0, v62, v63;
	(pc) =	sbr.rel .LBB2_14-.Ltmp10, $4  }
0x1fa: {  	v7 =	vsel vm7, v9, v7  }
0x1fb: {  	v9 =	vmin.f32 v61, v7;
	v7 =	vmax.f32 v61, v7  }
0x1fc: {  	v7 =	vpsel p0, v9, v7  }
0x1fd: {  	[tilespmem:v6+s13+$0x0] =	vst.idx.msk vm6, v7  }
.LBB2_16:
0x1fe: {  	_ =	sfence.sel $0x180000  }
0x1ff: {  	[bflag:$0x0] =	sbarrier.arrive $0xFFFF  }
0x200: {  	p0 =	sne.s32 s0, $0x0;
	_ =	strace $0x90000047  }
0x201: {  	s0 =	sadd.s32 @!p0 $0x100000, s1;
	[bflag:$0x2] =	sbarrier.arrive $0xFFFF  }
0x202: {  	[sflag:s0] =	ssyncadd.tile.s32 @!p0 $0x1;
	_ =	shalt  }
.Lfunc_end2:
_tile_overlayer_lowered:
.L_overlay_start_2:
0x203: {  	(tag) =	ssettag $0x2  }
0x204: {  	s0 =	rddreg [dreg:$0x0];
	s2 =	stileid.u32  }
0x205: {  	s1 =	rddreg [dreg:$0x1];
	p0 =	sne.s32 s2, $0x0  }
0x206: {  	s3 =	rddreg [dreg:$0x2];
	[bflag:$0x3] =	sbarrier.arrive $0xFFFF;
	s2 =	simm.s32 @!p0 $0x1C03  }
0x207: {  	[timem:s3], [sflag:s2] =	dma.local @!p0 [hbm:s0], s1  }
0x208: {  	s0 =	simm.s32 @!p0 $0x3  }
0x209: {  	_ =	swait.ge @!p0 [sflag:s0], s1  }
0x20a: {  	s1 =	ssub.s32 @!p0 $0x0, s1;
	[sflag:s0] =	ssyncset.done @!p0 $0x0  }
0x20b: {  	[sflag:s0] =	ssyncadd.s32 @!p0 s1  }
0x20c: {  	[bflag:$0x3] =	sbarrier.arrive $0xFFFF  }
0x20d: {  	_ =	shalt  }

</sc_bundles>
